<compile_context>
chip_gen: v7x
topology: tpu7x:2x2x1
jax: 0.10.2.dev20260603
libtpu: 0.0.44.dev20260713+nightly
codegen_flags: <defaults>
</compile_context>

<pallas_src>
import functools

import jax
import jax.numpy as jnp
from jax import lax
from jax.experimental import pallas as pl
from jax.experimental.pallas import tpu as pltpu
from jax.experimental.pallas import tpu_sc as plsc

N = 10000
E = 320000
D = 128
DE = 16
NG = 256
INNER = 512

NC = 2
NS = 16
CH = 128
WCHUNKS = 80
EP = NC * NS * WCHUNKS * CH
TRASH = N
NACC = 10240
ZROWS = 640

BN = 1000
NB = N // BN


def _make_sc_scatter(F):
    mesh = plsc.VectorSubcoreMesh(core_axis_name="c", subcore_axis_name="s")

    @functools.partial(
        pl.kernel,
        out_type=jax.ShapeDtypeStruct((NC, NACC, F), jnp.float32),
        mesh=mesh,
        scratch_types=[
            pltpu.VMEM((WCHUNKS, CH), jnp.int32),
            pltpu.VMEM((CH,), jnp.int32),
            pltpu.VMEM((CH,), jnp.int32),
            pltpu.VMEM((CH,), jnp.int32),
            pltpu.VMEM((CH,), jnp.int32),
            pltpu.VMEM((CH, F), jnp.float32),
            pltpu.VMEM((CH, F), jnp.float32),
            pltpu.VMEM_SHARED((NACC, F), jnp.float32),
            pltpu.SemaphoreType.DMA,
            pltpu.SemaphoreType.DMA,
        ],
    )
    def sc_scatter(vals_hbm, packed_hbm, zeros_hbm, out_hbm,
                   packed_v, src_a, dst_a, src_b, dst_b, rows_a, rows_b,
                   acc_sh, sem_a, sem_b):
        cid = lax.axis_index("c")
        sid = lax.axis_index("s")
        gid = cid * NS + sid
        pltpu.sync_copy(zeros_hbm, acc_sh.at[pl.ds(sid * ZROWS, ZROWS)])
        pltpu.sync_copy(packed_hbm.at[pl.ds(gid * WCHUNKS, WCHUNKS)], packed_v)
        plsc.subcore_barrier()

        def unpack(ci, sbuf, dbuf):
            for j in range(CH // 16):
                sl = pl.ds(j * 16, 16)
                v = packed_v[ci, sl]
                sbuf[sl] = lax.bitwise_and(v, jnp.int32(0xFFFF))
                dbuf[sl] = lax.shift_right_logical(v, jnp.int32(16))

        unpack(0, src_a, dst_a)
        unpack(1, src_b, dst_b)
        pltpu.async_copy(vals_hbm.at[src_a], rows_a, sem_a)

        @pl.loop(0, WCHUNKS // 2)
        def _(cj):
            ci = 2 * cj
            pltpu.async_copy(vals_hbm.at[src_b], rows_b, sem_b)
            pltpu.make_async_copy(vals_hbm.at[src_a], rows_a, sem_a).wait()
            pltpu.sync_copy(rows_a, acc_sh.at[dst_a], add=True)

            @pl.when(ci + 2 < WCHUNKS)
            def _():
                unpack(ci + 2, src_a, dst_a)
                pltpu.async_copy(vals_hbm.at[src_a], rows_a, sem_a)

            pltpu.make_async_copy(vals_hbm.at[src_b], rows_b, sem_b).wait()
            pltpu.sync_copy(rows_b, acc_sh.at[dst_b], add=True)

            @pl.when(ci + 3 < WCHUNKS)
            def _():
                unpack(ci + 3, src_b, dst_b)

        plsc.subcore_barrier()
        pltpu.sync_copy(acc_sh.at[pl.ds(sid * ZROWS, ZROWS)],
                        out_hbm.at[cid, pl.ds(sid * ZROWS, ZROWS)])

    return sc_scatter


def _make_sc_scatter_linear():
    mesh = plsc.VectorSubcoreMesh(core_axis_name="c", subcore_axis_name="s")

    @functools.partial(
        pl.kernel,
        out_type=jax.ShapeDtypeStruct((NC, NACC, D), jnp.float32),
        mesh=mesh,
        scratch_types=[
            pltpu.VMEM((WCHUNKS, CH), jnp.int32),
            pltpu.VMEM((CH, D), jnp.float32),
            pltpu.VMEM_SHARED((NACC, D), jnp.float32),
        ],
    )
    def sc_scatter_lin(vals_hbm, dst_hbm, zeros_hbm, out_hbm,
                       dst_v, rows_v, acc_sh):
        cid = lax.axis_index("c")
        sid = lax.axis_index("s")
        gid = cid * NS + sid
        pltpu.sync_copy(zeros_hbm, acc_sh.at[pl.ds(sid * ZROWS, ZROWS)])
        pltpu.sync_copy(dst_hbm.at[pl.ds(gid * WCHUNKS, WCHUNKS)], dst_v)
        plsc.subcore_barrier()

        @pl.loop(0, WCHUNKS)
        def _(ci):
            chunk = gid * WCHUNKS + ci

            @pl.when(chunk < E // CH)
            def _():
                pltpu.sync_copy(vals_hbm.at[pl.ds(chunk * CH, CH)], rows_v)
                pltpu.sync_copy(rows_v, acc_sh.at[dst_v.at[ci]], add=True)

        plsc.subcore_barrier()
        pltpu.sync_copy(acc_sh.at[pl.ds(sid * ZROWS, ZROWS)],
                        out_hbm.at[cid, pl.ds(sid * ZROWS, ZROWS)])

    return sc_scatter_lin


_sc_scatter_feat = _make_sc_scatter(D)
_sc_scatter_edge = _make_sc_scatter_linear()


def _softmax_pool_y(xb, woutT, woutb, w1t, batch_blk, pin_ref, pout_ref, y_ref):
    z = jnp.dot(xb, woutT, preferred_element_type=jnp.float32) + woutb
    z = z - jnp.max(z, axis=1, keepdims=True)
    ez = jnp.exp(z)
    fp = ez / jnp.sum(ez, axis=1, keepdims=True)
    gids = lax.broadcasted_iota(jnp.int32, (NG, BN), 0)
    oh = jnp.where(batch_blk[None, :] == gids, 1.0, 0.0)

    @pl.when(pl.program_id(0) == 0)
    def _():
        pout_ref[...] = pin_ref[...]

    pout_ref[...] += jnp.dot(oh, fp, preferred_element_type=jnp.float32)
    if y_ref is not None:
        y_ref[...] = jnp.dot(xb, w1t, preferred_element_type=jnp.float32)


def _iter_first_body(x_ref, woutT_ref, woutb_ref, w1t_ref, batch_ref, pin_ref,
                     pout_ref, y_ref):
    _softmax_pool_y(x_ref[...], woutT_ref[...], woutb_ref[...], w1t_ref[...],
                    batch_ref[0, 0, :], pin_ref, pout_ref, y_ref)


def _iter_rest_body(s_ref, yprev_ref, eagg_ref, winb_ref,
                    woutT_ref, woutb_ref, w1t_ref, batch_ref, pin_ref,
                    pout_ref, y_ref, *, last):
    xb = (s_ref[0] + s_ref[1] + yprev_ref[...]
          + eagg_ref[0] + eagg_ref[1]
          + winb_ref[...])
    _softmax_pool_y(xb, woutT_ref[...], woutb_ref[...],
                    None if last else w1t_ref[...],
                    batch_ref[0, 0, :], pin_ref, pout_ref,
                    None if last else y_ref)


def _ea_proj_body(ea_ref, w2t_ref, o_ref):
    o_ref[...] = jnp.dot(ea_ref[...], w2t_ref[...],
                         preferred_element_type=jnp.float32)


EB = 4000


def _ea_proj_call(edge_attr, w2t):
    return pl.pallas_call(
        _ea_proj_body,
        grid=(E // EB,),
        in_specs=[pl.BlockSpec((EB, DE), lambda i: (i, 0)),
                  _const_spec((DE, D))],
        out_specs=pl.BlockSpec((EB, D), lambda i: (i, 0)),
        out_shape=jax.ShapeDtypeStruct((E, D), jnp.float32),
    )(edge_attr, w2t)


def _mlp_body(p_ref, l1wT_ref, l1b_ref, l2wT_ref, l2b_ref, o_ref):
    h = (jnp.dot(p_ref[...], l1wT_ref[...], preferred_element_type=jnp.float32)
         + l1b_ref[...])
    o = (jnp.dot(h, l2wT_ref[...], preferred_element_type=jnp.float32)
         + l2b_ref[...])
    o_ref[...] = 1.0 / (1.0 + jnp.exp(-o))


def _row_spec(feat):
    return pl.BlockSpec((BN, feat), lambda i: (i, 0))


def _const_spec(shape):
    return pl.BlockSpec(shape, lambda i: tuple(0 for _ in shape))


_COMMON_SPECS = dict(
    woutT=_const_spec((D, INNER)),
    woutb=_const_spec((1, INNER)),
    w1t=_const_spec((D, D)),
    batch=pl.BlockSpec((1, 1, BN), lambda i: (i, 0, 0)),
    pin=_const_spec((NG, INNER)),
)


def _iter_first_call(x, woutT, woutb, w1t, batch3d, pooled):
    return pl.pallas_call(
        _iter_first_body,
        grid=(NB,),
        in_specs=[
            _row_spec(D), _COMMON_SPECS["woutT"], _COMMON_SPECS["woutb"],
            _COMMON_SPECS["w1t"], _COMMON_SPECS["batch"], _COMMON_SPECS["pin"],
        ],
        out_specs=[_const_spec((NG, INNER)), _row_spec(D)],
        out_shape=[
            jax.ShapeDtypeStruct((NG, INNER), jnp.float32),
            jax.ShapeDtypeStruct((N, D), jnp.float32),
        ],
    )(x, woutT, woutb, w1t, batch3d, pooled)


def _iter_rest_call(s2, yprev, eagg2, winb, woutT, woutb, w1t, batch3d,
                    pooled, last):
    out_specs = [_const_spec((NG, INNER))]
    out_shape = [jax.ShapeDtypeStruct((NG, INNER), jnp.float32)]
    if not last:
        out_specs.append(_row_spec(D))
        out_shape.append(jax.ShapeDtypeStruct((N, D), jnp.float32))
    body = functools.partial(_iter_rest_body, last=last)
    if last:
        def body(*refs):
            _iter_rest_body(*refs, None, last=True)
    return pl.pallas_call(
        body,
        grid=(NB,),
        in_specs=[
            pl.BlockSpec((NC, BN, D), lambda i: (0, i, 0)),
            _row_spec(D),
            pl.BlockSpec((NC, BN, D), lambda i: (0, i, 0)),
            _const_spec((1, D)),
            _COMMON_SPECS["woutT"], _COMMON_SPECS["woutb"],
            _COMMON_SPECS["w1t"], _COMMON_SPECS["batch"], _COMMON_SPECS["pin"],
        ],
        out_specs=out_specs,
        out_shape=out_shape,
    )(s2, yprev, eagg2, winb, woutT, woutb, w1t, batch3d, pooled)


def _mlp_call(pooled, l1wT, l1b, l2wT, l2b):
    return pl.pallas_call(
        _mlp_body,
        out_shape=jax.ShapeDtypeStruct((NG, 1), jnp.float32),
    )(pooled, l1wT, l1b, l2wT, l2b)


def kernel(x, edge_index, edge_attr, batch,
           W_out_w, W_out_b, W_in_w, W_in_b,
           lin1_w, lin1_b, lin2_w, lin2_b):
    f32 = jnp.float32
    woutT = W_out_w.T
    woutb = W_out_b.reshape(1, INNER)
    w1t = W_in_w[:, :D].T
    w2t = W_in_w[:, D:].T
    winb = W_in_b.reshape(1, D)

    pad = EP - E
    src = jnp.concatenate([edge_index[0], jnp.zeros((pad,), jnp.int32)])
    dst = jnp.concatenate([edge_index[1],
                           jnp.full((pad,), TRASH, jnp.int32)])
    dstp = dst.reshape(EP // CH, CH)
    packedp = ((dst << 16) | src).reshape(EP // CH, CH)
    batch3d = batch.reshape(NB, 1, BN)
    zeros_f = jnp.zeros((ZROWS, D), f32)

    H = 64
    l1wT = jnp.zeros((INNER, H), f32).at[:, :50].set(lin1_w.T)
    l1b = jnp.zeros((1, H), f32).at[0, :50].set(lin1_b)
    l2wT = jnp.zeros((H, 1), f32).at[:50, 0].set(lin2_w[0])
    l2b = lin2_b.reshape(1, 1)

    ea128 = _ea_proj_call(edge_attr, w2t)
    eagg2 = _sc_scatter_edge(ea128, dstp, zeros_f)

    pooled = jnp.zeros((NG, INNER), f32)
    pooled, y = _iter_first_call(x, woutT, woutb, w1t, batch3d, pooled)
    for t in range(3):
        s2 = _sc_scatter_feat(y, packedp, zeros_f)
        res = _iter_rest_call(s2, y, eagg2, winb, woutT, woutb, w1t,
                              batch3d, pooled, last=(t == 2))
        if t == 2:
            (pooled,) = res
        else:
            pooled, y = res

    return _mlp_call(pooled, l1wT, l1b, l2wT, l2b)

# --- scband reference (transcript-rebuilt; emitter-appended) ---
"""Pipeline reference for scband-my-net-1683627180032 (READ-ONLY COPY).

The authoritative reference and input builder live on the scoring server;
editing this copy changes nothing except your own understanding.
"""

import jax, jax.numpy as jnp
import numpy as np

N = 10000          # n_nodes
E = 320000         # n_edges
D = 128            # num_node_features
DE = 16            # num_edge_features
NG = 256           # number of graphs (molecules) in the batch
INNER = 512        # inner_atom_dim (config value)
DEPTH = 3


def setup_inputs(seed: int = 0) -> dict:
    key = jax.random.key(seed)
    ks = jax.random.split(key, 12)
    x = jax.random.normal(ks[0], (N, D), dtype=jnp.float32)
    edge_index = jax.random.randint(ks[1], (2, E), 0, N, dtype=jnp.int32)
    edge_attr = jax.random.normal(ks[2], (E, DE), dtype=jnp.float32)
    batch = jnp.sort(jax.random.randint(ks[3], (N,), 0, NG, dtype=jnp.int32))
    # learned parameters (Linear layers store weight [out,in], bias [out])
    W_out_w = jax.random.normal(ks[4], (INNER, D), dtype=jnp.float32) * 0.05
    W_out_b = jnp.zeros((INNER,), dtype=jnp.float32)
    W_in_w = jax.random.normal(ks[5], (D, D + DE), dtype=jnp.float32) * 0.05
    W_in_b = jnp.zeros((D,), dtype=jnp.float32)
    lin1_w = jax.random.normal(ks[6], (50, INNER), dtype=jnp.float32) * 0.05
    lin1_b = jnp.zeros((50,), dtype=jnp.float32)
    lin2_w = jax.random.normal(ks[7], (1, 50), dtype=jnp.float32) * 0.05
    lin2_b = jnp.zeros((1,), dtype=jnp.float32)
    return {
        "x": x, "edge_index": edge_index, "edge_attr": edge_attr, "batch": batch,
        "W_out_w": W_out_w, "W_out_b": W_out_b, "W_in_w": W_in_w, "W_in_b": W_in_b,
        "lin1_w": lin1_w, "lin1_b": lin1_b, "lin2_w": lin2_w, "lin2_b": lin2_b,
    }


def _atom_bond_conv(x, edge_index, edge_attr, W_in_w, W_in_b):
    # add_self_loops: PyG appends N self-loop edges after the E real edges
    loop = jnp.arange(N, dtype=edge_index.dtype)
    src = jnp.concatenate([edge_index[0], loop], axis=0)
    dst = jnp.concatenate([edge_index[1], loop], axis=0)
    # message: x_j gathered from source nodes; edge_attr padded with zeros for self-loops
    x_j = jnp.take(x, src, axis=0)
    sec_col = jnp.concatenate([edge_attr, jnp.zeros((N, DE), dtype=x.dtype)], axis=0)
    msg = jnp.concatenate([x_j, sec_col], axis=1)  # [E+N, D+DE]
    # aggr='add': scatter-add messages at destination nodes
    agg = jax.ops.segment_sum(msg, dst, num_segments=N)  # [N, D+DE]
    # W_in linear (dropout is identity in eval/reference)
    return agg @ W_in_w.T + W_in_b


def reference(x, edge_index, edge_attr, batch,
              W_out_w, W_out_b, W_in_w, W_in_b,
              lin1_w, lin1_b, lin2_w, lin2_b):
    molecule_fp_lst = []
    for i in range(DEPTH + 1):
        atom_fp = jax.nn.softmax(x @ W_out_w.T + W_out_b, axis=1)          # [N, INNER]
        molecule_fp = jax.ops.segment_sum(atom_fp, batch, num_segments=NG)  # global_add_pool
        molecule_fp_lst.append(molecule_fp)
        x = _atom_bond_conv(x, edge_index, edge_attr, W_in_w, W_in_b)
    overall = jnp.stack(molecule_fp_lst, axis=0).sum(axis=0)  # [NG, INNER]
    hidden = overall @ lin1_w.T + lin1_b                       # [NG, 50]
    out = hidden @ lin2_w.T + lin2_b                           # [NG, 1]
    return jax.nn.sigmoid(out)

if __name__ == "__main__":
    import jax
    _d = setup_inputs()
    print(jax.jit(kernel)(*tuple(_d.values())))

</pallas_src>

<mosaic_0001>
#map = affine_map<(d0, d1) -> (0, 0)>
#map1 = affine_map<(d0, d1) -> (0, 0, 0)>
module attributes {stable_mosaic.version = 14 : i64} {
  func.func @sc_scatter_lin(%arg0: i32, %arg1: i32, %arg2: memref<320000x128xf32, #tpu.memory_space<hbm>>, %arg3: memref<2560x128xi32, #tpu.memory_space<hbm>>, %arg4: memref<640x128xf32, #tpu.memory_space<hbm>>, %arg5: memref<2x10240x128xf32, #tpu.memory_space<hbm>>, %arg6: memref<80x128xi32, #tpu.memory_space<vmem>>, %arg7: memref<128x128xf32, #tpu.memory_space<vmem>>, %arg8: memref<10240x128xf32, #tpu.memory_space<vmem_shared>>) attributes {dimension_semantics = [#tpu.dimension_semantics<core_parallel>, #tpu.dimension_semantics<subcore_parallel>], iteration_bounds = array<i64: 2, 16>, scalar_prefetch = 0 : i64, scratch_operands = 3 : i64, tpu.core_type = #tpu.core_type<sc_vector_subcore>, window_params = [{transform_indices = #map}, {transform_indices = #map}, {transform_indices = #map}, {transform_indices = #map1}]} {
    %mul3A = arith.constant 16 : i32
    %mul3A_0 = arith.muli %arg0, %mul3A : i32
    %add3A = arith.addi %mul3A_0, %arg1 : i32
    %mul3A_1 = arith.constant 640 : i32
    %mul3A_2 = arith.muli %arg1, %mul3A_1 : i32
    "tpu.region"() ({
      %run_scoped3A = tpu.sem_alloc : memref<!tpu.dma_semaphore, #tpu.memory_space<semaphore_mem>>
      %dma_start3A = arith.constant 0 : i32
      %dma_start3A_14 = tpu.memref_slice %arg8[%mul3A_2, %dma_start3A] : memref<10240x128xf32, #tpu.memory_space<vmem_shared>> -> memref<640x128xf32, #tpu.memory_space<vmem_shared>>
      tpu.enqueue_dma source(%arg4 : memref<640x128xf32, #tpu.memory_space<hbm>>) target(%dma_start3A_14 : memref<640x128xf32, #tpu.memory_space<vmem_shared>>) target_semaphore(%run_scoped3A : memref<!tpu.dma_semaphore, #tpu.memory_space<semaphore_mem>>)
      %dma_wait3A = arith.constant 0 : i32
      %dma_wait3A_15 = tpu.memref_slice %arg8[%mul3A_2, %dma_wait3A] : memref<10240x128xf32, #tpu.memory_space<vmem_shared>> -> memref<640x128xf32, #tpu.memory_space<vmem_shared>>
      tpu.wait_dma2 semaphore(%run_scoped3A : memref<!tpu.dma_semaphore, #tpu.memory_space<semaphore_mem>>) src(%arg4 : memref<640x128xf32, #tpu.memory_space<hbm>>) dst(%dma_wait3A_15 : memref<640x128xf32, #tpu.memory_space<vmem_shared>>)
      tpu.yield
    }) : () -> ()
    %mul3A_3 = arith.constant 80 : i32
    %mul3A_4 = arith.muli %add3A, %mul3A_3 : i32
    "tpu.region"() ({
      %run_scoped3A = tpu.sem_alloc : memref<!tpu.dma_semaphore, #tpu.memory_space<semaphore_mem>>
      %dma_start3A = arith.constant 0 : i32
      %dma_start3A_14 = tpu.memref_slice %arg3[%mul3A_4, %dma_start3A] : memref<2560x128xi32, #tpu.memory_space<hbm>> -> memref<80x128xi32, #tpu.memory_space<hbm>>
      %dma_start3A_15 = arith.constant 0 : i32
      %dma_start3A_16 = tpu.memref_slice %arg3[%mul3A_4, %dma_start3A_15] : memref<2560x128xi32, #tpu.memory_space<hbm>> -> memref<80x128xi32, #tpu.memory_space<hbm>>
      tpu.enqueue_dma source(%dma_start3A_16 : memref<80x128xi32, #tpu.memory_space<hbm>>) target(%arg6 : memref<80x128xi32, #tpu.memory_space<vmem>>) target_semaphore(%run_scoped3A : memref<!tpu.dma_semaphore, #tpu.memory_space<semaphore_mem>>)
      %dma_wait3A = arith.constant 0 : i32
      %dma_wait3A_17 = tpu.memref_slice %arg3[%mul3A_4, %dma_wait3A] : memref<2560x128xi32, #tpu.memory_space<hbm>> -> memref<80x128xi32, #tpu.memory_space<hbm>>
      %dma_wait3A_18 = arith.constant 0 : i32
      %dma_wait3A_19 = tpu.memref_slice %arg3[%mul3A_4, %dma_wait3A_18] : memref<2560x128xi32, #tpu.memory_space<hbm>> -> memref<80x128xi32, #tpu.memory_space<hbm>>
      tpu.wait_dma2 semaphore(%run_scoped3A : memref<!tpu.dma_semaphore, #tpu.memory_space<semaphore_mem>>) src(%dma_wait3A_19 : memref<80x128xi32, #tpu.memory_space<hbm>>) dst(%arg6 : memref<80x128xi32, #tpu.memory_space<vmem>>)
      tpu.yield
    }) : () -> ()
    %barrier3A = arith.constant 0 : index
    tpu.barrier barrier_id(%barrier3A)
    %scan3A = arith.constant 0 : i32
    %scan3A_5 = arith.constant 80 : i32
    %scan3A_6 = arith.addi %scan3A, %scan3A_5 : i32
    %scan3A_7 = arith.constant 1 : i32
    scf.for %scan3A_14 = %scan3A to %scan3A_6 step %scan3A_7  : i32 {
      %mul3A_15 = arith.constant 1 : i32
      %mul3A_16 = arith.muli %scan3A_14, %mul3A_15 : i32
      %add3A_17 = arith.constant 0 : i32
      %add3A_18 = arith.addi %add3A_17, %mul3A_16 : i32
      %mul3A_19 = arith.constant 80 : i32
      %mul3A_20 = arith.muli %add3A, %mul3A_19 : i32
      %add3A_21 = arith.addi %mul3A_20, %add3A_18 : i32
      %lt3A = arith.constant 2500 : i32
      %lt3A_22 = arith.cmpi slt, %add3A_21, %lt3A : i32
      %convert_element_type3A = arith.extui %lt3A_22 : i1 to i32
      %cond3A = arith.constant 0 : i32
      %cond3A_23 = arith.cmpi ne, %convert_element_type3A, %cond3A : i32
      scf.if %cond3A_23 {
        %mul3A_24 = arith.constant 128 : i32
        %mul3A_25 = arith.muli %add3A_21, %mul3A_24 : i32
        "tpu.region"() ({
          %run_scoped3A = tpu.sem_alloc : memref<!tpu.dma_semaphore, #tpu.memory_space<semaphore_mem>>
          %dma_start3A = arith.constant 0 : i32
          %dma_start3A_26 = tpu.memref_slice %arg2[%mul3A_25, %dma_start3A] : memref<320000x128xf32, #tpu.memory_space<hbm>> -> memref<128x128xf32, #tpu.memory_space<hbm>>
          %dma_start3A_27 = arith.constant 0 : i32
          %dma_start3A_28 = tpu.memref_slice %arg2[%mul3A_25, %dma_start3A_27] : memref<320000x128xf32, #tpu.memory_space<hbm>> -> memref<128x128xf32, #tpu.memory_space<hbm>>
          tpu.enqueue_dma source(%dma_start3A_28 : memref<128x128xf32, #tpu.memory_space<hbm>>) target(%arg7 : memref<128x128xf32, #tpu.memory_space<vmem>>) target_semaphore(%run_scoped3A : memref<!tpu.dma_semaphore, #tpu.memory_space<semaphore_mem>>)
          %dma_wait3A = arith.constant 0 : i32
          %dma_wait3A_29 = tpu.memref_slice %arg2[%mul3A_25, %dma_wait3A] : memref<320000x128xf32, #tpu.memory_space<hbm>> -> memref<128x128xf32, #tpu.memory_space<hbm>>
          %dma_wait3A_30 = arith.constant 0 : i32
          %dma_wait3A_31 = tpu.memref_slice %arg2[%mul3A_25, %dma_wait3A_30] : memref<320000x128xf32, #tpu.memory_space<hbm>> -> memref<128x128xf32, #tpu.memory_space<hbm>>
          tpu.wait_dma2 semaphore(%run_scoped3A : memref<!tpu.dma_semaphore, #tpu.memory_space<semaphore_mem>>) src(%dma_wait3A_31 : memref<128x128xf32, #tpu.memory_space<hbm>>) dst(%arg7 : memref<128x128xf32, #tpu.memory_space<vmem>>)
          tpu.yield
        }) : () -> ()
        "tpu.region"() ({
          %run_scoped3A = tpu.sem_alloc : memref<!tpu.dma_semaphore, #tpu.memory_space<semaphore_mem>>
          %dma_start3A = arith.constant 0 : i32
          %dma_start3A_26 = tpu.memref_slice %arg6[%add3A_18, %dma_start3A] : memref<80x128xi32, #tpu.memory_space<vmem>> -> memref<1x128xi32, #tpu.memory_space<vmem>>
          %dma_start3A_27 = tpu.memref_squeeze %dma_start3A_26 : memref<1x128xi32, #tpu.memory_space<vmem>> -> memref<128xi32, #tpu.memory_space<vmem>>
          %dma_start3A_28 = arith.constant 0 : i32
          %dma_start3A_29 = arith.constant 0 : i32
          %dma_start3A_30 = tpu.memref_slice %arg8[%dma_start3A_28, %dma_start3A_29] : memref<10240x128xf32, #tpu.memory_space<vmem_shared>> -> memref<10240x128xf32, #tpu.memory_space<vmem_shared>>
          tpu.enqueue_indirect_dma source(%arg7 : memref<128x128xf32, #tpu.memory_space<vmem>>) target(%dma_start3A_30 : memref<10240x128xf32, #tpu.memory_space<vmem_shared>>) offsets(%dma_start3A_27 : memref<128xi32, #tpu.memory_space<vmem>>) semaphore(%run_scoped3A : memref<!tpu.dma_semaphore, #tpu.memory_space<semaphore_mem>>) {add = true}
          %dma_wait3A = arith.constant 0 : i32
          %dma_wait3A_31 = tpu.memref_slice %arg6[%add3A_18, %dma_wait3A] : memref<80x128xi32, #tpu.memory_space<vmem>> -> memref<1x128xi32, #tpu.memory_space<vmem>>
          %dma_wait3A_32 = tpu.memref_squeeze %dma_wait3A_31 : memref<1x128xi32, #tpu.memory_space<vmem>> -> memref<128xi32, #tpu.memory_space<vmem>>
          %dma_wait3A_33 = arith.constant 0 : i32
          %dma_wait3A_34 = arith.constant 0 : i32
          %dma_wait3A_35 = tpu.memref_slice %arg8[%dma_wait3A_33, %dma_wait3A_34] : memref<10240x128xf32, #tpu.memory_space<vmem_shared>> -> memref<10240x128xf32, #tpu.memory_space<vmem_shared>>
          tpu.wait_indirect_dma semaphore(%run_scoped3A : memref<!tpu.dma_semaphore, #tpu.memory_space<semaphore_mem>>) src(%arg7 : memref<128x128xf32, #tpu.memory_space<vmem>>) dst(%dma_wait3A_35 : memref<10240x128xf32, #tpu.memory_space<vmem_shared>>)
          tpu.yield
        }) : () -> ()
      } else {
      }
    }
    %scan3A_8 = arith.constant 80 : i32
    %barrier3A_9 = arith.constant 0 : index
    tpu.barrier barrier_id(%barrier3A_9)
    %mul3A_10 = arith.constant 640 : i32
    %mul3A_11 = arith.muli %arg1, %mul3A_10 : i32
    %mul3A_12 = arith.constant 640 : i32
    %mul3A_13 = arith.muli %arg1, %mul3A_12 : i32
    "tpu.region"() ({
      %run_scoped3A = tpu.sem_alloc : memref<!tpu.dma_semaphore, #tpu.memory_space<semaphore_mem>>
      %dma_start3A = arith.constant 0 : i32
      %dma_start3A_14 = tpu.memref_slice %arg5[%arg0, %mul3A_13, %dma_start3A] : memref<2x10240x128xf32, #tpu.memory_space<hbm>> -> memref<1x640x128xf32, #tpu.memory_space<hbm>>
      %dma_start3A_15 = tpu.memref_squeeze %dma_start3A_14 : memref<1x640x128xf32, #tpu.memory_space<hbm>> -> memref<640x128xf32, #tpu.memory_space<hbm>>
      %dma_start3A_16 = arith.constant 0 : i32
      %dma_start3A_17 = tpu.memref_slice %arg8[%mul3A_11, %dma_start3A_16] : memref<10240x128xf32, #tpu.memory_space<vmem_shared>> -> memref<640x128xf32, #tpu.memory_space<vmem_shared>>
      tpu.enqueue_dma source(%dma_start3A_17 : memref<640x128xf32, #tpu.memory_space<vmem_shared>>) target(%dma_start3A_15 : memref<640x128xf32, #tpu.memory_space<hbm>>) target_semaphore(%run_scoped3A : memref<!tpu.dma_semaphore, #tpu.memory_space<semaphore_mem>>)
      %dma_wait3A = arith.constant 0 : i32
      %dma_wait3A_18 = tpu.memref_slice %arg5[%arg0, %mul3A_13, %dma_wait3A] : memref<2x10240x128xf32, #tpu.memory_space<hbm>> -> memref<1x640x128xf32, #tpu.memory_space<hbm>>
      %dma_wait3A_19 = tpu.memref_squeeze %dma_wait3A_18 : memref<1x640x128xf32, #tpu.memory_space<hbm>> -> memref<640x128xf32, #tpu.memory_space<hbm>>
      %dma_wait3A_20 = arith.constant 0 : i32
      %dma_wait3A_21 = tpu.memref_slice %arg8[%mul3A_11, %dma_wait3A_20] : memref<10240x128xf32, #tpu.memory_space<vmem_shared>> -> memref<640x128xf32, #tpu.memory_space<vmem_shared>>
      tpu.wait_dma2 semaphore(%run_scoped3A : memref<!tpu.dma_semaphore, #tpu.memory_space<semaphore_mem>>) src(%dma_wait3A_21 : memref<640x128xf32, #tpu.memory_space<vmem_shared>>) dst(%dma_wait3A_19 : memref<640x128xf32, #tpu.memory_space<hbm>>)
      tpu.yield
    }) : () -> ()
    return
  }
}

#map = affine_map<(d0, d1) -> (0, 0)>
#map1 = affine_map<(d0, d1) -> (0, 0, 0)>
module attributes {stable_mosaic.version = 14 : i64} {
  func.func @sc_scatter(%arg0: i32, %arg1: i32, %arg2: memref<10000x128xf32, #tpu.memory_space<hbm>>, %arg3: memref<2560x128xi32, #tpu.memory_space<hbm>>, %arg4: memref<640x128xf32, #tpu.memory_space<hbm>>, %arg5: memref<2x10240x128xf32, #tpu.memory_space<hbm>>, %arg6: memref<80x128xi32, #tpu.memory_space<vmem>>, %arg7: memref<128xi32, #tpu.memory_space<vmem>>, %arg8: memref<128xi32, #tpu.memory_space<vmem>>, %arg9: memref<128xi32, #tpu.memory_space<vmem>>, %arg10: memref<128xi32, #tpu.memory_space<vmem>>, %arg11: memref<128x128xf32, #tpu.memory_space<vmem>>, %arg12: memref<128x128xf32, #tpu.memory_space<vmem>>, %arg13: memref<10240x128xf32, #tpu.memory_space<vmem_shared>>, %arg14: memref<!tpu.dma_semaphore, #tpu.memory_space<semaphore_mem>>, %arg15: memref<!tpu.dma_semaphore, #tpu.memory_space<semaphore_mem>>) attributes {dimension_semantics = [#tpu.dimension_semantics<core_parallel>, #tpu.dimension_semantics<subcore_parallel>], iteration_bounds = array<i64: 2, 16>, scalar_prefetch = 0 : i64, scratch_operands = 10 : i64, tpu.core_type = #tpu.core_type<sc_vector_subcore>, window_params = [{transform_indices = #map}, {transform_indices = #map}, {transform_indices = #map}, {transform_indices = #map1}]} {
    %mul3A = arith.constant 16 : i32
    %mul3A_0 = arith.muli %arg0, %mul3A : i32
    %add3A = arith.addi %mul3A_0, %arg1 : i32
    %mul3A_1 = arith.constant 640 : i32
    %mul3A_2 = arith.muli %arg1, %mul3A_1 : i32
    "tpu.region"() ({
      %run_scoped3A = tpu.sem_alloc : memref<!tpu.dma_semaphore, #tpu.memory_space<semaphore_mem>>
      %dma_start3A_316 = arith.constant 0 : i32
      %dma_start3A_317 = tpu.memref_slice %arg13[%mul3A_2, %dma_start3A_316] : memref<10240x128xf32, #tpu.memory_space<vmem_shared>> -> memref<640x128xf32, #tpu.memory_space<vmem_shared>>
      tpu.enqueue_dma source(%arg4 : memref<640x128xf32, #tpu.memory_space<hbm>>) target(%dma_start3A_317 : memref<640x128xf32, #tpu.memory_space<vmem_shared>>) target_semaphore(%run_scoped3A : memref<!tpu.dma_semaphore, #tpu.memory_space<semaphore_mem>>)
      %dma_wait3A = arith.constant 0 : i32
      %dma_wait3A_318 = tpu.memref_slice %arg13[%mul3A_2, %dma_wait3A] : memref<10240x128xf32, #tpu.memory_space<vmem_shared>> -> memref<640x128xf32, #tpu.memory_space<vmem_shared>>
      tpu.wait_dma2 semaphore(%run_scoped3A : memref<!tpu.dma_semaphore, #tpu.memory_space<semaphore_mem>>) src(%arg4 : memref<640x128xf32, #tpu.memory_space<hbm>>) dst(%dma_wait3A_318 : memref<640x128xf32, #tpu.memory_space<vmem_shared>>)
      tpu.yield
    }) : () -> ()
    %mul3A_3 = arith.constant 80 : i32
    %mul3A_4 = arith.muli %add3A, %mul3A_3 : i32
    "tpu.region"() ({
      %run_scoped3A = tpu.sem_alloc : memref<!tpu.dma_semaphore, #tpu.memory_space<semaphore_mem>>
      %dma_start3A_316 = arith.constant 0 : i32
      %dma_start3A_317 = tpu.memref_slice %arg3[%mul3A_4, %dma_start3A_316] : memref<2560x128xi32, #tpu.memory_space<hbm>> -> memref<80x128xi32, #tpu.memory_space<hbm>>
      %dma_start3A_318 = arith.constant 0 : i32
      %dma_start3A_319 = tpu.memref_slice %arg3[%mul3A_4, %dma_start3A_318] : memref<2560x128xi32, #tpu.memory_space<hbm>> -> memref<80x128xi32, #tpu.memory_space<hbm>>
      tpu.enqueue_dma source(%dma_start3A_319 : memref<80x128xi32, #tpu.memory_space<hbm>>) target(%arg6 : memref<80x128xi32, #tpu.memory_space<vmem>>) target_semaphore(%run_scoped3A : memref<!tpu.dma_semaphore, #tpu.memory_space<semaphore_mem>>)
      %dma_wait3A = arith.constant 0 : i32
      %dma_wait3A_320 = tpu.memref_slice %arg3[%mul3A_4, %dma_wait3A] : memref<2560x128xi32, #tpu.memory_space<hbm>> -> memref<80x128xi32, #tpu.memory_space<hbm>>
      %dma_wait3A_321 = arith.constant 0 : i32
      %dma_wait3A_322 = tpu.memref_slice %arg3[%mul3A_4, %dma_wait3A_321] : memref<2560x128xi32, #tpu.memory_space<hbm>> -> memref<80x128xi32, #tpu.memory_space<hbm>>
      tpu.wait_dma2 semaphore(%run_scoped3A : memref<!tpu.dma_semaphore, #tpu.memory_space<semaphore_mem>>) src(%dma_wait3A_322 : memref<80x128xi32, #tpu.memory_space<hbm>>) dst(%arg6 : memref<80x128xi32, #tpu.memory_space<vmem>>)
      tpu.yield
    }) : () -> ()
    %barrier3A = arith.constant 0 : index
    tpu.barrier barrier_id(%barrier3A)
    %get3A = arith.constant 0 : i32
    %get3A_5 = arith.index_cast %get3A : i32 to index
    %get3A_6 = arith.constant 0 : index
    %get3A_7 = tpu.vector_load %arg6[%get3A_5, %get3A_6] {strides = array<i32>} : memref<80x128xi32, #tpu.memory_space<vmem>>, vector<1x16xi32>,
    %get3A_8 = vector.shape_cast %get3A_7 : vector<1x16xi32> to vector<16xi32>
    %and3A = arith.constant 65535 : i32
    %and3A_9 = vector.broadcast %and3A : i32 to vector<16xi32>
    %and3A_10 = arith.andi %get3A_8, %and3A_9 : vector<16xi32>
    %swap3A = arith.constant 0 : index
    %swap3A_11 = tpu.vector_load %arg7[%swap3A] {strides = array<i32>} : memref<128xi32, #tpu.memory_space<vmem>>, vector<16xi32>,
    %swap3A_12 = vector.shape_cast %swap3A_11 : vector<16xi32> to vector<16xi32>
    %swap3A_13 = vector.shape_cast %and3A_10 : vector<16xi32> to vector<16xi32>
    tpu.vector_store %arg7[%swap3A], %swap3A_13 {strides = array<i32>} : memref<128xi32, #tpu.memory_space<vmem>>, vector<16xi32>,
    %shift_right_logical3A = arith.constant 16 : i32
    %shift_right_logical3A_14 = vector.broadcast %shift_right_logical3A : i32 to vector<16xi32>
    %shift_right_logical3A_15 = arith.shrui %get3A_8, %shift_right_logical3A_14 : vector<16xi32>
    %swap3A_16 = arith.constant 0 : index
    %swap3A_17 = tpu.vector_load %arg8[%swap3A_16] {strides = array<i32>} : memref<128xi32, #tpu.memory_space<vmem>>, vector<16xi32>,
    %swap3A_18 = vector.shape_cast %swap3A_17 : vector<16xi32> to vector<16xi32>
    %swap3A_19 = vector.shape_cast %shift_right_logical3A_15 : vector<16xi32> to vector<16xi32>
    tpu.vector_store %arg8[%swap3A_16], %swap3A_19 {strides = array<i32>} : memref<128xi32, #tpu.memory_space<vmem>>, vector<16xi32>,
    %get3A_20 = arith.constant 0 : i32
    %get3A_21 = arith.index_cast %get3A_20 : i32 to index
    %get3A_22 = arith.constant 16 : index
    %get3A_23 = tpu.vector_load %arg6[%get3A_21, %get3A_22] {strides = array<i32>} : memref<80x128xi32, #tpu.memory_space<vmem>>, vector<1x16xi32>,
    %get3A_24 = vector.shape_cast %get3A_23 : vector<1x16xi32> to vector<16xi32>
    %and3A_25 = arith.constant 65535 : i32
    %and3A_26 = vector.broadcast %and3A_25 : i32 to vector<16xi32>
    %and3A_27 = arith.andi %get3A_24, %and3A_26 : vector<16xi32>
    %swap3A_28 = arith.constant 16 : index
    %swap3A_29 = tpu.vector_load %arg7[%swap3A_28] {strides = array<i32>} : memref<128xi32, #tpu.memory_space<vmem>>, vector<16xi32>,
    %swap3A_30 = vector.shape_cast %swap3A_29 : vector<16xi32> to vector<16xi32>
    %swap3A_31 = vector.shape_cast %and3A_27 : vector<16xi32> to vector<16xi32>
    tpu.vector_store %arg7[%swap3A_28], %swap3A_31 {strides = array<i32>} : memref<128xi32, #tpu.memory_space<vmem>>, vector<16xi32>,
    %shift_right_logical3A_32 = arith.constant 16 : i32
    %shift_right_logical3A_33 = vector.broadcast %shift_right_logical3A_32 : i32 to vector<16xi32>
    %shift_right_logical3A_34 = arith.shrui %get3A_24, %shift_right_logical3A_33 : vector<16xi32>
    %swap3A_35 = arith.constant 16 : index
    %swap3A_36 = tpu.vector_load %arg8[%swap3A_35] {strides = array<i32>} : memref<128xi32, #tpu.memory_space<vmem>>, vector<16xi32>,
    %swap3A_37 = vector.shape_cast %swap3A_36 : vector<16xi32> to vector<16xi32>
    %swap3A_38 = vector.shape_cast %shift_right_logical3A_34 : vector<16xi32> to vector<16xi32>
    tpu.vector_store %arg8[%swap3A_35], %swap3A_38 {strides = array<i32>} : memref<128xi32, #tpu.memory_space<vmem>>, vector<16xi32>,
    %get3A_39 = arith.constant 0 : i32
    %get3A_40 = arith.index_cast %get3A_39 : i32 to index
    %get3A_41 = arith.constant 32 : index
    %get3A_42 = tpu.vector_load %arg6[%get3A_40, %get3A_41] {strides = array<i32>} : memref<80x128xi32, #tpu.memory_space<vmem>>, vector<1x16xi32>,
    %get3A_43 = vector.shape_cast %get3A_42 : vector<1x16xi32> to vector<16xi32>
    %and3A_44 = arith.constant 65535 : i32
    %and3A_45 = vector.broadcast %and3A_44 : i32 to vector<16xi32>
    %and3A_46 = arith.andi %get3A_43, %and3A_45 : vector<16xi32>
    %swap3A_47 = arith.constant 32 : index
    %swap3A_48 = tpu.vector_load %arg7[%swap3A_47] {strides = array<i32>} : memref<128xi32, #tpu.memory_space<vmem>>, vector<16xi32>,
    %swap3A_49 = vector.shape_cast %swap3A_48 : vector<16xi32> to vector<16xi32>
    %swap3A_50 = vector.shape_cast %and3A_46 : vector<16xi32> to vector<16xi32>
    tpu.vector_store %arg7[%swap3A_47], %swap3A_50 {strides = array<i32>} : memref<128xi32, #tpu.memory_space<vmem>>, vector<16xi32>,
    %shift_right_logical3A_51 = arith.constant 16 : i32
    %shift_right_logical3A_52 = vector.broadcast %shift_right_logical3A_51 : i32 to vector<16xi32>
    %shift_right_logical3A_53 = arith.shrui %get3A_43, %shift_right_logical3A_52 : vector<16xi32>
    %swap3A_54 = arith.constant 32 : index
    %swap3A_55 = tpu.vector_load %arg8[%swap3A_54] {strides = array<i32>} : memref<128xi32, #tpu.memory_space<vmem>>, vector<16xi32>,
    %swap3A_56 = vector.shape_cast %swap3A_55 : vector<16xi32> to vector<16xi32>
    %swap3A_57 = vector.shape_cast %shift_right_logical3A_53 : vector<16xi32> to vector<16xi32>
    tpu.vector_store %arg8[%swap3A_54], %swap3A_57 {strides = array<i32>} : memref<128xi32, #tpu.memory_space<vmem>>, vector<16xi32>,
    %get3A_58 = arith.constant 0 : i32
    %get3A_59 = arith.index_cast %get3A_58 : i32 to index
    %get3A_60 = arith.constant 48 : index
    %get3A_61 = tpu.vector_load %arg6[%get3A_59, %get3A_60] {strides = array<i32>} : memref<80x128xi32, #tpu.memory_space<vmem>>, vector<1x16xi32>,
    %get3A_62 = vector.shape_cast %get3A_61 : vector<1x16xi32> to vector<16xi32>
    %and3A_63 = arith.constant 65535 : i32
    %and3A_64 = vector.broadcast %and3A_63 : i32 to vector<16xi32>
    %and3A_65 = arith.andi %get3A_62, %and3A_64 : vector<16xi32>
    %swap3A_66 = arith.constant 48 : index
    %swap3A_67 = tpu.vector_load %arg7[%swap3A_66] {strides = array<i32>} : memref<128xi32, #tpu.memory_space<vmem>>, vector<16xi32>,
    %swap3A_68 = vector.shape_cast %swap3A_67 : vector<16xi32> to vector<16xi32>
    %swap3A_69 = vector.shape_cast %and3A_65 : vector<16xi32> to vector<16xi32>
    tpu.vector_store %arg7[%swap3A_66], %swap3A_69 {strides = array<i32>} : memref<128xi32, #tpu.memory_space<vmem>>, vector<16xi32>,
    %shift_right_logical3A_70 = arith.constant 16 : i32
    %shift_right_logical3A_71 = vector.broadcast %shift_right_logical3A_70 : i32 to vector<16xi32>
    %shift_right_logical3A_72 = arith.shrui %get3A_62, %shift_right_logical3A_71 : vector<16xi32>
    %swap3A_73 = arith.constant 48 : index
    %swap3A_74 = tpu.vector_load %arg8[%swap3A_73] {strides = array<i32>} : memref<128xi32, #tpu.memory_space<vmem>>, vector<16xi32>,
    %swap3A_75 = vector.shape_cast %swap3A_74 : vector<16xi32> to vector<16xi32>
    %swap3A_76 = vector.shape_cast %shift_right_logical3A_72 : vector<16xi32> to vector<16xi32>
    tpu.vector_store %arg8[%swap3A_73], %swap3A_76 {strides = array<i32>} : memref<128xi32, #tpu.memory_space<vmem>>, vector<16xi32>,
    %get3A_77 = arith.constant 0 : i32
    %get3A_78 = arith.index_cast %get3A_77 : i32 to index
    %get3A_79 = arith.constant 64 : index
    %get3A_80 = tpu.vector_load %arg6[%get3A_78, %get3A_79] {strides = array<i32>} : memref<80x128xi32, #tpu.memory_space<vmem>>, vector<1x16xi32>,
    %get3A_81 = vector.shape_cast %get3A_80 : vector<1x16xi32> to vector<16xi32>
    %and3A_82 = arith.constant 65535 : i32
    %and3A_83 = vector.broadcast %and3A_82 : i32 to vector<16xi32>
    %and3A_84 = arith.andi %get3A_81, %and3A_83 : vector<16xi32>
    %swap3A_85 = arith.constant 64 : index
    %swap3A_86 = tpu.vector_load %arg7[%swap3A_85] {strides = array<i32>} : memref<128xi32, #tpu.memory_space<vmem>>, vector<16xi32>,
    %swap3A_87 = vector.shape_cast %swap3A_86 : vector<16xi32> to vector<16xi32>
    %swap3A_88 = vector.shape_cast %and3A_84 : vector<16xi32> to vector<16xi32>
    tpu.vector_store %arg7[%swap3A_85], %swap3A_88 {strides = array<i32>} : memref<128xi32, #tpu.memory_space<vmem>>, vector<16xi32>,
    %shift_right_logical3A_89 = arith.constant 16 : i32
    %shift_right_logical3A_90 = vector.broadcast %shift_right_logical3A_89 : i32 to vector<16xi32>
    %shift_right_logical3A_91 = arith.shrui %get3A_81, %shift_right_logical3A_90 : vector<16xi32>
    %swap3A_92 = arith.constant 64 : index
    %swap3A_93 = tpu.vector_load %arg8[%swap3A_92] {strides = array<i32>} : memref<128xi32, #tpu.memory_space<vmem>>, vector<16xi32>,
    %swap3A_94 = vector.shape_cast %swap3A_93 : vector<16xi32> to vector<16xi32>
    %swap3A_95 = vector.shape_cast %shift_right_logical3A_91 : vector<16xi32> to vector<16xi32>
    tpu.vector_store %arg8[%swap3A_92], %swap3A_95 {strides = array<i32>} : memref<128xi32, #tpu.memory_space<vmem>>, vector<16xi32>,
    %get3A_96 = arith.constant 0 : i32
    %get3A_97 = arith.index_cast %get3A_96 : i32 to index
    %get3A_98 = arith.constant 80 : index
    %get3A_99 = tpu.vector_load %arg6[%get3A_97, %get3A_98] {strides = array<i32>} : memref<80x128xi32, #tpu.memory_space<vmem>>, vector<1x16xi32>,
    %get3A_100 = vector.shape_cast %get3A_99 : vector<1x16xi32> to vector<16xi32>
    %and3A_101 = arith.constant 65535 : i32
    %and3A_102 = vector.broadcast %and3A_101 : i32 to vector<16xi32>
    %and3A_103 = arith.andi %get3A_100, %and3A_102 : vector<16xi32>
    %swap3A_104 = arith.constant 80 : index
    %swap3A_105 = tpu.vector_load %arg7[%swap3A_104] {strides = array<i32>} : memref<128xi32, #tpu.memory_space<vmem>>, vector<16xi32>,
    %swap3A_106 = vector.shape_cast %swap3A_105 : vector<16xi32> to vector<16xi32>
    %swap3A_107 = vector.shape_cast %and3A_103 : vector<16xi32> to vector<16xi32>
    tpu.vector_store %arg7[%swap3A_104], %swap3A_107 {strides = array<i32>} : memref<128xi32, #tpu.memory_space<vmem>>, vector<16xi32>,
    %shift_right_logical3A_108 = arith.constant 16 : i32
    %shift_right_logical3A_109 = vector.broadcast %shift_right_logical3A_108 : i32 to vector<16xi32>
    %shift_right_logical3A_110 = arith.shrui %get3A_100, %shift_right_logical3A_109 : vector<16xi32>
    %swap3A_111 = arith.constant 80 : index
    %swap3A_112 = tpu.vector_load %arg8[%swap3A_111] {strides = array<i32>} : memref<128xi32, #tpu.memory_space<vmem>>, vector<16xi32>,
    %swap3A_113 = vector.shape_cast %swap3A_112 : vector<16xi32> to vector<16xi32>
    %swap3A_114 = vector.shape_cast %shift_right_logical3A_110 : vector<16xi32> to vector<16xi32>
    tpu.vector_store %arg8[%swap3A_111], %swap3A_114 {strides = array<i32>} : memref<128xi32, #tpu.memory_space<vmem>>, vector<16xi32>,
    %get3A_115 = arith.constant 0 : i32
    %get3A_116 = arith.index_cast %get3A_115 : i32 to index
    %get3A_117 = arith.constant 96 : index
    %get3A_118 = tpu.vector_load %arg6[%get3A_116, %get3A_117] {strides = array<i32>} : memref<80x128xi32, #tpu.memory_space<vmem>>, vector<1x16xi32>,
    %get3A_119 = vector.shape_cast %get3A_118 : vector<1x16xi32> to vector<16xi32>
    %and3A_120 = arith.constant 65535 : i32
    %and3A_121 = vector.broadcast %and3A_120 : i32 to vector<16xi32>
    %and3A_122 = arith.andi %get3A_119, %and3A_121 : vector<16xi32>
    %swap3A_123 = arith.constant 96 : index
    %swap3A_124 = tpu.vector_load %arg7[%swap3A_123] {strides = array<i32>} : memref<128xi32, #tpu.memory_space<vmem>>, vector<16xi32>,
    %swap3A_125 = vector.shape_cast %swap3A_124 : vector<16xi32> to vector<16xi32>
    %swap3A_126 = vector.shape_cast %and3A_122 : vector<16xi32> to vector<16xi32>
    tpu.vector_store %arg7[%swap3A_123], %swap3A_126 {strides = array<i32>} : memref<128xi32, #tpu.memory_space<vmem>>, vector<16xi32>,
    %shift_right_logical3A_127 = arith.constant 16 : i32
    %shift_right_logical3A_128 = vector.broadcast %shift_right_logical3A_127 : i32 to vector<16xi32>
    %shift_right_logical3A_129 = arith.shrui %get3A_119, %shift_right_logical3A_128 : vector<16xi32>
    %swap3A_130 = arith.constant 96 : index
    %swap3A_131 = tpu.vector_load %arg8[%swap3A_130] {strides = array<i32>} : memref<128xi32, #tpu.memory_space<vmem>>, vector<16xi32>,
    %swap3A_132 = vector.shape_cast %swap3A_131 : vector<16xi32> to vector<16xi32>
    %swap3A_133 = vector.shape_cast %shift_right_logical3A_129 : vector<16xi32> to vector<16xi32>
    tpu.vector_store %arg8[%swap3A_130], %swap3A_133 {strides = array<i32>} : memref<128xi32, #tpu.memory_space<vmem>>, vector<16xi32>,
    %get3A_134 = arith.constant 0 : i32
    %get3A_135 = arith.index_cast %get3A_134 : i32 to index
    %get3A_136 = arith.constant 112 : index
    %get3A_137 = tpu.vector_load %arg6[%get3A_135, %get3A_136] {strides = array<i32>} : memref<80x128xi32, #tpu.memory_space<vmem>>, vector<1x16xi32>,
    %get3A_138 = vector.shape_cast %get3A_137 : vector<1x16xi32> to vector<16xi32>
    %and3A_139 = arith.constant 65535 : i32
    %and3A_140 = vector.broadcast %and3A_139 : i32 to vector<16xi32>
    %and3A_141 = arith.andi %get3A_138, %and3A_140 : vector<16xi32>
    %swap3A_142 = arith.constant 112 : index
    %swap3A_143 = tpu.vector_load %arg7[%swap3A_142] {strides = array<i32>} : memref<128xi32, #tpu.memory_space<vmem>>, vector<16xi32>,
    %swap3A_144 = vector.shape_cast %swap3A_143 : vector<16xi32> to vector<16xi32>
    %swap3A_145 = vector.shape_cast %and3A_141 : vector<16xi32> to vector<16xi32>
    tpu.vector_store %arg7[%swap3A_142], %swap3A_145 {strides = array<i32>} : memref<128xi32, #tpu.memory_space<vmem>>, vector<16xi32>,
    %shift_right_logical3A_146 = arith.constant 16 : i32
    %shift_right_logical3A_147 = vector.broadcast %shift_right_logical3A_146 : i32 to vector<16xi32>
    %shift_right_logical3A_148 = arith.shrui %get3A_138, %shift_right_logical3A_147 : vector<16xi32>
    %swap3A_149 = arith.constant 112 : index
    %swap3A_150 = tpu.vector_load %arg8[%swap3A_149] {strides = array<i32>} : memref<128xi32, #tpu.memory_space<vmem>>, vector<16xi32>,
    %swap3A_151 = vector.shape_cast %swap3A_150 : vector<16xi32> to vector<16xi32>
    %swap3A_152 = vector.shape_cast %shift_right_logical3A_148 : vector<16xi32> to vector<16xi32>
    tpu.vector_store %arg8[%swap3A_149], %swap3A_152 {strides = array<i32>} : memref<128xi32, #tpu.memory_space<vmem>>, vector<16xi32>,
    %get3A_153 = arith.constant 1 : i32
    %get3A_154 = arith.index_cast %get3A_153 : i32 to index
    %get3A_155 = arith.constant 0 : index
    %get3A_156 = tpu.vector_load %arg6[%get3A_154, %get3A_155] {strides = array<i32>} : memref<80x128xi32, #tpu.memory_space<vmem>>, vector<1x16xi32>,
    %get3A_157 = vector.shape_cast %get3A_156 : vector<1x16xi32> to vector<16xi32>
    %and3A_158 = arith.constant 65535 : i32
    %and3A_159 = vector.broadcast %and3A_158 : i32 to vector<16xi32>
    %and3A_160 = arith.andi %get3A_157, %and3A_159 : vector<16xi32>
    %swap3A_161 = arith.constant 0 : index
    %swap3A_162 = tpu.vector_load %arg9[%swap3A_161] {strides = array<i32>} : memref<128xi32, #tpu.memory_space<vmem>>, vector<16xi32>,
    %swap3A_163 = vector.shape_cast %swap3A_162 : vector<16xi32> to vector<16xi32>
    %swap3A_164 = vector.shape_cast %and3A_160 : vector<16xi32> to vector<16xi32>
    tpu.vector_store %arg9[%swap3A_161], %swap3A_164 {strides = array<i32>} : memref<128xi32, #tpu.memory_space<vmem>>, vector<16xi32>,
    %shift_right_logical3A_165 = arith.constant 16 : i32
    %shift_right_logical3A_166 = vector.broadcast %shift_right_logical3A_165 : i32 to vector<16xi32>
    %shift_right_logical3A_167 = arith.shrui %get3A_157, %shift_right_logical3A_166 : vector<16xi32>
    %swap3A_168 = arith.constant 0 : index
    %swap3A_169 = tpu.vector_load %arg10[%swap3A_168] {strides = array<i32>} : memref<128xi32, #tpu.memory_space<vmem>>, vector<16xi32>,
    %swap3A_170 = vector.shape_cast %swap3A_169 : vector<16xi32> to vector<16xi32>
    %swap3A_171 = vector.shape_cast %shift_right_logical3A_167 : vector<16xi32> to vector<16xi32>
    tpu.vector_store %arg10[%swap3A_168], %swap3A_171 {strides = array<i32>} : memref<128xi32, #tpu.memory_space<vmem>>, vector<16xi32>,
    %get3A_172 = arith.constant 1 : i32
    %get3A_173 = arith.index_cast %get3A_172 : i32 to index
    %get3A_174 = arith.constant 16 : index
    %get3A_175 = tpu.vector_load %arg6[%get3A_173, %get3A_174] {strides = array<i32>} : memref<80x128xi32, #tpu.memory_space<vmem>>, vector<1x16xi32>,
    %get3A_176 = vector.shape_cast %get3A_175 : vector<1x16xi32> to vector<16xi32>
    %and3A_177 = arith.constant 65535 : i32
    %and3A_178 = vector.broadcast %and3A_177 : i32 to vector<16xi32>
    %and3A_179 = arith.andi %get3A_176, %and3A_178 : vector<16xi32>
    %swap3A_180 = arith.constant 16 : index
    %swap3A_181 = tpu.vector_load %arg9[%swap3A_180] {strides = array<i32>} : memref<128xi32, #tpu.memory_space<vmem>>, vector<16xi32>,
    %swap3A_182 = vector.shape_cast %swap3A_181 : vector<16xi32> to vector<16xi32>
    %swap3A_183 = vector.shape_cast %and3A_179 : vector<16xi32> to vector<16xi32>
    tpu.vector_store %arg9[%swap3A_180], %swap3A_183 {strides = array<i32>} : memref<128xi32, #tpu.memory_space<vmem>>, vector<16xi32>,
    %shift_right_logical3A_184 = arith.constant 16 : i32
    %shift_right_logical3A_185 = vector.broadcast %shift_right_logical3A_184 : i32 to vector<16xi32>
    %shift_right_logical3A_186 = arith.shrui %get3A_176, %shift_right_logical3A_185 : vector<16xi32>
    %swap3A_187 = arith.constant 16 : index
    %swap3A_188 = tpu.vector_load %arg10[%swap3A_187] {strides = array<i32>} : memref<128xi32, #tpu.memory_space<vmem>>, vector<16xi32>,
    %swap3A_189 = vector.shape_cast %swap3A_188 : vector<16xi32> to vector<16xi32>
    %swap3A_190 = vector.shape_cast %shift_right_logical3A_186 : vector<16xi32> to vector<16xi32>
    tpu.vector_store %arg10[%swap3A_187], %swap3A_190 {strides = array<i32>} : memref<128xi32, #tpu.memory_space<vmem>>, vector<16xi32>,
    %get3A_191 = arith.constant 1 : i32
    %get3A_192 = arith.index_cast %get3A_191 : i32 to index
    %get3A_193 = arith.constant 32 : index
    %get3A_194 = tpu.vector_load %arg6[%get3A_192, %get3A_193] {strides = array<i32>} : memref<80x128xi32, #tpu.memory_space<vmem>>, vector<1x16xi32>,
    %get3A_195 = vector.shape_cast %get3A_194 : vector<1x16xi32> to vector<16xi32>
    %and3A_196 = arith.constant 65535 : i32
    %and3A_197 = vector.broadcast %and3A_196 : i32 to vector<16xi32>
    %and3A_198 = arith.andi %get3A_195, %and3A_197 : vector<16xi32>
    %swap3A_199 = arith.constant 32 : index
    %swap3A_200 = tpu.vector_load %arg9[%swap3A_199] {strides = array<i32>} : memref<128xi32, #tpu.memory_space<vmem>>, vector<16xi32>,
    %swap3A_201 = vector.shape_cast %swap3A_200 : vector<16xi32> to vector<16xi32>
    %swap3A_202 = vector.shape_cast %and3A_198 : vector<16xi32> to vector<16xi32>
    tpu.vector_store %arg9[%swap3A_199], %swap3A_202 {strides = array<i32>} : memref<128xi32, #tpu.memory_space<vmem>>, vector<16xi32>,
    %shift_right_logical3A_203 = arith.constant 16 : i32
    %shift_right_logical3A_204 = vector.broadcast %shift_right_logical3A_203 : i32 to vector<16xi32>
    %shift_right_logical3A_205 = arith.shrui %get3A_195, %shift_right_logical3A_204 : vector<16xi32>
    %swap3A_206 = arith.constant 32 : index
    %swap3A_207 = tpu.vector_load %arg10[%swap3A_206] {strides = array<i32>} : memref<128xi32, #tpu.memory_space<vmem>>, vector<16xi32>,
    %swap3A_208 = vector.shape_cast %swap3A_207 : vector<16xi32> to vector<16xi32>
    %swap3A_209 = vector.shape_cast %shift_right_logical3A_205 : vector<16xi32> to vector<16xi32>
    tpu.vector_store %arg10[%swap3A_206], %swap3A_209 {strides = array<i32>} : memref<128xi32, #tpu.memory_space<vmem>>, vector<16xi32>,
    %get3A_210 = arith.constant 1 : i32
    %get3A_211 = arith.index_cast %get3A_210 : i32 to index
    %get3A_212 = arith.constant 48 : index
    %get3A_213 = tpu.vector_load %arg6[%get3A_211, %get3A_212] {strides = array<i32>} : memref<80x128xi32, #tpu.memory_space<vmem>>, vector<1x16xi32>,
    %get3A_214 = vector.shape_cast %get3A_213 : vector<1x16xi32> to vector<16xi32>
    %and3A_215 = arith.constant 65535 : i32
    %and3A_216 = vector.broadcast %and3A_215 : i32 to vector<16xi32>
    %and3A_217 = arith.andi %get3A_214, %and3A_216 : vector<16xi32>
    %swap3A_218 = arith.constant 48 : index
    %swap3A_219 = tpu.vector_load %arg9[%swap3A_218] {strides = array<i32>} : memref<128xi32, #tpu.memory_space<vmem>>, vector<16xi32>,
    %swap3A_220 = vector.shape_cast %swap3A_219 : vector<16xi32> to vector<16xi32>
    %swap3A_221 = vector.shape_cast %and3A_217 : vector<16xi32> to vector<16xi32>
    tpu.vector_store %arg9[%swap3A_218], %swap3A_221 {strides = array<i32>} : memref<128xi32, #tpu.memory_space<vmem>>, vector<16xi32>,
    %shift_right_logical3A_222 = arith.constant 16 : i32
    %shift_right_logical3A_223 = vector.broadcast %shift_right_logical3A_222 : i32 to vector<16xi32>
    %shift_right_logical3A_224 = arith.shrui %get3A_214, %shift_right_logical3A_223 : vector<16xi32>
    %swap3A_225 = arith.constant 48 : index
    %swap3A_226 = tpu.vector_load %arg10[%swap3A_225] {strides = array<i32>} : memref<128xi32, #tpu.memory_space<vmem>>, vector<16xi32>,
    %swap3A_227 = vector.shape_cast %swap3A_226 : vector<16xi32> to vector<16xi32>
    %swap3A_228 = vector.shape_cast %shift_right_logical3A_224 : vector<16xi32> to vector<16xi32>
    tpu.vector_store %arg10[%swap3A_225], %swap3A_228 {strides = array<i32>} : memref<128xi32, #tpu.memory_space<vmem>>, vector<16xi32>,
    %get3A_229 = arith.constant 1 : i32
    %get3A_230 = arith.index_cast %get3A_229 : i32 to index
    %get3A_231 = arith.constant 64 : index
    %get3A_232 = tpu.vector_load %arg6[%get3A_230, %get3A_231] {strides = array<i32>} : memref<80x128xi32, #tpu.memory_space<vmem>>, vector<1x16xi32>,
    %get3A_233 = vector.shape_cast %get3A_232 : vector<1x16xi32> to vector<16xi32>
    %and3A_234 = arith.constant 65535 : i32
    %and3A_235 = vector.broadcast %and3A_234 : i32 to vector<16xi32>
    %and3A_236 = arith.andi %get3A_233, %and3A_235 : vector<16xi32>
    %swap3A_237 = arith.constant 64 : index
    %swap3A_238 = tpu.vector_load %arg9[%swap3A_237] {strides = array<i32>} : memref<128xi32, #tpu.memory_space<vmem>>, vector<16xi32>,
    %swap3A_239 = vector.shape_cast %swap3A_238 : vector<16xi32> to vector<16xi32>
    %swap3A_240 = vector.shape_cast %and3A_236 : vector<16xi32> to vector<16xi32>
    tpu.vector_store %arg9[%swap3A_237], %swap3A_240 {strides = array<i32>} : memref<128xi32, #tpu.memory_space<vmem>>, vector<16xi32>,
    %shift_right_logical3A_241 = arith.constant 16 : i32
    %shift_right_logical3A_242 = vector.broadcast %shift_right_logical3A_241 : i32 to vector<16xi32>
    %shift_right_logical3A_243 = arith.shrui %get3A_233, %shift_right_logical3A_242 : vector<16xi32>
    %swap3A_244 = arith.constant 64 : index
    %swap3A_245 = tpu.vector_load %arg10[%swap3A_244] {strides = array<i32>} : memref<128xi32, #tpu.memory_space<vmem>>, vector<16xi32>,
    %swap3A_246 = vector.shape_cast %swap3A_245 : vector<16xi32> to vector<16xi32>
    %swap3A_247 = vector.shape_cast %shift_right_logical3A_243 : vector<16xi32> to vector<16xi32>
    tpu.vector_store %arg10[%swap3A_244], %swap3A_247 {strides = array<i32>} : memref<128xi32, #tpu.memory_space<vmem>>, vector<16xi32>,
    %get3A_248 = arith.constant 1 : i32
    %get3A_249 = arith.index_cast %get3A_248 : i32 to index
    %get3A_250 = arith.constant 80 : index
    %get3A_251 = tpu.vector_load %arg6[%get3A_249, %get3A_250] {strides = array<i32>} : memref<80x128xi32, #tpu.memory_space<vmem>>, vector<1x16xi32>,
    %get3A_252 = vector.shape_cast %get3A_251 : vector<1x16xi32> to vector<16xi32>
    %and3A_253 = arith.constant 65535 : i32
    %and3A_254 = vector.broadcast %and3A_253 : i32 to vector<16xi32>
    %and3A_255 = arith.andi %get3A_252, %and3A_254 : vector<16xi32>
    %swap3A_256 = arith.constant 80 : index
    %swap3A_257 = tpu.vector_load %arg9[%swap3A_256] {strides = array<i32>} : memref<128xi32, #tpu.memory_space<vmem>>, vector<16xi32>,
    %swap3A_258 = vector.shape_cast %swap3A_257 : vector<16xi32> to vector<16xi32>
    %swap3A_259 = vector.shape_cast %and3A_255 : vector<16xi32> to vector<16xi32>
    tpu.vector_store %arg9[%swap3A_256], %swap3A_259 {strides = array<i32>} : memref<128xi32, #tpu.memory_space<vmem>>, vector<16xi32>,
    %shift_right_logical3A_260 = arith.constant 16 : i32
    %shift_right_logical3A_261 = vector.broadcast %shift_right_logical3A_260 : i32 to vector<16xi32>
    %shift_right_logical3A_262 = arith.shrui %get3A_252, %shift_right_logical3A_261 : vector<16xi32>
    %swap3A_263 = arith.constant 80 : index
    %swap3A_264 = tpu.vector_load %arg10[%swap3A_263] {strides = array<i32>} : memref<128xi32, #tpu.memory_space<vmem>>, vector<16xi32>,
    %swap3A_265 = vector.shape_cast %swap3A_264 : vector<16xi32> to vector<16xi32>
    %swap3A_266 = vector.shape_cast %shift_right_logical3A_262 : vector<16xi32> to vector<16xi32>
    tpu.vector_store %arg10[%swap3A_263], %swap3A_266 {strides = array<i32>} : memref<128xi32, #tpu.memory_space<vmem>>, vector<16xi32>,
    %get3A_267 = arith.constant 1 : i32
    %get3A_268 = arith.index_cast %get3A_267 : i32 to index
    %get3A_269 = arith.constant 96 : index
    %get3A_270 = tpu.vector_load %arg6[%get3A_268, %get3A_269] {strides = array<i32>} : memref<80x128xi32, #tpu.memory_space<vmem>>, vector<1x16xi32>,
    %get3A_271 = vector.shape_cast %get3A_270 : vector<1x16xi32> to vector<16xi32>
    %and3A_272 = arith.constant 65535 : i32
    %and3A_273 = vector.broadcast %and3A_272 : i32 to vector<16xi32>
    %and3A_274 = arith.andi %get3A_271, %and3A_273 : vector<16xi32>
    %swap3A_275 = arith.constant 96 : index
    %swap3A_276 = tpu.vector_load %arg9[%swap3A_275] {strides = array<i32>} : memref<128xi32, #tpu.memory_space<vmem>>, vector<16xi32>,
    %swap3A_277 = vector.shape_cast %swap3A_276 : vector<16xi32> to vector<16xi32>
    %swap3A_278 = vector.shape_cast %and3A_274 : vector<16xi32> to vector<16xi32>
    tpu.vector_store %arg9[%swap3A_275], %swap3A_278 {strides = array<i32>} : memref<128xi32, #tpu.memory_space<vmem>>, vector<16xi32>,
    %shift_right_logical3A_279 = arith.constant 16 : i32
    %shift_right_logical3A_280 = vector.broadcast %shift_right_logical3A_279 : i32 to vector<16xi32>
    %shift_right_logical3A_281 = arith.shrui %get3A_271, %shift_right_logical3A_280 : vector<16xi32>
    %swap3A_282 = arith.constant 96 : index
    %swap3A_283 = tpu.vector_load %arg10[%swap3A_282] {strides = array<i32>} : memref<128xi32, #tpu.memory_space<vmem>>, vector<16xi32>,
    %swap3A_284 = vector.shape_cast %swap3A_283 : vector<16xi32> to vector<16xi32>
    %swap3A_285 = vector.shape_cast %shift_right_logical3A_281 : vector<16xi32> to vector<16xi32>
    tpu.vector_store %arg10[%swap3A_282], %swap3A_285 {strides = array<i32>} : memref<128xi32, #tpu.memory_space<vmem>>, vector<16xi32>,
    %get3A_286 = arith.constant 1 : i32
    %get3A_287 = arith.index_cast %get3A_286 : i32 to index
    %get3A_288 = arith.constant 112 : index
    %get3A_289 = tpu.vector_load %arg6[%get3A_287, %get3A_288] {strides = array<i32>} : memref<80x128xi32, #tpu.memory_space<vmem>>, vector<1x16xi32>,
    %get3A_290 = vector.shape_cast %get3A_289 : vector<1x16xi32> to vector<16xi32>
    %and3A_291 = arith.constant 65535 : i32
    %and3A_292 = vector.broadcast %and3A_291 : i32 to vector<16xi32>
    %and3A_293 = arith.andi %get3A_290, %and3A_292 : vector<16xi32>
    %swap3A_294 = arith.constant 112 : index
    %swap3A_295 = tpu.vector_load %arg9[%swap3A_294] {strides = array<i32>} : memref<128xi32, #tpu.memory_space<vmem>>, vector<16xi32>,
    %swap3A_296 = vector.shape_cast %swap3A_295 : vector<16xi32> to vector<16xi32>
    %swap3A_297 = vector.shape_cast %and3A_293 : vector<16xi32> to vector<16xi32>
    tpu.vector_store %arg9[%swap3A_294], %swap3A_297 {strides = array<i32>} : memref<128xi32, #tpu.memory_space<vmem>>, vector<16xi32>,
    %shift_right_logical3A_298 = arith.constant 16 : i32
    %shift_right_logical3A_299 = vector.broadcast %shift_right_logical3A_298 : i32 to vector<16xi32>
    %shift_right_logical3A_300 = arith.shrui %get3A_290, %shift_right_logical3A_299 : vector<16xi32>
    %swap3A_301 = arith.constant 112 : index
    %swap3A_302 = tpu.vector_load %arg10[%swap3A_301] {strides = array<i32>} : memref<128xi32, #tpu.memory_space<vmem>>, vector<16xi32>,
    %swap3A_303 = vector.shape_cast %swap3A_302 : vector<16xi32> to vector<16xi32>
    %swap3A_304 = vector.shape_cast %shift_right_logical3A_300 : vector<16xi32> to vector<16xi32>
    tpu.vector_store %arg10[%swap3A_301], %swap3A_304 {strides = array<i32>} : memref<128xi32, #tpu.memory_space<vmem>>, vector<16xi32>,
    %dma_start3A = arith.constant 0 : i32
    %dma_start3A_305 = arith.constant 0 : i32
    %dma_start3A_306 = tpu.memref_slice %arg2[%dma_start3A, %dma_start3A_305] : memref<10000x128xf32, #tpu.memory_space<hbm>> -> memref<10000x128xf32, #tpu.memory_space<hbm>>
    tpu.enqueue_indirect_dma source(%dma_start3A_306 : memref<10000x128xf32, #tpu.memory_space<hbm>>) target(%arg11 : memref<128x128xf32, #tpu.memory_space<vmem>>) offsets(%arg7 : memref<128xi32, #tpu.memory_space<vmem>>) semaphore(%arg14 : memref<!tpu.dma_semaphore, #tpu.memory_space<semaphore_mem>>)
    %scan3A = arith.constant 0 : i32
    %scan3A_307 = arith.constant 40 : i32
    %scan3A_308 = arith.addi %scan3A, %scan3A_307 : i32
    %scan3A_309 = arith.constant 1 : i32
    scf.for %scan3A_316 = %scan3A to %scan3A_308 step %scan3A_309  : i32 {
      %mul3A_317 = arith.constant 1 : i32
      %mul3A_318 = arith.muli %scan3A_316, %mul3A_317 : i32
      %add3A_319 = arith.constant 0 : i32
      %add3A_320 = arith.addi %add3A_319, %mul3A_318 : i32
      %mul3A_321 = arith.constant 2 : i32
      %mul3A_322 = arith.muli %mul3A_321, %add3A_320 : i32
      %dma_start3A_323 = arith.constant 0 : i32
      %dma_start3A_324 = arith.constant 0 : i32
      %dma_start3A_325 = tpu.memref_slice %arg2[%dma_start3A_323, %dma_start3A_324] : memref<10000x128xf32, #tpu.memory_space<hbm>> -> memref<10000x128xf32, #tpu.memory_space<hbm>>
      tpu.enqueue_indirect_dma source(%dma_start3A_325 : memref<10000x128xf32, #tpu.memory_space<hbm>>) target(%arg12 : memref<128x128xf32, #tpu.memory_space<vmem>>) offsets(%arg9 : memref<128xi32, #tpu.memory_space<vmem>>) semaphore(%arg15 : memref<!tpu.dma_semaphore, #tpu.memory_space<semaphore_mem>>)
      %dma_wait3A = arith.constant 0 : i32
      %dma_wait3A_326 = arith.constant 0 : i32
      %dma_wait3A_327 = tpu.memref_slice %arg2[%dma_wait3A, %dma_wait3A_326] : memref<10000x128xf32, #tpu.memory_space<hbm>> -> memref<10000x128xf32, #tpu.memory_space<hbm>>
      tpu.wait_indirect_dma semaphore(%arg14 : memref<!tpu.dma_semaphore, #tpu.memory_space<semaphore_mem>>) src(%dma_wait3A_327 : memref<10000x128xf32, #tpu.memory_space<hbm>>) dst(%arg11 : memref<128x128xf32, #tpu.memory_space<vmem>>)
      "tpu.region"() ({
        %run_scoped3A = tpu.sem_alloc : memref<!tpu.dma_semaphore, #tpu.memory_space<semaphore_mem>>
        %dma_start3A_342 = arith.constant 0 : i32
        %dma_start3A_343 = arith.constant 0 : i32
        %dma_start3A_344 = tpu.memref_slice %arg13[%dma_start3A_342, %dma_start3A_343] : memref<10240x128xf32, #tpu.memory_space<vmem_shared>> -> memref<10240x128xf32, #tpu.memory_space<vmem_shared>>
        tpu.enqueue_indirect_dma source(%arg11 : memref<128x128xf32, #tpu.memory_space<vmem>>) target(%dma_start3A_344 : memref<10240x128xf32, #tpu.memory_space<vmem_shared>>) offsets(%arg8 : memref<128xi32, #tpu.memory_space<vmem>>) semaphore(%run_scoped3A : memref<!tpu.dma_semaphore, #tpu.memory_space<semaphore_mem>>) {add = true}
        %dma_wait3A_345 = arith.constant 0 : i32
        %dma_wait3A_346 = arith.constant 0 : i32
        %dma_wait3A_347 = tpu.memref_slice %arg13[%dma_wait3A_345, %dma_wait3A_346] : memref<10240x128xf32, #tpu.memory_space<vmem_shared>> -> memref<10240x128xf32, #tpu.memory_space<vmem_shared>>
        tpu.wait_indirect_dma semaphore(%run_scoped3A : memref<!tpu.dma_semaphore, #tpu.memory_space<semaphore_mem>>) src(%arg11 : memref<128x128xf32, #tpu.memory_space<vmem>>) dst(%dma_wait3A_347 : memref<10240x128xf32, #tpu.memory_space<vmem_shared>>)
        tpu.yield
      }) : () -> ()
      %add3A_328 = arith.constant 2 : i32
      %add3A_329 = arith.addi %mul3A_322, %add3A_328 : i32
      %lt3A = arith.constant 80 : i32
      %lt3A_330 = arith.cmpi slt, %add3A_329, %lt3A : i32
      %convert_element_type3A = arith.extui %lt3A_330 : i1 to i32
      %cond3A = arith.constant 0 : i32
      %cond3A_331 = arith.cmpi ne, %convert_element_type3A, %cond3A : i32
      scf.if %cond3A_331 {
        %add3A_342 = arith.constant 2 : i32
        %add3A_343 = arith.addi %mul3A_322, %add3A_342 : i32
        %get3A_344 = arith.index_cast %add3A_343 : i32 to index
        %get3A_345 = arith.constant 0 : index
        %get3A_346 = tpu.vector_load %arg6[%get3A_344, %get3A_345] {strides = array<i32>} : memref<80x128xi32, #tpu.memory_space<vmem>>, vector<1x16xi32>,
        %get3A_347 = vector.shape_cast %get3A_346 : vector<1x16xi32> to vector<16xi32>
        %and3A_348 = arith.constant 65535 : i32
        %and3A_349 = vector.broadcast %and3A_348 : i32 to vector<16xi32>
        %and3A_350 = arith.andi %get3A_347, %and3A_349 : vector<16xi32>
        %swap3A_351 = arith.constant 0 : index
        %swap3A_352 = tpu.vector_load %arg7[%swap3A_351] {strides = array<i32>} : memref<128xi32, #tpu.memory_space<vmem>>, vector<16xi32>,
        %swap3A_353 = vector.shape_cast %swap3A_352 : vector<16xi32> to vector<16xi32>
        %swap3A_354 = vector.shape_cast %and3A_350 : vector<16xi32> to vector<16xi32>
        tpu.vector_store %arg7[%swap3A_351], %swap3A_354 {strides = array<i32>} : memref<128xi32, #tpu.memory_space<vmem>>, vector<16xi32>,
        %shift_right_logical3A_355 = arith.constant 16 : i32
        %shift_right_logical3A_356 = vector.broadcast %shift_right_logical3A_355 : i32 to vector<16xi32>
        %shift_right_logical3A_357 = arith.shrui %get3A_347, %shift_right_logical3A_356 : vector<16xi32>
        %swap3A_358 = arith.constant 0 : index
        %swap3A_359 = tpu.vector_load %arg8[%swap3A_358] {strides = array<i32>} : memref<128xi32, #tpu.memory_space<vmem>>, vector<16xi32>,
        %swap3A_360 = vector.shape_cast %swap3A_359 : vector<16xi32> to vector<16xi32>
        %swap3A_361 = vector.shape_cast %shift_right_logical3A_357 : vector<16xi32> to vector<16xi32>
        tpu.vector_store %arg8[%swap3A_358], %swap3A_361 {strides = array<i32>} : memref<128xi32, #tpu.memory_space<vmem>>, vector<16xi32>,
        %get3A_362 = arith.index_cast %add3A_343 : i32 to index
        %get3A_363 = arith.constant 16 : index
        %get3A_364 = tpu.vector_load %arg6[%get3A_362, %get3A_363] {strides = array<i32>} : memref<80x128xi32, #tpu.memory_space<vmem>>, vector<1x16xi32>,
        %get3A_365 = vector.shape_cast %get3A_364 : vector<1x16xi32> to vector<16xi32>
        %and3A_366 = arith.constant 65535 : i32
        %and3A_367 = vector.broadcast %and3A_366 : i32 to vector<16xi32>
        %and3A_368 = arith.andi %get3A_365, %and3A_367 : vector<16xi32>
        %swap3A_369 = arith.constant 16 : index
        %swap3A_370 = tpu.vector_load %arg7[%swap3A_369] {strides = array<i32>} : memref<128xi32, #tpu.memory_space<vmem>>, vector<16xi32>,
        %swap3A_371 = vector.shape_cast %swap3A_370 : vector<16xi32> to vector<16xi32>
        %swap3A_372 = vector.shape_cast %and3A_368 : vector<16xi32> to vector<16xi32>
        tpu.vector_store %arg7[%swap3A_369], %swap3A_372 {strides = array<i32>} : memref<128xi32, #tpu.memory_space<vmem>>, vector<16xi32>,
        %shift_right_logical3A_373 = arith.constant 16 : i32
        %shift_right_logical3A_374 = vector.broadcast %shift_right_logical3A_373 : i32 to vector<16xi32>
        %shift_right_logical3A_375 = arith.shrui %get3A_365, %shift_right_logical3A_374 : vector<16xi32>
        %swap3A_376 = arith.constant 16 : index
        %swap3A_377 = tpu.vector_load %arg8[%swap3A_376] {strides = array<i32>} : memref<128xi32, #tpu.memory_space<vmem>>, vector<16xi32>,
        %swap3A_378 = vector.shape_cast %swap3A_377 : vector<16xi32> to vector<16xi32>
        %swap3A_379 = vector.shape_cast %shift_right_logical3A_375 : vector<16xi32> to vector<16xi32>
        tpu.vector_store %arg8[%swap3A_376], %swap3A_379 {strides = array<i32>} : memref<128xi32, #tpu.memory_space<vmem>>, vector<16xi32>,
        %get3A_380 = arith.index_cast %add3A_343 : i32 to index
        %get3A_381 = arith.constant 32 : index
        %get3A_382 = tpu.vector_load %arg6[%get3A_380, %get3A_381] {strides = array<i32>} : memref<80x128xi32, #tpu.memory_space<vmem>>, vector<1x16xi32>,
        %get3A_383 = vector.shape_cast %get3A_382 : vector<1x16xi32> to vector<16xi32>
        %and3A_384 = arith.constant 65535 : i32
        %and3A_385 = vector.broadcast %and3A_384 : i32 to vector<16xi32>
        %and3A_386 = arith.andi %get3A_383, %and3A_385 : vector<16xi32>
        %swap3A_387 = arith.constant 32 : index
        %swap3A_388 = tpu.vector_load %arg7[%swap3A_387] {strides = array<i32>} : memref<128xi32, #tpu.memory_space<vmem>>, vector<16xi32>,
        %swap3A_389 = vector.shape_cast %swap3A_388 : vector<16xi32> to vector<16xi32>
        %swap3A_390 = vector.shape_cast %and3A_386 : vector<16xi32> to vector<16xi32>
        tpu.vector_store %arg7[%swap3A_387], %swap3A_390 {strides = array<i32>} : memref<128xi32, #tpu.memory_space<vmem>>, vector<16xi32>,
        %shift_right_logical3A_391 = arith.constant 16 : i32
        %shift_right_logical3A_392 = vector.broadcast %shift_right_logical3A_391 : i32 to vector<16xi32>
        %shift_right_logical3A_393 = arith.shrui %get3A_383, %shift_right_logical3A_392 : vector<16xi32>
        %swap3A_394 = arith.constant 32 : index
        %swap3A_395 = tpu.vector_load %arg8[%swap3A_394] {strides = array<i32>} : memref<128xi32, #tpu.memory_space<vmem>>, vector<16xi32>,
        %swap3A_396 = vector.shape_cast %swap3A_395 : vector<16xi32> to vector<16xi32>
        %swap3A_397 = vector.shape_cast %shift_right_logical3A_393 : vector<16xi32> to vector<16xi32>
        tpu.vector_store %arg8[%swap3A_394], %swap3A_397 {strides = array<i32>} : memref<128xi32, #tpu.memory_space<vmem>>, vector<16xi32>,
        %get3A_398 = arith.index_cast %add3A_343 : i32 to index
        %get3A_399 = arith.constant 48 : index
        %get3A_400 = tpu.vector_load %arg6[%get3A_398, %get3A_399] {strides = array<i32>} : memref<80x128xi32, #tpu.memory_space<vmem>>, vector<1x16xi32>,
        %get3A_401 = vector.shape_cast %get3A_400 : vector<1x16xi32> to vector<16xi32>
        %and3A_402 = arith.constant 65535 : i32
        %and3A_403 = vector.broadcast %and3A_402 : i32 to vector<16xi32>
        %and3A_404 = arith.andi %get3A_401, %and3A_403 : vector<16xi32>
        %swap3A_405 = arith.constant 48 : index
        %swap3A_406 = tpu.vector_load %arg7[%swap3A_405] {strides = array<i32>} : memref<128xi32, #tpu.memory_space<vmem>>, vector<16xi32>,
        %swap3A_407 = vector.shape_cast %swap3A_406 : vector<16xi32> to vector<16xi32>
        %swap3A_408 = vector.shape_cast %and3A_404 : vector<16xi32> to vector<16xi32>
        tpu.vector_store %arg7[%swap3A_405], %swap3A_408 {strides = array<i32>} : memref<128xi32, #tpu.memory_space<vmem>>, vector<16xi32>,
        %shift_right_logical3A_409 = arith.constant 16 : i32
        %shift_right_logical3A_410 = vector.broadcast %shift_right_logical3A_409 : i32 to vector<16xi32>
        %shift_right_logical3A_411 = arith.shrui %get3A_401, %shift_right_logical3A_410 : vector<16xi32>
        %swap3A_412 = arith.constant 48 : index
        %swap3A_413 = tpu.vector_load %arg8[%swap3A_412] {strides = array<i32>} : memref<128xi32, #tpu.memory_space<vmem>>, vector<16xi32>,
        %swap3A_414 = vector.shape_cast %swap3A_413 : vector<16xi32> to vector<16xi32>
        %swap3A_415 = vector.shape_cast %shift_right_logical3A_411 : vector<16xi32> to vector<16xi32>
        tpu.vector_store %arg8[%swap3A_412], %swap3A_415 {strides = array<i32>} : memref<128xi32, #tpu.memory_space<vmem>>, vector<16xi32>,
        %get3A_416 = arith.index_cast %add3A_343 : i32 to index
        %get3A_417 = arith.constant 64 : index
        %get3A_418 = tpu.vector_load %arg6[%get3A_416, %get3A_417] {strides = array<i32>} : memref<80x128xi32, #tpu.memory_space<vmem>>, vector<1x16xi32>,
        %get3A_419 = vector.shape_cast %get3A_418 : vector<1x16xi32> to vector<16xi32>
        %and3A_420 = arith.constant 65535 : i32
        %and3A_421 = vector.broadcast %and3A_420 : i32 to vector<16xi32>
        %and3A_422 = arith.andi %get3A_419, %and3A_421 : vector<16xi32>
        %swap3A_423 = arith.constant 64 : index
        %swap3A_424 = tpu.vector_load %arg7[%swap3A_423] {strides = array<i32>} : memref<128xi32, #tpu.memory_space<vmem>>, vector<16xi32>,
        %swap3A_425 = vector.shape_cast %swap3A_424 : vector<16xi32> to vector<16xi32>
        %swap3A_426 = vector.shape_cast %and3A_422 : vector<16xi32> to vector<16xi32>
        tpu.vector_store %arg7[%swap3A_423], %swap3A_426 {strides = array<i32>} : memref<128xi32, #tpu.memory_space<vmem>>, vector<16xi32>,
        %shift_right_logical3A_427 = arith.constant 16 : i32
        %shift_right_logical3A_428 = vector.broadcast %shift_right_logical3A_427 : i32 to vector<16xi32>
        %shift_right_logical3A_429 = arith.shrui %get3A_419, %shift_right_logical3A_428 : vector<16xi32>
        %swap3A_430 = arith.constant 64 : index
        %swap3A_431 = tpu.vector_load %arg8[%swap3A_430] {strides = array<i32>} : memref<128xi32, #tpu.memory_space<vmem>>, vector<16xi32>,
        %swap3A_432 = vector.shape_cast %swap3A_431 : vector<16xi32> to vector<16xi32>
        %swap3A_433 = vector.shape_cast %shift_right_logical3A_429 : vector<16xi32> to vector<16xi32>
        tpu.vector_store %arg8[%swap3A_430], %swap3A_433 {strides = array<i32>} : memref<128xi32, #tpu.memory_space<vmem>>, vector<16xi32>,
        %get3A_434 = arith.index_cast %add3A_343 : i32 to index
        %get3A_435 = arith.constant 80 : index
        %get3A_436 = tpu.vector_load %arg6[%get3A_434, %get3A_435] {strides = array<i32>} : memref<80x128xi32, #tpu.memory_space<vmem>>, vector<1x16xi32>,
        %get3A_437 = vector.shape_cast %get3A_436 : vector<1x16xi32> to vector<16xi32>
        %and3A_438 = arith.constant 65535 : i32
        %and3A_439 = vector.broadcast %and3A_438 : i32 to vector<16xi32>
        %and3A_440 = arith.andi %get3A_437, %and3A_439 : vector<16xi32>
        %swap3A_441 = arith.constant 80 : index
        %swap3A_442 = tpu.vector_load %arg7[%swap3A_441] {strides = array<i32>} : memref<128xi32, #tpu.memory_space<vmem>>, vector<16xi32>,
        %swap3A_443 = vector.shape_cast %swap3A_442 : vector<16xi32> to vector<16xi32>
        %swap3A_444 = vector.shape_cast %and3A_440 : vector<16xi32> to vector<16xi32>
        tpu.vector_store %arg7[%swap3A_441], %swap3A_444 {strides = array<i32>} : memref<128xi32, #tpu.memory_space<vmem>>, vector<16xi32>,
        %shift_right_logical3A_445 = arith.constant 16 : i32
        %shift_right_logical3A_446 = vector.broadcast %shift_right_logical3A_445 : i32 to vector<16xi32>
        %shift_right_logical3A_447 = arith.shrui %get3A_437, %shift_right_logical3A_446 : vector<16xi32>
        %swap3A_448 = arith.constant 80 : index
        %swap3A_449 = tpu.vector_load %arg8[%swap3A_448] {strides = array<i32>} : memref<128xi32, #tpu.memory_space<vmem>>, vector<16xi32>,
        %swap3A_450 = vector.shape_cast %swap3A_449 : vector<16xi32> to vector<16xi32>
        %swap3A_451 = vector.shape_cast %shift_right_logical3A_447 : vector<16xi32> to vector<16xi32>
        tpu.vector_store %arg8[%swap3A_448], %swap3A_451 {strides = array<i32>} : memref<128xi32, #tpu.memory_space<vmem>>, vector<16xi32>,
        %get3A_452 = arith.index_cast %add3A_343 : i32 to index
        %get3A_453 = arith.constant 96 : index
        %get3A_454 = tpu.vector_load %arg6[%get3A_452, %get3A_453] {strides = array<i32>} : memref<80x128xi32, #tpu.memory_space<vmem>>, vector<1x16xi32>,
        %get3A_455 = vector.shape_cast %get3A_454 : vector<1x16xi32> to vector<16xi32>
        %and3A_456 = arith.constant 65535 : i32
        %and3A_457 = vector.broadcast %and3A_456 : i32 to vector<16xi32>
        %and3A_458 = arith.andi %get3A_455, %and3A_457 : vector<16xi32>
        %swap3A_459 = arith.constant 96 : index
        %swap3A_460 = tpu.vector_load %arg7[%swap3A_459] {strides = array<i32>} : memref<128xi32, #tpu.memory_space<vmem>>, vector<16xi32>,
        %swap3A_461 = vector.shape_cast %swap3A_460 : vector<16xi32> to vector<16xi32>
        %swap3A_462 = vector.shape_cast %and3A_458 : vector<16xi32> to vector<16xi32>
        tpu.vector_store %arg7[%swap3A_459], %swap3A_462 {strides = array<i32>} : memref<128xi32, #tpu.memory_space<vmem>>, vector<16xi32>,
        %shift_right_logical3A_463 = arith.constant 16 : i32
        %shift_right_logical3A_464 = vector.broadcast %shift_right_logical3A_463 : i32 to vector<16xi32>
        %shift_right_logical3A_465 = arith.shrui %get3A_455, %shift_right_logical3A_464 : vector<16xi32>
        %swap3A_466 = arith.constant 96 : index
        %swap3A_467 = tpu.vector_load %arg8[%swap3A_466] {strides = array<i32>} : memref<128xi32, #tpu.memory_space<vmem>>, vector<16xi32>,
        %swap3A_468 = vector.shape_cast %swap3A_467 : vector<16xi32> to vector<16xi32>
        %swap3A_469 = vector.shape_cast %shift_right_logical3A_465 : vector<16xi32> to vector<16xi32>
        tpu.vector_store %arg8[%swap3A_466], %swap3A_469 {strides = array<i32>} : memref<128xi32, #tpu.memory_space<vmem>>, vector<16xi32>,
        %get3A_470 = arith.index_cast %add3A_343 : i32 to index
        %get3A_471 = arith.constant 112 : index
        %get3A_472 = tpu.vector_load %arg6[%get3A_470, %get3A_471] {strides = array<i32>} : memref<80x128xi32, #tpu.memory_space<vmem>>, vector<1x16xi32>,
        %get3A_473 = vector.shape_cast %get3A_472 : vector<1x16xi32> to vector<16xi32>
        %and3A_474 = arith.constant 65535 : i32
        %and3A_475 = vector.broadcast %and3A_474 : i32 to vector<16xi32>
        %and3A_476 = arith.andi %get3A_473, %and3A_475 : vector<16xi32>
        %swap3A_477 = arith.constant 112 : index
        %swap3A_478 = tpu.vector_load %arg7[%swap3A_477] {strides = array<i32>} : memref<128xi32, #tpu.memory_space<vmem>>, vector<16xi32>,
        %swap3A_479 = vector.shape_cast %swap3A_478 : vector<16xi32> to vector<16xi32>
        %swap3A_480 = vector.shape_cast %and3A_476 : vector<16xi32> to vector<16xi32>
        tpu.vector_store %arg7[%swap3A_477], %swap3A_480 {strides = array<i32>} : memref<128xi32, #tpu.memory_space<vmem>>, vector<16xi32>,
        %shift_right_logical3A_481 = arith.constant 16 : i32
        %shift_right_logical3A_482 = vector.broadcast %shift_right_logical3A_481 : i32 to vector<16xi32>
        %shift_right_logical3A_483 = arith.shrui %get3A_473, %shift_right_logical3A_482 : vector<16xi32>
        %swap3A_484 = arith.constant 112 : index
        %swap3A_485 = tpu.vector_load %arg8[%swap3A_484] {strides = array<i32>} : memref<128xi32, #tpu.memory_space<vmem>>, vector<16xi32>,
        %swap3A_486 = vector.shape_cast %swap3A_485 : vector<16xi32> to vector<16xi32>
        %swap3A_487 = vector.shape_cast %shift_right_logical3A_483 : vector<16xi32> to vector<16xi32>
        tpu.vector_store %arg8[%swap3A_484], %swap3A_487 {strides = array<i32>} : memref<128xi32, #tpu.memory_space<vmem>>, vector<16xi32>,
        %dma_start3A_488 = arith.constant 0 : i32
        %dma_start3A_489 = arith.constant 0 : i32
        %dma_start3A_490 = tpu.memref_slice %arg2[%dma_start3A_488, %dma_start3A_489] : memref<10000x128xf32, #tpu.memory_space<hbm>> -> memref<10000x128xf32, #tpu.memory_space<hbm>>
        tpu.enqueue_indirect_dma source(%dma_start3A_490 : memref<10000x128xf32, #tpu.memory_space<hbm>>) target(%arg11 : memref<128x128xf32, #tpu.memory_space<vmem>>) offsets(%arg7 : memref<128xi32, #tpu.memory_space<vmem>>) semaphore(%arg14 : memref<!tpu.dma_semaphore, #tpu.memory_space<semaphore_mem>>)
      } else {
      }
      %dma_wait3A_332 = arith.constant 0 : i32
      %dma_wait3A_333 = arith.constant 0 : i32
      %dma_wait3A_334 = tpu.memref_slice %arg2[%dma_wait3A_332, %dma_wait3A_333] : memref<10000x128xf32, #tpu.memory_space<hbm>> -> memref<10000x128xf32, #tpu.memory_space<hbm>>
      tpu.wait_indirect_dma semaphore(%arg15 : memref<!tpu.dma_semaphore, #tpu.memory_space<semaphore_mem>>) src(%dma_wait3A_334 : memref<10000x128xf32, #tpu.memory_space<hbm>>) dst(%arg12 : memref<128x128xf32, #tpu.memory_space<vmem>>)
      "tpu.region"() ({
        %run_scoped3A = tpu.sem_alloc : memref<!tpu.dma_semaphore, #tpu.memory_space<semaphore_mem>>
        %dma_start3A_342 = arith.constant 0 : i32
        %dma_start3A_343 = arith.constant 0 : i32
        %dma_start3A_344 = tpu.memref_slice %arg13[%dma_start3A_342, %dma_start3A_343] : memref<10240x128xf32, #tpu.memory_space<vmem_shared>> -> memref<10240x128xf32, #tpu.memory_space<vmem_shared>>
        tpu.enqueue_indirect_dma source(%arg12 : memref<128x128xf32, #tpu.memory_space<vmem>>) target(%dma_start3A_344 : memref<10240x128xf32, #tpu.memory_space<vmem_shared>>) offsets(%arg10 : memref<128xi32, #tpu.memory_space<vmem>>) semaphore(%run_scoped3A : memref<!tpu.dma_semaphore, #tpu.memory_space<semaphore_mem>>) {add = true}
        %dma_wait3A_345 = arith.constant 0 : i32
        %dma_wait3A_346 = arith.constant 0 : i32
        %dma_wait3A_347 = tpu.memref_slice %arg13[%dma_wait3A_345, %dma_wait3A_346] : memref<10240x128xf32, #tpu.memory_space<vmem_shared>> -> memref<10240x128xf32, #tpu.memory_space<vmem_shared>>
        tpu.wait_indirect_dma semaphore(%run_scoped3A : memref<!tpu.dma_semaphore, #tpu.memory_space<semaphore_mem>>) src(%arg12 : memref<128x128xf32, #tpu.memory_space<vmem>>) dst(%dma_wait3A_347 : memref<10240x128xf32, #tpu.memory_space<vmem_shared>>)
        tpu.yield
      }) : () -> ()
      %add3A_335 = arith.constant 3 : i32
      %add3A_336 = arith.addi %mul3A_322, %add3A_335 : i32
      %lt3A_337 = arith.constant 80 : i32
      %lt3A_338 = arith.cmpi slt, %add3A_336, %lt3A_337 : i32
      %convert_element_type3A_339 = arith.extui %lt3A_338 : i1 to i32
      %cond3A_340 = arith.constant 0 : i32
      %cond3A_341 = arith.cmpi ne, %convert_element_type3A_339, %cond3A_340 : i32
      scf.if %cond3A_341 {
        %add3A_342 = arith.constant 3 : i32
        %add3A_343 = arith.addi %mul3A_322, %add3A_342 : i32
        %get3A_344 = arith.index_cast %add3A_343 : i32 to index
        %get3A_345 = arith.constant 0 : index
        %get3A_346 = tpu.vector_load %arg6[%get3A_344, %get3A_345] {strides = array<i32>} : memref<80x128xi32, #tpu.memory_space<vmem>>, vector<1x16xi32>,
        %get3A_347 = vector.shape_cast %get3A_346 : vector<1x16xi32> to vector<16xi32>
        %and3A_348 = arith.constant 65535 : i32
        %and3A_349 = vector.broadcast %and3A_348 : i32 to vector<16xi32>
        %and3A_350 = arith.andi %get3A_347, %and3A_349 : vector<16xi32>
        %swap3A_351 = arith.constant 0 : index
        %swap3A_352 = tpu.vector_load %arg9[%swap3A_351] {strides = array<i32>} : memref<128xi32, #tpu.memory_space<vmem>>, vector<16xi32>,
        %swap3A_353 = vector.shape_cast %swap3A_352 : vector<16xi32> to vector<16xi32>
        %swap3A_354 = vector.shape_cast %and3A_350 : vector<16xi32> to vector<16xi32>
        tpu.vector_store %arg9[%swap3A_351], %swap3A_354 {strides = array<i32>} : memref<128xi32, #tpu.memory_space<vmem>>, vector<16xi32>,
        %shift_right_logical3A_355 = arith.constant 16 : i32
        %shift_right_logical3A_356 = vector.broadcast %shift_right_logical3A_355 : i32 to vector<16xi32>
        %shift_right_logical3A_357 = arith.shrui %get3A_347, %shift_right_logical3A_356 : vector<16xi32>
        %swap3A_358 = arith.constant 0 : index
        %swap3A_359 = tpu.vector_load %arg10[%swap3A_358] {strides = array<i32>} : memref<128xi32, #tpu.memory_space<vmem>>, vector<16xi32>,
        %swap3A_360 = vector.shape_cast %swap3A_359 : vector<16xi32> to vector<16xi32>
        %swap3A_361 = vector.shape_cast %shift_right_logical3A_357 : vector<16xi32> to vector<16xi32>
        tpu.vector_store %arg10[%swap3A_358], %swap3A_361 {strides = array<i32>} : memref<128xi32, #tpu.memory_space<vmem>>, vector<16xi32>,
        %get3A_362 = arith.index_cast %add3A_343 : i32 to index
        %get3A_363 = arith.constant 16 : index
        %get3A_364 = tpu.vector_load %arg6[%get3A_362, %get3A_363] {strides = array<i32>} : memref<80x128xi32, #tpu.memory_space<vmem>>, vector<1x16xi32>,
        %get3A_365 = vector.shape_cast %get3A_364 : vector<1x16xi32> to vector<16xi32>
        %and3A_366 = arith.constant 65535 : i32
        %and3A_367 = vector.broadcast %and3A_366 : i32 to vector<16xi32>
        %and3A_368 = arith.andi %get3A_365, %and3A_367 : vector<16xi32>
        %swap3A_369 = arith.constant 16 : index
        %swap3A_370 = tpu.vector_load %arg9[%swap3A_369] {strides = array<i32>} : memref<128xi32, #tpu.memory_space<vmem>>, vector<16xi32>,
        %swap3A_371 = vector.shape_cast %swap3A_370 : vector<16xi32> to vector<16xi32>
        %swap3A_372 = vector.shape_cast %and3A_368 : vector<16xi32> to vector<16xi32>
        tpu.vector_store %arg9[%swap3A_369], %swap3A_372 {strides = array<i32>} : memref<128xi32, #tpu.memory_space<vmem>>, vector<16xi32>,
        %shift_right_logical3A_373 = arith.constant 16 : i32
        %shift_right_logical3A_374 = vector.broadcast %shift_right_logical3A_373 : i32 to vector<16xi32>
        %shift_right_logical3A_375 = arith.shrui %get3A_365, %shift_right_logical3A_374 : vector<16xi32>
        %swap3A_376 = arith.constant 16 : index
        %swap3A_377 = tpu.vector_load %arg10[%swap3A_376] {strides = array<i32>} : memref<128xi32, #tpu.memory_space<vmem>>, vector<16xi32>,
        %swap3A_378 = vector.shape_cast %swap3A_377 : vector<16xi32> to vector<16xi32>
        %swap3A_379 = vector.shape_cast %shift_right_logical3A_375 : vector<16xi32> to vector<16xi32>
        tpu.vector_store %arg10[%swap3A_376], %swap3A_379 {strides = array<i32>} : memref<128xi32, #tpu.memory_space<vmem>>, vector<16xi32>,
        %get3A_380 = arith.index_cast %add3A_343 : i32 to index
        %get3A_381 = arith.constant 32 : index
        %get3A_382 = tpu.vector_load %arg6[%get3A_380, %get3A_381] {strides = array<i32>} : memref<80x128xi32, #tpu.memory_space<vmem>>, vector<1x16xi32>,
        %get3A_383 = vector.shape_cast %get3A_382 : vector<1x16xi32> to vector<16xi32>
        %and3A_384 = arith.constant 65535 : i32
        %and3A_385 = vector.broadcast %and3A_384 : i32 to vector<16xi32>
        %and3A_386 = arith.andi %get3A_383, %and3A_385 : vector<16xi32>
        %swap3A_387 = arith.constant 32 : index
        %swap3A_388 = tpu.vector_load %arg9[%swap3A_387] {strides = array<i32>} : memref<128xi32, #tpu.memory_space<vmem>>, vector<16xi32>,
        %swap3A_389 = vector.shape_cast %swap3A_388 : vector<16xi32> to vector<16xi32>
        %swap3A_390 = vector.shape_cast %and3A_386 : vector<16xi32> to vector<16xi32>
        tpu.vector_store %arg9[%swap3A_387], %swap3A_390 {strides = array<i32>} : memref<128xi32, #tpu.memory_space<vmem>>, vector<16xi32>,
        %shift_right_logical3A_391 = arith.constant 16 : i32
        %shift_right_logical3A_392 = vector.broadcast %shift_right_logical3A_391 : i32 to vector<16xi32>
        %shift_right_logical3A_393 = arith.shrui %get3A_383, %shift_right_logical3A_392 : vector<16xi32>
        %swap3A_394 = arith.constant 32 : index
        %swap3A_395 = tpu.vector_load %arg10[%swap3A_394] {strides = array<i32>} : memref<128xi32, #tpu.memory_space<vmem>>, vector<16xi32>,
        %swap3A_396 = vector.shape_cast %swap3A_395 : vector<16xi32> to vector<16xi32>
        %swap3A_397 = vector.shape_cast %shift_right_logical3A_393 : vector<16xi32> to vector<16xi32>
        tpu.vector_store %arg10[%swap3A_394], %swap3A_397 {strides = array<i32>} : memref<128xi32, #tpu.memory_space<vmem>>, vector<16xi32>,
        %get3A_398 = arith.index_cast %add3A_343 : i32 to index
        %get3A_399 = arith.constant 48 : index
        %get3A_400 = tpu.vector_load %arg6[%get3A_398, %get3A_399] {strides = array<i32>} : memref<80x128xi32, #tpu.memory_space<vmem>>, vector<1x16xi32>,
        %get3A_401 = vector.shape_cast %get3A_400 : vector<1x16xi32> to vector<16xi32>
        %and3A_402 = arith.constant 65535 : i32
        %and3A_403 = vector.broadcast %and3A_402 : i32 to vector<16xi32>
        %and3A_404 = arith.andi %get3A_401, %and3A_403 : vector<16xi32>
        %swap3A_405 = arith.constant 48 : index
        %swap3A_406 = tpu.vector_load %arg9[%swap3A_405] {strides = array<i32>} : memref<128xi32, #tpu.memory_space<vmem>>, vector<16xi32>,
        %swap3A_407 = vector.shape_cast %swap3A_406 : vector<16xi32> to vector<16xi32>
        %swap3A_408 = vector.shape_cast %and3A_404 : vector<16xi32> to vector<16xi32>
        tpu.vector_store %arg9[%swap3A_405], %swap3A_408 {strides = array<i32>} : memref<128xi32, #tpu.memory_space<vmem>>, vector<16xi32>,
        %shift_right_logical3A_409 = arith.constant 16 : i32
        %shift_right_logical3A_410 = vector.broadcast %shift_right_logical3A_409 : i32 to vector<16xi32>
        %shift_right_logical3A_411 = arith.shrui %get3A_401, %shift_right_logical3A_410 : vector<16xi32>
        %swap3A_412 = arith.constant 48 : index
        %swap3A_413 = tpu.vector_load %arg10[%swap3A_412] {strides = array<i32>} : memref<128xi32, #tpu.memory_space<vmem>>, vector<16xi32>,
        %swap3A_414 = vector.shape_cast %swap3A_413 : vector<16xi32> to vector<16xi32>
        %swap3A_415 = vector.shape_cast %shift_right_logical3A_411 : vector<16xi32> to vector<16xi32>
        tpu.vector_store %arg10[%swap3A_412], %swap3A_415 {strides = array<i32>} : memref<128xi32, #tpu.memory_space<vmem>>, vector<16xi32>,
        %get3A_416 = arith.index_cast %add3A_343 : i32 to index
        %get3A_417 = arith.constant 64 : index
        %get3A_418 = tpu.vector_load %arg6[%get3A_416, %get3A_417] {strides = array<i32>} : memref<80x128xi32, #tpu.memory_space<vmem>>, vector<1x16xi32>,
        %get3A_419 = vector.shape_cast %get3A_418 : vector<1x16xi32> to vector<16xi32>
        %and3A_420 = arith.constant 65535 : i32
        %and3A_421 = vector.broadcast %and3A_420 : i32 to vector<16xi32>
        %and3A_422 = arith.andi %get3A_419, %and3A_421 : vector<16xi32>
        %swap3A_423 = arith.constant 64 : index
        %swap3A_424 = tpu.vector_load %arg9[%swap3A_423] {strides = array<i32>} : memref<128xi32, #tpu.memory_space<vmem>>, vector<16xi32>,
        %swap3A_425 = vector.shape_cast %swap3A_424 : vector<16xi32> to vector<16xi32>
        %swap3A_426 = vector.shape_cast %and3A_422 : vector<16xi32> to vector<16xi32>
        tpu.vector_store %arg9[%swap3A_423], %swap3A_426 {strides = array<i32>} : memref<128xi32, #tpu.memory_space<vmem>>, vector<16xi32>,
        %shift_right_logical3A_427 = arith.constant 16 : i32
        %shift_right_logical3A_428 = vector.broadcast %shift_right_logical3A_427 : i32 to vector<16xi32>
        %shift_right_logical3A_429 = arith.shrui %get3A_419, %shift_right_logical3A_428 : vector<16xi32>
        %swap3A_430 = arith.constant 64 : index
        %swap3A_431 = tpu.vector_load %arg10[%swap3A_430] {strides = array<i32>} : memref<128xi32, #tpu.memory_space<vmem>>, vector<16xi32>,
        %swap3A_432 = vector.shape_cast %swap3A_431 : vector<16xi32> to vector<16xi32>
        %swap3A_433 = vector.shape_cast %shift_right_logical3A_429 : vector<16xi32> to vector<16xi32>
        tpu.vector_store %arg10[%swap3A_430], %swap3A_433 {strides = array<i32>} : memref<128xi32, #tpu.memory_space<vmem>>, vector<16xi32>,
        %get3A_434 = arith.index_cast %add3A_343 : i32 to index
        %get3A_435 = arith.constant 80 : index
        %get3A_436 = tpu.vector_load %arg6[%get3A_434, %get3A_435] {strides = array<i32>} : memref<80x128xi32, #tpu.memory_space<vmem>>, vector<1x16xi32>,
        %get3A_437 = vector.shape_cast %get3A_436 : vector<1x16xi32> to vector<16xi32>
        %and3A_438 = arith.constant 65535 : i32
        %and3A_439 = vector.broadcast %and3A_438 : i32 to vector<16xi32>
        %and3A_440 = arith.andi %get3A_437, %and3A_439 : vector<16xi32>
        %swap3A_441 = arith.constant 80 : index
        %swap3A_442 = tpu.vector_load %arg9[%swap3A_441] {strides = array<i32>} : memref<128xi32, #tpu.memory_space<vmem>>, vector<16xi32>,
        %swap3A_443 = vector.shape_cast %swap3A_442 : vector<16xi32> to vector<16xi32>
        %swap3A_444 = vector.shape_cast %and3A_440 : vector<16xi32> to vector<16xi32>
        tpu.vector_store %arg9[%swap3A_441], %swap3A_444 {strides = array<i32>} : memref<128xi32, #tpu.memory_space<vmem>>, vector<16xi32>,
        %shift_right_logical3A_445 = arith.constant 16 : i32
        %shift_right_logical3A_446 = vector.broadcast %shift_right_logical3A_445 : i32 to vector<16xi32>
        %shift_right_logical3A_447 = arith.shrui %get3A_437, %shift_right_logical3A_446 : vector<16xi32>
        %swap3A_448 = arith.constant 80 : index
        %swap3A_449 = tpu.vector_load %arg10[%swap3A_448] {strides = array<i32>} : memref<128xi32, #tpu.memory_space<vmem>>, vector<16xi32>,
        %swap3A_450 = vector.shape_cast %swap3A_449 : vector<16xi32> to vector<16xi32>
        %swap3A_451 = vector.shape_cast %shift_right_logical3A_447 : vector<16xi32> to vector<16xi32>
        tpu.vector_store %arg10[%swap3A_448], %swap3A_451 {strides = array<i32>} : memref<128xi32, #tpu.memory_space<vmem>>, vector<16xi32>,
        %get3A_452 = arith.index_cast %add3A_343 : i32 to index
        %get3A_453 = arith.constant 96 : index
        %get3A_454 = tpu.vector_load %arg6[%get3A_452, %get3A_453] {strides = array<i32>} : memref<80x128xi32, #tpu.memory_space<vmem>>, vector<1x16xi32>,
        %get3A_455 = vector.shape_cast %get3A_454 : vector<1x16xi32> to vector<16xi32>
        %and3A_456 = arith.constant 65535 : i32
        %and3A_457 = vector.broadcast %and3A_456 : i32 to vector<16xi32>
        %and3A_458 = arith.andi %get3A_455, %and3A_457 : vector<16xi32>
        %swap3A_459 = arith.constant 96 : index
        %swap3A_460 = tpu.vector_load %arg9[%swap3A_459] {strides = array<i32>} : memref<128xi32, #tpu.memory_space<vmem>>, vector<16xi32>,
        %swap3A_461 = vector.shape_cast %swap3A_460 : vector<16xi32> to vector<16xi32>
        %swap3A_462 = vector.shape_cast %and3A_458 : vector<16xi32> to vector<16xi32>
        tpu.vector_store %arg9[%swap3A_459], %swap3A_462 {strides = array<i32>} : memref<128xi32, #tpu.memory_space<vmem>>, vector<16xi32>,
        %shift_right_logical3A_463 = arith.constant 16 : i32
        %shift_right_logical3A_464 = vector.broadcast %shift_right_logical3A_463 : i32 to vector<16xi32>
        %shift_right_logical3A_465 = arith.shrui %get3A_455, %shift_right_logical3A_464 : vector<16xi32>
        %swap3A_466 = arith.constant 96 : index
        %swap3A_467 = tpu.vector_load %arg10[%swap3A_466] {strides = array<i32>} : memref<128xi32, #tpu.memory_space<vmem>>, vector<16xi32>,
        %swap3A_468 = vector.shape_cast %swap3A_467 : vector<16xi32> to vector<16xi32>
        %swap3A_469 = vector.shape_cast %shift_right_logical3A_465 : vector<16xi32> to vector<16xi32>
        tpu.vector_store %arg10[%swap3A_466], %swap3A_469 {strides = array<i32>} : memref<128xi32, #tpu.memory_space<vmem>>, vector<16xi32>,
        %get3A_470 = arith.index_cast %add3A_343 : i32 to index
        %get3A_471 = arith.constant 112 : index
        %get3A_472 = tpu.vector_load %arg6[%get3A_470, %get3A_471] {strides = array<i32>} : memref<80x128xi32, #tpu.memory_space<vmem>>, vector<1x16xi32>,
        %get3A_473 = vector.shape_cast %get3A_472 : vector<1x16xi32> to vector<16xi32>
        %and3A_474 = arith.constant 65535 : i32
        %and3A_475 = vector.broadcast %and3A_474 : i32 to vector<16xi32>
        %and3A_476 = arith.andi %get3A_473, %and3A_475 : vector<16xi32>
        %swap3A_477 = arith.constant 112 : index
        %swap3A_478 = tpu.vector_load %arg9[%swap3A_477] {strides = array<i32>} : memref<128xi32, #tpu.memory_space<vmem>>, vector<16xi32>,
        %swap3A_479 = vector.shape_cast %swap3A_478 : vector<16xi32> to vector<16xi32>
        %swap3A_480 = vector.shape_cast %and3A_476 : vector<16xi32> to vector<16xi32>
        tpu.vector_store %arg9[%swap3A_477], %swap3A_480 {strides = array<i32>} : memref<128xi32, #tpu.memory_space<vmem>>, vector<16xi32>,
        %shift_right_logical3A_481 = arith.constant 16 : i32
        %shift_right_logical3A_482 = vector.broadcast %shift_right_logical3A_481 : i32 to vector<16xi32>
        %shift_right_logical3A_483 = arith.shrui %get3A_473, %shift_right_logical3A_482 : vector<16xi32>
        %swap3A_484 = arith.constant 112 : index
        %swap3A_485 = tpu.vector_load %arg10[%swap3A_484] {strides = array<i32>} : memref<128xi32, #tpu.memory_space<vmem>>, vector<16xi32>,
        %swap3A_486 = vector.shape_cast %swap3A_485 : vector<16xi32> to vector<16xi32>
        %swap3A_487 = vector.shape_cast %shift_right_logical3A_483 : vector<16xi32> to vector<16xi32>
        tpu.vector_store %arg10[%swap3A_484], %swap3A_487 {strides = array<i32>} : memref<128xi32, #tpu.memory_space<vmem>>, vector<16xi32>,
      } else {
      }
    }
    %scan3A_310 = arith.constant 40 : i32
    %barrier3A_311 = arith.constant 0 : index
    tpu.barrier barrier_id(%barrier3A_311)
    %mul3A_312 = arith.constant 640 : i32
    %mul3A_313 = arith.muli %arg1, %mul3A_312 : i32
    %mul3A_314 = arith.constant 640 : i32
    %mul3A_315 = arith.muli %arg1, %mul3A_314 : i32
    "tpu.region"() ({
      %run_scoped3A = tpu.sem_alloc : memref<!tpu.dma_semaphore, #tpu.memory_space<semaphore_mem>>
      %dma_start3A_316 = arith.constant 0 : i32
      %dma_start3A_317 = tpu.memref_slice %arg5[%arg0, %mul3A_315, %dma_start3A_316] : memref<2x10240x128xf32, #tpu.memory_space<hbm>> -> memref<1x640x128xf32, #tpu.memory_space<hbm>>
      %dma_start3A_318 = tpu.memref_squeeze %dma_start3A_317 : memref<1x640x128xf32, #tpu.memory_space<hbm>> -> memref<640x128xf32, #tpu.memory_space<hbm>>
      %dma_start3A_319 = arith.constant 0 : i32
      %dma_start3A_320 = tpu.memref_slice %arg13[%mul3A_313, %dma_start3A_319] : memref<10240x128xf32, #tpu.memory_space<vmem_shared>> -> memref<640x128xf32, #tpu.memory_space<vmem_shared>>
      tpu.enqueue_dma source(%dma_start3A_320 : memref<640x128xf32, #tpu.memory_space<vmem_shared>>) target(%dma_start3A_318 : memref<640x128xf32, #tpu.memory_space<hbm>>) target_semaphore(%run_scoped3A : memref<!tpu.dma_semaphore, #tpu.memory_space<semaphore_mem>>)
      %dma_wait3A = arith.constant 0 : i32
      %dma_wait3A_321 = tpu.memref_slice %arg5[%arg0, %mul3A_315, %dma_wait3A] : memref<2x10240x128xf32, #tpu.memory_space<hbm>> -> memref<1x640x128xf32, #tpu.memory_space<hbm>>
      %dma_wait3A_322 = tpu.memref_squeeze %dma_wait3A_321 : memref<1x640x128xf32, #tpu.memory_space<hbm>> -> memref<640x128xf32, #tpu.memory_space<hbm>>
      %dma_wait3A_323 = arith.constant 0 : i32
      %dma_wait3A_324 = tpu.memref_slice %arg13[%mul3A_313, %dma_wait3A_323] : memref<10240x128xf32, #tpu.memory_space<vmem_shared>> -> memref<640x128xf32, #tpu.memory_space<vmem_shared>>
      tpu.wait_dma2 semaphore(%run_scoped3A : memref<!tpu.dma_semaphore, #tpu.memory_space<semaphore_mem>>) src(%dma_wait3A_324 : memref<640x128xf32, #tpu.memory_space<vmem_shared>>) dst(%dma_wait3A_322 : memref<640x128xf32, #tpu.memory_space<hbm>>)
      tpu.yield
    }) : () -> ()
    return
  }
}

#map = affine_map<(d0, d1) -> (0, 0)>
#map1 = affine_map<(d0, d1) -> (0, 0, 0)>
module attributes {stable_mosaic.version = 14 : i64} {
  func.func @sc_scatter(%arg0: i32, %arg1: i32, %arg2: memref<10000x128xf32, #tpu.memory_space<hbm>>, %arg3: memref<2560x128xi32, #tpu.memory_space<hbm>>, %arg4: memref<640x128xf32, #tpu.memory_space<hbm>>, %arg5: memref<2x10240x128xf32, #tpu.memory_space<hbm>>, %arg6: memref<80x128xi32, #tpu.memory_space<vmem>>, %arg7: memref<128xi32, #tpu.memory_space<vmem>>, %arg8: memref<128xi32, #tpu.memory_space<vmem>>, %arg9: memref<128xi32, #tpu.memory_space<vmem>>, %arg10: memref<128xi32, #tpu.memory_space<vmem>>, %arg11: memref<128x128xf32, #tpu.memory_space<vmem>>, %arg12: memref<128x128xf32, #tpu.memory_space<vmem>>, %arg13: memref<10240x128xf32, #tpu.memory_space<vmem_shared>>, %arg14: memref<!tpu.dma_semaphore, #tpu.memory_space<semaphore_mem>>, %arg15: memref<!tpu.dma_semaphore, #tpu.memory_space<semaphore_mem>>) attributes {dimension_semantics = [#tpu.dimension_semantics<core_parallel>, #tpu.dimension_semantics<subcore_parallel>], iteration_bounds = array<i64: 2, 16>, scalar_prefetch = 0 : i64, scratch_operands = 10 : i64, tpu.core_type = #tpu.core_type<sc_vector_subcore>, window_params = [{transform_indices = #map}, {transform_indices = #map}, {transform_indices = #map}, {transform_indices = #map1}]} {
    %mul3A = arith.constant 16 : i32
    %mul3A_0 = arith.muli %arg0, %mul3A : i32
    %add3A = arith.addi %mul3A_0, %arg1 : i32
    %mul3A_1 = arith.constant 640 : i32
    %mul3A_2 = arith.muli %arg1, %mul3A_1 : i32
    "tpu.region"() ({
      %run_scoped3A = tpu.sem_alloc : memref<!tpu.dma_semaphore, #tpu.memory_space<semaphore_mem>>
      %dma_start3A_316 = arith.constant 0 : i32
      %dma_start3A_317 = tpu.memref_slice %arg13[%mul3A_2, %dma_start3A_316] : memref<10240x128xf32, #tpu.memory_space<vmem_shared>> -> memref<640x128xf32, #tpu.memory_space<vmem_shared>>
      tpu.enqueue_dma source(%arg4 : memref<640x128xf32, #tpu.memory_space<hbm>>) target(%dma_start3A_317 : memref<640x128xf32, #tpu.memory_space<vmem_shared>>) target_semaphore(%run_scoped3A : memref<!tpu.dma_semaphore, #tpu.memory_space<semaphore_mem>>)
      %dma_wait3A = arith.constant 0 : i32
      %dma_wait3A_318 = tpu.memref_slice %arg13[%mul3A_2, %dma_wait3A] : memref<10240x128xf32, #tpu.memory_space<vmem_shared>> -> memref<640x128xf32, #tpu.memory_space<vmem_shared>>
      tpu.wait_dma2 semaphore(%run_scoped3A : memref<!tpu.dma_semaphore, #tpu.memory_space<semaphore_mem>>) src(%arg4 : memref<640x128xf32, #tpu.memory_space<hbm>>) dst(%dma_wait3A_318 : memref<640x128xf32, #tpu.memory_space<vmem_shared>>)
      tpu.yield
    }) : () -> ()
    %mul3A_3 = arith.constant 80 : i32
    %mul3A_4 = arith.muli %add3A, %mul3A_3 : i32
    "tpu.region"() ({
      %run_scoped3A = tpu.sem_alloc : memref<!tpu.dma_semaphore, #tpu.memory_space<semaphore_mem>>
      %dma_start3A_316 = arith.constant 0 : i32
      %dma_start3A_317 = tpu.memref_slice %arg3[%mul3A_4, %dma_start3A_316] : memref<2560x128xi32, #tpu.memory_space<hbm>> -> memref<80x128xi32, #tpu.memory_space<hbm>>
      %dma_start3A_318 = arith.constant 0 : i32
      %dma_start3A_319 = tpu.memref_slice %arg3[%mul3A_4, %dma_start3A_318] : memref<2560x128xi32, #tpu.memory_space<hbm>> -> memref<80x128xi32, #tpu.memory_space<hbm>>
      tpu.enqueue_dma source(%dma_start3A_319 : memref<80x128xi32, #tpu.memory_space<hbm>>) target(%arg6 : memref<80x128xi32, #tpu.memory_space<vmem>>) target_semaphore(%run_scoped3A : memref<!tpu.dma_semaphore, #tpu.memory_space<semaphore_mem>>)
      %dma_wait3A = arith.constant 0 : i32
      %dma_wait3A_320 = tpu.memref_slice %arg3[%mul3A_4, %dma_wait3A] : memref<2560x128xi32, #tpu.memory_space<hbm>> -> memref<80x128xi32, #tpu.memory_space<hbm>>
      %dma_wait3A_321 = arith.constant 0 : i32
      %dma_wait3A_322 = tpu.memref_slice %arg3[%mul3A_4, %dma_wait3A_321] : memref<2560x128xi32, #tpu.memory_space<hbm>> -> memref<80x128xi32, #tpu.memory_space<hbm>>
      tpu.wait_dma2 semaphore(%run_scoped3A : memref<!tpu.dma_semaphore, #tpu.memory_space<semaphore_mem>>) src(%dma_wait3A_322 : memref<80x128xi32, #tpu.memory_space<hbm>>) dst(%arg6 : memref<80x128xi32, #tpu.memory_space<vmem>>)
      tpu.yield
    }) : () -> ()
    %barrier3A = arith.constant 0 : index
    tpu.barrier barrier_id(%barrier3A)
    %get3A = arith.constant 0 : i32
    %get3A_5 = arith.index_cast %get3A : i32 to index
    %get3A_6 = arith.constant 0 : index
    %get3A_7 = tpu.vector_load %arg6[%get3A_5, %get3A_6] {strides = array<i32>} : memref<80x128xi32, #tpu.memory_space<vmem>>, vector<1x16xi32>,
    %get3A_8 = vector.shape_cast %get3A_7 : vector<1x16xi32> to vector<16xi32>
    %and3A = arith.constant 65535 : i32
    %and3A_9 = vector.broadcast %and3A : i32 to vector<16xi32>
    %and3A_10 = arith.andi %get3A_8, %and3A_9 : vector<16xi32>
    %swap3A = arith.constant 0 : index
    %swap3A_11 = tpu.vector_load %arg7[%swap3A] {strides = array<i32>} : memref<128xi32, #tpu.memory_space<vmem>>, vector<16xi32>,
    %swap3A_12 = vector.shape_cast %swap3A_11 : vector<16xi32> to vector<16xi32>
    %swap3A_13 = vector.shape_cast %and3A_10 : vector<16xi32> to vector<16xi32>
    tpu.vector_store %arg7[%swap3A], %swap3A_13 {strides = array<i32>} : memref<128xi32, #tpu.memory_space<vmem>>, vector<16xi32>,
    %shift_right_logical3A = arith.constant 16 : i32
    %shift_right_logical3A_14 = vector.broadcast %shift_right_logical3A : i32 to vector<16xi32>
    %shift_right_logical3A_15 = arith.shrui %get3A_8, %shift_right_logical3A_14 : vector<16xi32>
    %swap3A_16 = arith.constant 0 : index
    %swap3A_17 = tpu.vector_load %arg8[%swap3A_16] {strides = array<i32>} : memref<128xi32, #tpu.memory_space<vmem>>, vector<16xi32>,
    %swap3A_18 = vector.shape_cast %swap3A_17 : vector<16xi32> to vector<16xi32>
    %swap3A_19 = vector.shape_cast %shift_right_logical3A_15 : vector<16xi32> to vector<16xi32>
    tpu.vector_store %arg8[%swap3A_16], %swap3A_19 {strides = array<i32>} : memref<128xi32, #tpu.memory_space<vmem>>, vector<16xi32>,
    %get3A_20 = arith.constant 0 : i32
    %get3A_21 = arith.index_cast %get3A_20 : i32 to index
    %get3A_22 = arith.constant 16 : index
    %get3A_23 = tpu.vector_load %arg6[%get3A_21, %get3A_22] {strides = array<i32>} : memref<80x128xi32, #tpu.memory_space<vmem>>, vector<1x16xi32>,
    %get3A_24 = vector.shape_cast %get3A_23 : vector<1x16xi32> to vector<16xi32>
    %and3A_25 = arith.constant 65535 : i32
    %and3A_26 = vector.broadcast %and3A_25 : i32 to vector<16xi32>
    %and3A_27 = arith.andi %get3A_24, %and3A_26 : vector<16xi32>
    %swap3A_28 = arith.constant 16 : index
    %swap3A_29 = tpu.vector_load %arg7[%swap3A_28] {strides = array<i32>} : memref<128xi32, #tpu.memory_space<vmem>>, vector<16xi32>,
    %swap3A_30 = vector.shape_cast %swap3A_29 : vector<16xi32> to vector<16xi32>
    %swap3A_31 = vector.shape_cast %and3A_27 : vector<16xi32> to vector<16xi32>
    tpu.vector_store %arg7[%swap3A_28], %swap3A_31 {strides = array<i32>} : memref<128xi32, #tpu.memory_space<vmem>>, vector<16xi32>,
    %shift_right_logical3A_32 = arith.constant 16 : i32
    %shift_right_logical3A_33 = vector.broadcast %shift_right_logical3A_32 : i32 to vector<16xi32>
    %shift_right_logical3A_34 = arith.shrui %get3A_24, %shift_right_logical3A_33 : vector<16xi32>
    %swap3A_35 = arith.constant 16 : index
    %swap3A_36 = tpu.vector_load %arg8[%swap3A_35] {strides = array<i32>} : memref<128xi32, #tpu.memory_space<vmem>>, vector<16xi32>,
    %swap3A_37 = vector.shape_cast %swap3A_36 : vector<16xi32> to vector<16xi32>
    %swap3A_38 = vector.shape_cast %shift_right_logical3A_34 : vector<16xi32> to vector<16xi32>
    tpu.vector_store %arg8[%swap3A_35], %swap3A_38 {strides = array<i32>} : memref<128xi32, #tpu.memory_space<vmem>>, vector<16xi32>,
    %get3A_39 = arith.constant 0 : i32
    %get3A_40 = arith.index_cast %get3A_39 : i32 to index
    %get3A_41 = arith.constant 32 : index
    %get3A_42 = tpu.vector_load %arg6[%get3A_40, %get3A_41] {strides = array<i32>} : memref<80x128xi32, #tpu.memory_space<vmem>>, vector<1x16xi32>,
    %get3A_43 = vector.shape_cast %get3A_42 : vector<1x16xi32> to vector<16xi32>
    %and3A_44 = arith.constant 65535 : i32
    %and3A_45 = vector.broadcast %and3A_44 : i32 to vector<16xi32>
    %and3A_46 = arith.andi %get3A_43, %and3A_45 : vector<16xi32>
    %swap3A_47 = arith.constant 32 : index
    %swap3A_48 = tpu.vector_load %arg7[%swap3A_47] {strides = array<i32>} : memref<128xi32, #tpu.memory_space<vmem>>, vector<16xi32>,
    %swap3A_49 = vector.shape_cast %swap3A_48 : vector<16xi32> to vector<16xi32>
    %swap3A_50 = vector.shape_cast %and3A_46 : vector<16xi32> to vector<16xi32>
    tpu.vector_store %arg7[%swap3A_47], %swap3A_50 {strides = array<i32>} : memref<128xi32, #tpu.memory_space<vmem>>, vector<16xi32>,
    %shift_right_logical3A_51 = arith.constant 16 : i32
    %shift_right_logical3A_52 = vector.broadcast %shift_right_logical3A_51 : i32 to vector<16xi32>
    %shift_right_logical3A_53 = arith.shrui %get3A_43, %shift_right_logical3A_52 : vector<16xi32>
    %swap3A_54 = arith.constant 32 : index
    %swap3A_55 = tpu.vector_load %arg8[%swap3A_54] {strides = array<i32>} : memref<128xi32, #tpu.memory_space<vmem>>, vector<16xi32>,
    %swap3A_56 = vector.shape_cast %swap3A_55 : vector<16xi32> to vector<16xi32>
    %swap3A_57 = vector.shape_cast %shift_right_logical3A_53 : vector<16xi32> to vector<16xi32>
    tpu.vector_store %arg8[%swap3A_54], %swap3A_57 {strides = array<i32>} : memref<128xi32, #tpu.memory_space<vmem>>, vector<16xi32>,
    %get3A_58 = arith.constant 0 : i32
    %get3A_59 = arith.index_cast %get3A_58 : i32 to index
    %get3A_60 = arith.constant 48 : index
    %get3A_61 = tpu.vector_load %arg6[%get3A_59, %get3A_60] {strides = array<i32>} : memref<80x128xi32, #tpu.memory_space<vmem>>, vector<1x16xi32>,
    %get3A_62 = vector.shape_cast %get3A_61 : vector<1x16xi32> to vector<16xi32>
    %and3A_63 = arith.constant 65535 : i32
    %and3A_64 = vector.broadcast %and3A_63 : i32 to vector<16xi32>
    %and3A_65 = arith.andi %get3A_62, %and3A_64 : vector<16xi32>
    %swap3A_66 = arith.constant 48 : index
    %swap3A_67 = tpu.vector_load %arg7[%swap3A_66] {strides = array<i32>} : memref<128xi32, #tpu.memory_space<vmem>>, vector<16xi32>,
    %swap3A_68 = vector.shape_cast %swap3A_67 : vector<16xi32> to vector<16xi32>
    %swap3A_69 = vector.shape_cast %and3A_65 : vector<16xi32> to vector<16xi32>
    tpu.vector_store %arg7[%swap3A_66], %swap3A_69 {strides = array<i32>} : memref<128xi32, #tpu.memory_space<vmem>>, vector<16xi32>,
    %shift_right_logical3A_70 = arith.constant 16 : i32
    %shift_right_logical3A_71 = vector.broadcast %shift_right_logical3A_70 : i32 to vector<16xi32>
    %shift_right_logical3A_72 = arith.shrui %get3A_62, %shift_right_logical3A_71 : vector<16xi32>
    %swap3A_73 = arith.constant 48 : index
    %swap3A_74 = tpu.vector_load %arg8[%swap3A_73] {strides = array<i32>} : memref<128xi32, #tpu.memory_space<vmem>>, vector<16xi32>,
    %swap3A_75 = vector.shape_cast %swap3A_74 : vector<16xi32> to vector<16xi32>
    %swap3A_76 = vector.shape_cast %shift_right_logical3A_72 : vector<16xi32> to vector<16xi32>
    tpu.vector_store %arg8[%swap3A_73], %swap3A_76 {strides = array<i32>} : memref<128xi32, #tpu.memory_space<vmem>>, vector<16xi32>,
    %get3A_77 = arith.constant 0 : i32
    %get3A_78 = arith.index_cast %get3A_77 : i32 to index
    %get3A_79 = arith.constant 64 : index
    %get3A_80 = tpu.vector_load %arg6[%get3A_78, %get3A_79] {strides = array<i32>} : memref<80x128xi32, #tpu.memory_space<vmem>>, vector<1x16xi32>,
    %get3A_81 = vector.shape_cast %get3A_80 : vector<1x16xi32> to vector<16xi32>
    %and3A_82 = arith.constant 65535 : i32
    %and3A_83 = vector.broadcast %and3A_82 : i32 to vector<16xi32>
    %and3A_84 = arith.andi %get3A_81, %and3A_83 : vector<16xi32>
    %swap3A_85 = arith.constant 64 : index
    %swap3A_86 = tpu.vector_load %arg7[%swap3A_85] {strides = array<i32>} : memref<128xi32, #tpu.memory_space<vmem>>, vector<16xi32>,
    %swap3A_87 = vector.shape_cast %swap3A_86 : vector<16xi32> to vector<16xi32>
    %swap3A_88 = vector.shape_cast %and3A_84 : vector<16xi32> to vector<16xi32>
    tpu.vector_store %arg7[%swap3A_85], %swap3A_88 {strides = array<i32>} : memref<128xi32, #tpu.memory_space<vmem>>, vector<16xi32>,
    %shift_right_logical3A_89 = arith.constant 16 : i32
    %shift_right_logical3A_90 = vector.broadcast %shift_right_logical3A_89 : i32 to vector<16xi32>
    %shift_right_logical3A_91 = arith.shrui %get3A_81, %shift_right_logical3A_90 : vector<16xi32>
    %swap3A_92 = arith.constant 64 : index
    %swap3A_93 = tpu.vector_load %arg8[%swap3A_92] {strides = array<i32>} : memref<128xi32, #tpu.memory_space<vmem>>, vector<16xi32>,
    %swap3A_94 = vector.shape_cast %swap3A_93 : vector<16xi32> to vector<16xi32>
    %swap3A_95 = vector.shape_cast %shift_right_logical3A_91 : vector<16xi32> to vector<16xi32>
    tpu.vector_store %arg8[%swap3A_92], %swap3A_95 {strides = array<i32>} : memref<128xi32, #tpu.memory_space<vmem>>, vector<16xi32>,
    %get3A_96 = arith.constant 0 : i32
    %get3A_97 = arith.index_cast %get3A_96 : i32 to index
    %get3A_98 = arith.constant 80 : index
    %get3A_99 = tpu.vector_load %arg6[%get3A_97, %get3A_98] {strides = array<i32>} : memref<80x128xi32, #tpu.memory_space<vmem>>, vector<1x16xi32>,
    %get3A_100 = vector.shape_cast %get3A_99 : vector<1x16xi32> to vector<16xi32>
    %and3A_101 = arith.constant 65535 : i32
    %and3A_102 = vector.broadcast %and3A_101 : i32 to vector<16xi32>
    %and3A_103 = arith.andi %get3A_100, %and3A_102 : vector<16xi32>
    %swap3A_104 = arith.constant 80 : index
    %swap3A_105 = tpu.vector_load %arg7[%swap3A_104] {strides = array<i32>} : memref<128xi32, #tpu.memory_space<vmem>>, vector<16xi32>,
    %swap3A_106 = vector.shape_cast %swap3A_105 : vector<16xi32> to vector<16xi32>
    %swap3A_107 = vector.shape_cast %and3A_103 : vector<16xi32> to vector<16xi32>
    tpu.vector_store %arg7[%swap3A_104], %swap3A_107 {strides = array<i32>} : memref<128xi32, #tpu.memory_space<vmem>>, vector<16xi32>,
    %shift_right_logical3A_108 = arith.constant 16 : i32
    %shift_right_logical3A_109 = vector.broadcast %shift_right_logical3A_108 : i32 to vector<16xi32>
    %shift_right_logical3A_110 = arith.shrui %get3A_100, %shift_right_logical3A_109 : vector<16xi32>
    %swap3A_111 = arith.constant 80 : index
    %swap3A_112 = tpu.vector_load %arg8[%swap3A_111] {strides = array<i32>} : memref<128xi32, #tpu.memory_space<vmem>>, vector<16xi32>,
    %swap3A_113 = vector.shape_cast %swap3A_112 : vector<16xi32> to vector<16xi32>
    %swap3A_114 = vector.shape_cast %shift_right_logical3A_110 : vector<16xi32> to vector<16xi32>
    tpu.vector_store %arg8[%swap3A_111], %swap3A_114 {strides = array<i32>} : memref<128xi32, #tpu.memory_space<vmem>>, vector<16xi32>,
    %get3A_115 = arith.constant 0 : i32
    %get3A_116 = arith.index_cast %get3A_115 : i32 to index
    %get3A_117 = arith.constant 96 : index
    %get3A_118 = tpu.vector_load %arg6[%get3A_116, %get3A_117] {strides = array<i32>} : memref<80x128xi32, #tpu.memory_space<vmem>>, vector<1x16xi32>,
    %get3A_119 = vector.shape_cast %get3A_118 : vector<1x16xi32> to vector<16xi32>
    %and3A_120 = arith.constant 65535 : i32
    %and3A_121 = vector.broadcast %and3A_120 : i32 to vector<16xi32>
    %and3A_122 = arith.andi %get3A_119, %and3A_121 : vector<16xi32>
    %swap3A_123 = arith.constant 96 : index
    %swap3A_124 = tpu.vector_load %arg7[%swap3A_123] {strides = array<i32>} : memref<128xi32, #tpu.memory_space<vmem>>, vector<16xi32>,
    %swap3A_125 = vector.shape_cast %swap3A_124 : vector<16xi32> to vector<16xi32>
    %swap3A_126 = vector.shape_cast %and3A_122 : vector<16xi32> to vector<16xi32>
    tpu.vector_store %arg7[%swap3A_123], %swap3A_126 {strides = array<i32>} : memref<128xi32, #tpu.memory_space<vmem>>, vector<16xi32>,
    %shift_right_logical3A_127 = arith.constant 16 : i32
    %shift_right_logical3A_128 = vector.broadcast %shift_right_logical3A_127 : i32 to vector<16xi32>
    %shift_right_logical3A_129 = arith.shrui %get3A_119, %shift_right_logical3A_128 : vector<16xi32>
    %swap3A_130 = arith.constant 96 : index
    %swap3A_131 = tpu.vector_load %arg8[%swap3A_130] {strides = array<i32>} : memref<128xi32, #tpu.memory_space<vmem>>, vector<16xi32>,
    %swap3A_132 = vector.shape_cast %swap3A_131 : vector<16xi32> to vector<16xi32>
    %swap3A_133 = vector.shape_cast %shift_right_logical3A_129 : vector<16xi32> to vector<16xi32>
    tpu.vector_store %arg8[%swap3A_130], %swap3A_133 {strides = array<i32>} : memref<128xi32, #tpu.memory_space<vmem>>, vector<16xi32>,
    %get3A_134 = arith.constant 0 : i32
    %get3A_135 = arith.index_cast %get3A_134 : i32 to index
    %get3A_136 = arith.constant 112 : index
    %get3A_137 = tpu.vector_load %arg6[%get3A_135, %get3A_136] {strides = array<i32>} : memref<80x128xi32, #tpu.memory_space<vmem>>, vector<1x16xi32>,
    %get3A_138 = vector.shape_cast %get3A_137 : vector<1x16xi32> to vector<16xi32>
    %and3A_139 = arith.constant 65535 : i32
    %and3A_140 = vector.broadcast %and3A_139 : i32 to vector<16xi32>
    %and3A_141 = arith.andi %get3A_138, %and3A_140 : vector<16xi32>
    %swap3A_142 = arith.constant 112 : index
    %swap3A_143 = tpu.vector_load %arg7[%swap3A_142] {strides = array<i32>} : memref<128xi32, #tpu.memory_space<vmem>>, vector<16xi32>,
    %swap3A_144 = vector.shape_cast %swap3A_143 : vector<16xi32> to vector<16xi32>
    %swap3A_145 = vector.shape_cast %and3A_141 : vector<16xi32> to vector<16xi32>
    tpu.vector_store %arg7[%swap3A_142], %swap3A_145 {strides = array<i32>} : memref<128xi32, #tpu.memory_space<vmem>>, vector<16xi32>,
    %shift_right_logical3A_146 = arith.constant 16 : i32
    %shift_right_logical3A_147 = vector.broadcast %shift_right_logical3A_146 : i32 to vector<16xi32>
    %shift_right_logical3A_148 = arith.shrui %get3A_138, %shift_right_logical3A_147 : vector<16xi32>
    %swap3A_149 = arith.constant 112 : index
    %swap3A_150 = tpu.vector_load %arg8[%swap3A_149] {strides = array<i32>} : memref<128xi32, #tpu.memory_space<vmem>>, vector<16xi32>,
    %swap3A_151 = vector.shape_cast %swap3A_150 : vector<16xi32> to vector<16xi32>
    %swap3A_152 = vector.shape_cast %shift_right_logical3A_148 : vector<16xi32> to vector<16xi32>
    tpu.vector_store %arg8[%swap3A_149], %swap3A_152 {strides = array<i32>} : memref<128xi32, #tpu.memory_space<vmem>>, vector<16xi32>,
    %get3A_153 = arith.constant 1 : i32
    %get3A_154 = arith.index_cast %get3A_153 : i32 to index
    %get3A_155 = arith.constant 0 : index
    %get3A_156 = tpu.vector_load %arg6[%get3A_154, %get3A_155] {strides = array<i32>} : memref<80x128xi32, #tpu.memory_space<vmem>>, vector<1x16xi32>,
    %get3A_157 = vector.shape_cast %get3A_156 : vector<1x16xi32> to vector<16xi32>
    %and3A_158 = arith.constant 65535 : i32
    %and3A_159 = vector.broadcast %and3A_158 : i32 to vector<16xi32>
    %and3A_160 = arith.andi %get3A_157, %and3A_159 : vector<16xi32>
    %swap3A_161 = arith.constant 0 : index
    %swap3A_162 = tpu.vector_load %arg9[%swap3A_161] {strides = array<i32>} : memref<128xi32, #tpu.memory_space<vmem>>, vector<16xi32>,
    %swap3A_163 = vector.shape_cast %swap3A_162 : vector<16xi32> to vector<16xi32>
    %swap3A_164 = vector.shape_cast %and3A_160 : vector<16xi32> to vector<16xi32>
    tpu.vector_store %arg9[%swap3A_161], %swap3A_164 {strides = array<i32>} : memref<128xi32, #tpu.memory_space<vmem>>, vector<16xi32>,
    %shift_right_logical3A_165 = arith.constant 16 : i32
    %shift_right_logical3A_166 = vector.broadcast %shift_right_logical3A_165 : i32 to vector<16xi32>
    %shift_right_logical3A_167 = arith.shrui %get3A_157, %shift_right_logical3A_166 : vector<16xi32>
    %swap3A_168 = arith.constant 0 : index
    %swap3A_169 = tpu.vector_load %arg10[%swap3A_168] {strides = array<i32>} : memref<128xi32, #tpu.memory_space<vmem>>, vector<16xi32>,
    %swap3A_170 = vector.shape_cast %swap3A_169 : vector<16xi32> to vector<16xi32>
    %swap3A_171 = vector.shape_cast %shift_right_logical3A_167 : vector<16xi32> to vector<16xi32>
    tpu.vector_store %arg10[%swap3A_168], %swap3A_171 {strides = array<i32>} : memref<128xi32, #tpu.memory_space<vmem>>, vector<16xi32>,
    %get3A_172 = arith.constant 1 : i32
    %get3A_173 = arith.index_cast %get3A_172 : i32 to index
    %get3A_174 = arith.constant 16 : index
    %get3A_175 = tpu.vector_load %arg6[%get3A_173, %get3A_174] {strides = array<i32>} : memref<80x128xi32, #tpu.memory_space<vmem>>, vector<1x16xi32>,
    %get3A_176 = vector.shape_cast %get3A_175 : vector<1x16xi32> to vector<16xi32>
    %and3A_177 = arith.constant 65535 : i32
    %and3A_178 = vector.broadcast %and3A_177 : i32 to vector<16xi32>
    %and3A_179 = arith.andi %get3A_176, %and3A_178 : vector<16xi32>
    %swap3A_180 = arith.constant 16 : index
    %swap3A_181 = tpu.vector_load %arg9[%swap3A_180] {strides = array<i32>} : memref<128xi32, #tpu.memory_space<vmem>>, vector<16xi32>,
    %swap3A_182 = vector.shape_cast %swap3A_181 : vector<16xi32> to vector<16xi32>
    %swap3A_183 = vector.shape_cast %and3A_179 : vector<16xi32> to vector<16xi32>
    tpu.vector_store %arg9[%swap3A_180], %swap3A_183 {strides = array<i32>} : memref<128xi32, #tpu.memory_space<vmem>>, vector<16xi32>,
    %shift_right_logical3A_184 = arith.constant 16 : i32
    %shift_right_logical3A_185 = vector.broadcast %shift_right_logical3A_184 : i32 to vector<16xi32>
    %shift_right_logical3A_186 = arith.shrui %get3A_176, %shift_right_logical3A_185 : vector<16xi32>
    %swap3A_187 = arith.constant 16 : index
    %swap3A_188 = tpu.vector_load %arg10[%swap3A_187] {strides = array<i32>} : memref<128xi32, #tpu.memory_space<vmem>>, vector<16xi32>,
    %swap3A_189 = vector.shape_cast %swap3A_188 : vector<16xi32> to vector<16xi32>
    %swap3A_190 = vector.shape_cast %shift_right_logical3A_186 : vector<16xi32> to vector<16xi32>
    tpu.vector_store %arg10[%swap3A_187], %swap3A_190 {strides = array<i32>} : memref<128xi32, #tpu.memory_space<vmem>>, vector<16xi32>,
    %get3A_191 = arith.constant 1 : i32
    %get3A_192 = arith.index_cast %get3A_191 : i32 to index
    %get3A_193 = arith.constant 32 : index
    %get3A_194 = tpu.vector_load %arg6[%get3A_192, %get3A_193] {strides = array<i32>} : memref<80x128xi32, #tpu.memory_space<vmem>>, vector<1x16xi32>,
    %get3A_195 = vector.shape_cast %get3A_194 : vector<1x16xi32> to vector<16xi32>
    %and3A_196 = arith.constant 65535 : i32
    %and3A_197 = vector.broadcast %and3A_196 : i32 to vector<16xi32>
    %and3A_198 = arith.andi %get3A_195, %and3A_197 : vector<16xi32>
    %swap3A_199 = arith.constant 32 : index
    %swap3A_200 = tpu.vector_load %arg9[%swap3A_199] {strides = array<i32>} : memref<128xi32, #tpu.memory_space<vmem>>, vector<16xi32>,
    %swap3A_201 = vector.shape_cast %swap3A_200 : vector<16xi32> to vector<16xi32>
    %swap3A_202 = vector.shape_cast %and3A_198 : vector<16xi32> to vector<16xi32>
    tpu.vector_store %arg9[%swap3A_199], %swap3A_202 {strides = array<i32>} : memref<128xi32, #tpu.memory_space<vmem>>, vector<16xi32>,
    %shift_right_logical3A_203 = arith.constant 16 : i32
    %shift_right_logical3A_204 = vector.broadcast %shift_right_logical3A_203 : i32 to vector<16xi32>
    %shift_right_logical3A_205 = arith.shrui %get3A_195, %shift_right_logical3A_204 : vector<16xi32>
    %swap3A_206 = arith.constant 32 : index
    %swap3A_207 = tpu.vector_load %arg10[%swap3A_206] {strides = array<i32>} : memref<128xi32, #tpu.memory_space<vmem>>, vector<16xi32>,
    %swap3A_208 = vector.shape_cast %swap3A_207 : vector<16xi32> to vector<16xi32>
    %swap3A_209 = vector.shape_cast %shift_right_logical3A_205 : vector<16xi32> to vector<16xi32>
    tpu.vector_store %arg10[%swap3A_206], %swap3A_209 {strides = array<i32>} : memref<128xi32, #tpu.memory_space<vmem>>, vector<16xi32>,
    %get3A_210 = arith.constant 1 : i32
    %get3A_211 = arith.index_cast %get3A_210 : i32 to index
    %get3A_212 = arith.constant 48 : index
    %get3A_213 = tpu.vector_load %arg6[%get3A_211, %get3A_212] {strides = array<i32>} : memref<80x128xi32, #tpu.memory_space<vmem>>, vector<1x16xi32>,
    %get3A_214 = vector.shape_cast %get3A_213 : vector<1x16xi32> to vector<16xi32>
    %and3A_215 = arith.constant 65535 : i32
    %and3A_216 = vector.broadcast %and3A_215 : i32 to vector<16xi32>
    %and3A_217 = arith.andi %get3A_214, %and3A_216 : vector<16xi32>
    %swap3A_218 = arith.constant 48 : index
    %swap3A_219 = tpu.vector_load %arg9[%swap3A_218] {strides = array<i32>} : memref<128xi32, #tpu.memory_space<vmem>>, vector<16xi32>,
    %swap3A_220 = vector.shape_cast %swap3A_219 : vector<16xi32> to vector<16xi32>
    %swap3A_221 = vector.shape_cast %and3A_217 : vector<16xi32> to vector<16xi32>
    tpu.vector_store %arg9[%swap3A_218], %swap3A_221 {strides = array<i32>} : memref<128xi32, #tpu.memory_space<vmem>>, vector<16xi32>,
    %shift_right_logical3A_222 = arith.constant 16 : i32
    %shift_right_logical3A_223 = vector.broadcast %shift_right_logical3A_222 : i32 to vector<16xi32>
    %shift_right_logical3A_224 = arith.shrui %get3A_214, %shift_right_logical3A_223 : vector<16xi32>
    %swap3A_225 = arith.constant 48 : index
    %swap3A_226 = tpu.vector_load %arg10[%swap3A_225] {strides = array<i32>} : memref<128xi32, #tpu.memory_space<vmem>>, vector<16xi32>,
    %swap3A_227 = vector.shape_cast %swap3A_226 : vector<16xi32> to vector<16xi32>
    %swap3A_228 = vector.shape_cast %shift_right_logical3A_224 : vector<16xi32> to vector<16xi32>
    tpu.vector_store %arg10[%swap3A_225], %swap3A_228 {strides = array<i32>} : memref<128xi32, #tpu.memory_space<vmem>>, vector<16xi32>,
    %get3A_229 = arith.constant 1 : i32
    %get3A_230 = arith.index_cast %get3A_229 : i32 to index
    %get3A_231 = arith.constant 64 : index
    %get3A_232 = tpu.vector_load %arg6[%get3A_230, %get3A_231] {strides = array<i32>} : memref<80x128xi32, #tpu.memory_space<vmem>>, vector<1x16xi32>,
    %get3A_233 = vector.shape_cast %get3A_232 : vector<1x16xi32> to vector<16xi32>
    %and3A_234 = arith.constant 65535 : i32
    %and3A_235 = vector.broadcast %and3A_234 : i32 to vector<16xi32>
    %and3A_236 = arith.andi %get3A_233, %and3A_235 : vector<16xi32>
    %swap3A_237 = arith.constant 64 : index
    %swap3A_238 = tpu.vector_load %arg9[%swap3A_237] {strides = array<i32>} : memref<128xi32, #tpu.memory_space<vmem>>, vector<16xi32>,
    %swap3A_239 = vector.shape_cast %swap3A_238 : vector<16xi32> to vector<16xi32>
    %swap3A_240 = vector.shape_cast %and3A_236 : vector<16xi32> to vector<16xi32>
    tpu.vector_store %arg9[%swap3A_237], %swap3A_240 {strides = array<i32>} : memref<128xi32, #tpu.memory_space<vmem>>, vector<16xi32>,
    %shift_right_logical3A_241 = arith.constant 16 : i32
    %shift_right_logical3A_242 = vector.broadcast %shift_right_logical3A_241 : i32 to vector<16xi32>
    %shift_right_logical3A_243 = arith.shrui %get3A_233, %shift_right_logical3A_242 : vector<16xi32>
    %swap3A_244 = arith.constant 64 : index
    %swap3A_245 = tpu.vector_load %arg10[%swap3A_244] {strides = array<i32>} : memref<128xi32, #tpu.memory_space<vmem>>, vector<16xi32>,
    %swap3A_246 = vector.shape_cast %swap3A_245 : vector<16xi32> to vector<16xi32>
    %swap3A_247 = vector.shape_cast %shift_right_logical3A_243 : vector<16xi32> to vector<16xi32>
    tpu.vector_store %arg10[%swap3A_244], %swap3A_247 {strides = array<i32>} : memref<128xi32, #tpu.memory_space<vmem>>, vector<16xi32>,
    %get3A_248 = arith.constant 1 : i32
    %get3A_249 = arith.index_cast %get3A_248 : i32 to index
    %get3A_250 = arith.constant 80 : index
    %get3A_251 = tpu.vector_load %arg6[%get3A_249, %get3A_250] {strides = array<i32>} : memref<80x128xi32, #tpu.memory_space<vmem>>, vector<1x16xi32>,
    %get3A_252 = vector.shape_cast %get3A_251 : vector<1x16xi32> to vector<16xi32>
    %and3A_253 = arith.constant 65535 : i32
    %and3A_254 = vector.broadcast %and3A_253 : i32 to vector<16xi32>
    %and3A_255 = arith.andi %get3A_252, %and3A_254 : vector<16xi32>
    %swap3A_256 = arith.constant 80 : index
    %swap3A_257 = tpu.vector_load %arg9[%swap3A_256] {strides = array<i32>} : memref<128xi32, #tpu.memory_space<vmem>>, vector<16xi32>,
    %swap3A_258 = vector.shape_cast %swap3A_257 : vector<16xi32> to vector<16xi32>
    %swap3A_259 = vector.shape_cast %and3A_255 : vector<16xi32> to vector<16xi32>
    tpu.vector_store %arg9[%swap3A_256], %swap3A_259 {strides = array<i32>} : memref<128xi32, #tpu.memory_space<vmem>>, vector<16xi32>,
    %shift_right_logical3A_260 = arith.constant 16 : i32
    %shift_right_logical3A_261 = vector.broadcast %shift_right_logical3A_260 : i32 to vector<16xi32>
    %shift_right_logical3A_262 = arith.shrui %get3A_252, %shift_right_logical3A_261 : vector<16xi32>
    %swap3A_263 = arith.constant 80 : index
    %swap3A_264 = tpu.vector_load %arg10[%swap3A_263] {strides = array<i32>} : memref<128xi32, #tpu.memory_space<vmem>>, vector<16xi32>,
    %swap3A_265 = vector.shape_cast %swap3A_264 : vector<16xi32> to vector<16xi32>
    %swap3A_266 = vector.shape_cast %shift_right_logical3A_262 : vector<16xi32> to vector<16xi32>
    tpu.vector_store %arg10[%swap3A_263], %swap3A_266 {strides = array<i32>} : memref<128xi32, #tpu.memory_space<vmem>>, vector<16xi32>,
    %get3A_267 = arith.constant 1 : i32
    %get3A_268 = arith.index_cast %get3A_267 : i32 to index
    %get3A_269 = arith.constant 96 : index
    %get3A_270 = tpu.vector_load %arg6[%get3A_268, %get3A_269] {strides = array<i32>} : memref<80x128xi32, #tpu.memory_space<vmem>>, vector<1x16xi32>,
    %get3A_271 = vector.shape_cast %get3A_270 : vector<1x16xi32> to vector<16xi32>
    %and3A_272 = arith.constant 65535 : i32
    %and3A_273 = vector.broadcast %and3A_272 : i32 to vector<16xi32>
    %and3A_274 = arith.andi %get3A_271, %and3A_273 : vector<16xi32>
    %swap3A_275 = arith.constant 96 : index
    %swap3A_276 = tpu.vector_load %arg9[%swap3A_275] {strides = array<i32>} : memref<128xi32, #tpu.memory_space<vmem>>, vector<16xi32>,
    %swap3A_277 = vector.shape_cast %swap3A_276 : vector<16xi32> to vector<16xi32>
    %swap3A_278 = vector.shape_cast %and3A_274 : vector<16xi32> to vector<16xi32>
    tpu.vector_store %arg9[%swap3A_275], %swap3A_278 {strides = array<i32>} : memref<128xi32, #tpu.memory_space<vmem>>, vector<16xi32>,
    %shift_right_logical3A_279 = arith.constant 16 : i32
    %shift_right_logical3A_280 = vector.broadcast %shift_right_logical3A_279 : i32 to vector<16xi32>
    %shift_right_logical3A_281 = arith.shrui %get3A_271, %shift_right_logical3A_280 : vector<16xi32>
    %swap3A_282 = arith.constant 96 : index
    %swap3A_283 = tpu.vector_load %arg10[%swap3A_282] {strides = array<i32>} : memref<128xi32, #tpu.memory_space<vmem>>, vector<16xi32>,
    %swap3A_284 = vector.shape_cast %swap3A_283 : vector<16xi32> to vector<16xi32>
    %swap3A_285 = vector.shape_cast %shift_right_logical3A_281 : vector<16xi32> to vector<16xi32>
    tpu.vector_store %arg10[%swap3A_282], %swap3A_285 {strides = array<i32>} : memref<128xi32, #tpu.memory_space<vmem>>, vector<16xi32>,
    %get3A_286 = arith.constant 1 : i32
    %get3A_287 = arith.index_cast %get3A_286 : i32 to index
    %get3A_288 = arith.constant 112 : index
    %get3A_289 = tpu.vector_load %arg6[%get3A_287, %get3A_288] {strides = array<i32>} : memref<80x128xi32, #tpu.memory_space<vmem>>, vector<1x16xi32>,
    %get3A_290 = vector.shape_cast %get3A_289 : vector<1x16xi32> to vector<16xi32>
    %and3A_291 = arith.constant 65535 : i32
    %and3A_292 = vector.broadcast %and3A_291 : i32 to vector<16xi32>
    %and3A_293 = arith.andi %get3A_290, %and3A_292 : vector<16xi32>
    %swap3A_294 = arith.constant 112 : index
    %swap3A_295 = tpu.vector_load %arg9[%swap3A_294] {strides = array<i32>} : memref<128xi32, #tpu.memory_space<vmem>>, vector<16xi32>,
    %swap3A_296 = vector.shape_cast %swap3A_295 : vector<16xi32> to vector<16xi32>
    %swap3A_297 = vector.shape_cast %and3A_293 : vector<16xi32> to vector<16xi32>
    tpu.vector_store %arg9[%swap3A_294], %swap3A_297 {strides = array<i32>} : memref<128xi32, #tpu.memory_space<vmem>>, vector<16xi32>,
    %shift_right_logical3A_298 = arith.constant 16 : i32
    %shift_right_logical3A_299 = vector.broadcast %shift_right_logical3A_298 : i32 to vector<16xi32>
    %shift_right_logical3A_300 = arith.shrui %get3A_290, %shift_right_logical3A_299 : vector<16xi32>
    %swap3A_301 = arith.constant 112 : index
    %swap3A_302 = tpu.vector_load %arg10[%swap3A_301] {strides = array<i32>} : memref<128xi32, #tpu.memory_space<vmem>>, vector<16xi32>,
    %swap3A_303 = vector.shape_cast %swap3A_302 : vector<16xi32> to vector<16xi32>
    %swap3A_304 = vector.shape_cast %shift_right_logical3A_300 : vector<16xi32> to vector<16xi32>
    tpu.vector_store %arg10[%swap3A_301], %swap3A_304 {strides = array<i32>} : memref<128xi32, #tpu.memory_space<vmem>>, vector<16xi32>,
    %dma_start3A = arith.constant 0 : i32
    %dma_start3A_305 = arith.constant 0 : i32
    %dma_start3A_306 = tpu.memref_slice %arg2[%dma_start3A, %dma_start3A_305] : memref<10000x128xf32, #tpu.memory_space<hbm>> -> memref<10000x128xf32, #tpu.memory_space<hbm>>
    tpu.enqueue_indirect_dma source(%dma_start3A_306 : memref<10000x128xf32, #tpu.memory_space<hbm>>) target(%arg11 : memref<128x128xf32, #tpu.memory_space<vmem>>) offsets(%arg7 : memref<128xi32, #tpu.memory_space<vmem>>) semaphore(%arg14 : memref<!tpu.dma_semaphore, #tpu.memory_space<semaphore_mem>>)
    %scan3A = arith.constant 0 : i32
    %scan3A_307 = arith.constant 40 : i32
    %scan3A_308 = arith.addi %scan3A, %scan3A_307 : i32
    %scan3A_309 = arith.constant 1 : i32
    scf.for %scan3A_316 = %scan3A to %scan3A_308 step %scan3A_309  : i32 {
      %mul3A_317 = arith.constant 1 : i32
      %mul3A_318 = arith.muli %scan3A_316, %mul3A_317 : i32
      %add3A_319 = arith.constant 0 : i32
      %add3A_320 = arith.addi %add3A_319, %mul3A_318 : i32
      %mul3A_321 = arith.constant 2 : i32
      %mul3A_322 = arith.muli %mul3A_321, %add3A_320 : i32
      %dma_start3A_323 = arith.constant 0 : i32
      %dma_start3A_324 = arith.constant 0 : i32
      %dma_start3A_325 = tpu.memref_slice %arg2[%dma_start3A_323, %dma_start3A_324] : memref<10000x128xf32, #tpu.memory_space<hbm>> -> memref<10000x128xf32, #tpu.memory_space<hbm>>
      tpu.enqueue_indirect_dma source(%dma_start3A_325 : memref<10000x128xf32, #tpu.memory_space<hbm>>) target(%arg12 : memref<128x128xf32, #tpu.memory_space<vmem>>) offsets(%arg9 : memref<128xi32, #tpu.memory_space<vmem>>) semaphore(%arg15 : memref<!tpu.dma_semaphore, #tpu.memory_space<semaphore_mem>>)
      %dma_wait3A = arith.constant 0 : i32
      %dma_wait3A_326 = arith.constant 0 : i32
      %dma_wait3A_327 = tpu.memref_slice %arg2[%dma_wait3A, %dma_wait3A_326] : memref<10000x128xf32, #tpu.memory_space<hbm>> -> memref<10000x128xf32, #tpu.memory_space<hbm>>
      tpu.wait_indirect_dma semaphore(%arg14 : memref<!tpu.dma_semaphore, #tpu.memory_space<semaphore_mem>>) src(%dma_wait3A_327 : memref<10000x128xf32, #tpu.memory_space<hbm>>) dst(%arg11 : memref<128x128xf32, #tpu.memory_space<vmem>>)
      "tpu.region"() ({
        %run_scoped3A = tpu.sem_alloc : memref<!tpu.dma_semaphore, #tpu.memory_space<semaphore_mem>>
        %dma_start3A_342 = arith.constant 0 : i32
        %dma_start3A_343 = arith.constant 0 : i32
        %dma_start3A_344 = tpu.memref_slice %arg13[%dma_start3A_342, %dma_start3A_343] : memref<10240x128xf32, #tpu.memory_space<vmem_shared>> -> memref<10240x128xf32, #tpu.memory_space<vmem_shared>>
        tpu.enqueue_indirect_dma source(%arg11 : memref<128x128xf32, #tpu.memory_space<vmem>>) target(%dma_start3A_344 : memref<10240x128xf32, #tpu.memory_space<vmem_shared>>) offsets(%arg8 : memref<128xi32, #tpu.memory_space<vmem>>) semaphore(%run_scoped3A : memref<!tpu.dma_semaphore, #tpu.memory_space<semaphore_mem>>) {add = true}
        %dma_wait3A_345 = arith.constant 0 : i32
        %dma_wait3A_346 = arith.constant 0 : i32
        %dma_wait3A_347 = tpu.memref_slice %arg13[%dma_wait3A_345, %dma_wait3A_346] : memref<10240x128xf32, #tpu.memory_space<vmem_shared>> -> memref<10240x128xf32, #tpu.memory_space<vmem_shared>>
        tpu.wait_indirect_dma semaphore(%run_scoped3A : memref<!tpu.dma_semaphore, #tpu.memory_space<semaphore_mem>>) src(%arg11 : memref<128x128xf32, #tpu.memory_space<vmem>>) dst(%dma_wait3A_347 : memref<10240x128xf32, #tpu.memory_space<vmem_shared>>)
        tpu.yield
      }) : () -> ()
      %add3A_328 = arith.constant 2 : i32
      %add3A_329 = arith.addi %mul3A_322, %add3A_328 : i32
      %lt3A = arith.constant 80 : i32
      %lt3A_330 = arith.cmpi slt, %add3A_329, %lt3A : i32
      %convert_element_type3A = arith.extui %lt3A_330 : i1 to i32
      %cond3A = arith.constant 0 : i32
      %cond3A_331 = arith.cmpi ne, %convert_element_type3A, %cond3A : i32
      scf.if %cond3A_331 {
        %add3A_342 = arith.constant 2 : i32
        %add3A_343 = arith.addi %mul3A_322, %add3A_342 : i32
        %get3A_344 = arith.index_cast %add3A_343 : i32 to index
        %get3A_345 = arith.constant 0 : index
        %get3A_346 = tpu.vector_load %arg6[%get3A_344, %get3A_345] {strides = array<i32>} : memref<80x128xi32, #tpu.memory_space<vmem>>, vector<1x16xi32>,
        %get3A_347 = vector.shape_cast %get3A_346 : vector<1x16xi32> to vector<16xi32>
        %and3A_348 = arith.constant 65535 : i32
        %and3A_349 = vector.broadcast %and3A_348 : i32 to vector<16xi32>
        %and3A_350 = arith.andi %get3A_347, %and3A_349 : vector<16xi32>
        %swap3A_351 = arith.constant 0 : index
        %swap3A_352 = tpu.vector_load %arg7[%swap3A_351] {strides = array<i32>} : memref<128xi32, #tpu.memory_space<vmem>>, vector<16xi32>,
        %swap3A_353 = vector.shape_cast %swap3A_352 : vector<16xi32> to vector<16xi32>
        %swap3A_354 = vector.shape_cast %and3A_350 : vector<16xi32> to vector<16xi32>
        tpu.vector_store %arg7[%swap3A_351], %swap3A_354 {strides = array<i32>} : memref<128xi32, #tpu.memory_space<vmem>>, vector<16xi32>,
        %shift_right_logical3A_355 = arith.constant 16 : i32
        %shift_right_logical3A_356 = vector.broadcast %shift_right_logical3A_355 : i32 to vector<16xi32>
        %shift_right_logical3A_357 = arith.shrui %get3A_347, %shift_right_logical3A_356 : vector<16xi32>
        %swap3A_358 = arith.constant 0 : index
        %swap3A_359 = tpu.vector_load %arg8[%swap3A_358] {strides = array<i32>} : memref<128xi32, #tpu.memory_space<vmem>>, vector<16xi32>,
        %swap3A_360 = vector.shape_cast %swap3A_359 : vector<16xi32> to vector<16xi32>
        %swap3A_361 = vector.shape_cast %shift_right_logical3A_357 : vector<16xi32> to vector<16xi32>
        tpu.vector_store %arg8[%swap3A_358], %swap3A_361 {strides = array<i32>} : memref<128xi32, #tpu.memory_space<vmem>>, vector<16xi32>,
        %get3A_362 = arith.index_cast %add3A_343 : i32 to index
        %get3A_363 = arith.constant 16 : index
        %get3A_364 = tpu.vector_load %arg6[%get3A_362, %get3A_363] {strides = array<i32>} : memref<80x128xi32, #tpu.memory_space<vmem>>, vector<1x16xi32>,
        %get3A_365 = vector.shape_cast %get3A_364 : vector<1x16xi32> to vector<16xi32>
        %and3A_366 = arith.constant 65535 : i32
        %and3A_367 = vector.broadcast %and3A_366 : i32 to vector<16xi32>
        %and3A_368 = arith.andi %get3A_365, %and3A_367 : vector<16xi32>
        %swap3A_369 = arith.constant 16 : index
        %swap3A_370 = tpu.vector_load %arg7[%swap3A_369] {strides = array<i32>} : memref<128xi32, #tpu.memory_space<vmem>>, vector<16xi32>,
        %swap3A_371 = vector.shape_cast %swap3A_370 : vector<16xi32> to vector<16xi32>
        %swap3A_372 = vector.shape_cast %and3A_368 : vector<16xi32> to vector<16xi32>
        tpu.vector_store %arg7[%swap3A_369], %swap3A_372 {strides = array<i32>} : memref<128xi32, #tpu.memory_space<vmem>>, vector<16xi32>,
        %shift_right_logical3A_373 = arith.constant 16 : i32
        %shift_right_logical3A_374 = vector.broadcast %shift_right_logical3A_373 : i32 to vector<16xi32>
        %shift_right_logical3A_375 = arith.shrui %get3A_365, %shift_right_logical3A_374 : vector<16xi32>
        %swap3A_376 = arith.constant 16 : index
        %swap3A_377 = tpu.vector_load %arg8[%swap3A_376] {strides = array<i32>} : memref<128xi32, #tpu.memory_space<vmem>>, vector<16xi32>,
        %swap3A_378 = vector.shape_cast %swap3A_377 : vector<16xi32> to vector<16xi32>
        %swap3A_379 = vector.shape_cast %shift_right_logical3A_375 : vector<16xi32> to vector<16xi32>
        tpu.vector_store %arg8[%swap3A_376], %swap3A_379 {strides = array<i32>} : memref<128xi32, #tpu.memory_space<vmem>>, vector<16xi32>,
        %get3A_380 = arith.index_cast %add3A_343 : i32 to index
        %get3A_381 = arith.constant 32 : index
        %get3A_382 = tpu.vector_load %arg6[%get3A_380, %get3A_381] {strides = array<i32>} : memref<80x128xi32, #tpu.memory_space<vmem>>, vector<1x16xi32>,
        %get3A_383 = vector.shape_cast %get3A_382 : vector<1x16xi32> to vector<16xi32>
        %and3A_384 = arith.constant 65535 : i32
        %and3A_385 = vector.broadcast %and3A_384 : i32 to vector<16xi32>
        %and3A_386 = arith.andi %get3A_383, %and3A_385 : vector<16xi32>
        %swap3A_387 = arith.constant 32 : index
        %swap3A_388 = tpu.vector_load %arg7[%swap3A_387] {strides = array<i32>} : memref<128xi32, #tpu.memory_space<vmem>>, vector<16xi32>,
        %swap3A_389 = vector.shape_cast %swap3A_388 : vector<16xi32> to vector<16xi32>
        %swap3A_390 = vector.shape_cast %and3A_386 : vector<16xi32> to vector<16xi32>
        tpu.vector_store %arg7[%swap3A_387], %swap3A_390 {strides = array<i32>} : memref<128xi32, #tpu.memory_space<vmem>>, vector<16xi32>,
        %shift_right_logical3A_391 = arith.constant 16 : i32
        %shift_right_logical3A_392 = vector.broadcast %shift_right_logical3A_391 : i32 to vector<16xi32>
        %shift_right_logical3A_393 = arith.shrui %get3A_383, %shift_right_logical3A_392 : vector<16xi32>
        %swap3A_394 = arith.constant 32 : index
        %swap3A_395 = tpu.vector_load %arg8[%swap3A_394] {strides = array<i32>} : memref<128xi32, #tpu.memory_space<vmem>>, vector<16xi32>,
        %swap3A_396 = vector.shape_cast %swap3A_395 : vector<16xi32> to vector<16xi32>
        %swap3A_397 = vector.shape_cast %shift_right_logical3A_393 : vector<16xi32> to vector<16xi32>
        tpu.vector_store %arg8[%swap3A_394], %swap3A_397 {strides = array<i32>} : memref<128xi32, #tpu.memory_space<vmem>>, vector<16xi32>,
        %get3A_398 = arith.index_cast %add3A_343 : i32 to index
        %get3A_399 = arith.constant 48 : index
        %get3A_400 = tpu.vector_load %arg6[%get3A_398, %get3A_399] {strides = array<i32>} : memref<80x128xi32, #tpu.memory_space<vmem>>, vector<1x16xi32>,
        %get3A_401 = vector.shape_cast %get3A_400 : vector<1x16xi32> to vector<16xi32>
        %and3A_402 = arith.constant 65535 : i32
        %and3A_403 = vector.broadcast %and3A_402 : i32 to vector<16xi32>
        %and3A_404 = arith.andi %get3A_401, %and3A_403 : vector<16xi32>
        %swap3A_405 = arith.constant 48 : index
        %swap3A_406 = tpu.vector_load %arg7[%swap3A_405] {strides = array<i32>} : memref<128xi32, #tpu.memory_space<vmem>>, vector<16xi32>,
        %swap3A_407 = vector.shape_cast %swap3A_406 : vector<16xi32> to vector<16xi32>
        %swap3A_408 = vector.shape_cast %and3A_404 : vector<16xi32> to vector<16xi32>
        tpu.vector_store %arg7[%swap3A_405], %swap3A_408 {strides = array<i32>} : memref<128xi32, #tpu.memory_space<vmem>>, vector<16xi32>,
        %shift_right_logical3A_409 = arith.constant 16 : i32
        %shift_right_logical3A_410 = vector.broadcast %shift_right_logical3A_409 : i32 to vector<16xi32>
        %shift_right_logical3A_411 = arith.shrui %get3A_401, %shift_right_logical3A_410 : vector<16xi32>
        %swap3A_412 = arith.constant 48 : index
        %swap3A_413 = tpu.vector_load %arg8[%swap3A_412] {strides = array<i32>} : memref<128xi32, #tpu.memory_space<vmem>>, vector<16xi32>,
        %swap3A_414 = vector.shape_cast %swap3A_413 : vector<16xi32> to vector<16xi32>
        %swap3A_415 = vector.shape_cast %shift_right_logical3A_411 : vector<16xi32> to vector<16xi32>
        tpu.vector_store %arg8[%swap3A_412], %swap3A_415 {strides = array<i32>} : memref<128xi32, #tpu.memory_space<vmem>>, vector<16xi32>,
        %get3A_416 = arith.index_cast %add3A_343 : i32 to index
        %get3A_417 = arith.constant 64 : index
        %get3A_418 = tpu.vector_load %arg6[%get3A_416, %get3A_417] {strides = array<i32>} : memref<80x128xi32, #tpu.memory_space<vmem>>, vector<1x16xi32>,
        %get3A_419 = vector.shape_cast %get3A_418 : vector<1x16xi32> to vector<16xi32>
        %and3A_420 = arith.constant 65535 : i32
        %and3A_421 = vector.broadcast %and3A_420 : i32 to vector<16xi32>
        %and3A_422 = arith.andi %get3A_419, %and3A_421 : vector<16xi32>
        %swap3A_423 = arith.constant 64 : index
        %swap3A_424 = tpu.vector_load %arg7[%swap3A_423] {strides = array<i32>} : memref<128xi32, #tpu.memory_space<vmem>>, vector<16xi32>,
        %swap3A_425 = vector.shape_cast %swap3A_424 : vector<16xi32> to vector<16xi32>
        %swap3A_426 = vector.shape_cast %and3A_422 : vector<16xi32> to vector<16xi32>
        tpu.vector_store %arg7[%swap3A_423], %swap3A_426 {strides = array<i32>} : memref<128xi32, #tpu.memory_space<vmem>>, vector<16xi32>,
        %shift_right_logical3A_427 = arith.constant 16 : i32
        %shift_right_logical3A_428 = vector.broadcast %shift_right_logical3A_427 : i32 to vector<16xi32>
        %shift_right_logical3A_429 = arith.shrui %get3A_419, %shift_right_logical3A_428 : vector<16xi32>
        %swap3A_430 = arith.constant 64 : index
        %swap3A_431 = tpu.vector_load %arg8[%swap3A_430] {strides = array<i32>} : memref<128xi32, #tpu.memory_space<vmem>>, vector<16xi32>,
        %swap3A_432 = vector.shape_cast %swap3A_431 : vector<16xi32> to vector<16xi32>
        %swap3A_433 = vector.shape_cast %shift_right_logical3A_429 : vector<16xi32> to vector<16xi32>
        tpu.vector_store %arg8[%swap3A_430], %swap3A_433 {strides = array<i32>} : memref<128xi32, #tpu.memory_space<vmem>>, vector<16xi32>,
        %get3A_434 = arith.index_cast %add3A_343 : i32 to index
        %get3A_435 = arith.constant 80 : index
        %get3A_436 = tpu.vector_load %arg6[%get3A_434, %get3A_435] {strides = array<i32>} : memref<80x128xi32, #tpu.memory_space<vmem>>, vector<1x16xi32>,
        %get3A_437 = vector.shape_cast %get3A_436 : vector<1x16xi32> to vector<16xi32>
        %and3A_438 = arith.constant 65535 : i32
        %and3A_439 = vector.broadcast %and3A_438 : i32 to vector<16xi32>
        %and3A_440 = arith.andi %get3A_437, %and3A_439 : vector<16xi32>
        %swap3A_441 = arith.constant 80 : index
        %swap3A_442 = tpu.vector_load %arg7[%swap3A_441] {strides = array<i32>} : memref<128xi32, #tpu.memory_space<vmem>>, vector<16xi32>,
        %swap3A_443 = vector.shape_cast %swap3A_442 : vector<16xi32> to vector<16xi32>
        %swap3A_444 = vector.shape_cast %and3A_440 : vector<16xi32> to vector<16xi32>
        tpu.vector_store %arg7[%swap3A_441], %swap3A_444 {strides = array<i32>} : memref<128xi32, #tpu.memory_space<vmem>>, vector<16xi32>,
        %shift_right_logical3A_445 = arith.constant 16 : i32
        %shift_right_logical3A_446 = vector.broadcast %shift_right_logical3A_445 : i32 to vector<16xi32>
        %shift_right_logical3A_447 = arith.shrui %get3A_437, %shift_right_logical3A_446 : vector<16xi32>
        %swap3A_448 = arith.constant 80 : index
        %swap3A_449 = tpu.vector_load %arg8[%swap3A_448] {strides = array<i32>} : memref<128xi32, #tpu.memory_space<vmem>>, vector<16xi32>,
        %swap3A_450 = vector.shape_cast %swap3A_449 : vector<16xi32> to vector<16xi32>
        %swap3A_451 = vector.shape_cast %shift_right_logical3A_447 : vector<16xi32> to vector<16xi32>
        tpu.vector_store %arg8[%swap3A_448], %swap3A_451 {strides = array<i32>} : memref<128xi32, #tpu.memory_space<vmem>>, vector<16xi32>,
        %get3A_452 = arith.index_cast %add3A_343 : i32 to index
        %get3A_453 = arith.constant 96 : index
        %get3A_454 = tpu.vector_load %arg6[%get3A_452, %get3A_453] {strides = array<i32>} : memref<80x128xi32, #tpu.memory_space<vmem>>, vector<1x16xi32>,
        %get3A_455 = vector.shape_cast %get3A_454 : vector<1x16xi32> to vector<16xi32>
        %and3A_456 = arith.constant 65535 : i32
        %and3A_457 = vector.broadcast %and3A_456 : i32 to vector<16xi32>
        %and3A_458 = arith.andi %get3A_455, %and3A_457 : vector<16xi32>
        %swap3A_459 = arith.constant 96 : index
        %swap3A_460 = tpu.vector_load %arg7[%swap3A_459] {strides = array<i32>} : memref<128xi32, #tpu.memory_space<vmem>>, vector<16xi32>,
        %swap3A_461 = vector.shape_cast %swap3A_460 : vector<16xi32> to vector<16xi32>
        %swap3A_462 = vector.shape_cast %and3A_458 : vector<16xi32> to vector<16xi32>
        tpu.vector_store %arg7[%swap3A_459], %swap3A_462 {strides = array<i32>} : memref<128xi32, #tpu.memory_space<vmem>>, vector<16xi32>,
        %shift_right_logical3A_463 = arith.constant 16 : i32
        %shift_right_logical3A_464 = vector.broadcast %shift_right_logical3A_463 : i32 to vector<16xi32>
        %shift_right_logical3A_465 = arith.shrui %get3A_455, %shift_right_logical3A_464 : vector<16xi32>
        %swap3A_466 = arith.constant 96 : index
        %swap3A_467 = tpu.vector_load %arg8[%swap3A_466] {strides = array<i32>} : memref<128xi32, #tpu.memory_space<vmem>>, vector<16xi32>,
        %swap3A_468 = vector.shape_cast %swap3A_467 : vector<16xi32> to vector<16xi32>
        %swap3A_469 = vector.shape_cast %shift_right_logical3A_465 : vector<16xi32> to vector<16xi32>
        tpu.vector_store %arg8[%swap3A_466], %swap3A_469 {strides = array<i32>} : memref<128xi32, #tpu.memory_space<vmem>>, vector<16xi32>,
        %get3A_470 = arith.index_cast %add3A_343 : i32 to index
        %get3A_471 = arith.constant 112 : index
        %get3A_472 = tpu.vector_load %arg6[%get3A_470, %get3A_471] {strides = array<i32>} : memref<80x128xi32, #tpu.memory_space<vmem>>, vector<1x16xi32>,
        %get3A_473 = vector.shape_cast %get3A_472 : vector<1x16xi32> to vector<16xi32>
        %and3A_474 = arith.constant 65535 : i32
        %and3A_475 = vector.broadcast %and3A_474 : i32 to vector<16xi32>
        %and3A_476 = arith.andi %get3A_473, %and3A_475 : vector<16xi32>
        %swap3A_477 = arith.constant 112 : index
        %swap3A_478 = tpu.vector_load %arg7[%swap3A_477] {strides = array<i32>} : memref<128xi32, #tpu.memory_space<vmem>>, vector<16xi32>,
        %swap3A_479 = vector.shape_cast %swap3A_478 : vector<16xi32> to vector<16xi32>
        %swap3A_480 = vector.shape_cast %and3A_476 : vector<16xi32> to vector<16xi32>
        tpu.vector_store %arg7[%swap3A_477], %swap3A_480 {strides = array<i32>} : memref<128xi32, #tpu.memory_space<vmem>>, vector<16xi32>,
        %shift_right_logical3A_481 = arith.constant 16 : i32
        %shift_right_logical3A_482 = vector.broadcast %shift_right_logical3A_481 : i32 to vector<16xi32>
        %shift_right_logical3A_483 = arith.shrui %get3A_473, %shift_right_logical3A_482 : vector<16xi32>
        %swap3A_484 = arith.constant 112 : index
        %swap3A_485 = tpu.vector_load %arg8[%swap3A_484] {strides = array<i32>} : memref<128xi32, #tpu.memory_space<vmem>>, vector<16xi32>,
        %swap3A_486 = vector.shape_cast %swap3A_485 : vector<16xi32> to vector<16xi32>
        %swap3A_487 = vector.shape_cast %shift_right_logical3A_483 : vector<16xi32> to vector<16xi32>
        tpu.vector_store %arg8[%swap3A_484], %swap3A_487 {strides = array<i32>} : memref<128xi32, #tpu.memory_space<vmem>>, vector<16xi32>,
        %dma_start3A_488 = arith.constant 0 : i32
        %dma_start3A_489 = arith.constant 0 : i32
        %dma_start3A_490 = tpu.memref_slice %arg2[%dma_start3A_488, %dma_start3A_489] : memref<10000x128xf32, #tpu.memory_space<hbm>> -> memref<10000x128xf32, #tpu.memory_space<hbm>>
        tpu.enqueue_indirect_dma source(%dma_start3A_490 : memref<10000x128xf32, #tpu.memory_space<hbm>>) target(%arg11 : memref<128x128xf32, #tpu.memory_space<vmem>>) offsets(%arg7 : memref<128xi32, #tpu.memory_space<vmem>>) semaphore(%arg14 : memref<!tpu.dma_semaphore, #tpu.memory_space<semaphore_mem>>)
      } else {
      }
      %dma_wait3A_332 = arith.constant 0 : i32
      %dma_wait3A_333 = arith.constant 0 : i32
      %dma_wait3A_334 = tpu.memref_slice %arg2[%dma_wait3A_332, %dma_wait3A_333] : memref<10000x128xf32, #tpu.memory_space<hbm>> -> memref<10000x128xf32, #tpu.memory_space<hbm>>
      tpu.wait_indirect_dma semaphore(%arg15 : memref<!tpu.dma_semaphore, #tpu.memory_space<semaphore_mem>>) src(%dma_wait3A_334 : memref<10000x128xf32, #tpu.memory_space<hbm>>) dst(%arg12 : memref<128x128xf32, #tpu.memory_space<vmem>>)
      "tpu.region"() ({
        %run_scoped3A = tpu.sem_alloc : memref<!tpu.dma_semaphore, #tpu.memory_space<semaphore_mem>>
        %dma_start3A_342 = arith.constant 0 : i32
        %dma_start3A_343 = arith.constant 0 : i32
        %dma_start3A_344 = tpu.memref_slice %arg13[%dma_start3A_342, %dma_start3A_343] : memref<10240x128xf32, #tpu.memory_space<vmem_shared>> -> memref<10240x128xf32, #tpu.memory_space<vmem_shared>>
        tpu.enqueue_indirect_dma source(%arg12 : memref<128x128xf32, #tpu.memory_space<vmem>>) target(%dma_start3A_344 : memref<10240x128xf32, #tpu.memory_space<vmem_shared>>) offsets(%arg10 : memref<128xi32, #tpu.memory_space<vmem>>) semaphore(%run_scoped3A : memref<!tpu.dma_semaphore, #tpu.memory_space<semaphore_mem>>) {add = true}
        %dma_wait3A_345 = arith.constant 0 : i32
        %dma_wait3A_346 = arith.constant 0 : i32
        %dma_wait3A_347 = tpu.memref_slice %arg13[%dma_wait3A_345, %dma_wait3A_346] : memref<10240x128xf32, #tpu.memory_space<vmem_shared>> -> memref<10240x128xf32, #tpu.memory_space<vmem_shared>>
        tpu.wait_indirect_dma semaphore(%run_scoped3A : memref<!tpu.dma_semaphore, #tpu.memory_space<semaphore_mem>>) src(%arg12 : memref<128x128xf32, #tpu.memory_space<vmem>>) dst(%dma_wait3A_347 : memref<10240x128xf32, #tpu.memory_space<vmem_shared>>)
        tpu.yield
      }) : () -> ()
      %add3A_335 = arith.constant 3 : i32
      %add3A_336 = arith.addi %mul3A_322, %add3A_335 : i32
      %lt3A_337 = arith.constant 80 : i32
      %lt3A_338 = arith.cmpi slt, %add3A_336, %lt3A_337 : i32
      %convert_element_type3A_339 = arith.extui %lt3A_338 : i1 to i32
      %cond3A_340 = arith.constant 0 : i32
      %cond3A_341 = arith.cmpi ne, %convert_element_type3A_339, %cond3A_340 : i32
      scf.if %cond3A_341 {
        %add3A_342 = arith.constant 3 : i32
        %add3A_343 = arith.addi %mul3A_322, %add3A_342 : i32
        %get3A_344 = arith.index_cast %add3A_343 : i32 to index
        %get3A_345 = arith.constant 0 : index
        %get3A_346 = tpu.vector_load %arg6[%get3A_344, %get3A_345] {strides = array<i32>} : memref<80x128xi32, #tpu.memory_space<vmem>>, vector<1x16xi32>,
        %get3A_347 = vector.shape_cast %get3A_346 : vector<1x16xi32> to vector<16xi32>
        %and3A_348 = arith.constant 65535 : i32
        %and3A_349 = vector.broadcast %and3A_348 : i32 to vector<16xi32>
        %and3A_350 = arith.andi %get3A_347, %and3A_349 : vector<16xi32>
        %swap3A_351 = arith.constant 0 : index
        %swap3A_352 = tpu.vector_load %arg9[%swap3A_351] {strides = array<i32>} : memref<128xi32, #tpu.memory_space<vmem>>, vector<16xi32>,
        %swap3A_353 = vector.shape_cast %swap3A_352 : vector<16xi32> to vector<16xi32>
        %swap3A_354 = vector.shape_cast %and3A_350 : vector<16xi32> to vector<16xi32>
        tpu.vector_store %arg9[%swap3A_351], %swap3A_354 {strides = array<i32>} : memref<128xi32, #tpu.memory_space<vmem>>, vector<16xi32>,
        %shift_right_logical3A_355 = arith.constant 16 : i32
        %shift_right_logical3A_356 = vector.broadcast %shift_right_logical3A_355 : i32 to vector<16xi32>
        %shift_right_logical3A_357 = arith.shrui %get3A_347, %shift_right_logical3A_356 : vector<16xi32>
        %swap3A_358 = arith.constant 0 : index
        %swap3A_359 = tpu.vector_load %arg10[%swap3A_358] {strides = array<i32>} : memref<128xi32, #tpu.memory_space<vmem>>, vector<16xi32>,
        %swap3A_360 = vector.shape_cast %swap3A_359 : vector<16xi32> to vector<16xi32>
        %swap3A_361 = vector.shape_cast %shift_right_logical3A_357 : vector<16xi32> to vector<16xi32>
        tpu.vector_store %arg10[%swap3A_358], %swap3A_361 {strides = array<i32>} : memref<128xi32, #tpu.memory_space<vmem>>, vector<16xi32>,
        %get3A_362 = arith.index_cast %add3A_343 : i32 to index
        %get3A_363 = arith.constant 16 : index
        %get3A_364 = tpu.vector_load %arg6[%get3A_362, %get3A_363] {strides = array<i32>} : memref<80x128xi32, #tpu.memory_space<vmem>>, vector<1x16xi32>,
        %get3A_365 = vector.shape_cast %get3A_364 : vector<1x16xi32> to vector<16xi32>
        %and3A_366 = arith.constant 65535 : i32
        %and3A_367 = vector.broadcast %and3A_366 : i32 to vector<16xi32>
        %and3A_368 = arith.andi %get3A_365, %and3A_367 : vector<16xi32>
        %swap3A_369 = arith.constant 16 : index
        %swap3A_370 = tpu.vector_load %arg9[%swap3A_369] {strides = array<i32>} : memref<128xi32, #tpu.memory_space<vmem>>, vector<16xi32>,
        %swap3A_371 = vector.shape_cast %swap3A_370 : vector<16xi32> to vector<16xi32>
        %swap3A_372 = vector.shape_cast %and3A_368 : vector<16xi32> to vector<16xi32>
        tpu.vector_store %arg9[%swap3A_369], %swap3A_372 {strides = array<i32>} : memref<128xi32, #tpu.memory_space<vmem>>, vector<16xi32>,
        %shift_right_logical3A_373 = arith.constant 16 : i32
        %shift_right_logical3A_374 = vector.broadcast %shift_right_logical3A_373 : i32 to vector<16xi32>
        %shift_right_logical3A_375 = arith.shrui %get3A_365, %shift_right_logical3A_374 : vector<16xi32>
        %swap3A_376 = arith.constant 16 : index
        %swap3A_377 = tpu.vector_load %arg10[%swap3A_376] {strides = array<i32>} : memref<128xi32, #tpu.memory_space<vmem>>, vector<16xi32>,
        %swap3A_378 = vector.shape_cast %swap3A_377 : vector<16xi32> to vector<16xi32>
        %swap3A_379 = vector.shape_cast %shift_right_logical3A_375 : vector<16xi32> to vector<16xi32>
        tpu.vector_store %arg10[%swap3A_376], %swap3A_379 {strides = array<i32>} : memref<128xi32, #tpu.memory_space<vmem>>, vector<16xi32>,
        %get3A_380 = arith.index_cast %add3A_343 : i32 to index
        %get3A_381 = arith.constant 32 : index
        %get3A_382 = tpu.vector_load %arg6[%get3A_380, %get3A_381] {strides = array<i32>} : memref<80x128xi32, #tpu.memory_space<vmem>>, vector<1x16xi32>,
        %get3A_383 = vector.shape_cast %get3A_382 : vector<1x16xi32> to vector<16xi32>
        %and3A_384 = arith.constant 65535 : i32
        %and3A_385 = vector.broadcast %and3A_384 : i32 to vector<16xi32>
        %and3A_386 = arith.andi %get3A_383, %and3A_385 : vector<16xi32>
        %swap3A_387 = arith.constant 32 : index
        %swap3A_388 = tpu.vector_load %arg9[%swap3A_387] {strides = array<i32>} : memref<128xi32, #tpu.memory_space<vmem>>, vector<16xi32>,
        %swap3A_389 = vector.shape_cast %swap3A_388 : vector<16xi32> to vector<16xi32>
        %swap3A_390 = vector.shape_cast %and3A_386 : vector<16xi32> to vector<16xi32>
        tpu.vector_store %arg9[%swap3A_387], %swap3A_390 {strides = array<i32>} : memref<128xi32, #tpu.memory_space<vmem>>, vector<16xi32>,
        %shift_right_logical3A_391 = arith.constant 16 : i32
        %shift_right_logical3A_392 = vector.broadcast %shift_right_logical3A_391 : i32 to vector<16xi32>
        %shift_right_logical3A_393 = arith.shrui %get3A_383, %shift_right_logical3A_392 : vector<16xi32>
        %swap3A_394 = arith.constant 32 : index
        %swap3A_395 = tpu.vector_load %arg10[%swap3A_394] {strides = array<i32>} : memref<128xi32, #tpu.memory_space<vmem>>, vector<16xi32>,
        %swap3A_396 = vector.shape_cast %swap3A_395 : vector<16xi32> to vector<16xi32>
        %swap3A_397 = vector.shape_cast %shift_right_logical3A_393 : vector<16xi32> to vector<16xi32>
        tpu.vector_store %arg10[%swap3A_394], %swap3A_397 {strides = array<i32>} : memref<128xi32, #tpu.memory_space<vmem>>, vector<16xi32>,
        %get3A_398 = arith.index_cast %add3A_343 : i32 to index
        %get3A_399 = arith.constant 48 : index
        %get3A_400 = tpu.vector_load %arg6[%get3A_398, %get3A_399] {strides = array<i32>} : memref<80x128xi32, #tpu.memory_space<vmem>>, vector<1x16xi32>,
        %get3A_401 = vector.shape_cast %get3A_400 : vector<1x16xi32> to vector<16xi32>
        %and3A_402 = arith.constant 65535 : i32
        %and3A_403 = vector.broadcast %and3A_402 : i32 to vector<16xi32>
        %and3A_404 = arith.andi %get3A_401, %and3A_403 : vector<16xi32>
        %swap3A_405 = arith.constant 48 : index
        %swap3A_406 = tpu.vector_load %arg9[%swap3A_405] {strides = array<i32>} : memref<128xi32, #tpu.memory_space<vmem>>, vector<16xi32>,
        %swap3A_407 = vector.shape_cast %swap3A_406 : vector<16xi32> to vector<16xi32>
        %swap3A_408 = vector.shape_cast %and3A_404 : vector<16xi32> to vector<16xi32>
        tpu.vector_store %arg9[%swap3A_405], %swap3A_408 {strides = array<i32>} : memref<128xi32, #tpu.memory_space<vmem>>, vector<16xi32>,
        %shift_right_logical3A_409 = arith.constant 16 : i32
        %shift_right_logical3A_410 = vector.broadcast %shift_right_logical3A_409 : i32 to vector<16xi32>
        %shift_right_logical3A_411 = arith.shrui %get3A_401, %shift_right_logical3A_410 : vector<16xi32>
        %swap3A_412 = arith.constant 48 : index
        %swap3A_413 = tpu.vector_load %arg10[%swap3A_412] {strides = array<i32>} : memref<128xi32, #tpu.memory_space<vmem>>, vector<16xi32>,
        %swap3A_414 = vector.shape_cast %swap3A_413 : vector<16xi32> to vector<16xi32>
        %swap3A_415 = vector.shape_cast %shift_right_logical3A_411 : vector<16xi32> to vector<16xi32>
        tpu.vector_store %arg10[%swap3A_412], %swap3A_415 {strides = array<i32>} : memref<128xi32, #tpu.memory_space<vmem>>, vector<16xi32>,
        %get3A_416 = arith.index_cast %add3A_343 : i32 to index
        %get3A_417 = arith.constant 64 : index
        %get3A_418 = tpu.vector_load %arg6[%get3A_416, %get3A_417] {strides = array<i32>} : memref<80x128xi32, #tpu.memory_space<vmem>>, vector<1x16xi32>,
        %get3A_419 = vector.shape_cast %get3A_418 : vector<1x16xi32> to vector<16xi32>
        %and3A_420 = arith.constant 65535 : i32
        %and3A_421 = vector.broadcast %and3A_420 : i32 to vector<16xi32>
        %and3A_422 = arith.andi %get3A_419, %and3A_421 : vector<16xi32>
        %swap3A_423 = arith.constant 64 : index
        %swap3A_424 = tpu.vector_load %arg9[%swap3A_423] {strides = array<i32>} : memref<128xi32, #tpu.memory_space<vmem>>, vector<16xi32>,
        %swap3A_425 = vector.shape_cast %swap3A_424 : vector<16xi32> to vector<16xi32>
        %swap3A_426 = vector.shape_cast %and3A_422 : vector<16xi32> to vector<16xi32>
        tpu.vector_store %arg9[%swap3A_423], %swap3A_426 {strides = array<i32>} : memref<128xi32, #tpu.memory_space<vmem>>, vector<16xi32>,
        %shift_right_logical3A_427 = arith.constant 16 : i32
        %shift_right_logical3A_428 = vector.broadcast %shift_right_logical3A_427 : i32 to vector<16xi32>
        %shift_right_logical3A_429 = arith.shrui %get3A_419, %shift_right_logical3A_428 : vector<16xi32>
        %swap3A_430 = arith.constant 64 : index
        %swap3A_431 = tpu.vector_load %arg10[%swap3A_430] {strides = array<i32>} : memref<128xi32, #tpu.memory_space<vmem>>, vector<16xi32>,
        %swap3A_432 = vector.shape_cast %swap3A_431 : vector<16xi32> to vector<16xi32>
        %swap3A_433 = vector.shape_cast %shift_right_logical3A_429 : vector<16xi32> to vector<16xi32>
        tpu.vector_store %arg10[%swap3A_430], %swap3A_433 {strides = array<i32>} : memref<128xi32, #tpu.memory_space<vmem>>, vector<16xi32>,
        %get3A_434 = arith.index_cast %add3A_343 : i32 to index
        %get3A_435 = arith.constant 80 : index
        %get3A_436 = tpu.vector_load %arg6[%get3A_434, %get3A_435] {strides = array<i32>} : memref<80x128xi32, #tpu.memory_space<vmem>>, vector<1x16xi32>,
        %get3A_437 = vector.shape_cast %get3A_436 : vector<1x16xi32> to vector<16xi32>
        %and3A_438 = arith.constant 65535 : i32
        %and3A_439 = vector.broadcast %and3A_438 : i32 to vector<16xi32>
        %and3A_440 = arith.andi %get3A_437, %and3A_439 : vector<16xi32>
        %swap3A_441 = arith.constant 80 : index
        %swap3A_442 = tpu.vector_load %arg9[%swap3A_441] {strides = array<i32>} : memref<128xi32, #tpu.memory_space<vmem>>, vector<16xi32>,
        %swap3A_443 = vector.shape_cast %swap3A_442 : vector<16xi32> to vector<16xi32>
        %swap3A_444 = vector.shape_cast %and3A_440 : vector<16xi32> to vector<16xi32>
        tpu.vector_store %arg9[%swap3A_441], %swap3A_444 {strides = array<i32>} : memref<128xi32, #tpu.memory_space<vmem>>, vector<16xi32>,
        %shift_right_logical3A_445 = arith.constant 16 : i32
        %shift_right_logical3A_446 = vector.broadcast %shift_right_logical3A_445 : i32 to vector<16xi32>
        %shift_right_logical3A_447 = arith.shrui %get3A_437, %shift_right_logical3A_446 : vector<16xi32>
        %swap3A_448 = arith.constant 80 : index
        %swap3A_449 = tpu.vector_load %arg10[%swap3A_448] {strides = array<i32>} : memref<128xi32, #tpu.memory_space<vmem>>, vector<16xi32>,
        %swap3A_450 = vector.shape_cast %swap3A_449 : vector<16xi32> to vector<16xi32>
        %swap3A_451 = vector.shape_cast %shift_right_logical3A_447 : vector<16xi32> to vector<16xi32>
        tpu.vector_store %arg10[%swap3A_448], %swap3A_451 {strides = array<i32>} : memref<128xi32, #tpu.memory_space<vmem>>, vector<16xi32>,
        %get3A_452 = arith.index_cast %add3A_343 : i32 to index
        %get3A_453 = arith.constant 96 : index
        %get3A_454 = tpu.vector_load %arg6[%get3A_452, %get3A_453] {strides = array<i32>} : memref<80x128xi32, #tpu.memory_space<vmem>>, vector<1x16xi32>,
        %get3A_455 = vector.shape_cast %get3A_454 : vector<1x16xi32> to vector<16xi32>
        %and3A_456 = arith.constant 65535 : i32
        %and3A_457 = vector.broadcast %and3A_456 : i32 to vector<16xi32>
        %and3A_458 = arith.andi %get3A_455, %and3A_457 : vector<16xi32>
        %swap3A_459 = arith.constant 96 : index
        %swap3A_460 = tpu.vector_load %arg9[%swap3A_459] {strides = array<i32>} : memref<128xi32, #tpu.memory_space<vmem>>, vector<16xi32>,
        %swap3A_461 = vector.shape_cast %swap3A_460 : vector<16xi32> to vector<16xi32>
        %swap3A_462 = vector.shape_cast %and3A_458 : vector<16xi32> to vector<16xi32>
        tpu.vector_store %arg9[%swap3A_459], %swap3A_462 {strides = array<i32>} : memref<128xi32, #tpu.memory_space<vmem>>, vector<16xi32>,
        %shift_right_logical3A_463 = arith.constant 16 : i32
        %shift_right_logical3A_464 = vector.broadcast %shift_right_logical3A_463 : i32 to vector<16xi32>
        %shift_right_logical3A_465 = arith.shrui %get3A_455, %shift_right_logical3A_464 : vector<16xi32>
        %swap3A_466 = arith.constant 96 : index
        %swap3A_467 = tpu.vector_load %arg10[%swap3A_466] {strides = array<i32>} : memref<128xi32, #tpu.memory_space<vmem>>, vector<16xi32>,
        %swap3A_468 = vector.shape_cast %swap3A_467 : vector<16xi32> to vector<16xi32>
        %swap3A_469 = vector.shape_cast %shift_right_logical3A_465 : vector<16xi32> to vector<16xi32>
        tpu.vector_store %arg10[%swap3A_466], %swap3A_469 {strides = array<i32>} : memref<128xi32, #tpu.memory_space<vmem>>, vector<16xi32>,
        %get3A_470 = arith.index_cast %add3A_343 : i32 to index
        %get3A_471 = arith.constant 112 : index
        %get3A_472 = tpu.vector_load %arg6[%get3A_470, %get3A_471] {strides = array<i32>} : memref<80x128xi32, #tpu.memory_space<vmem>>, vector<1x16xi32>,
        %get3A_473 = vector.shape_cast %get3A_472 : vector<1x16xi32> to vector<16xi32>
        %and3A_474 = arith.constant 65535 : i32
        %and3A_475 = vector.broadcast %and3A_474 : i32 to vector<16xi32>
        %and3A_476 = arith.andi %get3A_473, %and3A_475 : vector<16xi32>
        %swap3A_477 = arith.constant 112 : index
        %swap3A_478 = tpu.vector_load %arg9[%swap3A_477] {strides = array<i32>} : memref<128xi32, #tpu.memory_space<vmem>>, vector<16xi32>,
        %swap3A_479 = vector.shape_cast %swap3A_478 : vector<16xi32> to vector<16xi32>
        %swap3A_480 = vector.shape_cast %and3A_476 : vector<16xi32> to vector<16xi32>
        tpu.vector_store %arg9[%swap3A_477], %swap3A_480 {strides = array<i32>} : memref<128xi32, #tpu.memory_space<vmem>>, vector<16xi32>,
        %shift_right_logical3A_481 = arith.constant 16 : i32
        %shift_right_logical3A_482 = vector.broadcast %shift_right_logical3A_481 : i32 to vector<16xi32>
        %shift_right_logical3A_483 = arith.shrui %get3A_473, %shift_right_logical3A_482 : vector<16xi32>
        %swap3A_484 = arith.constant 112 : index
        %swap3A_485 = tpu.vector_load %arg10[%swap3A_484] {strides = array<i32>} : memref<128xi32, #tpu.memory_space<vmem>>, vector<16xi32>,
        %swap3A_486 = vector.shape_cast %swap3A_485 : vector<16xi32> to vector<16xi32>
        %swap3A_487 = vector.shape_cast %shift_right_logical3A_483 : vector<16xi32> to vector<16xi32>
        tpu.vector_store %arg10[%swap3A_484], %swap3A_487 {strides = array<i32>} : memref<128xi32, #tpu.memory_space<vmem>>, vector<16xi32>,
      } else {
      }
    }
    %scan3A_310 = arith.constant 40 : i32
    %barrier3A_311 = arith.constant 0 : index
    tpu.barrier barrier_id(%barrier3A_311)
    %mul3A_312 = arith.constant 640 : i32
    %mul3A_313 = arith.muli %arg1, %mul3A_312 : i32
    %mul3A_314 = arith.constant 640 : i32
    %mul3A_315 = arith.muli %arg1, %mul3A_314 : i32
    "tpu.region"() ({
      %run_scoped3A = tpu.sem_alloc : memref<!tpu.dma_semaphore, #tpu.memory_space<semaphore_mem>>
      %dma_start3A_316 = arith.constant 0 : i32
      %dma_start3A_317 = tpu.memref_slice %arg5[%arg0, %mul3A_315, %dma_start3A_316] : memref<2x10240x128xf32, #tpu.memory_space<hbm>> -> memref<1x640x128xf32, #tpu.memory_space<hbm>>
      %dma_start3A_318 = tpu.memref_squeeze %dma_start3A_317 : memref<1x640x128xf32, #tpu.memory_space<hbm>> -> memref<640x128xf32, #tpu.memory_space<hbm>>
      %dma_start3A_319 = arith.constant 0 : i32
      %dma_start3A_320 = tpu.memref_slice %arg13[%mul3A_313, %dma_start3A_319] : memref<10240x128xf32, #tpu.memory_space<vmem_shared>> -> memref<640x128xf32, #tpu.memory_space<vmem_shared>>
      tpu.enqueue_dma source(%dma_start3A_320 : memref<640x128xf32, #tpu.memory_space<vmem_shared>>) target(%dma_start3A_318 : memref<640x128xf32, #tpu.memory_space<hbm>>) target_semaphore(%run_scoped3A : memref<!tpu.dma_semaphore, #tpu.memory_space<semaphore_mem>>)
      %dma_wait3A = arith.constant 0 : i32
      %dma_wait3A_321 = tpu.memref_slice %arg5[%arg0, %mul3A_315, %dma_wait3A] : memref<2x10240x128xf32, #tpu.memory_space<hbm>> -> memref<1x640x128xf32, #tpu.memory_space<hbm>>
      %dma_wait3A_322 = tpu.memref_squeeze %dma_wait3A_321 : memref<1x640x128xf32, #tpu.memory_space<hbm>> -> memref<640x128xf32, #tpu.memory_space<hbm>>
      %dma_wait3A_323 = arith.constant 0 : i32
      %dma_wait3A_324 = tpu.memref_slice %arg13[%mul3A_313, %dma_wait3A_323] : memref<10240x128xf32, #tpu.memory_space<vmem_shared>> -> memref<640x128xf32, #tpu.memory_space<vmem_shared>>
      tpu.wait_dma2 semaphore(%run_scoped3A : memref<!tpu.dma_semaphore, #tpu.memory_space<semaphore_mem>>) src(%dma_wait3A_324 : memref<640x128xf32, #tpu.memory_space<vmem_shared>>) dst(%dma_wait3A_322 : memref<640x128xf32, #tpu.memory_space<hbm>>)
      tpu.yield
    }) : () -> ()
    return
  }
}

#map = affine_map<(d0, d1) -> (0, 0)>
#map1 = affine_map<(d0, d1) -> (0, 0, 0)>
module attributes {stable_mosaic.version = 14 : i64} {
  func.func @sc_scatter(%arg0: i32, %arg1: i32, %arg2: memref<10000x128xf32, #tpu.memory_space<hbm>>, %arg3: memref<2560x128xi32, #tpu.memory_space<hbm>>, %arg4: memref<640x128xf32, #tpu.memory_space<hbm>>, %arg5: memref<2x10240x128xf32, #tpu.memory_space<hbm>>, %arg6: memref<80x128xi32, #tpu.memory_space<vmem>>, %arg7: memref<128xi32, #tpu.memory_space<vmem>>, %arg8: memref<128xi32, #tpu.memory_space<vmem>>, %arg9: memref<128xi32, #tpu.memory_space<vmem>>, %arg10: memref<128xi32, #tpu.memory_space<vmem>>, %arg11: memref<128x128xf32, #tpu.memory_space<vmem>>, %arg12: memref<128x128xf32, #tpu.memory_space<vmem>>, %arg13: memref<10240x128xf32, #tpu.memory_space<vmem_shared>>, %arg14: memref<!tpu.dma_semaphore, #tpu.memory_space<semaphore_mem>>, %arg15: memref<!tpu.dma_semaphore, #tpu.memory_space<semaphore_mem>>) attributes {dimension_semantics = [#tpu.dimension_semantics<core_parallel>, #tpu.dimension_semantics<subcore_parallel>], iteration_bounds = array<i64: 2, 16>, scalar_prefetch = 0 : i64, scratch_operands = 10 : i64, tpu.core_type = #tpu.core_type<sc_vector_subcore>, window_params = [{transform_indices = #map}, {transform_indices = #map}, {transform_indices = #map}, {transform_indices = #map1}]} {
    %mul3A = arith.constant 16 : i32
    %mul3A_0 = arith.muli %arg0, %mul3A : i32
    %add3A = arith.addi %mul3A_0, %arg1 : i32
    %mul3A_1 = arith.constant 640 : i32
    %mul3A_2 = arith.muli %arg1, %mul3A_1 : i32
    "tpu.region"() ({
      %run_scoped3A = tpu.sem_alloc : memref<!tpu.dma_semaphore, #tpu.memory_space<semaphore_mem>>
      %dma_start3A_316 = arith.constant 0 : i32
      %dma_start3A_317 = tpu.memref_slice %arg13[%mul3A_2, %dma_start3A_316] : memref<10240x128xf32, #tpu.memory_space<vmem_shared>> -> memref<640x128xf32, #tpu.memory_space<vmem_shared>>
      tpu.enqueue_dma source(%arg4 : memref<640x128xf32, #tpu.memory_space<hbm>>) target(%dma_start3A_317 : memref<640x128xf32, #tpu.memory_space<vmem_shared>>) target_semaphore(%run_scoped3A : memref<!tpu.dma_semaphore, #tpu.memory_space<semaphore_mem>>)
      %dma_wait3A = arith.constant 0 : i32
      %dma_wait3A_318 = tpu.memref_slice %arg13[%mul3A_2, %dma_wait3A] : memref<10240x128xf32, #tpu.memory_space<vmem_shared>> -> memref<640x128xf32, #tpu.memory_space<vmem_shared>>
      tpu.wait_dma2 semaphore(%run_scoped3A : memref<!tpu.dma_semaphore, #tpu.memory_space<semaphore_mem>>) src(%arg4 : memref<640x128xf32, #tpu.memory_space<hbm>>) dst(%dma_wait3A_318 : memref<640x128xf32, #tpu.memory_space<vmem_shared>>)
      tpu.yield
    }) : () -> ()
    %mul3A_3 = arith.constant 80 : i32
    %mul3A_4 = arith.muli %add3A, %mul3A_3 : i32
    "tpu.region"() ({
      %run_scoped3A = tpu.sem_alloc : memref<!tpu.dma_semaphore, #tpu.memory_space<semaphore_mem>>
      %dma_start3A_316 = arith.constant 0 : i32
      %dma_start3A_317 = tpu.memref_slice %arg3[%mul3A_4, %dma_start3A_316] : memref<2560x128xi32, #tpu.memory_space<hbm>> -> memref<80x128xi32, #tpu.memory_space<hbm>>
      %dma_start3A_318 = arith.constant 0 : i32
      %dma_start3A_319 = tpu.memref_slice %arg3[%mul3A_4, %dma_start3A_318] : memref<2560x128xi32, #tpu.memory_space<hbm>> -> memref<80x128xi32, #tpu.memory_space<hbm>>
      tpu.enqueue_dma source(%dma_start3A_319 : memref<80x128xi32, #tpu.memory_space<hbm>>) target(%arg6 : memref<80x128xi32, #tpu.memory_space<vmem>>) target_semaphore(%run_scoped3A : memref<!tpu.dma_semaphore, #tpu.memory_space<semaphore_mem>>)
      %dma_wait3A = arith.constant 0 : i32
      %dma_wait3A_320 = tpu.memref_slice %arg3[%mul3A_4, %dma_wait3A] : memref<2560x128xi32, #tpu.memory_space<hbm>> -> memref<80x128xi32, #tpu.memory_space<hbm>>
      %dma_wait3A_321 = arith.constant 0 : i32
      %dma_wait3A_322 = tpu.memref_slice %arg3[%mul3A_4, %dma_wait3A_321] : memref<2560x128xi32, #tpu.memory_space<hbm>> -> memref<80x128xi32, #tpu.memory_space<hbm>>
      tpu.wait_dma2 semaphore(%run_scoped3A : memref<!tpu.dma_semaphore, #tpu.memory_space<semaphore_mem>>) src(%dma_wait3A_322 : memref<80x128xi32, #tpu.memory_space<hbm>>) dst(%arg6 : memref<80x128xi32, #tpu.memory_space<vmem>>)
      tpu.yield
    }) : () -> ()
    %barrier3A = arith.constant 0 : index
    tpu.barrier barrier_id(%barrier3A)
    %get3A = arith.constant 0 : i32
    %get3A_5 = arith.index_cast %get3A : i32 to index
    %get3A_6 = arith.constant 0 : index
    %get3A_7 = tpu.vector_load %arg6[%get3A_5, %get3A_6] {strides = array<i32>} : memref<80x128xi32, #tpu.memory_space<vmem>>, vector<1x16xi32>,
    %get3A_8 = vector.shape_cast %get3A_7 : vector<1x16xi32> to vector<16xi32>
    %and3A = arith.constant 65535 : i32
    %and3A_9 = vector.broadcast %and3A : i32 to vector<16xi32>
    %and3A_10 = arith.andi %get3A_8, %and3A_9 : vector<16xi32>
    %swap3A = arith.constant 0 : index
    %swap3A_11 = tpu.vector_load %arg7[%swap3A] {strides = array<i32>} : memref<128xi32, #tpu.memory_space<vmem>>, vector<16xi32>,
    %swap3A_12 = vector.shape_cast %swap3A_11 : vector<16xi32> to vector<16xi32>
    %swap3A_13 = vector.shape_cast %and3A_10 : vector<16xi32> to vector<16xi32>
    tpu.vector_store %arg7[%swap3A], %swap3A_13 {strides = array<i32>} : memref<128xi32, #tpu.memory_space<vmem>>, vector<16xi32>,
    %shift_right_logical3A = arith.constant 16 : i32
    %shift_right_logical3A_14 = vector.broadcast %shift_right_logical3A : i32 to vector<16xi32>
    %shift_right_logical3A_15 = arith.shrui %get3A_8, %shift_right_logical3A_14 : vector<16xi32>
    %swap3A_16 = arith.constant 0 : index
    %swap3A_17 = tpu.vector_load %arg8[%swap3A_16] {strides = array<i32>} : memref<128xi32, #tpu.memory_space<vmem>>, vector<16xi32>,
    %swap3A_18 = vector.shape_cast %swap3A_17 : vector<16xi32> to vector<16xi32>
    %swap3A_19 = vector.shape_cast %shift_right_logical3A_15 : vector<16xi32> to vector<16xi32>
    tpu.vector_store %arg8[%swap3A_16], %swap3A_19 {strides = array<i32>} : memref<128xi32, #tpu.memory_space<vmem>>, vector<16xi32>,
    %get3A_20 = arith.constant 0 : i32
    %get3A_21 = arith.index_cast %get3A_20 : i32 to index
    %get3A_22 = arith.constant 16 : index
    %get3A_23 = tpu.vector_load %arg6[%get3A_21, %get3A_22] {strides = array<i32>} : memref<80x128xi32, #tpu.memory_space<vmem>>, vector<1x16xi32>,
    %get3A_24 = vector.shape_cast %get3A_23 : vector<1x16xi32> to vector<16xi32>
    %and3A_25 = arith.constant 65535 : i32
    %and3A_26 = vector.broadcast %and3A_25 : i32 to vector<16xi32>
    %and3A_27 = arith.andi %get3A_24, %and3A_26 : vector<16xi32>
    %swap3A_28 = arith.constant 16 : index
    %swap3A_29 = tpu.vector_load %arg7[%swap3A_28] {strides = array<i32>} : memref<128xi32, #tpu.memory_space<vmem>>, vector<16xi32>,
    %swap3A_30 = vector.shape_cast %swap3A_29 : vector<16xi32> to vector<16xi32>
    %swap3A_31 = vector.shape_cast %and3A_27 : vector<16xi32> to vector<16xi32>
    tpu.vector_store %arg7[%swap3A_28], %swap3A_31 {strides = array<i32>} : memref<128xi32, #tpu.memory_space<vmem>>, vector<16xi32>,
    %shift_right_logical3A_32 = arith.constant 16 : i32
    %shift_right_logical3A_33 = vector.broadcast %shift_right_logical3A_32 : i32 to vector<16xi32>
    %shift_right_logical3A_34 = arith.shrui %get3A_24, %shift_right_logical3A_33 : vector<16xi32>
    %swap3A_35 = arith.constant 16 : index
    %swap3A_36 = tpu.vector_load %arg8[%swap3A_35] {strides = array<i32>} : memref<128xi32, #tpu.memory_space<vmem>>, vector<16xi32>,
    %swap3A_37 = vector.shape_cast %swap3A_36 : vector<16xi32> to vector<16xi32>
    %swap3A_38 = vector.shape_cast %shift_right_logical3A_34 : vector<16xi32> to vector<16xi32>
    tpu.vector_store %arg8[%swap3A_35], %swap3A_38 {strides = array<i32>} : memref<128xi32, #tpu.memory_space<vmem>>, vector<16xi32>,
    %get3A_39 = arith.constant 0 : i32
    %get3A_40 = arith.index_cast %get3A_39 : i32 to index
    %get3A_41 = arith.constant 32 : index
    %get3A_42 = tpu.vector_load %arg6[%get3A_40, %get3A_41] {strides = array<i32>} : memref<80x128xi32, #tpu.memory_space<vmem>>, vector<1x16xi32>,
    %get3A_43 = vector.shape_cast %get3A_42 : vector<1x16xi32> to vector<16xi32>
    %and3A_44 = arith.constant 65535 : i32
    %and3A_45 = vector.broadcast %and3A_44 : i32 to vector<16xi32>
    %and3A_46 = arith.andi %get3A_43, %and3A_45 : vector<16xi32>
    %swap3A_47 = arith.constant 32 : index
    %swap3A_48 = tpu.vector_load %arg7[%swap3A_47] {strides = array<i32>} : memref<128xi32, #tpu.memory_space<vmem>>, vector<16xi32>,
    %swap3A_49 = vector.shape_cast %swap3A_48 : vector<16xi32> to vector<16xi32>
    %swap3A_50 = vector.shape_cast %and3A_46 : vector<16xi32> to vector<16xi32>
    tpu.vector_store %arg7[%swap3A_47], %swap3A_50 {strides = array<i32>} : memref<128xi32, #tpu.memory_space<vmem>>, vector<16xi32>,
    %shift_right_logical3A_51 = arith.constant 16 : i32
    %shift_right_logical3A_52 = vector.broadcast %shift_right_logical3A_51 : i32 to vector<16xi32>
    %shift_right_logical3A_53 = arith.shrui %get3A_43, %shift_right_logical3A_52 : vector<16xi32>
    %swap3A_54 = arith.constant 32 : index
    %swap3A_55 = tpu.vector_load %arg8[%swap3A_54] {strides = array<i32>} : memref<128xi32, #tpu.memory_space<vmem>>, vector<16xi32>,
    %swap3A_56 = vector.shape_cast %swap3A_55 : vector<16xi32> to vector<16xi32>
    %swap3A_57 = vector.shape_cast %shift_right_logical3A_53 : vector<16xi32> to vector<16xi32>
    tpu.vector_store %arg8[%swap3A_54], %swap3A_57 {strides = array<i32>} : memref<128xi32, #tpu.memory_space<vmem>>, vector<16xi32>,
    %get3A_58 = arith.constant 0 : i32
    %get3A_59 = arith.index_cast %get3A_58 : i32 to index
    %get3A_60 = arith.constant 48 : index
    %get3A_61 = tpu.vector_load %arg6[%get3A_59, %get3A_60] {strides = array<i32>} : memref<80x128xi32, #tpu.memory_space<vmem>>, vector<1x16xi32>,
    %get3A_62 = vector.shape_cast %get3A_61 : vector<1x16xi32> to vector<16xi32>
    %and3A_63 = arith.constant 65535 : i32
    %and3A_64 = vector.broadcast %and3A_63 : i32 to vector<16xi32>
    %and3A_65 = arith.andi %get3A_62, %and3A_64 : vector<16xi32>
    %swap3A_66 = arith.constant 48 : index
    %swap3A_67 = tpu.vector_load %arg7[%swap3A_66] {strides = array<i32>} : memref<128xi32, #tpu.memory_space<vmem>>, vector<16xi32>,
    %swap3A_68 = vector.shape_cast %swap3A_67 : vector<16xi32> to vector<16xi32>
    %swap3A_69 = vector.shape_cast %and3A_65 : vector<16xi32> to vector<16xi32>
    tpu.vector_store %arg7[%swap3A_66], %swap3A_69 {strides = array<i32>} : memref<128xi32, #tpu.memory_space<vmem>>, vector<16xi32>,
    %shift_right_logical3A_70 = arith.constant 16 : i32
    %shift_right_logical3A_71 = vector.broadcast %shift_right_logical3A_70 : i32 to vector<16xi32>
    %shift_right_logical3A_72 = arith.shrui %get3A_62, %shift_right_logical3A_71 : vector<16xi32>
    %swap3A_73 = arith.constant 48 : index
    %swap3A_74 = tpu.vector_load %arg8[%swap3A_73] {strides = array<i32>} : memref<128xi32, #tpu.memory_space<vmem>>, vector<16xi32>,
    %swap3A_75 = vector.shape_cast %swap3A_74 : vector<16xi32> to vector<16xi32>
    %swap3A_76 = vector.shape_cast %shift_right_logical3A_72 : vector<16xi32> to vector<16xi32>
    tpu.vector_store %arg8[%swap3A_73], %swap3A_76 {strides = array<i32>} : memref<128xi32, #tpu.memory_space<vmem>>, vector<16xi32>,
    %get3A_77 = arith.constant 0 : i32
    %get3A_78 = arith.index_cast %get3A_77 : i32 to index
    %get3A_79 = arith.constant 64 : index
    %get3A_80 = tpu.vector_load %arg6[%get3A_78, %get3A_79] {strides = array<i32>} : memref<80x128xi32, #tpu.memory_space<vmem>>, vector<1x16xi32>,
    %get3A_81 = vector.shape_cast %get3A_80 : vector<1x16xi32> to vector<16xi32>
    %and3A_82 = arith.constant 65535 : i32
    %and3A_83 = vector.broadcast %and3A_82 : i32 to vector<16xi32>
    %and3A_84 = arith.andi %get3A_81, %and3A_83 : vector<16xi32>
    %swap3A_85 = arith.constant 64 : index
    %swap3A_86 = tpu.vector_load %arg7[%swap3A_85] {strides = array<i32>} : memref<128xi32, #tpu.memory_space<vmem>>, vector<16xi32>,
    %swap3A_87 = vector.shape_cast %swap3A_86 : vector<16xi32> to vector<16xi32>
    %swap3A_88 = vector.shape_cast %and3A_84 : vector<16xi32> to vector<16xi32>
    tpu.vector_store %arg7[%swap3A_85], %swap3A_88 {strides = array<i32>} : memref<128xi32, #tpu.memory_space<vmem>>, vector<16xi32>,
    %shift_right_logical3A_89 = arith.constant 16 : i32
    %shift_right_logical3A_90 = vector.broadcast %shift_right_logical3A_89 : i32 to vector<16xi32>
    %shift_right_logical3A_91 = arith.shrui %get3A_81, %shift_right_logical3A_90 : vector<16xi32>
    %swap3A_92 = arith.constant 64 : index
    %swap3A_93 = tpu.vector_load %arg8[%swap3A_92] {strides = array<i32>} : memref<128xi32, #tpu.memory_space<vmem>>, vector<16xi32>,
    %swap3A_94 = vector.shape_cast %swap3A_93 : vector<16xi32> to vector<16xi32>
    %swap3A_95 = vector.shape_cast %shift_right_logical3A_91 : vector<16xi32> to vector<16xi32>
    tpu.vector_store %arg8[%swap3A_92], %swap3A_95 {strides = array<i32>} : memref<128xi32, #tpu.memory_space<vmem>>, vector<16xi32>,
    %get3A_96 = arith.constant 0 : i32
    %get3A_97 = arith.index_cast %get3A_96 : i32 to index
    %get3A_98 = arith.constant 80 : index
    %get3A_99 = tpu.vector_load %arg6[%get3A_97, %get3A_98] {strides = array<i32>} : memref<80x128xi32, #tpu.memory_space<vmem>>, vector<1x16xi32>,
    %get3A_100 = vector.shape_cast %get3A_99 : vector<1x16xi32> to vector<16xi32>
    %and3A_101 = arith.constant 65535 : i32
    %and3A_102 = vector.broadcast %and3A_101 : i32 to vector<16xi32>
    %and3A_103 = arith.andi %get3A_100, %and3A_102 : vector<16xi32>
    %swap3A_104 = arith.constant 80 : index
    %swap3A_105 = tpu.vector_load %arg7[%swap3A_104] {strides = array<i32>} : memref<128xi32, #tpu.memory_space<vmem>>, vector<16xi32>,
    %swap3A_106 = vector.shape_cast %swap3A_105 : vector<16xi32> to vector<16xi32>
    %swap3A_107 = vector.shape_cast %and3A_103 : vector<16xi32> to vector<16xi32>
    tpu.vector_store %arg7[%swap3A_104], %swap3A_107 {strides = array<i32>} : memref<128xi32, #tpu.memory_space<vmem>>, vector<16xi32>,
    %shift_right_logical3A_108 = arith.constant 16 : i32
    %shift_right_logical3A_109 = vector.broadcast %shift_right_logical3A_108 : i32 to vector<16xi32>
    %shift_right_logical3A_110 = arith.shrui %get3A_100, %shift_right_logical3A_109 : vector<16xi32>
    %swap3A_111 = arith.constant 80 : index
    %swap3A_112 = tpu.vector_load %arg8[%swap3A_111] {strides = array<i32>} : memref<128xi32, #tpu.memory_space<vmem>>, vector<16xi32>,
    %swap3A_113 = vector.shape_cast %swap3A_112 : vector<16xi32> to vector<16xi32>
    %swap3A_114 = vector.shape_cast %shift_right_logical3A_110 : vector<16xi32> to vector<16xi32>
    tpu.vector_store %arg8[%swap3A_111], %swap3A_114 {strides = array<i32>} : memref<128xi32, #tpu.memory_space<vmem>>, vector<16xi32>,
    %get3A_115 = arith.constant 0 : i32
    %get3A_116 = arith.index_cast %get3A_115 : i32 to index
    %get3A_117 = arith.constant 96 : index
    %get3A_118 = tpu.vector_load %arg6[%get3A_116, %get3A_117] {strides = array<i32>} : memref<80x128xi32, #tpu.memory_space<vmem>>, vector<1x16xi32>,
    %get3A_119 = vector.shape_cast %get3A_118 : vector<1x16xi32> to vector<16xi32>
    %and3A_120 = arith.constant 65535 : i32
    %and3A_121 = vector.broadcast %and3A_120 : i32 to vector<16xi32>
    %and3A_122 = arith.andi %get3A_119, %and3A_121 : vector<16xi32>
    %swap3A_123 = arith.constant 96 : index
    %swap3A_124 = tpu.vector_load %arg7[%swap3A_123] {strides = array<i32>} : memref<128xi32, #tpu.memory_space<vmem>>, vector<16xi32>,
    %swap3A_125 = vector.shape_cast %swap3A_124 : vector<16xi32> to vector<16xi32>
    %swap3A_126 = vector.shape_cast %and3A_122 : vector<16xi32> to vector<16xi32>
    tpu.vector_store %arg7[%swap3A_123], %swap3A_126 {strides = array<i32>} : memref<128xi32, #tpu.memory_space<vmem>>, vector<16xi32>,
    %shift_right_logical3A_127 = arith.constant 16 : i32
    %shift_right_logical3A_128 = vector.broadcast %shift_right_logical3A_127 : i32 to vector<16xi32>
    %shift_right_logical3A_129 = arith.shrui %get3A_119, %shift_right_logical3A_128 : vector<16xi32>
    %swap3A_130 = arith.constant 96 : index
    %swap3A_131 = tpu.vector_load %arg8[%swap3A_130] {strides = array<i32>} : memref<128xi32, #tpu.memory_space<vmem>>, vector<16xi32>,
    %swap3A_132 = vector.shape_cast %swap3A_131 : vector<16xi32> to vector<16xi32>
    %swap3A_133 = vector.shape_cast %shift_right_logical3A_129 : vector<16xi32> to vector<16xi32>
    tpu.vector_store %arg8[%swap3A_130], %swap3A_133 {strides = array<i32>} : memref<128xi32, #tpu.memory_space<vmem>>, vector<16xi32>,
    %get3A_134 = arith.constant 0 : i32
    %get3A_135 = arith.index_cast %get3A_134 : i32 to index
    %get3A_136 = arith.constant 112 : index
    %get3A_137 = tpu.vector_load %arg6[%get3A_135, %get3A_136] {strides = array<i32>} : memref<80x128xi32, #tpu.memory_space<vmem>>, vector<1x16xi32>,
    %get3A_138 = vector.shape_cast %get3A_137 : vector<1x16xi32> to vector<16xi32>
    %and3A_139 = arith.constant 65535 : i32
    %and3A_140 = vector.broadcast %and3A_139 : i32 to vector<16xi32>
    %and3A_141 = arith.andi %get3A_138, %and3A_140 : vector<16xi32>
    %swap3A_142 = arith.constant 112 : index
    %swap3A_143 = tpu.vector_load %arg7[%swap3A_142] {strides = array<i32>} : memref<128xi32, #tpu.memory_space<vmem>>, vector<16xi32>,
    %swap3A_144 = vector.shape_cast %swap3A_143 : vector<16xi32> to vector<16xi32>
    %swap3A_145 = vector.shape_cast %and3A_141 : vector<16xi32> to vector<16xi32>
    tpu.vector_store %arg7[%swap3A_142], %swap3A_145 {strides = array<i32>} : memref<128xi32, #tpu.memory_space<vmem>>, vector<16xi32>,
    %shift_right_logical3A_146 = arith.constant 16 : i32
    %shift_right_logical3A_147 = vector.broadcast %shift_right_logical3A_146 : i32 to vector<16xi32>
    %shift_right_logical3A_148 = arith.shrui %get3A_138, %shift_right_logical3A_147 : vector<16xi32>
    %swap3A_149 = arith.constant 112 : index
    %swap3A_150 = tpu.vector_load %arg8[%swap3A_149] {strides = array<i32>} : memref<128xi32, #tpu.memory_space<vmem>>, vector<16xi32>,
    %swap3A_151 = vector.shape_cast %swap3A_150 : vector<16xi32> to vector<16xi32>
    %swap3A_152 = vector.shape_cast %shift_right_logical3A_148 : vector<16xi32> to vector<16xi32>
    tpu.vector_store %arg8[%swap3A_149], %swap3A_152 {strides = array<i32>} : memref<128xi32, #tpu.memory_space<vmem>>, vector<16xi32>,
    %get3A_153 = arith.constant 1 : i32
    %get3A_154 = arith.index_cast %get3A_153 : i32 to index
    %get3A_155 = arith.constant 0 : index
    %get3A_156 = tpu.vector_load %arg6[%get3A_154, %get3A_155] {strides = array<i32>} : memref<80x128xi32, #tpu.memory_space<vmem>>, vector<1x16xi32>,
    %get3A_157 = vector.shape_cast %get3A_156 : vector<1x16xi32> to vector<16xi32>
    %and3A_158 = arith.constant 65535 : i32
    %and3A_159 = vector.broadcast %and3A_158 : i32 to vector<16xi32>
    %and3A_160 = arith.andi %get3A_157, %and3A_159 : vector<16xi32>
    %swap3A_161 = arith.constant 0 : index
    %swap3A_162 = tpu.vector_load %arg9[%swap3A_161] {strides = array<i32>} : memref<128xi32, #tpu.memory_space<vmem>>, vector<16xi32>,
    %swap3A_163 = vector.shape_cast %swap3A_162 : vector<16xi32> to vector<16xi32>
    %swap3A_164 = vector.shape_cast %and3A_160 : vector<16xi32> to vector<16xi32>
    tpu.vector_store %arg9[%swap3A_161], %swap3A_164 {strides = array<i32>} : memref<128xi32, #tpu.memory_space<vmem>>, vector<16xi32>,
    %shift_right_logical3A_165 = arith.constant 16 : i32
    %shift_right_logical3A_166 = vector.broadcast %shift_right_logical3A_165 : i32 to vector<16xi32>
    %shift_right_logical3A_167 = arith.shrui %get3A_157, %shift_right_logical3A_166 : vector<16xi32>
    %swap3A_168 = arith.constant 0 : index
    %swap3A_169 = tpu.vector_load %arg10[%swap3A_168] {strides = array<i32>} : memref<128xi32, #tpu.memory_space<vmem>>, vector<16xi32>,
    %swap3A_170 = vector.shape_cast %swap3A_169 : vector<16xi32> to vector<16xi32>
    %swap3A_171 = vector.shape_cast %shift_right_logical3A_167 : vector<16xi32> to vector<16xi32>
    tpu.vector_store %arg10[%swap3A_168], %swap3A_171 {strides = array<i32>} : memref<128xi32, #tpu.memory_space<vmem>>, vector<16xi32>,
    %get3A_172 = arith.constant 1 : i32
    %get3A_173 = arith.index_cast %get3A_172 : i32 to index
    %get3A_174 = arith.constant 16 : index
    %get3A_175 = tpu.vector_load %arg6[%get3A_173, %get3A_174] {strides = array<i32>} : memref<80x128xi32, #tpu.memory_space<vmem>>, vector<1x16xi32>,
    %get3A_176 = vector.shape_cast %get3A_175 : vector<1x16xi32> to vector<16xi32>
    %and3A_177 = arith.constant 65535 : i32
    %and3A_178 = vector.broadcast %and3A_177 : i32 to vector<16xi32>
    %and3A_179 = arith.andi %get3A_176, %and3A_178 : vector<16xi32>
    %swap3A_180 = arith.constant 16 : index
    %swap3A_181 = tpu.vector_load %arg9[%swap3A_180] {strides = array<i32>} : memref<128xi32, #tpu.memory_space<vmem>>, vector<16xi32>,
    %swap3A_182 = vector.shape_cast %swap3A_181 : vector<16xi32> to vector<16xi32>
    %swap3A_183 = vector.shape_cast %and3A_179 : vector<16xi32> to vector<16xi32>
    tpu.vector_store %arg9[%swap3A_180], %swap3A_183 {strides = array<i32>} : memref<128xi32, #tpu.memory_space<vmem>>, vector<16xi32>,
    %shift_right_logical3A_184 = arith.constant 16 : i32
    %shift_right_logical3A_185 = vector.broadcast %shift_right_logical3A_184 : i32 to vector<16xi32>
    %shift_right_logical3A_186 = arith.shrui %get3A_176, %shift_right_logical3A_185 : vector<16xi32>
    %swap3A_187 = arith.constant 16 : index
    %swap3A_188 = tpu.vector_load %arg10[%swap3A_187] {strides = array<i32>} : memref<128xi32, #tpu.memory_space<vmem>>, vector<16xi32>,
    %swap3A_189 = vector.shape_cast %swap3A_188 : vector<16xi32> to vector<16xi32>
    %swap3A_190 = vector.shape_cast %shift_right_logical3A_186 : vector<16xi32> to vector<16xi32>
    tpu.vector_store %arg10[%swap3A_187], %swap3A_190 {strides = array<i32>} : memref<128xi32, #tpu.memory_space<vmem>>, vector<16xi32>,
    %get3A_191 = arith.constant 1 : i32
    %get3A_192 = arith.index_cast %get3A_191 : i32 to index
    %get3A_193 = arith.constant 32 : index
    %get3A_194 = tpu.vector_load %arg6[%get3A_192, %get3A_193] {strides = array<i32>} : memref<80x128xi32, #tpu.memory_space<vmem>>, vector<1x16xi32>,
    %get3A_195 = vector.shape_cast %get3A_194 : vector<1x16xi32> to vector<16xi32>
    %and3A_196 = arith.constant 65535 : i32
    %and3A_197 = vector.broadcast %and3A_196 : i32 to vector<16xi32>
    %and3A_198 = arith.andi %get3A_195, %and3A_197 : vector<16xi32>
    %swap3A_199 = arith.constant 32 : index
    %swap3A_200 = tpu.vector_load %arg9[%swap3A_199] {strides = array<i32>} : memref<128xi32, #tpu.memory_space<vmem>>, vector<16xi32>,
    %swap3A_201 = vector.shape_cast %swap3A_200 : vector<16xi32> to vector<16xi32>
    %swap3A_202 = vector.shape_cast %and3A_198 : vector<16xi32> to vector<16xi32>
    tpu.vector_store %arg9[%swap3A_199], %swap3A_202 {strides = array<i32>} : memref<128xi32, #tpu.memory_space<vmem>>, vector<16xi32>,
    %shift_right_logical3A_203 = arith.constant 16 : i32
    %shift_right_logical3A_204 = vector.broadcast %shift_right_logical3A_203 : i32 to vector<16xi32>
    %shift_right_logical3A_205 = arith.shrui %get3A_195, %shift_right_logical3A_204 : vector<16xi32>
    %swap3A_206 = arith.constant 32 : index
    %swap3A_207 = tpu.vector_load %arg10[%swap3A_206] {strides = array<i32>} : memref<128xi32, #tpu.memory_space<vmem>>, vector<16xi32>,
    %swap3A_208 = vector.shape_cast %swap3A_207 : vector<16xi32> to vector<16xi32>
    %swap3A_209 = vector.shape_cast %shift_right_logical3A_205 : vector<16xi32> to vector<16xi32>
    tpu.vector_store %arg10[%swap3A_206], %swap3A_209 {strides = array<i32>} : memref<128xi32, #tpu.memory_space<vmem>>, vector<16xi32>,
    %get3A_210 = arith.constant 1 : i32
    %get3A_211 = arith.index_cast %get3A_210 : i32 to index
    %get3A_212 = arith.constant 48 : index
    %get3A_213 = tpu.vector_load %arg6[%get3A_211, %get3A_212] {strides = array<i32>} : memref<80x128xi32, #tpu.memory_space<vmem>>, vector<1x16xi32>,
    %get3A_214 = vector.shape_cast %get3A_213 : vector<1x16xi32> to vector<16xi32>
    %and3A_215 = arith.constant 65535 : i32
    %and3A_216 = vector.broadcast %and3A_215 : i32 to vector<16xi32>
    %and3A_217 = arith.andi %get3A_214, %and3A_216 : vector<16xi32>
    %swap3A_218 = arith.constant 48 : index
    %swap3A_219 = tpu.vector_load %arg9[%swap3A_218] {strides = array<i32>} : memref<128xi32, #tpu.memory_space<vmem>>, vector<16xi32>,
    %swap3A_220 = vector.shape_cast %swap3A_219 : vector<16xi32> to vector<16xi32>
    %swap3A_221 = vector.shape_cast %and3A_217 : vector<16xi32> to vector<16xi32>
    tpu.vector_store %arg9[%swap3A_218], %swap3A_221 {strides = array<i32>} : memref<128xi32, #tpu.memory_space<vmem>>, vector<16xi32>,
    %shift_right_logical3A_222 = arith.constant 16 : i32
    %shift_right_logical3A_223 = vector.broadcast %shift_right_logical3A_222 : i32 to vector<16xi32>
    %shift_right_logical3A_224 = arith.shrui %get3A_214, %shift_right_logical3A_223 : vector<16xi32>
    %swap3A_225 = arith.constant 48 : index
    %swap3A_226 = tpu.vector_load %arg10[%swap3A_225] {strides = array<i32>} : memref<128xi32, #tpu.memory_space<vmem>>, vector<16xi32>,
    %swap3A_227 = vector.shape_cast %swap3A_226 : vector<16xi32> to vector<16xi32>
    %swap3A_228 = vector.shape_cast %shift_right_logical3A_224 : vector<16xi32> to vector<16xi32>
    tpu.vector_store %arg10[%swap3A_225], %swap3A_228 {strides = array<i32>} : memref<128xi32, #tpu.memory_space<vmem>>, vector<16xi32>,
    %get3A_229 = arith.constant 1 : i32
    %get3A_230 = arith.index_cast %get3A_229 : i32 to index
    %get3A_231 = arith.constant 64 : index
    %get3A_232 = tpu.vector_load %arg6[%get3A_230, %get3A_231] {strides = array<i32>} : memref<80x128xi32, #tpu.memory_space<vmem>>, vector<1x16xi32>,
    %get3A_233 = vector.shape_cast %get3A_232 : vector<1x16xi32> to vector<16xi32>
    %and3A_234 = arith.constant 65535 : i32
    %and3A_235 = vector.broadcast %and3A_234 : i32 to vector<16xi32>
    %and3A_236 = arith.andi %get3A_233, %and3A_235 : vector<16xi32>
    %swap3A_237 = arith.constant 64 : index
    %swap3A_238 = tpu.vector_load %arg9[%swap3A_237] {strides = array<i32>} : memref<128xi32, #tpu.memory_space<vmem>>, vector<16xi32>,
    %swap3A_239 = vector.shape_cast %swap3A_238 : vector<16xi32> to vector<16xi32>
    %swap3A_240 = vector.shape_cast %and3A_236 : vector<16xi32> to vector<16xi32>
    tpu.vector_store %arg9[%swap3A_237], %swap3A_240 {strides = array<i32>} : memref<128xi32, #tpu.memory_space<vmem>>, vector<16xi32>,
    %shift_right_logical3A_241 = arith.constant 16 : i32
    %shift_right_logical3A_242 = vector.broadcast %shift_right_logical3A_241 : i32 to vector<16xi32>
    %shift_right_logical3A_243 = arith.shrui %get3A_233, %shift_right_logical3A_242 : vector<16xi32>
    %swap3A_244 = arith.constant 64 : index
    %swap3A_245 = tpu.vector_load %arg10[%swap3A_244] {strides = array<i32>} : memref<128xi32, #tpu.memory_space<vmem>>, vector<16xi32>,
    %swap3A_246 = vector.shape_cast %swap3A_245 : vector<16xi32> to vector<16xi32>
    %swap3A_247 = vector.shape_cast %shift_right_logical3A_243 : vector<16xi32> to vector<16xi32>
    tpu.vector_store %arg10[%swap3A_244], %swap3A_247 {strides = array<i32>} : memref<128xi32, #tpu.memory_space<vmem>>, vector<16xi32>,
    %get3A_248 = arith.constant 1 : i32
    %get3A_249 = arith.index_cast %get3A_248 : i32 to index
    %get3A_250 = arith.constant 80 : index
    %get3A_251 = tpu.vector_load %arg6[%get3A_249, %get3A_250] {strides = array<i32>} : memref<80x128xi32, #tpu.memory_space<vmem>>, vector<1x16xi32>,
    %get3A_252 = vector.shape_cast %get3A_251 : vector<1x16xi32> to vector<16xi32>
    %and3A_253 = arith.constant 65535 : i32
    %and3A_254 = vector.broadcast %and3A_253 : i32 to vector<16xi32>
    %and3A_255 = arith.andi %get3A_252, %and3A_254 : vector<16xi32>
    %swap3A_256 = arith.constant 80 : index
    %swap3A_257 = tpu.vector_load %arg9[%swap3A_256] {strides = array<i32>} : memref<128xi32, #tpu.memory_space<vmem>>, vector<16xi32>,
    %swap3A_258 = vector.shape_cast %swap3A_257 : vector<16xi32> to vector<16xi32>
    %swap3A_259 = vector.shape_cast %and3A_255 : vector<16xi32> to vector<16xi32>
    tpu.vector_store %arg9[%swap3A_256], %swap3A_259 {strides = array<i32>} : memref<128xi32, #tpu.memory_space<vmem>>, vector<16xi32>,
    %shift_right_logical3A_260 = arith.constant 16 : i32
    %shift_right_logical3A_261 = vector.broadcast %shift_right_logical3A_260 : i32 to vector<16xi32>
    %shift_right_logical3A_262 = arith.shrui %get3A_252, %shift_right_logical3A_261 : vector<16xi32>
    %swap3A_263 = arith.constant 80 : index
    %swap3A_264 = tpu.vector_load %arg10[%swap3A_263] {strides = array<i32>} : memref<128xi32, #tpu.memory_space<vmem>>, vector<16xi32>,
    %swap3A_265 = vector.shape_cast %swap3A_264 : vector<16xi32> to vector<16xi32>
    %swap3A_266 = vector.shape_cast %shift_right_logical3A_262 : vector<16xi32> to vector<16xi32>
    tpu.vector_store %arg10[%swap3A_263], %swap3A_266 {strides = array<i32>} : memref<128xi32, #tpu.memory_space<vmem>>, vector<16xi32>,
    %get3A_267 = arith.constant 1 : i32
    %get3A_268 = arith.index_cast %get3A_267 : i32 to index
    %get3A_269 = arith.constant 96 : index
    %get3A_270 = tpu.vector_load %arg6[%get3A_268, %get3A_269] {strides = array<i32>} : memref<80x128xi32, #tpu.memory_space<vmem>>, vector<1x16xi32>,
    %get3A_271 = vector.shape_cast %get3A_270 : vector<1x16xi32> to vector<16xi32>
    %and3A_272 = arith.constant 65535 : i32
    %and3A_273 = vector.broadcast %and3A_272 : i32 to vector<16xi32>
    %and3A_274 = arith.andi %get3A_271, %and3A_273 : vector<16xi32>
    %swap3A_275 = arith.constant 96 : index
    %swap3A_276 = tpu.vector_load %arg9[%swap3A_275] {strides = array<i32>} : memref<128xi32, #tpu.memory_space<vmem>>, vector<16xi32>,
    %swap3A_277 = vector.shape_cast %swap3A_276 : vector<16xi32> to vector<16xi32>
    %swap3A_278 = vector.shape_cast %and3A_274 : vector<16xi32> to vector<16xi32>
    tpu.vector_store %arg9[%swap3A_275], %swap3A_278 {strides = array<i32>} : memref<128xi32, #tpu.memory_space<vmem>>, vector<16xi32>,
    %shift_right_logical3A_279 = arith.constant 16 : i32
    %shift_right_logical3A_280 = vector.broadcast %shift_right_logical3A_279 : i32 to vector<16xi32>
    %shift_right_logical3A_281 = arith.shrui %get3A_271, %shift_right_logical3A_280 : vector<16xi32>
    %swap3A_282 = arith.constant 96 : index
    %swap3A_283 = tpu.vector_load %arg10[%swap3A_282] {strides = array<i32>} : memref<128xi32, #tpu.memory_space<vmem>>, vector<16xi32>,
    %swap3A_284 = vector.shape_cast %swap3A_283 : vector<16xi32> to vector<16xi32>
    %swap3A_285 = vector.shape_cast %shift_right_logical3A_281 : vector<16xi32> to vector<16xi32>
    tpu.vector_store %arg10[%swap3A_282], %swap3A_285 {strides = array<i32>} : memref<128xi32, #tpu.memory_space<vmem>>, vector<16xi32>,
    %get3A_286 = arith.constant 1 : i32
    %get3A_287 = arith.index_cast %get3A_286 : i32 to index
    %get3A_288 = arith.constant 112 : index
    %get3A_289 = tpu.vector_load %arg6[%get3A_287, %get3A_288] {strides = array<i32>} : memref<80x128xi32, #tpu.memory_space<vmem>>, vector<1x16xi32>,
    %get3A_290 = vector.shape_cast %get3A_289 : vector<1x16xi32> to vector<16xi32>
    %and3A_291 = arith.constant 65535 : i32
    %and3A_292 = vector.broadcast %and3A_291 : i32 to vector<16xi32>
    %and3A_293 = arith.andi %get3A_290, %and3A_292 : vector<16xi32>
    %swap3A_294 = arith.constant 112 : index
    %swap3A_295 = tpu.vector_load %arg9[%swap3A_294] {strides = array<i32>} : memref<128xi32, #tpu.memory_space<vmem>>, vector<16xi32>,
    %swap3A_296 = vector.shape_cast %swap3A_295 : vector<16xi32> to vector<16xi32>
    %swap3A_297 = vector.shape_cast %and3A_293 : vector<16xi32> to vector<16xi32>
    tpu.vector_store %arg9[%swap3A_294], %swap3A_297 {strides = array<i32>} : memref<128xi32, #tpu.memory_space<vmem>>, vector<16xi32>,
    %shift_right_logical3A_298 = arith.constant 16 : i32
    %shift_right_logical3A_299 = vector.broadcast %shift_right_logical3A_298 : i32 to vector<16xi32>
    %shift_right_logical3A_300 = arith.shrui %get3A_290, %shift_right_logical3A_299 : vector<16xi32>
    %swap3A_301 = arith.constant 112 : index
    %swap3A_302 = tpu.vector_load %arg10[%swap3A_301] {strides = array<i32>} : memref<128xi32, #tpu.memory_space<vmem>>, vector<16xi32>,
    %swap3A_303 = vector.shape_cast %swap3A_302 : vector<16xi32> to vector<16xi32>
    %swap3A_304 = vector.shape_cast %shift_right_logical3A_300 : vector<16xi32> to vector<16xi32>
    tpu.vector_store %arg10[%swap3A_301], %swap3A_304 {strides = array<i32>} : memref<128xi32, #tpu.memory_space<vmem>>, vector<16xi32>,
    %dma_start3A = arith.constant 0 : i32
    %dma_start3A_305 = arith.constant 0 : i32
    %dma_start3A_306 = tpu.memref_slice %arg2[%dma_start3A, %dma_start3A_305] : memref<10000x128xf32, #tpu.memory_space<hbm>> -> memref<10000x128xf32, #tpu.memory_space<hbm>>
    tpu.enqueue_indirect_dma source(%dma_start3A_306 : memref<10000x128xf32, #tpu.memory_space<hbm>>) target(%arg11 : memref<128x128xf32, #tpu.memory_space<vmem>>) offsets(%arg7 : memref<128xi32, #tpu.memory_space<vmem>>) semaphore(%arg14 : memref<!tpu.dma_semaphore, #tpu.memory_space<semaphore_mem>>)
    %scan3A = arith.constant 0 : i32
    %scan3A_307 = arith.constant 40 : i32
    %scan3A_308 = arith.addi %scan3A, %scan3A_307 : i32
    %scan3A_309 = arith.constant 1 : i32
    scf.for %scan3A_316 = %scan3A to %scan3A_308 step %scan3A_309  : i32 {
      %mul3A_317 = arith.constant 1 : i32
      %mul3A_318 = arith.muli %scan3A_316, %mul3A_317 : i32
      %add3A_319 = arith.constant 0 : i32
      %add3A_320 = arith.addi %add3A_319, %mul3A_318 : i32
      %mul3A_321 = arith.constant 2 : i32
      %mul3A_322 = arith.muli %mul3A_321, %add3A_320 : i32
      %dma_start3A_323 = arith.constant 0 : i32
      %dma_start3A_324 = arith.constant 0 : i32
      %dma_start3A_325 = tpu.memref_slice %arg2[%dma_start3A_323, %dma_start3A_324] : memref<10000x128xf32, #tpu.memory_space<hbm>> -> memref<10000x128xf32, #tpu.memory_space<hbm>>
      tpu.enqueue_indirect_dma source(%dma_start3A_325 : memref<10000x128xf32, #tpu.memory_space<hbm>>) target(%arg12 : memref<128x128xf32, #tpu.memory_space<vmem>>) offsets(%arg9 : memref<128xi32, #tpu.memory_space<vmem>>) semaphore(%arg15 : memref<!tpu.dma_semaphore, #tpu.memory_space<semaphore_mem>>)
      %dma_wait3A = arith.constant 0 : i32
      %dma_wait3A_326 = arith.constant 0 : i32
      %dma_wait3A_327 = tpu.memref_slice %arg2[%dma_wait3A, %dma_wait3A_326] : memref<10000x128xf32, #tpu.memory_space<hbm>> -> memref<10000x128xf32, #tpu.memory_space<hbm>>
      tpu.wait_indirect_dma semaphore(%arg14 : memref<!tpu.dma_semaphore, #tpu.memory_space<semaphore_mem>>) src(%dma_wait3A_327 : memref<10000x128xf32, #tpu.memory_space<hbm>>) dst(%arg11 : memref<128x128xf32, #tpu.memory_space<vmem>>)
      "tpu.region"() ({
        %run_scoped3A = tpu.sem_alloc : memref<!tpu.dma_semaphore, #tpu.memory_space<semaphore_mem>>
        %dma_start3A_342 = arith.constant 0 : i32
        %dma_start3A_343 = arith.constant 0 : i32
        %dma_start3A_344 = tpu.memref_slice %arg13[%dma_start3A_342, %dma_start3A_343] : memref<10240x128xf32, #tpu.memory_space<vmem_shared>> -> memref<10240x128xf32, #tpu.memory_space<vmem_shared>>
        tpu.enqueue_indirect_dma source(%arg11 : memref<128x128xf32, #tpu.memory_space<vmem>>) target(%dma_start3A_344 : memref<10240x128xf32, #tpu.memory_space<vmem_shared>>) offsets(%arg8 : memref<128xi32, #tpu.memory_space<vmem>>) semaphore(%run_scoped3A : memref<!tpu.dma_semaphore, #tpu.memory_space<semaphore_mem>>) {add = true}
        %dma_wait3A_345 = arith.constant 0 : i32
        %dma_wait3A_346 = arith.constant 0 : i32
        %dma_wait3A_347 = tpu.memref_slice %arg13[%dma_wait3A_345, %dma_wait3A_346] : memref<10240x128xf32, #tpu.memory_space<vmem_shared>> -> memref<10240x128xf32, #tpu.memory_space<vmem_shared>>
        tpu.wait_indirect_dma semaphore(%run_scoped3A : memref<!tpu.dma_semaphore, #tpu.memory_space<semaphore_mem>>) src(%arg11 : memref<128x128xf32, #tpu.memory_space<vmem>>) dst(%dma_wait3A_347 : memref<10240x128xf32, #tpu.memory_space<vmem_shared>>)
        tpu.yield
      }) : () -> ()
      %add3A_328 = arith.constant 2 : i32
      %add3A_329 = arith.addi %mul3A_322, %add3A_328 : i32
      %lt3A = arith.constant 80 : i32
      %lt3A_330 = arith.cmpi slt, %add3A_329, %lt3A : i32
      %convert_element_type3A = arith.extui %lt3A_330 : i1 to i32
      %cond3A = arith.constant 0 : i32
      %cond3A_331 = arith.cmpi ne, %convert_element_type3A, %cond3A : i32
      scf.if %cond3A_331 {
        %add3A_342 = arith.constant 2 : i32
        %add3A_343 = arith.addi %mul3A_322, %add3A_342 : i32
        %get3A_344 = arith.index_cast %add3A_343 : i32 to index
        %get3A_345 = arith.constant 0 : index
        %get3A_346 = tpu.vector_load %arg6[%get3A_344, %get3A_345] {strides = array<i32>} : memref<80x128xi32, #tpu.memory_space<vmem>>, vector<1x16xi32>,
        %get3A_347 = vector.shape_cast %get3A_346 : vector<1x16xi32> to vector<16xi32>
        %and3A_348 = arith.constant 65535 : i32
        %and3A_349 = vector.broadcast %and3A_348 : i32 to vector<16xi32>
        %and3A_350 = arith.andi %get3A_347, %and3A_349 : vector<16xi32>
        %swap3A_351 = arith.constant 0 : index
        %swap3A_352 = tpu.vector_load %arg7[%swap3A_351] {strides = array<i32>} : memref<128xi32, #tpu.memory_space<vmem>>, vector<16xi32>,
        %swap3A_353 = vector.shape_cast %swap3A_352 : vector<16xi32> to vector<16xi32>
        %swap3A_354 = vector.shape_cast %and3A_350 : vector<16xi32> to vector<16xi32>
        tpu.vector_store %arg7[%swap3A_351], %swap3A_354 {strides = array<i32>} : memref<128xi32, #tpu.memory_space<vmem>>, vector<16xi32>,
        %shift_right_logical3A_355 = arith.constant 16 : i32
        %shift_right_logical3A_356 = vector.broadcast %shift_right_logical3A_355 : i32 to vector<16xi32>
        %shift_right_logical3A_357 = arith.shrui %get3A_347, %shift_right_logical3A_356 : vector<16xi32>
        %swap3A_358 = arith.constant 0 : index
        %swap3A_359 = tpu.vector_load %arg8[%swap3A_358] {strides = array<i32>} : memref<128xi32, #tpu.memory_space<vmem>>, vector<16xi32>,
        %swap3A_360 = vector.shape_cast %swap3A_359 : vector<16xi32> to vector<16xi32>
        %swap3A_361 = vector.shape_cast %shift_right_logical3A_357 : vector<16xi32> to vector<16xi32>
        tpu.vector_store %arg8[%swap3A_358], %swap3A_361 {strides = array<i32>} : memref<128xi32, #tpu.memory_space<vmem>>, vector<16xi32>,
        %get3A_362 = arith.index_cast %add3A_343 : i32 to index
        %get3A_363 = arith.constant 16 : index
        %get3A_364 = tpu.vector_load %arg6[%get3A_362, %get3A_363] {strides = array<i32>} : memref<80x128xi32, #tpu.memory_space<vmem>>, vector<1x16xi32>,
        %get3A_365 = vector.shape_cast %get3A_364 : vector<1x16xi32> to vector<16xi32>
        %and3A_366 = arith.constant 65535 : i32
        %and3A_367 = vector.broadcast %and3A_366 : i32 to vector<16xi32>
        %and3A_368 = arith.andi %get3A_365, %and3A_367 : vector<16xi32>
        %swap3A_369 = arith.constant 16 : index
        %swap3A_370 = tpu.vector_load %arg7[%swap3A_369] {strides = array<i32>} : memref<128xi32, #tpu.memory_space<vmem>>, vector<16xi32>,
        %swap3A_371 = vector.shape_cast %swap3A_370 : vector<16xi32> to vector<16xi32>
        %swap3A_372 = vector.shape_cast %and3A_368 : vector<16xi32> to vector<16xi32>
        tpu.vector_store %arg7[%swap3A_369], %swap3A_372 {strides = array<i32>} : memref<128xi32, #tpu.memory_space<vmem>>, vector<16xi32>,
        %shift_right_logical3A_373 = arith.constant 16 : i32
        %shift_right_logical3A_374 = vector.broadcast %shift_right_logical3A_373 : i32 to vector<16xi32>
        %shift_right_logical3A_375 = arith.shrui %get3A_365, %shift_right_logical3A_374 : vector<16xi32>
        %swap3A_376 = arith.constant 16 : index
        %swap3A_377 = tpu.vector_load %arg8[%swap3A_376] {strides = array<i32>} : memref<128xi32, #tpu.memory_space<vmem>>, vector<16xi32>,
        %swap3A_378 = vector.shape_cast %swap3A_377 : vector<16xi32> to vector<16xi32>
        %swap3A_379 = vector.shape_cast %shift_right_logical3A_375 : vector<16xi32> to vector<16xi32>
        tpu.vector_store %arg8[%swap3A_376], %swap3A_379 {strides = array<i32>} : memref<128xi32, #tpu.memory_space<vmem>>, vector<16xi32>,
        %get3A_380 = arith.index_cast %add3A_343 : i32 to index
        %get3A_381 = arith.constant 32 : index
        %get3A_382 = tpu.vector_load %arg6[%get3A_380, %get3A_381] {strides = array<i32>} : memref<80x128xi32, #tpu.memory_space<vmem>>, vector<1x16xi32>,
        %get3A_383 = vector.shape_cast %get3A_382 : vector<1x16xi32> to vector<16xi32>
        %and3A_384 = arith.constant 65535 : i32
        %and3A_385 = vector.broadcast %and3A_384 : i32 to vector<16xi32>
        %and3A_386 = arith.andi %get3A_383, %and3A_385 : vector<16xi32>
        %swap3A_387 = arith.constant 32 : index
        %swap3A_388 = tpu.vector_load %arg7[%swap3A_387] {strides = array<i32>} : memref<128xi32, #tpu.memory_space<vmem>>, vector<16xi32>,
        %swap3A_389 = vector.shape_cast %swap3A_388 : vector<16xi32> to vector<16xi32>
        %swap3A_390 = vector.shape_cast %and3A_386 : vector<16xi32> to vector<16xi32>
        tpu.vector_store %arg7[%swap3A_387], %swap3A_390 {strides = array<i32>} : memref<128xi32, #tpu.memory_space<vmem>>, vector<16xi32>,
        %shift_right_logical3A_391 = arith.constant 16 : i32
        %shift_right_logical3A_392 = vector.broadcast %shift_right_logical3A_391 : i32 to vector<16xi32>
        %shift_right_logical3A_393 = arith.shrui %get3A_383, %shift_right_logical3A_392 : vector<16xi32>
        %swap3A_394 = arith.constant 32 : index
        %swap3A_395 = tpu.vector_load %arg8[%swap3A_394] {strides = array<i32>} : memref<128xi32, #tpu.memory_space<vmem>>, vector<16xi32>,
        %swap3A_396 = vector.shape_cast %swap3A_395 : vector<16xi32> to vector<16xi32>
        %swap3A_397 = vector.shape_cast %shift_right_logical3A_393 : vector<16xi32> to vector<16xi32>
        tpu.vector_store %arg8[%swap3A_394], %swap3A_397 {strides = array<i32>} : memref<128xi32, #tpu.memory_space<vmem>>, vector<16xi32>,
        %get3A_398 = arith.index_cast %add3A_343 : i32 to index
        %get3A_399 = arith.constant 48 : index
        %get3A_400 = tpu.vector_load %arg6[%get3A_398, %get3A_399] {strides = array<i32>} : memref<80x128xi32, #tpu.memory_space<vmem>>, vector<1x16xi32>,
        %get3A_401 = vector.shape_cast %get3A_400 : vector<1x16xi32> to vector<16xi32>
        %and3A_402 = arith.constant 65535 : i32
        %and3A_403 = vector.broadcast %and3A_402 : i32 to vector<16xi32>
        %and3A_404 = arith.andi %get3A_401, %and3A_403 : vector<16xi32>
        %swap3A_405 = arith.constant 48 : index
        %swap3A_406 = tpu.vector_load %arg7[%swap3A_405] {strides = array<i32>} : memref<128xi32, #tpu.memory_space<vmem>>, vector<16xi32>,
        %swap3A_407 = vector.shape_cast %swap3A_406 : vector<16xi32> to vector<16xi32>
        %swap3A_408 = vector.shape_cast %and3A_404 : vector<16xi32> to vector<16xi32>
        tpu.vector_store %arg7[%swap3A_405], %swap3A_408 {strides = array<i32>} : memref<128xi32, #tpu.memory_space<vmem>>, vector<16xi32>,
        %shift_right_logical3A_409 = arith.constant 16 : i32
        %shift_right_logical3A_410 = vector.broadcast %shift_right_logical3A_409 : i32 to vector<16xi32>
        %shift_right_logical3A_411 = arith.shrui %get3A_401, %shift_right_logical3A_410 : vector<16xi32>
        %swap3A_412 = arith.constant 48 : index
        %swap3A_413 = tpu.vector_load %arg8[%swap3A_412] {strides = array<i32>} : memref<128xi32, #tpu.memory_space<vmem>>, vector<16xi32>,
        %swap3A_414 = vector.shape_cast %swap3A_413 : vector<16xi32> to vector<16xi32>
        %swap3A_415 = vector.shape_cast %shift_right_logical3A_411 : vector<16xi32> to vector<16xi32>
        tpu.vector_store %arg8[%swap3A_412], %swap3A_415 {strides = array<i32>} : memref<128xi32, #tpu.memory_space<vmem>>, vector<16xi32>,
        %get3A_416 = arith.index_cast %add3A_343 : i32 to index
        %get3A_417 = arith.constant 64 : index
        %get3A_418 = tpu.vector_load %arg6[%get3A_416, %get3A_417] {strides = array<i32>} : memref<80x128xi32, #tpu.memory_space<vmem>>, vector<1x16xi32>,
        %get3A_419 = vector.shape_cast %get3A_418 : vector<1x16xi32> to vector<16xi32>
        %and3A_420 = arith.constant 65535 : i32
        %and3A_421 = vector.broadcast %and3A_420 : i32 to vector<16xi32>
        %and3A_422 = arith.andi %get3A_419, %and3A_421 : vector<16xi32>
        %swap3A_423 = arith.constant 64 : index
        %swap3A_424 = tpu.vector_load %arg7[%swap3A_423] {strides = array<i32>} : memref<128xi32, #tpu.memory_space<vmem>>, vector<16xi32>,
        %swap3A_425 = vector.shape_cast %swap3A_424 : vector<16xi32> to vector<16xi32>
        %swap3A_426 = vector.shape_cast %and3A_422 : vector<16xi32> to vector<16xi32>
        tpu.vector_store %arg7[%swap3A_423], %swap3A_426 {strides = array<i32>} : memref<128xi32, #tpu.memory_space<vmem>>, vector<16xi32>,
        %shift_right_logical3A_427 = arith.constant 16 : i32
        %shift_right_logical3A_428 = vector.broadcast %shift_right_logical3A_427 : i32 to vector<16xi32>
        %shift_right_logical3A_429 = arith.shrui %get3A_419, %shift_right_logical3A_428 : vector<16xi32>
        %swap3A_430 = arith.constant 64 : index
        %swap3A_431 = tpu.vector_load %arg8[%swap3A_430] {strides = array<i32>} : memref<128xi32, #tpu.memory_space<vmem>>, vector<16xi32>,
        %swap3A_432 = vector.shape_cast %swap3A_431 : vector<16xi32> to vector<16xi32>
        %swap3A_433 = vector.shape_cast %shift_right_logical3A_429 : vector<16xi32> to vector<16xi32>
        tpu.vector_store %arg8[%swap3A_430], %swap3A_433 {strides = array<i32>} : memref<128xi32, #tpu.memory_space<vmem>>, vector<16xi32>,
        %get3A_434 = arith.index_cast %add3A_343 : i32 to index
        %get3A_435 = arith.constant 80 : index
        %get3A_436 = tpu.vector_load %arg6[%get3A_434, %get3A_435] {strides = array<i32>} : memref<80x128xi32, #tpu.memory_space<vmem>>, vector<1x16xi32>,
        %get3A_437 = vector.shape_cast %get3A_436 : vector<1x16xi32> to vector<16xi32>
        %and3A_438 = arith.constant 65535 : i32
        %and3A_439 = vector.broadcast %and3A_438 : i32 to vector<16xi32>
        %and3A_440 = arith.andi %get3A_437, %and3A_439 : vector<16xi32>
        %swap3A_441 = arith.constant 80 : index
        %swap3A_442 = tpu.vector_load %arg7[%swap3A_441] {strides = array<i32>} : memref<128xi32, #tpu.memory_space<vmem>>, vector<16xi32>,
        %swap3A_443 = vector.shape_cast %swap3A_442 : vector<16xi32> to vector<16xi32>
        %swap3A_444 = vector.shape_cast %and3A_440 : vector<16xi32> to vector<16xi32>
        tpu.vector_store %arg7[%swap3A_441], %swap3A_444 {strides = array<i32>} : memref<128xi32, #tpu.memory_space<vmem>>, vector<16xi32>,
        %shift_right_logical3A_445 = arith.constant 16 : i32
        %shift_right_logical3A_446 = vector.broadcast %shift_right_logical3A_445 : i32 to vector<16xi32>
        %shift_right_logical3A_447 = arith.shrui %get3A_437, %shift_right_logical3A_446 : vector<16xi32>
        %swap3A_448 = arith.constant 80 : index
        %swap3A_449 = tpu.vector_load %arg8[%swap3A_448] {strides = array<i32>} : memref<128xi32, #tpu.memory_space<vmem>>, vector<16xi32>,
        %swap3A_450 = vector.shape_cast %swap3A_449 : vector<16xi32> to vector<16xi32>
        %swap3A_451 = vector.shape_cast %shift_right_logical3A_447 : vector<16xi32> to vector<16xi32>
        tpu.vector_store %arg8[%swap3A_448], %swap3A_451 {strides = array<i32>} : memref<128xi32, #tpu.memory_space<vmem>>, vector<16xi32>,
        %get3A_452 = arith.index_cast %add3A_343 : i32 to index
        %get3A_453 = arith.constant 96 : index
        %get3A_454 = tpu.vector_load %arg6[%get3A_452, %get3A_453] {strides = array<i32>} : memref<80x128xi32, #tpu.memory_space<vmem>>, vector<1x16xi32>,
        %get3A_455 = vector.shape_cast %get3A_454 : vector<1x16xi32> to vector<16xi32>
        %and3A_456 = arith.constant 65535 : i32
        %and3A_457 = vector.broadcast %and3A_456 : i32 to vector<16xi32>
        %and3A_458 = arith.andi %get3A_455, %and3A_457 : vector<16xi32>
        %swap3A_459 = arith.constant 96 : index
        %swap3A_460 = tpu.vector_load %arg7[%swap3A_459] {strides = array<i32>} : memref<128xi32, #tpu.memory_space<vmem>>, vector<16xi32>,
        %swap3A_461 = vector.shape_cast %swap3A_460 : vector<16xi32> to vector<16xi32>
        %swap3A_462 = vector.shape_cast %and3A_458 : vector<16xi32> to vector<16xi32>
        tpu.vector_store %arg7[%swap3A_459], %swap3A_462 {strides = array<i32>} : memref<128xi32, #tpu.memory_space<vmem>>, vector<16xi32>,
        %shift_right_logical3A_463 = arith.constant 16 : i32
        %shift_right_logical3A_464 = vector.broadcast %shift_right_logical3A_463 : i32 to vector<16xi32>
        %shift_right_logical3A_465 = arith.shrui %get3A_455, %shift_right_logical3A_464 : vector<16xi32>
        %swap3A_466 = arith.constant 96 : index
        %swap3A_467 = tpu.vector_load %arg8[%swap3A_466] {strides = array<i32>} : memref<128xi32, #tpu.memory_space<vmem>>, vector<16xi32>,
        %swap3A_468 = vector.shape_cast %swap3A_467 : vector<16xi32> to vector<16xi32>
        %swap3A_469 = vector.shape_cast %shift_right_logical3A_465 : vector<16xi32> to vector<16xi32>
        tpu.vector_store %arg8[%swap3A_466], %swap3A_469 {strides = array<i32>} : memref<128xi32, #tpu.memory_space<vmem>>, vector<16xi32>,
        %get3A_470 = arith.index_cast %add3A_343 : i32 to index
        %get3A_471 = arith.constant 112 : index
        %get3A_472 = tpu.vector_load %arg6[%get3A_470, %get3A_471] {strides = array<i32>} : memref<80x128xi32, #tpu.memory_space<vmem>>, vector<1x16xi32>,
        %get3A_473 = vector.shape_cast %get3A_472 : vector<1x16xi32> to vector<16xi32>
        %and3A_474 = arith.constant 65535 : i32
        %and3A_475 = vector.broadcast %and3A_474 : i32 to vector<16xi32>
        %and3A_476 = arith.andi %get3A_473, %and3A_475 : vector<16xi32>
        %swap3A_477 = arith.constant 112 : index
        %swap3A_478 = tpu.vector_load %arg7[%swap3A_477] {strides = array<i32>} : memref<128xi32, #tpu.memory_space<vmem>>, vector<16xi32>,
        %swap3A_479 = vector.shape_cast %swap3A_478 : vector<16xi32> to vector<16xi32>
        %swap3A_480 = vector.shape_cast %and3A_476 : vector<16xi32> to vector<16xi32>
        tpu.vector_store %arg7[%swap3A_477], %swap3A_480 {strides = array<i32>} : memref<128xi32, #tpu.memory_space<vmem>>, vector<16xi32>,
        %shift_right_logical3A_481 = arith.constant 16 : i32
        %shift_right_logical3A_482 = vector.broadcast %shift_right_logical3A_481 : i32 to vector<16xi32>
        %shift_right_logical3A_483 = arith.shrui %get3A_473, %shift_right_logical3A_482 : vector<16xi32>
        %swap3A_484 = arith.constant 112 : index
        %swap3A_485 = tpu.vector_load %arg8[%swap3A_484] {strides = array<i32>} : memref<128xi32, #tpu.memory_space<vmem>>, vector<16xi32>,
        %swap3A_486 = vector.shape_cast %swap3A_485 : vector<16xi32> to vector<16xi32>
        %swap3A_487 = vector.shape_cast %shift_right_logical3A_483 : vector<16xi32> to vector<16xi32>
        tpu.vector_store %arg8[%swap3A_484], %swap3A_487 {strides = array<i32>} : memref<128xi32, #tpu.memory_space<vmem>>, vector<16xi32>,
        %dma_start3A_488 = arith.constant 0 : i32
        %dma_start3A_489 = arith.constant 0 : i32
        %dma_start3A_490 = tpu.memref_slice %arg2[%dma_start3A_488, %dma_start3A_489] : memref<10000x128xf32, #tpu.memory_space<hbm>> -> memref<10000x128xf32, #tpu.memory_space<hbm>>
        tpu.enqueue_indirect_dma source(%dma_start3A_490 : memref<10000x128xf32, #tpu.memory_space<hbm>>) target(%arg11 : memref<128x128xf32, #tpu.memory_space<vmem>>) offsets(%arg7 : memref<128xi32, #tpu.memory_space<vmem>>) semaphore(%arg14 : memref<!tpu.dma_semaphore, #tpu.memory_space<semaphore_mem>>)
      } else {
      }
      %dma_wait3A_332 = arith.constant 0 : i32
      %dma_wait3A_333 = arith.constant 0 : i32
      %dma_wait3A_334 = tpu.memref_slice %arg2[%dma_wait3A_332, %dma_wait3A_333] : memref<10000x128xf32, #tpu.memory_space<hbm>> -> memref<10000x128xf32, #tpu.memory_space<hbm>>
      tpu.wait_indirect_dma semaphore(%arg15 : memref<!tpu.dma_semaphore, #tpu.memory_space<semaphore_mem>>) src(%dma_wait3A_334 : memref<10000x128xf32, #tpu.memory_space<hbm>>) dst(%arg12 : memref<128x128xf32, #tpu.memory_space<vmem>>)
      "tpu.region"() ({
        %run_scoped3A = tpu.sem_alloc : memref<!tpu.dma_semaphore, #tpu.memory_space<semaphore_mem>>
        %dma_start3A_342 = arith.constant 0 : i32
        %dma_start3A_343 = arith.constant 0 : i32
        %dma_start3A_344 = tpu.memref_slice %arg13[%dma_start3A_342, %dma_start3A_343] : memref<10240x128xf32, #tpu.memory_space<vmem_shared>> -> memref<10240x128xf32, #tpu.memory_space<vmem_shared>>
        tpu.enqueue_indirect_dma source(%arg12 : memref<128x128xf32, #tpu.memory_space<vmem>>) target(%dma_start3A_344 : memref<10240x128xf32, #tpu.memory_space<vmem_shared>>) offsets(%arg10 : memref<128xi32, #tpu.memory_space<vmem>>) semaphore(%run_scoped3A : memref<!tpu.dma_semaphore, #tpu.memory_space<semaphore_mem>>) {add = true}
        %dma_wait3A_345 = arith.constant 0 : i32
        %dma_wait3A_346 = arith.constant 0 : i32
        %dma_wait3A_347 = tpu.memref_slice %arg13[%dma_wait3A_345, %dma_wait3A_346] : memref<10240x128xf32, #tpu.memory_space<vmem_shared>> -> memref<10240x128xf32, #tpu.memory_space<vmem_shared>>
        tpu.wait_indirect_dma semaphore(%run_scoped3A : memref<!tpu.dma_semaphore, #tpu.memory_space<semaphore_mem>>) src(%arg12 : memref<128x128xf32, #tpu.memory_space<vmem>>) dst(%dma_wait3A_347 : memref<10240x128xf32, #tpu.memory_space<vmem_shared>>)
        tpu.yield
      }) : () -> ()
      %add3A_335 = arith.constant 3 : i32
      %add3A_336 = arith.addi %mul3A_322, %add3A_335 : i32
      %lt3A_337 = arith.constant 80 : i32
      %lt3A_338 = arith.cmpi slt, %add3A_336, %lt3A_337 : i32
      %convert_element_type3A_339 = arith.extui %lt3A_338 : i1 to i32
      %cond3A_340 = arith.constant 0 : i32
      %cond3A_341 = arith.cmpi ne, %convert_element_type3A_339, %cond3A_340 : i32
      scf.if %cond3A_341 {
        %add3A_342 = arith.constant 3 : i32
        %add3A_343 = arith.addi %mul3A_322, %add3A_342 : i32
        %get3A_344 = arith.index_cast %add3A_343 : i32 to index
        %get3A_345 = arith.constant 0 : index
        %get3A_346 = tpu.vector_load %arg6[%get3A_344, %get3A_345] {strides = array<i32>} : memref<80x128xi32, #tpu.memory_space<vmem>>, vector<1x16xi32>,
        %get3A_347 = vector.shape_cast %get3A_346 : vector<1x16xi32> to vector<16xi32>
        %and3A_348 = arith.constant 65535 : i32
        %and3A_349 = vector.broadcast %and3A_348 : i32 to vector<16xi32>
        %and3A_350 = arith.andi %get3A_347, %and3A_349 : vector<16xi32>
        %swap3A_351 = arith.constant 0 : index
        %swap3A_352 = tpu.vector_load %arg9[%swap3A_351] {strides = array<i32>} : memref<128xi32, #tpu.memory_space<vmem>>, vector<16xi32>,
        %swap3A_353 = vector.shape_cast %swap3A_352 : vector<16xi32> to vector<16xi32>
        %swap3A_354 = vector.shape_cast %and3A_350 : vector<16xi32> to vector<16xi32>
        tpu.vector_store %arg9[%swap3A_351], %swap3A_354 {strides = array<i32>} : memref<128xi32, #tpu.memory_space<vmem>>, vector<16xi32>,
        %shift_right_logical3A_355 = arith.constant 16 : i32
        %shift_right_logical3A_356 = vector.broadcast %shift_right_logical3A_355 : i32 to vector<16xi32>
        %shift_right_logical3A_357 = arith.shrui %get3A_347, %shift_right_logical3A_356 : vector<16xi32>
        %swap3A_358 = arith.constant 0 : index
        %swap3A_359 = tpu.vector_load %arg10[%swap3A_358] {strides = array<i32>} : memref<128xi32, #tpu.memory_space<vmem>>, vector<16xi32>,
        %swap3A_360 = vector.shape_cast %swap3A_359 : vector<16xi32> to vector<16xi32>
        %swap3A_361 = vector.shape_cast %shift_right_logical3A_357 : vector<16xi32> to vector<16xi32>
        tpu.vector_store %arg10[%swap3A_358], %swap3A_361 {strides = array<i32>} : memref<128xi32, #tpu.memory_space<vmem>>, vector<16xi32>,
        %get3A_362 = arith.index_cast %add3A_343 : i32 to index
        %get3A_363 = arith.constant 16 : index
        %get3A_364 = tpu.vector_load %arg6[%get3A_362, %get3A_363] {strides = array<i32>} : memref<80x128xi32, #tpu.memory_space<vmem>>, vector<1x16xi32>,
        %get3A_365 = vector.shape_cast %get3A_364 : vector<1x16xi32> to vector<16xi32>
        %and3A_366 = arith.constant 65535 : i32
        %and3A_367 = vector.broadcast %and3A_366 : i32 to vector<16xi32>
        %and3A_368 = arith.andi %get3A_365, %and3A_367 : vector<16xi32>
        %swap3A_369 = arith.constant 16 : index
        %swap3A_370 = tpu.vector_load %arg9[%swap3A_369] {strides = array<i32>} : memref<128xi32, #tpu.memory_space<vmem>>, vector<16xi32>,
        %swap3A_371 = vector.shape_cast %swap3A_370 : vector<16xi32> to vector<16xi32>
        %swap3A_372 = vector.shape_cast %and3A_368 : vector<16xi32> to vector<16xi32>
        tpu.vector_store %arg9[%swap3A_369], %swap3A_372 {strides = array<i32>} : memref<128xi32, #tpu.memory_space<vmem>>, vector<16xi32>,
        %shift_right_logical3A_373 = arith.constant 16 : i32
        %shift_right_logical3A_374 = vector.broadcast %shift_right_logical3A_373 : i32 to vector<16xi32>
        %shift_right_logical3A_375 = arith.shrui %get3A_365, %shift_right_logical3A_374 : vector<16xi32>
        %swap3A_376 = arith.constant 16 : index
        %swap3A_377 = tpu.vector_load %arg10[%swap3A_376] {strides = array<i32>} : memref<128xi32, #tpu.memory_space<vmem>>, vector<16xi32>,
        %swap3A_378 = vector.shape_cast %swap3A_377 : vector<16xi32> to vector<16xi32>
        %swap3A_379 = vector.shape_cast %shift_right_logical3A_375 : vector<16xi32> to vector<16xi32>
        tpu.vector_store %arg10[%swap3A_376], %swap3A_379 {strides = array<i32>} : memref<128xi32, #tpu.memory_space<vmem>>, vector<16xi32>,
        %get3A_380 = arith.index_cast %add3A_343 : i32 to index
        %get3A_381 = arith.constant 32 : index
        %get3A_382 = tpu.vector_load %arg6[%get3A_380, %get3A_381] {strides = array<i32>} : memref<80x128xi32, #tpu.memory_space<vmem>>, vector<1x16xi32>,
        %get3A_383 = vector.shape_cast %get3A_382 : vector<1x16xi32> to vector<16xi32>
        %and3A_384 = arith.constant 65535 : i32
        %and3A_385 = vector.broadcast %and3A_384 : i32 to vector<16xi32>
        %and3A_386 = arith.andi %get3A_383, %and3A_385 : vector<16xi32>
        %swap3A_387 = arith.constant 32 : index
        %swap3A_388 = tpu.vector_load %arg9[%swap3A_387] {strides = array<i32>} : memref<128xi32, #tpu.memory_space<vmem>>, vector<16xi32>,
        %swap3A_389 = vector.shape_cast %swap3A_388 : vector<16xi32> to vector<16xi32>
        %swap3A_390 = vector.shape_cast %and3A_386 : vector<16xi32> to vector<16xi32>
        tpu.vector_store %arg9[%swap3A_387], %swap3A_390 {strides = array<i32>} : memref<128xi32, #tpu.memory_space<vmem>>, vector<16xi32>,
        %shift_right_logical3A_391 = arith.constant 16 : i32
        %shift_right_logical3A_392 = vector.broadcast %shift_right_logical3A_391 : i32 to vector<16xi32>
        %shift_right_logical3A_393 = arith.shrui %get3A_383, %shift_right_logical3A_392 : vector<16xi32>
        %swap3A_394 = arith.constant 32 : index
        %swap3A_395 = tpu.vector_load %arg10[%swap3A_394] {strides = array<i32>} : memref<128xi32, #tpu.memory_space<vmem>>, vector<16xi32>,
        %swap3A_396 = vector.shape_cast %swap3A_395 : vector<16xi32> to vector<16xi32>
        %swap3A_397 = vector.shape_cast %shift_right_logical3A_393 : vector<16xi32> to vector<16xi32>
        tpu.vector_store %arg10[%swap3A_394], %swap3A_397 {strides = array<i32>} : memref<128xi32, #tpu.memory_space<vmem>>, vector<16xi32>,
        %get3A_398 = arith.index_cast %add3A_343 : i32 to index
        %get3A_399 = arith.constant 48 : index
        %get3A_400 = tpu.vector_load %arg6[%get3A_398, %get3A_399] {strides = array<i32>} : memref<80x128xi32, #tpu.memory_space<vmem>>, vector<1x16xi32>,
        %get3A_401 = vector.shape_cast %get3A_400 : vector<1x16xi32> to vector<16xi32>
        %and3A_402 = arith.constant 65535 : i32
        %and3A_403 = vector.broadcast %and3A_402 : i32 to vector<16xi32>
        %and3A_404 = arith.andi %get3A_401, %and3A_403 : vector<16xi32>
        %swap3A_405 = arith.constant 48 : index
        %swap3A_406 = tpu.vector_load %arg9[%swap3A_405] {strides = array<i32>} : memref<128xi32, #tpu.memory_space<vmem>>, vector<16xi32>,
        %swap3A_407 = vector.shape_cast %swap3A_406 : vector<16xi32> to vector<16xi32>
        %swap3A_408 = vector.shape_cast %and3A_404 : vector<16xi32> to vector<16xi32>
        tpu.vector_store %arg9[%swap3A_405], %swap3A_408 {strides = array<i32>} : memref<128xi32, #tpu.memory_space<vmem>>, vector<16xi32>,
        %shift_right_logical3A_409 = arith.constant 16 : i32
        %shift_right_logical3A_410 = vector.broadcast %shift_right_logical3A_409 : i32 to vector<16xi32>
        %shift_right_logical3A_411 = arith.shrui %get3A_401, %shift_right_logical3A_410 : vector<16xi32>
        %swap3A_412 = arith.constant 48 : index
        %swap3A_413 = tpu.vector_load %arg10[%swap3A_412] {strides = array<i32>} : memref<128xi32, #tpu.memory_space<vmem>>, vector<16xi32>,
        %swap3A_414 = vector.shape_cast %swap3A_413 : vector<16xi32> to vector<16xi32>
        %swap3A_415 = vector.shape_cast %shift_right_logical3A_411 : vector<16xi32> to vector<16xi32>
        tpu.vector_store %arg10[%swap3A_412], %swap3A_415 {strides = array<i32>} : memref<128xi32, #tpu.memory_space<vmem>>, vector<16xi32>,
        %get3A_416 = arith.index_cast %add3A_343 : i32 to index
        %get3A_417 = arith.constant 64 : index
        %get3A_418 = tpu.vector_load %arg6[%get3A_416, %get3A_417] {strides = array<i32>} : memref<80x128xi32, #tpu.memory_space<vmem>>, vector<1x16xi32>,
        %get3A_419 = vector.shape_cast %get3A_418 : vector<1x16xi32> to vector<16xi32>
        %and3A_420 = arith.constant 65535 : i32
        %and3A_421 = vector.broadcast %and3A_420 : i32 to vector<16xi32>
        %and3A_422 = arith.andi %get3A_419, %and3A_421 : vector<16xi32>
        %swap3A_423 = arith.constant 64 : index
        %swap3A_424 = tpu.vector_load %arg9[%swap3A_423] {strides = array<i32>} : memref<128xi32, #tpu.memory_space<vmem>>, vector<16xi32>,
        %swap3A_425 = vector.shape_cast %swap3A_424 : vector<16xi32> to vector<16xi32>
        %swap3A_426 = vector.shape_cast %and3A_422 : vector<16xi32> to vector<16xi32>
        tpu.vector_store %arg9[%swap3A_423], %swap3A_426 {strides = array<i32>} : memref<128xi32, #tpu.memory_space<vmem>>, vector<16xi32>,
        %shift_right_logical3A_427 = arith.constant 16 : i32
        %shift_right_logical3A_428 = vector.broadcast %shift_right_logical3A_427 : i32 to vector<16xi32>
        %shift_right_logical3A_429 = arith.shrui %get3A_419, %shift_right_logical3A_428 : vector<16xi32>
        %swap3A_430 = arith.constant 64 : index
        %swap3A_431 = tpu.vector_load %arg10[%swap3A_430] {strides = array<i32>} : memref<128xi32, #tpu.memory_space<vmem>>, vector<16xi32>,
        %swap3A_432 = vector.shape_cast %swap3A_431 : vector<16xi32> to vector<16xi32>
        %swap3A_433 = vector.shape_cast %shift_right_logical3A_429 : vector<16xi32> to vector<16xi32>
        tpu.vector_store %arg10[%swap3A_430], %swap3A_433 {strides = array<i32>} : memref<128xi32, #tpu.memory_space<vmem>>, vector<16xi32>,
        %get3A_434 = arith.index_cast %add3A_343 : i32 to index
        %get3A_435 = arith.constant 80 : index
        %get3A_436 = tpu.vector_load %arg6[%get3A_434, %get3A_435] {strides = array<i32>} : memref<80x128xi32, #tpu.memory_space<vmem>>, vector<1x16xi32>,
        %get3A_437 = vector.shape_cast %get3A_436 : vector<1x16xi32> to vector<16xi32>
        %and3A_438 = arith.constant 65535 : i32
        %and3A_439 = vector.broadcast %and3A_438 : i32 to vector<16xi32>
        %and3A_440 = arith.andi %get3A_437, %and3A_439 : vector<16xi32>
        %swap3A_441 = arith.constant 80 : index
        %swap3A_442 = tpu.vector_load %arg9[%swap3A_441] {strides = array<i32>} : memref<128xi32, #tpu.memory_space<vmem>>, vector<16xi32>,
        %swap3A_443 = vector.shape_cast %swap3A_442 : vector<16xi32> to vector<16xi32>
        %swap3A_444 = vector.shape_cast %and3A_440 : vector<16xi32> to vector<16xi32>
        tpu.vector_store %arg9[%swap3A_441], %swap3A_444 {strides = array<i32>} : memref<128xi32, #tpu.memory_space<vmem>>, vector<16xi32>,
        %shift_right_logical3A_445 = arith.constant 16 : i32
        %shift_right_logical3A_446 = vector.broadcast %shift_right_logical3A_445 : i32 to vector<16xi32>
        %shift_right_logical3A_447 = arith.shrui %get3A_437, %shift_right_logical3A_446 : vector<16xi32>
        %swap3A_448 = arith.constant 80 : index
        %swap3A_449 = tpu.vector_load %arg10[%swap3A_448] {strides = array<i32>} : memref<128xi32, #tpu.memory_space<vmem>>, vector<16xi32>,
        %swap3A_450 = vector.shape_cast %swap3A_449 : vector<16xi32> to vector<16xi32>
        %swap3A_451 = vector.shape_cast %shift_right_logical3A_447 : vector<16xi32> to vector<16xi32>
        tpu.vector_store %arg10[%swap3A_448], %swap3A_451 {strides = array<i32>} : memref<128xi32, #tpu.memory_space<vmem>>, vector<16xi32>,
        %get3A_452 = arith.index_cast %add3A_343 : i32 to index
        %get3A_453 = arith.constant 96 : index
        %get3A_454 = tpu.vector_load %arg6[%get3A_452, %get3A_453] {strides = array<i32>} : memref<80x128xi32, #tpu.memory_space<vmem>>, vector<1x16xi32>,
        %get3A_455 = vector.shape_cast %get3A_454 : vector<1x16xi32> to vector<16xi32>
        %and3A_456 = arith.constant 65535 : i32
        %and3A_457 = vector.broadcast %and3A_456 : i32 to vector<16xi32>
        %and3A_458 = arith.andi %get3A_455, %and3A_457 : vector<16xi32>
        %swap3A_459 = arith.constant 96 : index
        %swap3A_460 = tpu.vector_load %arg9[%swap3A_459] {strides = array<i32>} : memref<128xi32, #tpu.memory_space<vmem>>, vector<16xi32>,
        %swap3A_461 = vector.shape_cast %swap3A_460 : vector<16xi32> to vector<16xi32>
        %swap3A_462 = vector.shape_cast %and3A_458 : vector<16xi32> to vector<16xi32>
        tpu.vector_store %arg9[%swap3A_459], %swap3A_462 {strides = array<i32>} : memref<128xi32, #tpu.memory_space<vmem>>, vector<16xi32>,
        %shift_right_logical3A_463 = arith.constant 16 : i32
        %shift_right_logical3A_464 = vector.broadcast %shift_right_logical3A_463 : i32 to vector<16xi32>
        %shift_right_logical3A_465 = arith.shrui %get3A_455, %shift_right_logical3A_464 : vector<16xi32>
        %swap3A_466 = arith.constant 96 : index
        %swap3A_467 = tpu.vector_load %arg10[%swap3A_466] {strides = array<i32>} : memref<128xi32, #tpu.memory_space<vmem>>, vector<16xi32>,
        %swap3A_468 = vector.shape_cast %swap3A_467 : vector<16xi32> to vector<16xi32>
        %swap3A_469 = vector.shape_cast %shift_right_logical3A_465 : vector<16xi32> to vector<16xi32>
        tpu.vector_store %arg10[%swap3A_466], %swap3A_469 {strides = array<i32>} : memref<128xi32, #tpu.memory_space<vmem>>, vector<16xi32>,
        %get3A_470 = arith.index_cast %add3A_343 : i32 to index
        %get3A_471 = arith.constant 112 : index
        %get3A_472 = tpu.vector_load %arg6[%get3A_470, %get3A_471] {strides = array<i32>} : memref<80x128xi32, #tpu.memory_space<vmem>>, vector<1x16xi32>,
        %get3A_473 = vector.shape_cast %get3A_472 : vector<1x16xi32> to vector<16xi32>
        %and3A_474 = arith.constant 65535 : i32
        %and3A_475 = vector.broadcast %and3A_474 : i32 to vector<16xi32>
        %and3A_476 = arith.andi %get3A_473, %and3A_475 : vector<16xi32>
        %swap3A_477 = arith.constant 112 : index
        %swap3A_478 = tpu.vector_load %arg9[%swap3A_477] {strides = array<i32>} : memref<128xi32, #tpu.memory_space<vmem>>, vector<16xi32>,
        %swap3A_479 = vector.shape_cast %swap3A_478 : vector<16xi32> to vector<16xi32>
        %swap3A_480 = vector.shape_cast %and3A_476 : vector<16xi32> to vector<16xi32>
        tpu.vector_store %arg9[%swap3A_477], %swap3A_480 {strides = array<i32>} : memref<128xi32, #tpu.memory_space<vmem>>, vector<16xi32>,
        %shift_right_logical3A_481 = arith.constant 16 : i32
        %shift_right_logical3A_482 = vector.broadcast %shift_right_logical3A_481 : i32 to vector<16xi32>
        %shift_right_logical3A_483 = arith.shrui %get3A_473, %shift_right_logical3A_482 : vector<16xi32>
        %swap3A_484 = arith.constant 112 : index
        %swap3A_485 = tpu.vector_load %arg10[%swap3A_484] {strides = array<i32>} : memref<128xi32, #tpu.memory_space<vmem>>, vector<16xi32>,
        %swap3A_486 = vector.shape_cast %swap3A_485 : vector<16xi32> to vector<16xi32>
        %swap3A_487 = vector.shape_cast %shift_right_logical3A_483 : vector<16xi32> to vector<16xi32>
        tpu.vector_store %arg10[%swap3A_484], %swap3A_487 {strides = array<i32>} : memref<128xi32, #tpu.memory_space<vmem>>, vector<16xi32>,
      } else {
      }
    }
    %scan3A_310 = arith.constant 40 : i32
    %barrier3A_311 = arith.constant 0 : index
    tpu.barrier barrier_id(%barrier3A_311)
    %mul3A_312 = arith.constant 640 : i32
    %mul3A_313 = arith.muli %arg1, %mul3A_312 : i32
    %mul3A_314 = arith.constant 640 : i32
    %mul3A_315 = arith.muli %arg1, %mul3A_314 : i32
    "tpu.region"() ({
      %run_scoped3A = tpu.sem_alloc : memref<!tpu.dma_semaphore, #tpu.memory_space<semaphore_mem>>
      %dma_start3A_316 = arith.constant 0 : i32
      %dma_start3A_317 = tpu.memref_slice %arg5[%arg0, %mul3A_315, %dma_start3A_316] : memref<2x10240x128xf32, #tpu.memory_space<hbm>> -> memref<1x640x128xf32, #tpu.memory_space<hbm>>
      %dma_start3A_318 = tpu.memref_squeeze %dma_start3A_317 : memref<1x640x128xf32, #tpu.memory_space<hbm>> -> memref<640x128xf32, #tpu.memory_space<hbm>>
      %dma_start3A_319 = arith.constant 0 : i32
      %dma_start3A_320 = tpu.memref_slice %arg13[%mul3A_313, %dma_start3A_319] : memref<10240x128xf32, #tpu.memory_space<vmem_shared>> -> memref<640x128xf32, #tpu.memory_space<vmem_shared>>
      tpu.enqueue_dma source(%dma_start3A_320 : memref<640x128xf32, #tpu.memory_space<vmem_shared>>) target(%dma_start3A_318 : memref<640x128xf32, #tpu.memory_space<hbm>>) target_semaphore(%run_scoped3A : memref<!tpu.dma_semaphore, #tpu.memory_space<semaphore_mem>>)
      %dma_wait3A = arith.constant 0 : i32
      %dma_wait3A_321 = tpu.memref_slice %arg5[%arg0, %mul3A_315, %dma_wait3A] : memref<2x10240x128xf32, #tpu.memory_space<hbm>> -> memref<1x640x128xf32, #tpu.memory_space<hbm>>
      %dma_wait3A_322 = tpu.memref_squeeze %dma_wait3A_321 : memref<1x640x128xf32, #tpu.memory_space<hbm>> -> memref<640x128xf32, #tpu.memory_space<hbm>>
      %dma_wait3A_323 = arith.constant 0 : i32
      %dma_wait3A_324 = tpu.memref_slice %arg13[%mul3A_313, %dma_wait3A_323] : memref<10240x128xf32, #tpu.memory_space<vmem_shared>> -> memref<640x128xf32, #tpu.memory_space<vmem_shared>>
      tpu.wait_dma2 semaphore(%run_scoped3A : memref<!tpu.dma_semaphore, #tpu.memory_space<semaphore_mem>>) src(%dma_wait3A_324 : memref<640x128xf32, #tpu.memory_space<vmem_shared>>) dst(%dma_wait3A_322 : memref<640x128xf32, #tpu.memory_space<hbm>>)
      tpu.yield
    }) : () -> ()
    return
  }
}

module attributes {stable_mosaic.version = 14 : i64} {
  func.func @_iter_first_body(%arg0: i32, %arg1: memref<1000x128xf32, #tpu.memory_space<vmem>>, %arg2: memref<128x512xf32, #tpu.memory_space<vmem>>, %arg3: memref<1x512xf32, #tpu.memory_space<vmem>>, %arg4: memref<128x128xf32, #tpu.memory_space<vmem>>, %arg5: memref<1x1x1000xi32, #tpu.memory_space<vmem>>, %arg6: memref<256x512xf32, #tpu.memory_space<vmem>>, %arg7: memref<256x512xf32, #tpu.memory_space<vmem>>, %arg8: memref<1000x128xf32, #tpu.memory_space<vmem>>) attributes {dimension_semantics = [#tpu.dimension_semantics<arbitrary>], iteration_bounds = array<i64: 10>, scalar_prefetch = 0 : i64, scratch_operands = 0 : i64, tpu.core_type = #tpu.core_type<tc>, window_params = [{transform_indices = @transform_0, window_bounds = array<i64: 1000, 128>}, {pipeline_mode = #tpu.pipeline_mode<synchronous>, transform_indices = @transform_1, window_bounds = array<i64: 128, 512>}, {pipeline_mode = #tpu.pipeline_mode<synchronous>, transform_indices = @transform_2, window_bounds = array<i64: 1, 512>}, {pipeline_mode = #tpu.pipeline_mode<synchronous>, transform_indices = @transform_3, window_bounds = array<i64: 128, 128>}, {transform_indices = @transform_4, window_bounds = array<i64: 1, 1, 1000>}, {pipeline_mode = #tpu.pipeline_mode<synchronous>, transform_indices = @transform_5, window_bounds = array<i64: 256, 512>}, {pipeline_mode = #tpu.pipeline_mode<synchronous>, transform_indices = @transform_6, window_bounds = array<i64: 256, 512>}, {transform_indices = @transform_7, window_bounds = array<i64: 1000, 128>}]} {
    %get3A = arith.constant 0 : index
    %get3A_0 = arith.constant 0 : index
    %get3A_1 = vector.load %arg1[%get3A, %get3A_0] : memref<1000x128xf32, #tpu.memory_space<vmem>>, vector<1000x128xf32>
    %get3A_2 = arith.constant 0 : index
    %get3A_3 = arith.constant 0 : index
    %get3A_4 = vector.load %arg2[%get3A_2, %get3A_3] : memref<128x512xf32, #tpu.memory_space<vmem>>, vector<128x512xf32>
    %get3A_5 = arith.constant 0 : index
    %get3A_6 = arith.constant 0 : index
    %get3A_7 = vector.load %arg3[%get3A_5, %get3A_6] : memref<1x512xf32, #tpu.memory_space<vmem>>, vector<1x512xf32>
    %get3A_8 = arith.constant 0 : index
    %get3A_9 = arith.constant 0 : index
    %get3A_10 = vector.load %arg4[%get3A_8, %get3A_9] : memref<128x128xf32, #tpu.memory_space<vmem>>, vector<128x128xf32>
    %get3A_11 = arith.constant 0 : index
    %get3A_12 = arith.constant 0 : index
    %get3A_13 = arith.constant 0 : index
    %get3A_14 = vector.load %arg5[%get3A_11, %get3A_12, %get3A_13] : memref<1x1x1000xi32, #tpu.memory_space<vmem>>, vector<1x1x1000xi32>
    %get3A_15 = vector.shape_cast %get3A_14 : vector<1x1x1000xi32> to vector<1000xi32>
    %dot_general3A = arith.constant dense<0.000000e+00> : vector<1000x512xf32>
    %dot_general3A_16 = tpu.matmul %get3A_1, %get3A_4, %dot_general3A {dimension_numbers = #tpu.dot_dimension_numbers<[1], [0], [0], [1], [0, 0, 1, 1], [], []>, transpose_lhs_hint = false} : vector<1000x128xf32>, vector<128x512xf32>, vector<1000x512xf32> -> vector<1000x512xf32>
    %add3A = vector.broadcast %get3A_7 : vector<1x512xf32> to vector<1000x512xf32>
    %add3A_17 = arith.addf %dot_general3A_16, %add3A : vector<1000x512xf32>
    %reduce_max3A = arith.constant dense<0xFF800000> : vector<1000xf32>
    %reduce_max3A_18 = vector.multi_reduction <maximumf>, %add3A_17, %reduce_max3A [1] : vector<1000x512xf32> to vector<1000xf32>
    %broadcast_in_dim3A = vector.shape_cast %reduce_max3A_18 : vector<1000xf32> to vector<1000x1xf32>
    %sub3A = vector.broadcast %broadcast_in_dim3A : vector<1000x1xf32> to vector<1000x512xf32>
    %sub3A_19 = arith.subf %add3A_17, %sub3A : vector<1000x512xf32>
    %exp3A = math.exp %sub3A_19 : vector<1000x512xf32>
    %reduce_sum3A = arith.constant dense<0.000000e+00> : vector<1000xf32>
    %reduce_sum3A_20 = vector.multi_reduction <add>, %exp3A, %reduce_sum3A [1] : vector<1000x512xf32> to vector<1000xf32>
    %broadcast_in_dim3A_21 = vector.shape_cast %reduce_sum3A_20 : vector<1000xf32> to vector<1000x1xf32>
    %div3A = vector.broadcast %broadcast_in_dim3A_21 : vector<1000x1xf32> to vector<1000x512xf32>
    %div3A_22 = arith.divf %exp3A, %div3A : vector<1000x512xf32>
    %iota3A = tpu.iota {dimensions = array<i32: 0>} : vector<256x1000xi32>
    %broadcast_in_dim3A_23 = vector.shape_cast %get3A_15 : vector<1000xi32> to vector<1x1000xi32>
    %eq3A = vector.broadcast %broadcast_in_dim3A_23 : vector<1x1000xi32> to vector<256x1000xi32>
    %eq3A_24 = arith.cmpi eq, %eq3A, %iota3A : vector<256x1000xi32>
    %jit3A = arith.constant 1.000000e+00 : f32
    %jit3A_25 = arith.constant 0.000000e+00 : f32
    %broadcast_in_dim3A_26 = vector.broadcast %jit3A : f32 to vector<256x1000xf32>
    %broadcast_in_dim3A_27 = vector.broadcast %jit3A_25 : f32 to vector<256x1000xf32>
    %select_n3A = arith.select %eq3A_24, %broadcast_in_dim3A_26, %broadcast_in_dim3A_27 : vector<256x1000xi1>, vector<256x1000xf32>
    %eq3A_28 = arith.constant 0 : i32
    %eq3A_29 = arith.cmpi eq, %arg0, %eq3A_28 : i32
    %convert_element_type3A = arith.extui %eq3A_29 : i1 to i32
    %cond3A = arith.constant 0 : i32
    %cond3A_30 = arith.cmpi ne, %convert_element_type3A, %cond3A : i32
    scf.if %cond3A_30 {
      %get3A_44 = arith.constant 0 : index
      %get3A_45 = arith.constant 0 : index
      %get3A_46 = vector.load %arg6[%get3A_44, %get3A_45] : memref<256x512xf32, #tpu.memory_space<vmem>>, vector<256x512xf32>
      %swap3A_47 = arith.constant 0 : index
      %swap3A_48 = arith.constant 0 : index
      %swap3A_49 = vector.load %arg7[%swap3A_47, %swap3A_48] : memref<256x512xf32, #tpu.memory_space<vmem>>, vector<256x512xf32>
      tpu.vector_store %arg7[%swap3A_47, %swap3A_48], %get3A_46 {strides = array<i32>} : memref<256x512xf32, #tpu.memory_space<vmem>>, vector<256x512xf32>,
    } else {
    }
    %get3A_31 = arith.constant 0 : index
    %get3A_32 = arith.constant 0 : index
    %get3A_33 = vector.load %arg7[%get3A_31, %get3A_32] : memref<256x512xf32, #tpu.memory_space<vmem>>, vector<256x512xf32>
    %dot_general3A_34 = arith.constant dense<0.000000e+00> : vector<256x512xf32>
    %dot_general3A_35 = tpu.matmul %select_n3A, %div3A_22, %dot_general3A_34 {dimension_numbers = #tpu.dot_dimension_numbers<[1], [0], [0], [1], [0, 0, 1, 1], [], []>, transpose_lhs_hint = false} : vector<256x1000xf32>, vector<1000x512xf32>, vector<256x512xf32> -> vector<256x512xf32>
    %add3A_36 = arith.addf %get3A_33, %dot_general3A_35 : vector<256x512xf32>
    %swap3A = arith.constant 0 : index
    %swap3A_37 = arith.constant 0 : index
    %swap3A_38 = vector.load %arg7[%swap3A, %swap3A_37] : memref<256x512xf32, #tpu.memory_space<vmem>>, vector<256x512xf32>
    tpu.vector_store %arg7[%swap3A, %swap3A_37], %add3A_36 {strides = array<i32>} : memref<256x512xf32, #tpu.memory_space<vmem>>, vector<256x512xf32>,
    %dot_general3A_39 = arith.constant dense<0.000000e+00> : vector<1000x128xf32>
    %dot_general3A_40 = tpu.matmul %get3A_1, %get3A_10, %dot_general3A_39 {dimension_numbers = #tpu.dot_dimension_numbers<[1], [0], [0], [1], [0, 0, 1, 1], [], []>, transpose_lhs_hint = false} : vector<1000x128xf32>, vector<128x128xf32>, vector<1000x128xf32> -> vector<1000x128xf32>
    %swap3A_41 = arith.constant 0 : index
    %swap3A_42 = arith.constant 0 : index
    %swap3A_43 = vector.load %arg8[%swap3A_41, %swap3A_42] : memref<1000x128xf32, #tpu.memory_space<vmem>>, vector<1000x128xf32>
    tpu.vector_store %arg8[%swap3A_41, %swap3A_42], %dot_general3A_40 {strides = array<i32>} : memref<1000x128xf32, #tpu.memory_space<vmem>>, vector<1000x128xf32>,
    return
  }
  func.func @transform_0(%arg0: i32) -> (i32, i32) {
    %c0_i32 = arith.constant 0 : i32
    %c0_i32_0 = arith.constant 0 : i32
    return %arg0, %c0_i32 : i32, i32
  }
  func.func @transform_1(%arg0: i32) -> (i32, i32) {
    %c0_i32 = arith.constant 0 : i32
    %c0_i32_0 = arith.constant 0 : i32
    %c0_i32_1 = arith.constant 0 : i32
    return %c0_i32, %c0_i32_0 : i32, i32
  }
  func.func @transform_2(%arg0: i32) -> (i32, i32) {
    %c0_i32 = arith.constant 0 : i32
    %c0_i32_0 = arith.constant 0 : i32
    %c0_i32_1 = arith.constant 0 : i32
    return %c0_i32, %c0_i32_0 : i32, i32
  }
  func.func @transform_3(%arg0: i32) -> (i32, i32) {
    %c0_i32 = arith.constant 0 : i32
    %c0_i32_0 = arith.constant 0 : i32
    %c0_i32_1 = arith.constant 0 : i32
    return %c0_i32, %c0_i32_0 : i32, i32
  }
  func.func @transform_4(%arg0: i32) -> (i32, i32, i32) {
    %c0_i32 = arith.constant 0 : i32
    %c0_i32_0 = arith.constant 0 : i32
    %c0_i32_1 = arith.constant 0 : i32
    return %arg0, %c0_i32, %c0_i32_0 : i32, i32, i32
  }
  func.func @transform_5(%arg0: i32) -> (i32, i32) {
    %c0_i32 = arith.constant 0 : i32
    %c0_i32_0 = arith.constant 0 : i32
    %c0_i32_1 = arith.constant 0 : i32
    return %c0_i32, %c0_i32_0 : i32, i32
  }
  func.func @transform_6(%arg0: i32) -> (i32, i32) {
    %c0_i32 = arith.constant 0 : i32
    %c0_i32_0 = arith.constant 0 : i32
    %c0_i32_1 = arith.constant 0 : i32
    return %c0_i32, %c0_i32_0 : i32, i32
  }
  func.func @transform_7(%arg0: i32) -> (i32, i32) {
    %c0_i32 = arith.constant 0 : i32
    %c0_i32_0 = arith.constant 0 : i32
    return %arg0, %c0_i32 : i32, i32
  }
}

module attributes {stable_mosaic.version = 14 : i64} {
  func.func @_ea_proj_body(%arg0: i32, %arg1: memref<4000x16xf32, #tpu.memory_space<vmem>>, %arg2: memref<16x128xf32, #tpu.memory_space<vmem>>, %arg3: memref<4000x128xf32, #tpu.memory_space<vmem>>) attributes {dimension_semantics = [#tpu.dimension_semantics<arbitrary>], iteration_bounds = array<i64: 80>, scalar_prefetch = 0 : i64, scratch_operands = 0 : i64, tpu.core_type = #tpu.core_type<tc>, window_params = [{transform_indices = @transform_0, window_bounds = array<i64: 4000, 16>}, {pipeline_mode = #tpu.pipeline_mode<synchronous>, transform_indices = @transform_1, window_bounds = array<i64: 16, 128>}, {transform_indices = @transform_2, window_bounds = array<i64: 4000, 128>}]} {
    %get3A = arith.constant 0 : index
    %get3A_0 = arith.constant 0 : index
    %get3A_1 = vector.load %arg1[%get3A, %get3A_0] : memref<4000x16xf32, #tpu.memory_space<vmem>>, vector<4000x16xf32>
    %get3A_2 = arith.constant 0 : index
    %get3A_3 = arith.constant 0 : index
    %get3A_4 = vector.load %arg2[%get3A_2, %get3A_3] : memref<16x128xf32, #tpu.memory_space<vmem>>, vector<16x128xf32>
    %dot_general3A = arith.constant dense<0.000000e+00> : vector<4000x128xf32>
    %dot_general3A_5 = tpu.matmul %get3A_1, %get3A_4, %dot_general3A {dimension_numbers = #tpu.dot_dimension_numbers<[1], [0], [0], [1], [0, 0, 1, 1], [], []>, transpose_lhs_hint = false} : vector<4000x16xf32>, vector<16x128xf32>, vector<4000x128xf32> -> vector<4000x128xf32>
    %swap3A = arith.constant 0 : index
    %swap3A_6 = arith.constant 0 : index
    %swap3A_7 = vector.load %arg3[%swap3A, %swap3A_6] : memref<4000x128xf32, #tpu.memory_space<vmem>>, vector<4000x128xf32>
    tpu.vector_store %arg3[%swap3A, %swap3A_6], %dot_general3A_5 {strides = array<i32>} : memref<4000x128xf32, #tpu.memory_space<vmem>>, vector<4000x128xf32>,
    return
  }
  func.func @transform_0(%arg0: i32) -> (i32, i32) {
    %c0_i32 = arith.constant 0 : i32
    %c0_i32_0 = arith.constant 0 : i32
    return %arg0, %c0_i32 : i32, i32
  }
  func.func @transform_1(%arg0: i32) -> (i32, i32) {
    %c0_i32 = arith.constant 0 : i32
    %c0_i32_0 = arith.constant 0 : i32
    %c0_i32_1 = arith.constant 0 : i32
    return %c0_i32, %c0_i32_0 : i32, i32
  }
  func.func @transform_2(%arg0: i32) -> (i32, i32) {
    %c0_i32 = arith.constant 0 : i32
    %c0_i32_0 = arith.constant 0 : i32
    return %arg0, %c0_i32 : i32, i32
  }
}

module attributes {stable_mosaic.version = 14 : i64} {
  func.func @_iter_rest_body(%arg0: i32, %arg1: memref<2x1000x128xf32, #tpu.memory_space<vmem>>, %arg2: memref<1000x128xf32, #tpu.memory_space<vmem>>, %arg3: memref<2x1000x128xf32, #tpu.memory_space<vmem>>, %arg4: memref<1x128xf32, #tpu.memory_space<vmem>>, %arg5: memref<128x512xf32, #tpu.memory_space<vmem>>, %arg6: memref<1x512xf32, #tpu.memory_space<vmem>>, %arg7: memref<128x128xf32, #tpu.memory_space<vmem>>, %arg8: memref<1x1x1000xi32, #tpu.memory_space<vmem>>, %arg9: memref<256x512xf32, #tpu.memory_space<vmem>>, %arg10: memref<256x512xf32, #tpu.memory_space<vmem>>, %arg11: memref<1000x128xf32, #tpu.memory_space<vmem>>) attributes {dimension_semantics = [#tpu.dimension_semantics<arbitrary>], iteration_bounds = array<i64: 10>, scalar_prefetch = 0 : i64, scratch_operands = 0 : i64, tpu.core_type = #tpu.core_type<tc>, window_params = [{transform_indices = @transform_0, window_bounds = array<i64: 2, 1000, 128>}, {transform_indices = @transform_1, window_bounds = array<i64: 1000, 128>}, {transform_indices = @transform_2, window_bounds = array<i64: 2, 1000, 128>}, {pipeline_mode = #tpu.pipeline_mode<synchronous>, transform_indices = @transform_3, window_bounds = array<i64: 1, 128>}, {pipeline_mode = #tpu.pipeline_mode<synchronous>, transform_indices = @transform_4, window_bounds = array<i64: 128, 512>}, {pipeline_mode = #tpu.pipeline_mode<synchronous>, transform_indices = @transform_5, window_bounds = array<i64: 1, 512>}, {pipeline_mode = #tpu.pipeline_mode<synchronous>, transform_indices = @transform_6, window_bounds = array<i64: 128, 128>}, {transform_indices = @transform_7, window_bounds = array<i64: 1, 1, 1000>}, {pipeline_mode = #tpu.pipeline_mode<synchronous>, transform_indices = @transform_8, window_bounds = array<i64: 256, 512>}, {pipeline_mode = #tpu.pipeline_mode<synchronous>, transform_indices = @transform_9, window_bounds = array<i64: 256, 512>}, {transform_indices = @transform_10, window_bounds = array<i64: 1000, 128>}]} {
    %get3A = arith.constant 0 : index
    %get3A_0 = arith.constant 0 : index
    %get3A_1 = arith.constant 0 : index
    %get3A_2 = vector.load %arg1[%get3A, %get3A_0, %get3A_1] : memref<2x1000x128xf32, #tpu.memory_space<vmem>>, vector<1x1000x128xf32>
    %get3A_3 = vector.shape_cast %get3A_2 : vector<1x1000x128xf32> to vector<1000x128xf32>
    %get3A_4 = arith.constant 1 : index
    %get3A_5 = arith.constant 0 : index
    %get3A_6 = arith.constant 0 : index
    %get3A_7 = vector.load %arg1[%get3A_4, %get3A_5, %get3A_6] : memref<2x1000x128xf32, #tpu.memory_space<vmem>>, vector<1x1000x128xf32>
    %get3A_8 = vector.shape_cast %get3A_7 : vector<1x1000x128xf32> to vector<1000x128xf32>
    %add3A = arith.addf %get3A_3, %get3A_8 : vector<1000x128xf32>
    %get3A_9 = arith.constant 0 : index
    %get3A_10 = arith.constant 0 : index
    %get3A_11 = vector.load %arg2[%get3A_9, %get3A_10] : memref<1000x128xf32, #tpu.memory_space<vmem>>, vector<1000x128xf32>
    %add3A_12 = arith.addf %add3A, %get3A_11 : vector<1000x128xf32>
    %get3A_13 = arith.constant 0 : index
    %get3A_14 = arith.constant 0 : index
    %get3A_15 = arith.constant 0 : index
    %get3A_16 = vector.load %arg3[%get3A_13, %get3A_14, %get3A_15] : memref<2x1000x128xf32, #tpu.memory_space<vmem>>, vector<1x1000x128xf32>
    %get3A_17 = vector.shape_cast %get3A_16 : vector<1x1000x128xf32> to vector<1000x128xf32>
    %add3A_18 = arith.addf %add3A_12, %get3A_17 : vector<1000x128xf32>
    %get3A_19 = arith.constant 1 : index
    %get3A_20 = arith.constant 0 : index
    %get3A_21 = arith.constant 0 : index
    %get3A_22 = vector.load %arg3[%get3A_19, %get3A_20, %get3A_21] : memref<2x1000x128xf32, #tpu.memory_space<vmem>>, vector<1x1000x128xf32>
    %get3A_23 = vector.shape_cast %get3A_22 : vector<1x1000x128xf32> to vector<1000x128xf32>
    %add3A_24 = arith.addf %add3A_18, %get3A_23 : vector<1000x128xf32>
    %get3A_25 = arith.constant 0 : index
    %get3A_26 = arith.constant 0 : index
    %get3A_27 = vector.load %arg4[%get3A_25, %get3A_26] : memref<1x128xf32, #tpu.memory_space<vmem>>, vector<1x128xf32>
    %add3A_28 = vector.broadcast %get3A_27 : vector<1x128xf32> to vector<1000x128xf32>
    %add3A_29 = arith.addf %add3A_24, %add3A_28 : vector<1000x128xf32>
    %get3A_30 = arith.constant 0 : index
    %get3A_31 = arith.constant 0 : index
    %get3A_32 = vector.load %arg5[%get3A_30, %get3A_31] : memref<128x512xf32, #tpu.memory_space<vmem>>, vector<128x512xf32>
    %get3A_33 = arith.constant 0 : index
    %get3A_34 = arith.constant 0 : index
    %get3A_35 = vector.load %arg6[%get3A_33, %get3A_34] : memref<1x512xf32, #tpu.memory_space<vmem>>, vector<1x512xf32>
    %get3A_36 = arith.constant 0 : index
    %get3A_37 = arith.constant 0 : index
    %get3A_38 = vector.load %arg7[%get3A_36, %get3A_37] : memref<128x128xf32, #tpu.memory_space<vmem>>, vector<128x128xf32>
    %get3A_39 = arith.constant 0 : index
    %get3A_40 = arith.constant 0 : index
    %get3A_41 = arith.constant 0 : index
    %get3A_42 = vector.load %arg8[%get3A_39, %get3A_40, %get3A_41] : memref<1x1x1000xi32, #tpu.memory_space<vmem>>, vector<1x1x1000xi32>
    %get3A_43 = vector.shape_cast %get3A_42 : vector<1x1x1000xi32> to vector<1000xi32>
    %dot_general3A = arith.constant dense<0.000000e+00> : vector<1000x512xf32>
    %dot_general3A_44 = tpu.matmul %add3A_29, %get3A_32, %dot_general3A {dimension_numbers = #tpu.dot_dimension_numbers<[1], [0], [0], [1], [0, 0, 1, 1], [], []>, transpose_lhs_hint = false} : vector<1000x128xf32>, vector<128x512xf32>, vector<1000x512xf32> -> vector<1000x512xf32>
    %add3A_45 = vector.broadcast %get3A_35 : vector<1x512xf32> to vector<1000x512xf32>
    %add3A_46 = arith.addf %dot_general3A_44, %add3A_45 : vector<1000x512xf32>
    %reduce_max3A = arith.constant dense<0xFF800000> : vector<1000xf32>
    %reduce_max3A_47 = vector.multi_reduction <maximumf>, %add3A_46, %reduce_max3A [1] : vector<1000x512xf32> to vector<1000xf32>
    %broadcast_in_dim3A = vector.shape_cast %reduce_max3A_47 : vector<1000xf32> to vector<1000x1xf32>
    %sub3A = vector.broadcast %broadcast_in_dim3A : vector<1000x1xf32> to vector<1000x512xf32>
    %sub3A_48 = arith.subf %add3A_46, %sub3A : vector<1000x512xf32>
    %exp3A = math.exp %sub3A_48 : vector<1000x512xf32>
    %reduce_sum3A = arith.constant dense<0.000000e+00> : vector<1000xf32>
    %reduce_sum3A_49 = vector.multi_reduction <add>, %exp3A, %reduce_sum3A [1] : vector<1000x512xf32> to vector<1000xf32>
    %broadcast_in_dim3A_50 = vector.shape_cast %reduce_sum3A_49 : vector<1000xf32> to vector<1000x1xf32>
    %div3A = vector.broadcast %broadcast_in_dim3A_50 : vector<1000x1xf32> to vector<1000x512xf32>
    %div3A_51 = arith.divf %exp3A, %div3A : vector<1000x512xf32>
    %iota3A = tpu.iota {dimensions = array<i32: 0>} : vector<256x1000xi32>
    %broadcast_in_dim3A_52 = vector.shape_cast %get3A_43 : vector<1000xi32> to vector<1x1000xi32>
    %eq3A = vector.broadcast %broadcast_in_dim3A_52 : vector<1x1000xi32> to vector<256x1000xi32>
    %eq3A_53 = arith.cmpi eq, %eq3A, %iota3A : vector<256x1000xi32>
    %jit3A = arith.constant 1.000000e+00 : f32
    %jit3A_54 = arith.constant 0.000000e+00 : f32
    %broadcast_in_dim3A_55 = vector.broadcast %jit3A : f32 to vector<256x1000xf32>
    %broadcast_in_dim3A_56 = vector.broadcast %jit3A_54 : f32 to vector<256x1000xf32>
    %select_n3A = arith.select %eq3A_53, %broadcast_in_dim3A_55, %broadcast_in_dim3A_56 : vector<256x1000xi1>, vector<256x1000xf32>
    %eq3A_57 = arith.constant 0 : i32
    %eq3A_58 = arith.cmpi eq, %arg0, %eq3A_57 : i32
    %convert_element_type3A = arith.extui %eq3A_58 : i1 to i32
    %cond3A = arith.constant 0 : i32
    %cond3A_59 = arith.cmpi ne, %convert_element_type3A, %cond3A : i32
    scf.if %cond3A_59 {
      %get3A_73 = arith.constant 0 : index
      %get3A_74 = arith.constant 0 : index
      %get3A_75 = vector.load %arg9[%get3A_73, %get3A_74] : memref<256x512xf32, #tpu.memory_space<vmem>>, vector<256x512xf32>
      %swap3A_76 = arith.constant 0 : index
      %swap3A_77 = arith.constant 0 : index
      %swap3A_78 = vector.load %arg10[%swap3A_76, %swap3A_77] : memref<256x512xf32, #tpu.memory_space<vmem>>, vector<256x512xf32>
      tpu.vector_store %arg10[%swap3A_76, %swap3A_77], %get3A_75 {strides = array<i32>} : memref<256x512xf32, #tpu.memory_space<vmem>>, vector<256x512xf32>,
    } else {
    }
    %get3A_60 = arith.constant 0 : index
    %get3A_61 = arith.constant 0 : index
    %get3A_62 = vector.load %arg10[%get3A_60, %get3A_61] : memref<256x512xf32, #tpu.memory_space<vmem>>, vector<256x512xf32>
    %dot_general3A_63 = arith.constant dense<0.000000e+00> : vector<256x512xf32>
    %dot_general3A_64 = tpu.matmul %select_n3A, %div3A_51, %dot_general3A_63 {dimension_numbers = #tpu.dot_dimension_numbers<[1], [0], [0], [1], [0, 0, 1, 1], [], []>, transpose_lhs_hint = false} : vector<256x1000xf32>, vector<1000x512xf32>, vector<256x512xf32> -> vector<256x512xf32>
    %add3A_65 = arith.addf %get3A_62, %dot_general3A_64 : vector<256x512xf32>
    %swap3A = arith.constant 0 : index
    %swap3A_66 = arith.constant 0 : index
    %swap3A_67 = vector.load %arg10[%swap3A, %swap3A_66] : memref<256x512xf32, #tpu.memory_space<vmem>>, vector<256x512xf32>
    tpu.vector_store %arg10[%swap3A, %swap3A_66], %add3A_65 {strides = array<i32>} : memref<256x512xf32, #tpu.memory_space<vmem>>, vector<256x512xf32>,
    %dot_general3A_68 = arith.constant dense<0.000000e+00> : vector<1000x128xf32>
    %dot_general3A_69 = tpu.matmul %add3A_29, %get3A_38, %dot_general3A_68 {dimension_numbers = #tpu.dot_dimension_numbers<[1], [0], [0], [1], [0, 0, 1, 1], [], []>, transpose_lhs_hint = false} : vector<1000x128xf32>, vector<128x128xf32>, vector<1000x128xf32> -> vector<1000x128xf32>
    %swap3A_70 = arith.constant 0 : index
    %swap3A_71 = arith.constant 0 : index
    %swap3A_72 = vector.load %arg11[%swap3A_70, %swap3A_71] : memref<1000x128xf32, #tpu.memory_space<vmem>>, vector<1000x128xf32>
    tpu.vector_store %arg11[%swap3A_70, %swap3A_71], %dot_general3A_69 {strides = array<i32>} : memref<1000x128xf32, #tpu.memory_space<vmem>>, vector<1000x128xf32>,
    return
  }
  func.func @transform_0(%arg0: i32) -> (i32, i32, i32) {
    %c0_i32 = arith.constant 0 : i32
    %c0_i32_0 = arith.constant 0 : i32
    %c0_i32_1 = arith.constant 0 : i32
    return %c0_i32, %arg0, %c0_i32_0 : i32, i32, i32
  }
  func.func @transform_1(%arg0: i32) -> (i32, i32) {
    %c0_i32 = arith.constant 0 : i32
    %c0_i32_0 = arith.constant 0 : i32
    return %arg0, %c0_i32 : i32, i32
  }
  func.func @transform_2(%arg0: i32) -> (i32, i32, i32) {
    %c0_i32 = arith.constant 0 : i32
    %c0_i32_0 = arith.constant 0 : i32
    %c0_i32_1 = arith.constant 0 : i32
    return %c0_i32, %arg0, %c0_i32_0 : i32, i32, i32
  }
  func.func @transform_3(%arg0: i32) -> (i32, i32) {
    %c0_i32 = arith.constant 0 : i32
    %c0_i32_0 = arith.constant 0 : i32
    %c0_i32_1 = arith.constant 0 : i32
    return %c0_i32, %c0_i32_0 : i32, i32
  }
  func.func @transform_4(%arg0: i32) -> (i32, i32) {
    %c0_i32 = arith.constant 0 : i32
    %c0_i32_0 = arith.constant 0 : i32
    %c0_i32_1 = arith.constant 0 : i32
    return %c0_i32, %c0_i32_0 : i32, i32
  }
  func.func @transform_5(%arg0: i32) -> (i32, i32) {
    %c0_i32 = arith.constant 0 : i32
    %c0_i32_0 = arith.constant 0 : i32
    %c0_i32_1 = arith.constant 0 : i32
    return %c0_i32, %c0_i32_0 : i32, i32
  }
  func.func @transform_6(%arg0: i32) -> (i32, i32) {
    %c0_i32 = arith.constant 0 : i32
    %c0_i32_0 = arith.constant 0 : i32
    %c0_i32_1 = arith.constant 0 : i32
    return %c0_i32, %c0_i32_0 : i32, i32
  }
  func.func @transform_7(%arg0: i32) -> (i32, i32, i32) {
    %c0_i32 = arith.constant 0 : i32
    %c0_i32_0 = arith.constant 0 : i32
    %c0_i32_1 = arith.constant 0 : i32
    return %arg0, %c0_i32, %c0_i32_0 : i32, i32, i32
  }
  func.func @transform_8(%arg0: i32) -> (i32, i32) {
    %c0_i32 = arith.constant 0 : i32
    %c0_i32_0 = arith.constant 0 : i32
    %c0_i32_1 = arith.constant 0 : i32
    return %c0_i32, %c0_i32_0 : i32, i32
  }
  func.func @transform_9(%arg0: i32) -> (i32, i32) {
    %c0_i32 = arith.constant 0 : i32
    %c0_i32_0 = arith.constant 0 : i32
    %c0_i32_1 = arith.constant 0 : i32
    return %c0_i32, %c0_i32_0 : i32, i32
  }
  func.func @transform_10(%arg0: i32) -> (i32, i32) {
    %c0_i32 = arith.constant 0 : i32
    %c0_i32_0 = arith.constant 0 : i32
    return %arg0, %c0_i32 : i32, i32
  }
}

module attributes {stable_mosaic.version = 14 : i64} {
  func.func @body(%arg0: i32, %arg1: memref<2x1000x128xf32, #tpu.memory_space<vmem>>, %arg2: memref<1000x128xf32, #tpu.memory_space<vmem>>, %arg3: memref<2x1000x128xf32, #tpu.memory_space<vmem>>, %arg4: memref<1x128xf32, #tpu.memory_space<vmem>>, %arg5: memref<128x512xf32, #tpu.memory_space<vmem>>, %arg6: memref<1x512xf32, #tpu.memory_space<vmem>>, %arg7: memref<128x128xf32, #tpu.memory_space<vmem>>, %arg8: memref<1x1x1000xi32, #tpu.memory_space<vmem>>, %arg9: memref<256x512xf32, #tpu.memory_space<vmem>>, %arg10: memref<256x512xf32, #tpu.memory_space<vmem>>) attributes {dimension_semantics = [#tpu.dimension_semantics<arbitrary>], iteration_bounds = array<i64: 10>, scalar_prefetch = 0 : i64, scratch_operands = 0 : i64, tpu.core_type = #tpu.core_type<tc>, window_params = [{transform_indices = @transform_0, window_bounds = array<i64: 2, 1000, 128>}, {transform_indices = @transform_1, window_bounds = array<i64: 1000, 128>}, {transform_indices = @transform_2, window_bounds = array<i64: 2, 1000, 128>}, {pipeline_mode = #tpu.pipeline_mode<synchronous>, transform_indices = @transform_3, window_bounds = array<i64: 1, 128>}, {pipeline_mode = #tpu.pipeline_mode<synchronous>, transform_indices = @transform_4, window_bounds = array<i64: 128, 512>}, {pipeline_mode = #tpu.pipeline_mode<synchronous>, transform_indices = @transform_5, window_bounds = array<i64: 1, 512>}, {pipeline_mode = #tpu.pipeline_mode<synchronous>, transform_indices = @transform_6, window_bounds = array<i64: 128, 128>}, {transform_indices = @transform_7, window_bounds = array<i64: 1, 1, 1000>}, {pipeline_mode = #tpu.pipeline_mode<synchronous>, transform_indices = @transform_8, window_bounds = array<i64: 256, 512>}, {pipeline_mode = #tpu.pipeline_mode<synchronous>, transform_indices = @transform_9, window_bounds = array<i64: 256, 512>}]} {
    %get3A = arith.constant 0 : index
    %get3A_0 = arith.constant 0 : index
    %get3A_1 = arith.constant 0 : index
    %get3A_2 = vector.load %arg1[%get3A, %get3A_0, %get3A_1] : memref<2x1000x128xf32, #tpu.memory_space<vmem>>, vector<1x1000x128xf32>
    %get3A_3 = vector.shape_cast %get3A_2 : vector<1x1000x128xf32> to vector<1000x128xf32>
    %get3A_4 = arith.constant 1 : index
    %get3A_5 = arith.constant 0 : index
    %get3A_6 = arith.constant 0 : index
    %get3A_7 = vector.load %arg1[%get3A_4, %get3A_5, %get3A_6] : memref<2x1000x128xf32, #tpu.memory_space<vmem>>, vector<1x1000x128xf32>
    %get3A_8 = vector.shape_cast %get3A_7 : vector<1x1000x128xf32> to vector<1000x128xf32>
    %add3A = arith.addf %get3A_3, %get3A_8 : vector<1000x128xf32>
    %get3A_9 = arith.constant 0 : index
    %get3A_10 = arith.constant 0 : index
    %get3A_11 = vector.load %arg2[%get3A_9, %get3A_10] : memref<1000x128xf32, #tpu.memory_space<vmem>>, vector<1000x128xf32>
    %add3A_12 = arith.addf %add3A, %get3A_11 : vector<1000x128xf32>
    %get3A_13 = arith.constant 0 : index
    %get3A_14 = arith.constant 0 : index
    %get3A_15 = arith.constant 0 : index
    %get3A_16 = vector.load %arg3[%get3A_13, %get3A_14, %get3A_15] : memref<2x1000x128xf32, #tpu.memory_space<vmem>>, vector<1x1000x128xf32>
    %get3A_17 = vector.shape_cast %get3A_16 : vector<1x1000x128xf32> to vector<1000x128xf32>
    %add3A_18 = arith.addf %add3A_12, %get3A_17 : vector<1000x128xf32>
    %get3A_19 = arith.constant 1 : index
    %get3A_20 = arith.constant 0 : index
    %get3A_21 = arith.constant 0 : index
    %get3A_22 = vector.load %arg3[%get3A_19, %get3A_20, %get3A_21] : memref<2x1000x128xf32, #tpu.memory_space<vmem>>, vector<1x1000x128xf32>
    %get3A_23 = vector.shape_cast %get3A_22 : vector<1x1000x128xf32> to vector<1000x128xf32>
    %add3A_24 = arith.addf %add3A_18, %get3A_23 : vector<1000x128xf32>
    %get3A_25 = arith.constant 0 : index
    %get3A_26 = arith.constant 0 : index
    %get3A_27 = vector.load %arg4[%get3A_25, %get3A_26] : memref<1x128xf32, #tpu.memory_space<vmem>>, vector<1x128xf32>
    %add3A_28 = vector.broadcast %get3A_27 : vector<1x128xf32> to vector<1000x128xf32>
    %add3A_29 = arith.addf %add3A_24, %add3A_28 : vector<1000x128xf32>
    %get3A_30 = arith.constant 0 : index
    %get3A_31 = arith.constant 0 : index
    %get3A_32 = vector.load %arg5[%get3A_30, %get3A_31] : memref<128x512xf32, #tpu.memory_space<vmem>>, vector<128x512xf32>
    %get3A_33 = arith.constant 0 : index
    %get3A_34 = arith.constant 0 : index
    %get3A_35 = vector.load %arg6[%get3A_33, %get3A_34] : memref<1x512xf32, #tpu.memory_space<vmem>>, vector<1x512xf32>
    %get3A_36 = arith.constant 0 : index
    %get3A_37 = arith.constant 0 : index
    %get3A_38 = arith.constant 0 : index
    %get3A_39 = vector.load %arg8[%get3A_36, %get3A_37, %get3A_38] : memref<1x1x1000xi32, #tpu.memory_space<vmem>>, vector<1x1x1000xi32>
    %get3A_40 = vector.shape_cast %get3A_39 : vector<1x1x1000xi32> to vector<1000xi32>
    %dot_general3A = arith.constant dense<0.000000e+00> : vector<1000x512xf32>
    %dot_general3A_41 = tpu.matmul %add3A_29, %get3A_32, %dot_general3A {dimension_numbers = #tpu.dot_dimension_numbers<[1], [0], [0], [1], [0, 0, 1, 1], [], []>, transpose_lhs_hint = false} : vector<1000x128xf32>, vector<128x512xf32>, vector<1000x512xf32> -> vector<1000x512xf32>
    %add3A_42 = vector.broadcast %get3A_35 : vector<1x512xf32> to vector<1000x512xf32>
    %add3A_43 = arith.addf %dot_general3A_41, %add3A_42 : vector<1000x512xf32>
    %reduce_max3A = arith.constant dense<0xFF800000> : vector<1000xf32>
    %reduce_max3A_44 = vector.multi_reduction <maximumf>, %add3A_43, %reduce_max3A [1] : vector<1000x512xf32> to vector<1000xf32>
    %broadcast_in_dim3A = vector.shape_cast %reduce_max3A_44 : vector<1000xf32> to vector<1000x1xf32>
    %sub3A = vector.broadcast %broadcast_in_dim3A : vector<1000x1xf32> to vector<1000x512xf32>
    %sub3A_45 = arith.subf %add3A_43, %sub3A : vector<1000x512xf32>
    %exp3A = math.exp %sub3A_45 : vector<1000x512xf32>
    %reduce_sum3A = arith.constant dense<0.000000e+00> : vector<1000xf32>
    %reduce_sum3A_46 = vector.multi_reduction <add>, %exp3A, %reduce_sum3A [1] : vector<1000x512xf32> to vector<1000xf32>
    %broadcast_in_dim3A_47 = vector.shape_cast %reduce_sum3A_46 : vector<1000xf32> to vector<1000x1xf32>
    %div3A = vector.broadcast %broadcast_in_dim3A_47 : vector<1000x1xf32> to vector<1000x512xf32>
    %div3A_48 = arith.divf %exp3A, %div3A : vector<1000x512xf32>
    %iota3A = tpu.iota {dimensions = array<i32: 0>} : vector<256x1000xi32>
    %broadcast_in_dim3A_49 = vector.shape_cast %get3A_40 : vector<1000xi32> to vector<1x1000xi32>
    %eq3A = vector.broadcast %broadcast_in_dim3A_49 : vector<1x1000xi32> to vector<256x1000xi32>
    %eq3A_50 = arith.cmpi eq, %eq3A, %iota3A : vector<256x1000xi32>
    %jit3A = arith.constant 1.000000e+00 : f32
    %jit3A_51 = arith.constant 0.000000e+00 : f32
    %broadcast_in_dim3A_52 = vector.broadcast %jit3A : f32 to vector<256x1000xf32>
    %broadcast_in_dim3A_53 = vector.broadcast %jit3A_51 : f32 to vector<256x1000xf32>
    %select_n3A = arith.select %eq3A_50, %broadcast_in_dim3A_52, %broadcast_in_dim3A_53 : vector<256x1000xi1>, vector<256x1000xf32>
    %eq3A_54 = arith.constant 0 : i32
    %eq3A_55 = arith.cmpi eq, %arg0, %eq3A_54 : i32
    %convert_element_type3A = arith.extui %eq3A_55 : i1 to i32
    %cond3A = arith.constant 0 : i32
    %cond3A_56 = arith.cmpi ne, %convert_element_type3A, %cond3A : i32
    scf.if %cond3A_56 {
      %get3A_65 = arith.constant 0 : index
      %get3A_66 = arith.constant 0 : index
      %get3A_67 = vector.load %arg9[%get3A_65, %get3A_66] : memref<256x512xf32, #tpu.memory_space<vmem>>, vector<256x512xf32>
      %swap3A_68 = arith.constant 0 : index
      %swap3A_69 = arith.constant 0 : index
      %swap3A_70 = vector.load %arg10[%swap3A_68, %swap3A_69] : memref<256x512xf32, #tpu.memory_space<vmem>>, vector<256x512xf32>
      tpu.vector_store %arg10[%swap3A_68, %swap3A_69], %get3A_67 {strides = array<i32>} : memref<256x512xf32, #tpu.memory_space<vmem>>, vector<256x512xf32>,
    } else {
    }
    %get3A_57 = arith.constant 0 : index
    %get3A_58 = arith.constant 0 : index
    %get3A_59 = vector.load %arg10[%get3A_57, %get3A_58] : memref<256x512xf32, #tpu.memory_space<vmem>>, vector<256x512xf32>
    %dot_general3A_60 = arith.constant dense<0.000000e+00> : vector<256x512xf32>
    %dot_general3A_61 = tpu.matmul %select_n3A, %div3A_48, %dot_general3A_60 {dimension_numbers = #tpu.dot_dimension_numbers<[1], [0], [0], [1], [0, 0, 1, 1], [], []>, transpose_lhs_hint = false} : vector<256x1000xf32>, vector<1000x512xf32>, vector<256x512xf32> -> vector<256x512xf32>
    %add3A_62 = arith.addf %get3A_59, %dot_general3A_61 : vector<256x512xf32>
    %swap3A = arith.constant 0 : index
    %swap3A_63 = arith.constant 0 : index
    %swap3A_64 = vector.load %arg10[%swap3A, %swap3A_63] : memref<256x512xf32, #tpu.memory_space<vmem>>, vector<256x512xf32>
    tpu.vector_store %arg10[%swap3A, %swap3A_63], %add3A_62 {strides = array<i32>} : memref<256x512xf32, #tpu.memory_space<vmem>>, vector<256x512xf32>,
    return
  }
  func.func @transform_0(%arg0: i32) -> (i32, i32, i32) {
    %c0_i32 = arith.constant 0 : i32
    %c0_i32_0 = arith.constant 0 : i32
    %c0_i32_1 = arith.constant 0 : i32
    return %c0_i32, %arg0, %c0_i32_0 : i32, i32, i32
  }
  func.func @transform_1(%arg0: i32) -> (i32, i32) {
    %c0_i32 = arith.constant 0 : i32
    %c0_i32_0 = arith.constant 0 : i32
    return %arg0, %c0_i32 : i32, i32
  }
  func.func @transform_2(%arg0: i32) -> (i32, i32, i32) {
    %c0_i32 = arith.constant 0 : i32
    %c0_i32_0 = arith.constant 0 : i32
    %c0_i32_1 = arith.constant 0 : i32
    return %c0_i32, %arg0, %c0_i32_0 : i32, i32, i32
  }
  func.func @transform_3(%arg0: i32) -> (i32, i32) {
    %c0_i32 = arith.constant 0 : i32
    %c0_i32_0 = arith.constant 0 : i32
    %c0_i32_1 = arith.constant 0 : i32
    return %c0_i32, %c0_i32_0 : i32, i32
  }
  func.func @transform_4(%arg0: i32) -> (i32, i32) {
    %c0_i32 = arith.constant 0 : i32
    %c0_i32_0 = arith.constant 0 : i32
    %c0_i32_1 = arith.constant 0 : i32
    return %c0_i32, %c0_i32_0 : i32, i32
  }
  func.func @transform_5(%arg0: i32) -> (i32, i32) {
    %c0_i32 = arith.constant 0 : i32
    %c0_i32_0 = arith.constant 0 : i32
    %c0_i32_1 = arith.constant 0 : i32
    return %c0_i32, %c0_i32_0 : i32, i32
  }
  func.func @transform_6(%arg0: i32) -> (i32, i32) {
    %c0_i32 = arith.constant 0 : i32
    %c0_i32_0 = arith.constant 0 : i32
    %c0_i32_1 = arith.constant 0 : i32
    return %c0_i32, %c0_i32_0 : i32, i32
  }
  func.func @transform_7(%arg0: i32) -> (i32, i32, i32) {
    %c0_i32 = arith.constant 0 : i32
    %c0_i32_0 = arith.constant 0 : i32
    %c0_i32_1 = arith.constant 0 : i32
    return %arg0, %c0_i32, %c0_i32_0 : i32, i32, i32
  }
  func.func @transform_8(%arg0: i32) -> (i32, i32) {
    %c0_i32 = arith.constant 0 : i32
    %c0_i32_0 = arith.constant 0 : i32
    %c0_i32_1 = arith.constant 0 : i32
    return %c0_i32, %c0_i32_0 : i32, i32
  }
  func.func @transform_9(%arg0: i32) -> (i32, i32) {
    %c0_i32 = arith.constant 0 : i32
    %c0_i32_0 = arith.constant 0 : i32
    %c0_i32_1 = arith.constant 0 : i32
    return %c0_i32, %c0_i32_0 : i32, i32
  }
}

module attributes {stable_mosaic.version = 14 : i64} {
  func.func @_mlp_body(%arg0: memref<256x512xf32, #tpu.memory_space<vmem>>, %arg1: memref<512x64xf32, #tpu.memory_space<vmem>>, %arg2: memref<1x64xf32, #tpu.memory_space<vmem>>, %arg3: memref<64x1xf32, #tpu.memory_space<vmem>>, %arg4: memref<1x1xf32, #tpu.memory_space<vmem>>, %arg5: memref<256x1xf32, #tpu.memory_space<vmem>>) attributes {dimension_semantics = [], scalar_prefetch = 0 : i64, scratch_operands = 0 : i64, tpu.core_type = #tpu.core_type<tc>} {
    %get3A = arith.constant 0 : index
    %get3A_0 = arith.constant 0 : index
    %get3A_1 = vector.load %arg0[%get3A, %get3A_0] : memref<256x512xf32, #tpu.memory_space<vmem>>, vector<256x512xf32>
    %get3A_2 = arith.constant 0 : index
    %get3A_3 = arith.constant 0 : index
    %get3A_4 = vector.load %arg1[%get3A_2, %get3A_3] : memref<512x64xf32, #tpu.memory_space<vmem>>, vector<512x64xf32>
    %dot_general3A = arith.constant dense<0.000000e+00> : vector<256x64xf32>
    %dot_general3A_5 = tpu.matmul %get3A_1, %get3A_4, %dot_general3A {dimension_numbers = #tpu.dot_dimension_numbers<[1], [0], [0], [1], [0, 0, 1, 1], [], []>, transpose_lhs_hint = false} : vector<256x512xf32>, vector<512x64xf32>, vector<256x64xf32> -> vector<256x64xf32>
    %get3A_6 = arith.constant 0 : index
    %get3A_7 = arith.constant 0 : index
    %get3A_8 = vector.load %arg2[%get3A_6, %get3A_7] : memref<1x64xf32, #tpu.memory_space<vmem>>, vector<1x64xf32>
    %add3A = vector.broadcast %get3A_8 : vector<1x64xf32> to vector<256x64xf32>
    %add3A_9 = arith.addf %dot_general3A_5, %add3A : vector<256x64xf32>
    %get3A_10 = arith.constant 0 : index
    %get3A_11 = arith.constant 0 : index
    %get3A_12 = vector.load %arg3[%get3A_10, %get3A_11] : memref<64x1xf32, #tpu.memory_space<vmem>>, vector<64x1xf32>
    %dot_general3A_13 = arith.constant dense<0.000000e+00> : vector<256x1xf32>
    %dot_general3A_14 = tpu.matmul %add3A_9, %get3A_12, %dot_general3A_13 {dimension_numbers = #tpu.dot_dimension_numbers<[1], [0], [0], [1], [0, 0, 1, 1], [], []>, transpose_lhs_hint = false} : vector<256x64xf32>, vector<64x1xf32>, vector<256x1xf32> -> vector<256x1xf32>
    %get3A_15 = arith.constant 0 : index
    %get3A_16 = arith.constant 0 : index
    %get3A_17 = vector.load %arg4[%get3A_15, %get3A_16] : memref<1x1xf32, #tpu.memory_space<vmem>>, vector<1x1xf32>
    %add3A_18 = vector.broadcast %get3A_17 : vector<1x1xf32> to vector<256x1xf32>
    %add3A_19 = arith.addf %dot_general3A_14, %add3A_18 : vector<256x1xf32>
    %neg3A = arith.constant 0.000000e+00 : f32
    %neg3A_20 = vector.broadcast %neg3A : f32 to vector<256x1xf32>
    %neg3A_21 = arith.subf %neg3A_20, %add3A_19 : vector<256x1xf32>
    %exp3A = math.exp %neg3A_21 : vector<256x1xf32>
    %add3A_22 = arith.constant 1.000000e+00 : f32
    %add3A_23 = vector.broadcast %add3A_22 : f32 to vector<256x1xf32>
    %add3A_24 = arith.addf %add3A_23, %exp3A : vector<256x1xf32>
    %div3A = arith.constant 1.000000e+00 : f32
    %div3A_25 = vector.broadcast %div3A : f32 to vector<256x1xf32>
    %div3A_26 = arith.divf %div3A_25, %add3A_24 : vector<256x1xf32>
    %swap3A = arith.constant 0 : index
    %swap3A_27 = arith.constant 0 : index
    %swap3A_28 = vector.load %arg5[%swap3A, %swap3A_27] : memref<256x1xf32, #tpu.memory_space<vmem>>, vector<256x1xf32>
    tpu.vector_store %arg5[%swap3A, %swap3A_27], %div3A_26 {strides = array<i32>} : memref<256x1xf32, #tpu.memory_space<vmem>>, vector<256x1xf32>,
    return
  }
}

</mosaic_0001>

<sc_bundles>
// kernel: kernel.12.cloned.1.call-start
scs
__scs_entry_jumppad:
0x0: {  	(pc) =	sbr.rel $0x88, $3  }
0x1: {  	(tag) =	ssettag $0x0;
	lr =	simm.s32 $0x1  }
0x2: {  	[smem:$0x3F95] =	sst lr;
	_ =	strace $0xD0000000  }
0x3: {  	_ = 	snop  }
0x4: {  	_ = 	snop  }
0x5: {  	_ = 	snop  }
0x6: {  	_ = 	snop  }
0x7: {  	_ = 	snop  }
__scs_overlays_trampoline_lowered:
0x8: {  	[smem:$0x3FA4] =	sst s0  }
0x9: {  	[smem:$0x3FA5] =	sst s1  }
0xa: {  	[smem:$0x3FA6] =	sst s2  }
0xb: {  	[smem:$0x3FA7] =	sst s3  }
0xc: {  	[smem:$0x3FA8] =	sst s4  }
0xd: {  	[smem:$0x3FA9] =	sst s5  }
0xe: {  	[smem:$0x3FAA] =	sst s6  }
0xf: {  	[smem:$0x3FAB] =	sst s7  }
0x10: {  	[smem:$0x3FAC] =	sst s8  }
0x11: {  	[smem:$0x3FAD] =	sst s9;
	s0 =	simm.s32 @!p0 $0x0  }
0x12: {  	s1 =	sld [smem:$0x3F93];
	s0 =	simm.s32 @p0 $0x1  }
0x13: {  	[smem:$0x3FAE] =	sst s0;
	s0 =	simm.s32 @!p1 $0x0  }
0x14: {  	s2 =	sld [smem:$0x3F92];
	s0 =	simm.s32 @p1 $0x1  }
0x15: {  	[smem:$0x3FAF] =	sst s0;
	s0 =	simm.s32 @!p2 $0x0  }
0x16: {  	s3 =	sld [smem:$0x3FDB];
	s0 =	simm.s32 @p2 $0x1  }
0x17: {  	s4 =	simm.s32 $0x1BF5;
	[smem:$0x3FB1] =	sst s0  }
0x18: {  	s0 =	sld [smem:$0x3F94];
	_ =	swait.ge [sflag:s4], $0x0  }
0x19: {  	s7 =	sld [smem:$0x3F95]  }
0x1a: {  	s8 =	sadd.s32 $0xFFFFE003, lr  }
0x1b: {  	s9 =	sadd.s32 $0xFFFFFEF7, lr;
	s5 =	simm.s32 $0xFFFFFFFF;
	p2 =	slt.u32 s8, $0xFFFFF086  }
0x1c: {  	p1 =	slt.u32 s9, $0xF7A;
	s5 =	simm.s32 @!p2 $0x0  }
0x1d: {  	s5 =	simm.s32 @p1 $0x1;
	p0 =	seq.s32 s7, s2  }
0x1e: {  	s7 =	smul.u32 @!p0 $0xF7A, s2;
	p2 =	seq.s32 @!p0 s5, $0x0  }
0x1f: {  	s9 =	smul.u32 $0xF7A, s1;
	s8 =	simm.s32 @!p0 $0x1BF5;
	p2 =	por !p2, p0  }
0x20: {  	[sflag:s8] =	ssyncset.s32 @!p0 $0xFFFFF086;
	s6 =	sadd.s32 @!p0 s3, s7;
	s7 =	simm.s32 @!p0 $0x108  }
0x21: {  	s3 =	sadd.s32 s3, s9;
	s6 =	sadd.s32 @!p0 $0x88, s6;
	s7 =	simm.s32 @p2 $0x1082  }
0x22: {  	[simem:s7], [sflag:s8] =	dma.local @!p0 [hbm:s6], $0xF7A  }
0x23: {  	s9 =	sor.u32 $0xD0000000, s2;
	s6 =	simm.s32 $0x108;
	_ =	swait.ge @!p0 [sflag:s8], $0x0  }
0x24: {  	s3 =	sadd.s32 $0x88, s3;
	s6 =	simm.s32 @!p1 $0x1082;
	[sflag:s4] =	ssyncset.s32 $0xFFFFF086  }
0x25: {  	[simem:s6], [sflag:s4] =	dma.local [hbm:s3], $0xF7A  }
0x26: {  	[smem:$0x3F95] =	sst s1;
	(tag) =	ssettag s2;
	_ =	strace s9  }
0x27: {  	s1 =	sld [smem:$0x3FA5]  }
0x28: {  	s2 =	sld [smem:$0x3FA6]  }
0x29: {  	s4 =	sld [smem:$0x3FA8]  }
0x2a: {  	p0 =	seq.s32 s5, $0x0;
	s5 =	sld [smem:$0x3FA9]  }
0x2b: {  	s6 =	sld [smem:$0x3FAA]  }
0x2c: {  	s7 =	sld [smem:$0x3FAB]  }
0x2d: {  	s3 =	simm.s32 $0x108;
	s8 =	sld [smem:$0x3FAC]  }
0x2e: {  	s3 =	simm.s32 @!p0 $0x1082;
	s9 =	sld [smem:$0x3FAD]  }
0x2f: {  	lr =	sadd.s32 s0, s3;
	s0 =	sld [smem:$0x3FA4]  }
0x30: {  	s3 =	sld [smem:$0x3FA7]  }
0x31: {  	[smem:$0x3FB0] =	sst s10  }
0x32: {  	s10 =	sld [smem:$0x3FAE];
	_ =	sdelay $0x3  }
0x33: {  	p0 =	seq.s32 s10, $0x1;
	s10 =	sld [smem:$0x3FB0];
	_ =	sdelay $0x3  }
0x34: {  	[smem:$0x3FB0] =	sst s10  }
0x35: {  	s10 =	sld [smem:$0x3FAF];
	_ =	sdelay $0x3  }
0x36: {  	p1 =	seq.s32 s10, $0x1;
	s10 =	sld [smem:$0x3FB0];
	_ =	sdelay $0x3  }
0x37: {  	[smem:$0x3FB0] =	sst s10  }
0x38: {  	s10 =	sld [smem:$0x3FB1]  }
0x39: {  	_ = 	snop;
	(pc) =	sbr.ind lr, $3  }
0x3a: {  	_ = 	snop  }
0x3b: {  	_ = 	snop  }
0x3c: {  	p2 =	seq.s32 s10, $0x1;
	s10 =	sld [smem:$0x3FB0]  }
0x3d: {  	_ =	shalt  }
0x3e: {  	_ =	shalt  }
0x3f: {  	_ =	shalt  }
0x40: {  	_ =	shalt  }
0x41: {  	_ =	shalt  }
0x42: {  	_ =	shalt  }
0x43: {  	_ =	shalt  }
0x44: {  	_ =	shalt  }
0x45: {  	_ =	shalt  }
0x46: {  	_ =	shalt  }
0x47: {  	_ =	shalt  }
0x48: {  	_ =	shalt  }
0x49: {  	_ =	shalt  }
0x4a: {  	_ =	shalt  }
0x4b: {  	_ =	shalt  }
0x4c: {  	_ =	shalt  }
0x4d: {  	_ =	shalt  }
0x4e: {  	_ =	shalt  }
0x4f: {  	_ =	shalt  }
0x50: {  	_ =	shalt  }
0x51: {  	_ =	shalt  }
0x52: {  	_ =	shalt  }
0x53: {  	_ =	shalt  }
0x54: {  	_ =	shalt  }
0x55: {  	_ =	shalt  }
0x56: {  	_ =	shalt  }
0x57: {  	_ =	shalt  }
0x58: {  	_ =	shalt  }
0x59: {  	_ =	shalt  }
0x5a: {  	_ =	shalt  }
0x5b: {  	_ =	shalt  }
0x5c: {  	_ =	shalt  }
0x5d: {  	_ =	shalt  }
0x5e: {  	_ =	shalt  }
0x5f: {  	_ =	shalt  }
0x60: {  	_ =	shalt  }
0x61: {  	_ =	shalt  }
0x62: {  	_ =	shalt  }
0x63: {  	_ =	shalt  }
0x64: {  	_ =	shalt  }
0x65: {  	_ =	shalt  }
0x66: {  	_ =	shalt  }
0x67: {  	_ =	shalt  }
0x68: {  	_ =	shalt  }
0x69: {  	_ =	shalt  }
0x6a: {  	_ =	shalt  }
0x6b: {  	_ =	shalt  }
0x6c: {  	_ =	shalt  }
0x6d: {  	_ =	shalt  }
0x6e: {  	_ =	shalt  }
0x6f: {  	_ =	shalt  }
0x70: {  	_ =	shalt  }
0x71: {  	_ =	shalt  }
0x72: {  	_ =	shalt  }
0x73: {  	_ =	shalt  }
0x74: {  	_ =	shalt  }
0x75: {  	_ =	shalt  }
0x76: {  	_ =	shalt  }
0x77: {  	_ =	shalt  }
0x78: {  	_ =	shalt  }
0x79: {  	_ =	shalt  }
0x7a: {  	_ =	shalt  }
0x7b: {  	_ =	shalt  }
0x7c: {  	_ =	shalt  }
0x7d: {  	_ =	shalt  }
0x7e: {  	_ =	shalt  }
0x7f: {  	_ =	shalt  }
0x80: {  	_ =	shalt  }
0x81: {  	_ =	shalt  }
0x82: {  	_ =	shalt  }
0x83: {  	_ =	shalt  }
0x84: {  	_ =	shalt  }
0x85: {  	_ =	shalt  }
0x86: {  	_ =	shalt  }
0x87: {  	_ =	shalt  }
.Lfunc_end0:
.L_simem_size_0:
called_computation_lowered:
.L_overlay_start_0:
0x88: {  	s2 =	sld [smem:$0x3FD9]  }
0x89: {  	s3 =	sld [smem:$0x3FFE];
	_ =	sdelay $0x1  }
0x8a: {  	s1 =	srdreg.scid  }
0x8b: {  	s0 =	sand.u32 $0x1, s1  }
0x8c: {  	s17 =	sshll.u32 s0, $0xA;
	s2 =	sadd.s32 s3, s2  }
0x8d: {  	s2 =	sadd.s32 s2, s17  }
0x8e: {  	[smem:$0x3FBC] =	sst s2  }
0x8f: {  	_ = 	snop  }
0x90: {  	(tm) =	ssettm $0x1  }
0x91: {  	s18 =	sld [smem:$0x3FFB];
	_ =	sdelay $0x3  }
0x92: {  	_ =	strace s18  }
0x93: {  	s2 =	sld [smem:$0x3FFC];
	_ =	sdelay $0x3  }
0x94: {  	_ =	strace s2  }
0x95: {  	s2 =	sld [smem:$0x3FFD];
	_ =	sdelay $0x3  }
0x96: {  	_ =	strace s2  }
0x97: {  	_ =	strace $0x8FFFFFFF  }
0x98: {  	s19 =	sld [smem:$0x3FDB];
	_ =	sdelay $0x1  }
0x99: {  	s20 =	simm.s32 $_scs_section_size  }
0x9a: {  	s4 =	simm.s32 $_size__tile_overlayer_lowered;
	s5 =	simm.s32 $_tile_overlayer_lowered  }
0x9b: {  	s6 =	simm.s32 $0x1BFF;
	s21 =	sshll.u32 s5, $0x1;
	s3 =	sadd.s32 s20, s19  }
0x9c: {  	s22 =	simm.s32 $0x0;
	s4 =	sshll.u32 s4, $0x1;
	s5 =	sadd.s32 s21, s3  }
0x9d: {  	[timem:s22], [sflag:s6] =	dma.local [hbm:s5], s4  }
0x9e: {  	_ =	swait.ge [sflag:s6], s4  }
0x9f: {  	s4 =	ssub.s32 $0x0, s4;
	[sflag:s6] =	ssyncset.done $0x0  }
0xa0: {  	[sflag:s6] =	ssyncadd.s32 s4;
	_ =	sdelay $0x1  }
0xa1: {  	s23 =	simm.s32 $0x1B8B  }
0xa2: {  	_ =	swait.ge [sflag:s23], $0x1  }
0xa3: {  	[sflag:s23] =	ssyncset.done $0x0  }
0xa4: {  	[sflag:s23] =	ssyncadd.s32 $0xFFFFFFFF  }
0xa5: {  	s4 =	sld [smem:$0x0]  }
0xa6: {  	s5 =	sand.u32 $0xFFFFFFFE, s1  }
0xa7: {  	p0 =	sne.s32 s1, s5  }
0xa8: {  	s5 =	sshll.u32 @p0 s5, $0xE  }
0xa9: {  	s5 =	sadd.s32 @p0 $0x11B8D, s5;
	s6 =	sshll.u32 @p0 s4, $0x11  }
0xaa: {  	s5 =	sor.u32 @p0 s6, s5  }
0xab: {  	[sflag:s5] =	ssyncadd.remote.s32 @p0 $0x1;
	_ =	sdelay $0x1  }
0xac: {  	s5 =	simm.s32 @p0 $0x1B8D  }
0xad: {  	_ =	swait.eq @p0 [sflag:s5], $0x1  }
0xae: {  	[sflag:s5] =	ssyncadd.s32 @p0 $0xFFFFFFFF  }
0xaf: {  	s6 =	sshll.u32 @!p0 s1, $0xE  }
0xb0: {  	s6 =	sor.u32 @!p0 $0x4000, s6;
	s5 =	simm.s32 @!p0 $0x1B8D  }
0xb1: {  	s4 =	sshll.u32 @!p0 s4, $0x11;
	s6 =	sadd.s32 @!p0 $0x11B8D, s6;
	_ =	swait.eq @!p0 [sflag:s5], $0x1  }
0xb2: {  	s4 =	sor.u32 @!p0 s4, s6;
	[sflag:s5] =	ssyncadd.s32 @!p0 $0xFFFFFFFF  }
0xb3: {  	s25 =	simm.s32 $0x1B8E;
	s24 =	sld [smem:$0x3FFE];
	[sflag:s4] =	ssyncadd.remote.s32 @!p0 $0x1  }
0xb4: {  	s26 =	simm.s32 $execute0_lowered;
	[smem:$0x3FD2] =	sst s25  }
0xb5: {  	s5 =	sshll.u32 s26, $0x1;
	_ =	strace $0x80000049;
	[dreg:$0x1] =	wrdreg $0xFFFFFFFF  }
0xb6: {  	s28 =	simm.s32 $_size_execute0_lowered;
	s3 =	sadd.s32 s3, s5;
	[dreg:$0x0] =	wrdreg $0x0  }
0xb7: {  	s5 =	sshll.u32 s28, $0x1;
	[dreg:$0x2] =	wrdreg s3  }
0xb8: {  	[dreg:$0x3] =	wrdreg s5  }
0xb9: {  	[dreg:$0x4] =	wrdreg $0xC0  }
0xba: {  	_ =	task [dreg:s22], $0x5FFFF  }
0xbb: {  	[dreg:$0x1] =	wrdreg $0xFFFFFFFF  }
0xbc: {  	[dreg:$0x0] =	wrdreg $0x60  }
0xbd: {  	[dreg:$0x2] =	wrdreg s24  }
0xbe: {  	[dreg:$0x3] =	wrdreg $0x68000  }
0xbf: {  	[dreg:$0x4] =	wrdreg $0x9  }
0xc0: {  	_ =	task.clear_ibuf [dreg:s22], $0x5FFFF;
	_ =	strace $0x90000049  }
0xc1: {  	s29 =	simm.s32 $0x9;
	_ =	strace $0x8000004B  }
0xc2: {  	_ =	swait.ge [sflag:s29], $0x1  }
0xc3: {  	[sflag:s29] =	ssyncadd.s32 $0xFFFFFFFF  }
0xc4: {  	_ =	strace $0x9000004B  }
0xc5: {  	_ =	sfence  }
0xc6: {  	s30 =	sld [smem:$0x0];
	_ =	sdelay $0x2  }
0xc7: {  	s31 =	sshll.u32 s1, $0xD;
	s1 =	sshrl.u32 s1, $0x2  }
0xc8: {  	s4 =	sand.u32 $0x4000, s31;
	s1 =	sadd.s32 s1, s30  }
0xc9: {  	s0 =	sor.u32 s4, s0;
	s1 =	sshll.u32 s1, $0x11  }
0xca: {  	s0 =	sor.u32 s1, s0  }
0xcb: {  	s0 =	sadd.s32 $0x8F2B, s0  }
0xcc: {  	[sflag:s0] =	ssyncadd.remote.s32 $0x1  }
0xcd: {  	_ =	sfence.sel $0xFFFF  }
0xce: {  	[dreg:$0x0] =	wrdreg $0xFFFFFFFF;
	(pc) =	sbr.abs _section_cstart, $3  }
0xcf: {  	[dreg:$0x1] =	wrdreg $0xFFFFFFFF  }
0xd0: {  	_ =	task.clear_ibuf [dreg:s22], $0x2FFFF;
	_ =	strace $0x9FFFFFFF  }
0xd1: {  	(tm) =	ssettm $0x7FFFFFFF  }
tec
execute0_lowered:
.L_overlay_start_1:
0x0: {  	(tag) =	ssettag $0x1  }
0x1: {  	s0 =	srdreg.scid  }
0x2: {  	s5 =	sand.u32 $0x1, s0  }
0x3: {  	s4 =	smul.u32 $0x280000, s5  }
0x4: {  	s0 =	stileid.u32;
	s8 =	smul.u32 $0x140000, s5  }
0x5: {  	s9 =	smul.u32 $0x14000, s0  }
0x6: {  	s6 =	rddreg [dreg:$0x0];
	s12 =	smul.u32 $0x50000, s0  }
0x7: {  	s2 =	rddreg [dreg:$0x1];
	s3 =	simm.s32 $0x0;
	s28 =	smul.u32 $0x28000, s0  }
0x8: {  	[smem:$0x7FF] =	sst s3;
	s1 =	sshll.u32 s5, $0x4;
	s13 =	smul.u32 $0x500, s5  }
0x9: {  	s26 =	ssub.s32 $0x2, s5;
	s30 =	sshll.u32 s0, $0x6;
	s31 =	smul.u32 $0x50, s0  }
0xa: {  	s1 =	sor.u32 s0, s1;
	s11 =	sshrl.u32 s26, $0x1;
	s5 =	sor.u32 $0x1C01, s30  }
0xb: {  	s7 =	smul.u32 $0x500, s1;
	s1 =	rddreg [dreg:$0x2];
	_ =	strace $0x8000004A  }
0xc: {  	s10 =	sadd.s32 s4, s6;
	s4 =	sadd.s32 $0x48000, s6;
	s8 =	sadd.s32 s9, s8  }
0xd: {  	s9 =	ssub.s32 s26, s11;
	s29 =	sshrl.u32 s12, $0x2;
	s12 =	simm.s32 $0x1  }
0xe: {  	s8 =	sshrl.u32 s8, $0x3;
	s14 =	sadd.s32 s29, s2;
	s10 =	sadd.s32 s28, s10  }
0xf: {  	s7 =	sadd.s32 s7, s6;
	s8 =	sadd.s32 s8, s6;
	s11 =	sshrl.u32 s14, $0x3  }
0x10: {  	s6 =	sadd.s32 $0x8E00, s7;
	s7 =	sadd.s32 $0x9A800, s8;
	s8 =	smax.u32 s9, $0x1  }
0x11: {  	s9 =	sadd.s32 $0x57C800, s10;
	s10 =	sadd.s32 s31, s13;
	s13 =	simm.s32 $0x0  }
.LBB2_1:
0x12: {  	[spmem:s11], [sflag:s5] =	dma.local [hbm:s4], $0x2800  }
0x13: {  	_ =	swait.ge [sflag:s12], $0x2800  }
0x14: {  	[sflag:s12] =	ssyncset.done $0x0  }
0x15: {  	[sflag:s12] =	ssyncadd.s32 $0xFFFFD800  }
0x16: {  	[tilespmem:s3], [sflag:$0x1] =	stream.linear.gather [hbm4b:s6+s3], $0x2800, $0x38;
	[tilespmem:$0x1A800] =	vst v63  }
0x17: {  	s14 =	sadd.s32 $0x0, s10;
	_ =	swait.ge [sflag:s12], $0x2800  }
0x18: {  	p1 =	sgt.u32 s14, $0x9C3;
	[sflag:s12] =	ssyncset.done $0x0  }
0x19: {  	p0 =	por p1, p1;
	s14 =	simm.s32 @!p1 $0x0;
	[sflag:s12] =	ssyncadd.s32 $0xFFFFD800  }
0x1a: {  	s15 =	simm.s32 @!p1 $0x2800;
	s17 =	simm.s32 @!p0 $0x2;
	[bflag:$0x0] =	sbarrier.arrive $0xFFFF  }
0x1b: {  	[tilespmem:s15], [sflag:$0x2] =	stream.linear.gather @!p0 [hbm4b:s9+s14], $0x4000, $0x38;
	[tilespmem:$0x1A800] =	vst v63  }
0x1c: {  	s31 =	sadd.s32 $0x1, s10;
	_ =	swait.ge @!p0 [sflag:s17], $0x4000  }
0x1d: {  	s16 =	simm.s32 $0x2;
	p1 =	sgt.u32 s31, $0x9C3;
	[sflag:s17] =	ssyncset.done @!p0 $0x0  }
0x1e: {  	s14 =	simm.s32 @!p0 $0x80;
	[sflag:s17] =	ssyncadd.s32 @!p0 $0xFFFFC000;
	s17 =	simm.s32 @!p0 $0x1  }
0x1f: {  	[spmem:s2] =	stream.indirect.scatter.add.f32 @!p0 [tilespmem:s15], [sflag:$0x1], $0x80, s3, s14, $0xb8;
	[tilespmem:$0x1A800] =	vst v63  }
0x20: {  	s15 =	sadd.s32 $0x800, s9;
	s14 =	simm.s32 $0x80;
	_ =	swait.ge @!p0 [sflag:s17], $0x4000  }
.LBB2_2:
0x21: {  	s18 =	simm.s32 @!p1 $0x0  }
0x22: {  	s19 =	simm.s32 @!p1 $0x2800;
	[sflag:s17] =	ssyncset.done @!p0 $0x0;
	s20 =	smov.u32 s16  }
0x23: {  	p2 =	por p0, p0;
	p0 =	por p1, p1;
	s16 =	sadd.s32 $0x1, s16  }
0x24: {  	s21 =	simm.s32 @!p0 $0x2;
	[sflag:s17] =	ssyncadd.s32 @!p2 $0xFFFFC000;
	p2 =	sne.s32 s16, $0x50  }
0x25: {  	[tilespmem:s19], [sflag:$0x2] =	stream.linear.gather @!p0 [hbm4b:s15+s18], $0x4000, $0x38;
	[tilespmem:$0x1A800] =	vst v63  }
.Ltmp0:
0x26: {  	_ =	swait.ge @!p0 [sflag:s21], $0x4000;
	(pc) =	sbr.rel @p2 .LBB2_2-.Ltmp0, $4  }
0x27: {  	s17 =	simm.s32 @!p0 $0x1;
	s15 =	sadd.s32 $0x800, s15;
	[sflag:s21] =	ssyncset.done @!p0 $0x0  }
0x28: {  	s18 =	sadd.s32 s20, s10;
	s20 =	simm.s32 @!p0 $0x80;
	[sflag:s21] =	ssyncadd.s32 @!p0 $0xFFFFC000  }
0x29: {  	[spmem:s2] =	stream.indirect.scatter.add.f32 @!p0 [tilespmem:s19], [sflag:$0x1], $0x80, s14, s20, $0xb8;
	[tilespmem:$0x1A800] =	vst v63  }
0x2a: {  	p1 =	sgt.u32 s18, $0x9C3;
	s14 =	sadd.s32 $0x80, s14;
	_ =	swait.ge @!p0 [sflag:s17], $0x4000  }
0x2b: {  	s16 =	simm.s32 @!p1 $0x0  }
0x2c: {  	[sflag:s17] =	ssyncset.done @!p0 $0x0;
	p0 =	por p0, p0;
	p2 =	por p1, p1  }
0x2d: {  	s18 =	simm.s32 @!p1 $0x2800;
	s19 =	simm.s32 @!p2 $0x2;
	[sflag:s17] =	ssyncadd.s32 @!p0 $0xFFFFC000  }
0x2e: {  	[tilespmem:s18], [sflag:$0x2] =	stream.linear.gather @!p2 [hbm4b:s15+s16], $0x4000, $0x38;
	[tilespmem:$0x1A800] =	vst v63  }
0x2f: {  	_ =	swait.ge @!p2 [sflag:s19], $0x4000  }
0x30: {  	[sflag:s19] =	ssyncset.done @!p2 $0x0  }
0x31: {  	s15 =	simm.s32 @!p2 $0x1;
	s16 =	simm.s32 @!p2 $0x80;
	[sflag:s19] =	ssyncadd.s32 @!p2 $0xFFFFC000  }
0x32: {  	[spmem:s2] =	stream.indirect.scatter.add.f32 @!p2 [tilespmem:s18], [sflag:$0x1], $0x80, s14, s16, $0xb8;
	[tilespmem:$0x1A800] =	vst v63  }
0x33: {  	_ =	swait.ge @!p2 [sflag:s15], $0x4000  }
0x34: {  	s13 =	sadd.s32 $0x1, s13;
	p0 =	por p2, p2;
	[sflag:s15] =	ssyncset.done @!p2 $0x0  }
0x35: {  	[sflag:s15] =	ssyncadd.s32 @!p0 $0xFFFFC000;
	p0 =	sne.s32 s13, s8  }
.Ltmp1:
0x36: {  	[bflag:$0x0] =	sbarrier.arrive $0xFFFF;
	(pc) =	sbr.rel @p0 .LBB2_1-.Ltmp1, $4  }
0x37: {  	[hbm:s7], [sflag:s5] =	dma.local [spmem:s11], $0x2800  }
0x38: {  	_ =	swait.ge [sflag:s12], $0x2800  }
0x39: {  	[sflag:s12] =	ssyncset.done $0x0  }
0x3a: {  	[sflag:s12] =	ssyncadd.s32 $0xFFFFD800  }
0x3b: {  	_ =	sfence.sel $0x180000  }
0x3c: {  	[bflag:$0x0] =	sbarrier.arrive $0xFFFF  }
0x3d: {  	p0 =	sne.s32 s0, $0x0;
	_ =	strace $0x9000004A  }
0x3e: {  	s0 =	sadd.s32 @!p0 $0x100000, s1;
	[bflag:$0x2] =	sbarrier.arrive $0xFFFF  }
0x3f: {  	[sflag:s0] =	ssyncadd.tile.s32 @!p0 $0x1;
	_ =	shalt  }
.Lfunc_end2:
_tile_overlayer_lowered:
.L_overlay_start_2:
0x40: {  	(tag) =	ssettag $0x2  }
0x41: {  	s0 =	rddreg [dreg:$0x0];
	s2 =	stileid.u32  }
0x42: {  	s1 =	rddreg [dreg:$0x1];
	p0 =	sne.s32 s2, $0x0  }
0x43: {  	s3 =	rddreg [dreg:$0x2];
	[bflag:$0x3] =	sbarrier.arrive $0xFFFF;
	s2 =	simm.s32 @!p0 $0x1C01  }
0x44: {  	[timem:s3], [sflag:s2] =	dma.local @!p0 [hbm:s0], s1  }
0x45: {  	s0 =	simm.s32 @!p0 $0x1  }
0x46: {  	_ =	swait.ge @!p0 [sflag:s0], s1  }
0x47: {  	s1 =	ssub.s32 @!p0 $0x0, s1;
	[sflag:s0] =	ssyncset.done @!p0 $0x0  }
0x48: {  	[sflag:s0] =	ssyncadd.s32 @!p0 s1  }
0x49: {  	[bflag:$0x3] =	sbarrier.arrive $0xFFFF  }
0x4a: {  	_ =	shalt  }

// kernel: kernel.15.cloned.1.call-start
scs
__scs_entry_jumppad:
0x0: {  	(pc) =	sbr.rel $0x88, $3  }
0x1: {  	(tag) =	ssettag $0x0;
	lr =	simm.s32 $0x1  }
0x2: {  	[smem:$0x3F95] =	sst lr;
	_ =	strace $0xD0000000  }
0x3: {  	_ = 	snop  }
0x4: {  	_ = 	snop  }
0x5: {  	_ = 	snop  }
0x6: {  	_ = 	snop  }
0x7: {  	_ = 	snop  }
__scs_overlays_trampoline_lowered:
0x8: {  	[smem:$0x3FA4] =	sst s0  }
0x9: {  	[smem:$0x3FA5] =	sst s1  }
0xa: {  	[smem:$0x3FA6] =	sst s2  }
0xb: {  	[smem:$0x3FA7] =	sst s3  }
0xc: {  	[smem:$0x3FA8] =	sst s4  }
0xd: {  	[smem:$0x3FA9] =	sst s5  }
0xe: {  	[smem:$0x3FAA] =	sst s6  }
0xf: {  	[smem:$0x3FAB] =	sst s7  }
0x10: {  	[smem:$0x3FAC] =	sst s8  }
0x11: {  	[smem:$0x3FAD] =	sst s9;
	s0 =	simm.s32 @!p0 $0x0  }
0x12: {  	s1 =	sld [smem:$0x3F93];
	s0 =	simm.s32 @p0 $0x1  }
0x13: {  	[smem:$0x3FAE] =	sst s0;
	s0 =	simm.s32 @!p1 $0x0  }
0x14: {  	s2 =	sld [smem:$0x3F92];
	s0 =	simm.s32 @p1 $0x1  }
0x15: {  	[smem:$0x3FAF] =	sst s0;
	s0 =	simm.s32 @!p2 $0x0  }
0x16: {  	s3 =	sld [smem:$0x3FDB];
	s0 =	simm.s32 @p2 $0x1  }
0x17: {  	s4 =	simm.s32 $0x1BF5;
	[smem:$0x3FB1] =	sst s0  }
0x18: {  	s0 =	sld [smem:$0x3F94];
	_ =	swait.ge [sflag:s4], $0x0  }
0x19: {  	s7 =	sld [smem:$0x3F95]  }
0x1a: {  	s8 =	sadd.s32 $0xFFFFE003, lr  }
0x1b: {  	s9 =	sadd.s32 $0xFFFFFEF7, lr;
	s5 =	simm.s32 $0xFFFFFFFF;
	p2 =	slt.u32 s8, $0xFFFFF086  }
0x1c: {  	p1 =	slt.u32 s9, $0xF7A;
	s5 =	simm.s32 @!p2 $0x0  }
0x1d: {  	s5 =	simm.s32 @p1 $0x1;
	p0 =	seq.s32 s7, s2  }
0x1e: {  	s7 =	smul.u32 @!p0 $0xF7A, s2;
	p2 =	seq.s32 @!p0 s5, $0x0  }
0x1f: {  	s9 =	smul.u32 $0xF7A, s1;
	s8 =	simm.s32 @!p0 $0x1BF5;
	p2 =	por !p2, p0  }
0x20: {  	[sflag:s8] =	ssyncset.s32 @!p0 $0xFFFFF086;
	s6 =	sadd.s32 @!p0 s3, s7;
	s7 =	simm.s32 @!p0 $0x108  }
0x21: {  	s3 =	sadd.s32 s3, s9;
	s6 =	sadd.s32 @!p0 $0x88, s6;
	s7 =	simm.s32 @p2 $0x1082  }
0x22: {  	[simem:s7], [sflag:s8] =	dma.local @!p0 [hbm:s6], $0xF7A  }
0x23: {  	s9 =	sor.u32 $0xD0000000, s2;
	s6 =	simm.s32 $0x108;
	_ =	swait.ge @!p0 [sflag:s8], $0x0  }
0x24: {  	s3 =	sadd.s32 $0x88, s3;
	s6 =	simm.s32 @!p1 $0x1082;
	[sflag:s4] =	ssyncset.s32 $0xFFFFF086  }
0x25: {  	[simem:s6], [sflag:s4] =	dma.local [hbm:s3], $0xF7A  }
0x26: {  	[smem:$0x3F95] =	sst s1;
	(tag) =	ssettag s2;
	_ =	strace s9  }
0x27: {  	s1 =	sld [smem:$0x3FA5]  }
0x28: {  	s2 =	sld [smem:$0x3FA6]  }
0x29: {  	s4 =	sld [smem:$0x3FA8]  }
0x2a: {  	p0 =	seq.s32 s5, $0x0;
	s5 =	sld [smem:$0x3FA9]  }
0x2b: {  	s6 =	sld [smem:$0x3FAA]  }
0x2c: {  	s7 =	sld [smem:$0x3FAB]  }
0x2d: {  	s3 =	simm.s32 $0x108;
	s8 =	sld [smem:$0x3FAC]  }
0x2e: {  	s3 =	simm.s32 @!p0 $0x1082;
	s9 =	sld [smem:$0x3FAD]  }
0x2f: {  	lr =	sadd.s32 s0, s3;
	s0 =	sld [smem:$0x3FA4]  }
0x30: {  	s3 =	sld [smem:$0x3FA7]  }
0x31: {  	[smem:$0x3FB0] =	sst s10  }
0x32: {  	s10 =	sld [smem:$0x3FAE];
	_ =	sdelay $0x3  }
0x33: {  	p0 =	seq.s32 s10, $0x1;
	s10 =	sld [smem:$0x3FB0];
	_ =	sdelay $0x3  }
0x34: {  	[smem:$0x3FB0] =	sst s10  }
0x35: {  	s10 =	sld [smem:$0x3FAF];
	_ =	sdelay $0x3  }
0x36: {  	p1 =	seq.s32 s10, $0x1;
	s10 =	sld [smem:$0x3FB0];
	_ =	sdelay $0x3  }
0x37: {  	[smem:$0x3FB0] =	sst s10  }
0x38: {  	s10 =	sld [smem:$0x3FB1]  }
0x39: {  	_ = 	snop;
	(pc) =	sbr.ind lr, $3  }
0x3a: {  	_ = 	snop  }
0x3b: {  	_ = 	snop  }
0x3c: {  	p2 =	seq.s32 s10, $0x1;
	s10 =	sld [smem:$0x3FB0]  }
0x3d: {  	_ =	shalt  }
0x3e: {  	_ =	shalt  }
0x3f: {  	_ =	shalt  }
0x40: {  	_ =	shalt  }
0x41: {  	_ =	shalt  }
0x42: {  	_ =	shalt  }
0x43: {  	_ =	shalt  }
0x44: {  	_ =	shalt  }
0x45: {  	_ =	shalt  }
0x46: {  	_ =	shalt  }
0x47: {  	_ =	shalt  }
0x48: {  	_ =	shalt  }
0x49: {  	_ =	shalt  }
0x4a: {  	_ =	shalt  }
0x4b: {  	_ =	shalt  }
0x4c: {  	_ =	shalt  }
0x4d: {  	_ =	shalt  }
0x4e: {  	_ =	shalt  }
0x4f: {  	_ =	shalt  }
0x50: {  	_ =	shalt  }
0x51: {  	_ =	shalt  }
0x52: {  	_ =	shalt  }
0x53: {  	_ =	shalt  }
0x54: {  	_ =	shalt  }
0x55: {  	_ =	shalt  }
0x56: {  	_ =	shalt  }
0x57: {  	_ =	shalt  }
0x58: {  	_ =	shalt  }
0x59: {  	_ =	shalt  }
0x5a: {  	_ =	shalt  }
0x5b: {  	_ =	shalt  }
0x5c: {  	_ =	shalt  }
0x5d: {  	_ =	shalt  }
0x5e: {  	_ =	shalt  }
0x5f: {  	_ =	shalt  }
0x60: {  	_ =	shalt  }
0x61: {  	_ =	shalt  }
0x62: {  	_ =	shalt  }
0x63: {  	_ =	shalt  }
0x64: {  	_ =	shalt  }
0x65: {  	_ =	shalt  }
0x66: {  	_ =	shalt  }
0x67: {  	_ =	shalt  }
0x68: {  	_ =	shalt  }
0x69: {  	_ =	shalt  }
0x6a: {  	_ =	shalt  }
0x6b: {  	_ =	shalt  }
0x6c: {  	_ =	shalt  }
0x6d: {  	_ =	shalt  }
0x6e: {  	_ =	shalt  }
0x6f: {  	_ =	shalt  }
0x70: {  	_ =	shalt  }
0x71: {  	_ =	shalt  }
0x72: {  	_ =	shalt  }
0x73: {  	_ =	shalt  }
0x74: {  	_ =	shalt  }
0x75: {  	_ =	shalt  }
0x76: {  	_ =	shalt  }
0x77: {  	_ =	shalt  }
0x78: {  	_ =	shalt  }
0x79: {  	_ =	shalt  }
0x7a: {  	_ =	shalt  }
0x7b: {  	_ =	shalt  }
0x7c: {  	_ =	shalt  }
0x7d: {  	_ =	shalt  }
0x7e: {  	_ =	shalt  }
0x7f: {  	_ =	shalt  }
0x80: {  	_ =	shalt  }
0x81: {  	_ =	shalt  }
0x82: {  	_ =	shalt  }
0x83: {  	_ =	shalt  }
0x84: {  	_ =	shalt  }
0x85: {  	_ =	shalt  }
0x86: {  	_ =	shalt  }
0x87: {  	_ =	shalt  }
.Lfunc_end0:
.L_simem_size_0:
called_computation.1_lowered:
.L_overlay_start_0:
0x88: {  	s2 =	sld [smem:$0x3FD9]  }
0x89: {  	s3 =	sld [smem:$0x3FFE];
	_ =	sdelay $0x1  }
0x8a: {  	s1 =	srdreg.scid  }
0x8b: {  	s0 =	sand.u32 $0x1, s1  }
0x8c: {  	s16 =	sshll.u32 s0, $0xA;
	s2 =	sadd.s32 s3, s2  }
0x8d: {  	s2 =	sadd.s32 s2, s16  }
0x8e: {  	[smem:$0x3FBC] =	sst s2  }
0x8f: {  	_ = 	snop  }
0x90: {  	(tm) =	ssettm $0x1  }
0x91: {  	s17 =	sld [smem:$0x3FFB];
	_ =	sdelay $0x3  }
0x92: {  	_ =	strace s17  }
0x93: {  	s2 =	sld [smem:$0x3FFC];
	_ =	sdelay $0x3  }
0x94: {  	_ =	strace s2  }
0x95: {  	s2 =	sld [smem:$0x3FFD];
	_ =	sdelay $0x3  }
0x96: {  	_ =	strace s2  }
0x97: {  	_ =	strace $0x8FFFFFFF  }
0x98: {  	s18 =	sld [smem:$0x3FDB];
	_ =	sdelay $0x1  }
0x99: {  	s19 =	simm.s32 $_scs_section_size  }
0x9a: {  	s4 =	simm.s32 $_size__tile_overlayer_lowered;
	s5 =	simm.s32 $_tile_overlayer_lowered  }
0x9b: {  	s22 =	simm.s32 $0x1BFF;
	s21 =	sshll.u32 s5, $0x1;
	s2 =	sadd.s32 s19, s18  }
0x9c: {  	s6 =	simm.s32 $0x0;
	s20 =	sshll.u32 s4, $0x1;
	s4 =	sadd.s32 s21, s2  }
0x9d: {  	[timem:s6], [sflag:s22] =	dma.local [hbm:s4], s20  }
0x9e: {  	_ =	swait.ge [sflag:s22], s20  }
0x9f: {  	s3 =	ssub.s32 $0x0, s20;
	[sflag:s22] =	ssyncset.done $0x0  }
0xa0: {  	[sflag:s22] =	ssyncadd.s32 s3;
	_ =	sdelay $0x1  }
0xa1: {  	s23 =	simm.s32 $0x1B8B  }
0xa2: {  	_ =	swait.ge [sflag:s23], $0x1  }
0xa3: {  	[sflag:s23] =	ssyncset.done $0x0  }
0xa4: {  	s25 =	simm.s32 $0x1B8E;
	s24 =	sld [smem:$0x3FFE];
	[sflag:s23] =	ssyncadd.s32 $0xFFFFFFFF  }
0xa5: {  	s26 =	simm.s32 $execute0_lowered;
	[smem:$0x3FD2] =	sst s25  }
0xa6: {  	s4 =	sshll.u32 s26, $0x1;
	_ =	strace $0x80000046;
	[dreg:$0x1] =	wrdreg $0xFFFFFFFF  }
0xa7: {  	s28 =	simm.s32 $_size_execute0_lowered;
	s2 =	sadd.s32 s2, s4;
	[dreg:$0x0] =	wrdreg $0x0  }
0xa8: {  	s4 =	sshll.u32 s28, $0x1;
	[dreg:$0x2] =	wrdreg s2  }
0xa9: {  	[dreg:$0x3] =	wrdreg s4  }
0xaa: {  	[dreg:$0x4] =	wrdreg $0xC0  }
0xab: {  	_ =	task [dreg:s6], $0x5FFFF  }
0xac: {  	[dreg:$0x1] =	wrdreg $0xFFFFFFFF  }
0xad: {  	[dreg:$0x0] =	wrdreg $0x60  }
0xae: {  	[dreg:$0x2] =	wrdreg s24  }
0xaf: {  	[dreg:$0x3] =	wrdreg $0xAA000  }
0xb0: {  	[dreg:$0x4] =	wrdreg $0xA  }
0xb1: {  	_ =	task.clear_ibuf [dreg:s6], $0x5FFFF;
	_ =	strace $0x90000046  }
0xb2: {  	s29 =	simm.s32 $0xA;
	_ =	strace $0x80000048  }
0xb3: {  	_ =	swait.ge [sflag:s29], $0x1  }
0xb4: {  	[sflag:s29] =	ssyncadd.s32 $0xFFFFFFFF  }
0xb5: {  	_ =	strace $0x90000048  }
0xb6: {  	_ =	sfence  }
0xb7: {  	s30 =	sld [smem:$0x0];
	_ =	sdelay $0x2  }
0xb8: {  	s31 =	sshll.u32 s1, $0xD;
	s1 =	sshrl.u32 s1, $0x2  }
0xb9: {  	s3 =	sand.u32 $0x4000, s31;
	s1 =	sadd.s32 s1, s30  }
0xba: {  	s0 =	sor.u32 s3, s0;
	s1 =	sshll.u32 s1, $0x11  }
0xbb: {  	s0 =	sor.u32 s1, s0  }
0xbc: {  	s0 =	sadd.s32 $0x8F2B, s0  }
0xbd: {  	[sflag:s0] =	ssyncadd.remote.s32 $0x1  }
0xbe: {  	_ =	sfence.sel $0xFFFF  }
0xbf: {  	[dreg:$0x0] =	wrdreg $0xFFFFFFFF;
	(pc) =	sbr.abs _section_cstart, $3  }
0xc0: {  	[dreg:$0x1] =	wrdreg $0xFFFFFFFF  }
0xc1: {  	_ =	task.clear_ibuf [dreg:s6], $0x2FFFF;
	_ =	strace $0x9FFFFFFF  }
0xc2: {  	(tm) =	ssettm $0x7FFFFFFF  }
0xc3: {  	_ =	shalt  }
tec
execute0_lowered:
.L_overlay_start_1:
0x0: {  	(tag) =	ssettag $0x1  }
0x1: {  	s6 =	rddreg [dreg:$0x0]  }
0x2: {  	s2 =	rddreg [dreg:$0x1]  }
0x3: {  	s1 =	srdreg.scid;
	s0 =	rddreg [dreg:$0x2]  }
0x4: {  	s3 =	simm.s32 $0x0;
	s13 =	simm.s32 $0x2800;
	s14 =	simm.s32 $0x2A00  }
0x5: {  	s15 =	simm.s32 $0x2900;
	s16 =	simm.s32 $0x6A00;
	s17 =	simm.s32 $0x1  }
0x6: {  	s18 =	simm.s32 $0x2880;
	s19 =	simm.s32 $0x2;
	s7 =	sand.u32 $0x1, s1  }
0x7: {  	s20 =	simm.s32 $0x2980;
	s1 =	stileid.u32;
	s5 =	smul.u32 $0x140000, s7  }
0x8: {  	s21 =	simm.s32 $0x0;
	[smem:$0x7FF] =	sst s3;
	s8 =	smul.u32 $0x14000, s1  }
0x9: {  	s4 =	sshll.u32 s7, $0x4;
	_ =	strace $0x80000047;
	s10 =	smul.u32 $0x50000, s1  }
0xa: {  	s31 =	ssub.s32 $0x2, s7;
	s11 =	sshll.u32 s1, $0x6;
	s4 =	sor.u32 s1, s4  }
0xb: {  	s7 =	sshrl.u32 s31, $0x1;
	s9 =	smul.u32 $0x500, s4;
	s4 =	sadd.s32 $0x1CE00, s6  }
0xc: {  	s5 =	sadd.s32 s8, s5;
	s10 =	sshrl.u32 s10, $0x2;
	s12 =	ssub.s32 s31, s7  }
0xd: {  	s30 =	sshrl.u32 s5, $0x3;
	s5 =	sadd.s32 $0x48000, s6;
	s10 =	sadd.s32 s10, s2  }
0xe: {  	s29 =	sadd.s32 s9, s6;
	s9 =	sadd.s32 s30, s6;
	s6 =	sor.u32 $0x1C03, s11  }
0xf: {  	s10 =	sshrl.u32 s10, $0x3;
	s11 =	simm.s32 $0x3;
	s7 =	sadd.s32 $0x12E00, s29  }
0x10: {  	s8 =	sadd.s32 $0x4A800, s9;
	s9 =	smax.u32 s12, $0x1;
	s12 =	simm.s32 $0x80  }
.LBB2_1:
0x11: {  	[spmem:s10], [sflag:s6] =	dma.local [hbm:s5], $0x2800  }
0x12: {  	_ =	swait.ge [sflag:s11], $0x2800  }
0x13: {  	[sflag:s11] =	ssyncset.done $0x0  }
0x14: {  	[sflag:s11] =	ssyncadd.s32 $0xFFFFD800  }
0x15: {  	[tilespmem:s3], [sflag:$0x3] =	stream.linear.gather [hbm4b:s7+s3], $0x2800, $0x38;
	[tilespmem:$0x1EA00] =	vst v63  }
0x16: {  	_ =	swait.ge [sflag:s11], $0x2800  }
0x17: {  	[sflag:s11] =	ssyncset.done $0x0  }
0x18: {  	[sflag:s11] =	ssyncadd.s32 $0xFFFFD800  }
0x19: {  	[bflag:$0x0] =	sbarrier.arrive $0xFFFF  }
0x1a: {  	v0 =	vld [tilespmem:$0x0];
	_ =	sdelay $0x1  }
0x1b: {  	v1 =	vld [tilespmem:$0x10];
	_ =	sdelay $0x1  }
0x1c: {  	v2 =	vld [tilespmem:$0x20]  }
0x1d: {  	v3 =	vand.u32 $0xFFFF, v0  }
0x1e: {  	v0 =	vshrl.u32 v0, $0x10;
	[tilespmem:$0x2800] =	vst v3;
	v3 =	vld [tilespmem:$0x30]  }
0x1f: {  	[tilespmem:$0x2880] =	vst v0;
	v0 =	vand.u32 $0xFFFF, v1  }
0x20: {  	[tilespmem:$0x2810] =	vst v0;
	v0 =	vshrl.u32 v1, $0x10;
	v1 =	vld [tilespmem:$0x40]  }
0x21: {  	[tilespmem:$0x2890] =	vst v0;
	v0 =	vand.u32 $0xFFFF, v2  }
0x22: {  	[tilespmem:$0x2820] =	vst v0;
	v0 =	vshrl.u32 v2, $0x10;
	v2 =	vld [tilespmem:$0x50]  }
0x23: {  	[tilespmem:$0x28A0] =	vst v0;
	v0 =	vand.u32 $0xFFFF, v3  }
0x24: {  	[tilespmem:$0x2830] =	vst v0;
	v0 =	vshrl.u32 v3, $0x10;
	v3 =	vld [tilespmem:$0x60]  }
0x25: {  	[tilespmem:$0x28B0] =	vst v0;
	v0 =	vand.u32 $0xFFFF, v1  }
0x26: {  	[tilespmem:$0x2840] =	vst v0;
	v0 =	vshrl.u32 v1, $0x10;
	v1 =	vld [tilespmem:$0x70]  }
0x27: {  	[tilespmem:$0x28C0] =	vst v0;
	v0 =	vand.u32 $0xFFFF, v2  }
0x28: {  	[tilespmem:$0x2850] =	vst v0;
	v0 =	vshrl.u32 v2, $0x10;
	v2 =	vld [tilespmem:$0x80]  }
0x29: {  	[tilespmem:$0x28D0] =	vst v0;
	v0 =	vand.u32 $0xFFFF, v3  }
0x2a: {  	[tilespmem:$0x2860] =	vst v0;
	v0 =	vshrl.u32 v3, $0x10;
	v3 =	vld [tilespmem:$0x90]  }
0x2b: {  	[tilespmem:$0x28E0] =	vst v0;
	v0 =	vand.u32 $0xFFFF, v1  }
0x2c: {  	[tilespmem:$0x2870] =	vst v0;
	v0 =	vshrl.u32 v1, $0x10;
	v1 =	vld [tilespmem:$0xA0]  }
0x2d: {  	[tilespmem:$0x28F0] =	vst v0;
	v0 =	vand.u32 $0xFFFF, v2  }
0x2e: {  	[tilespmem:$0x2900] =	vst v0;
	v0 =	vshrl.u32 v2, $0x10;
	v2 =	vld [tilespmem:$0xB0]  }
0x2f: {  	[tilespmem:$0x2980] =	vst v0;
	v0 =	vand.u32 $0xFFFF, v3  }
0x30: {  	[tilespmem:$0x2910] =	vst v0;
	v0 =	vshrl.u32 v3, $0x10;
	v3 =	vld [tilespmem:$0xC0]  }
0x31: {  	[tilespmem:$0x2990] =	vst v0;
	v0 =	vand.u32 $0xFFFF, v1  }
0x32: {  	[tilespmem:$0x2920] =	vst v0;
	v0 =	vshrl.u32 v1, $0x10;
	v1 =	vld [tilespmem:$0xD0]  }
0x33: {  	[tilespmem:$0x29A0] =	vst v0;
	v0 =	vand.u32 $0xFFFF, v2  }
0x34: {  	[tilespmem:$0x2930] =	vst v0;
	v0 =	vshrl.u32 v2, $0x10;
	v2 =	vld [tilespmem:$0xE0]  }
0x35: {  	[tilespmem:$0x29B0] =	vst v0;
	v0 =	vand.u32 $0xFFFF, v3  }
0x36: {  	[tilespmem:$0x2940] =	vst v0;
	v0 =	vshrl.u32 v3, $0x10;
	v3 =	vld [tilespmem:$0xF0]  }
0x37: {  	[tilespmem:$0x29C0] =	vst v0;
	v0 =	vand.u32 $0xFFFF, v1  }
0x38: {  	[tilespmem:$0x2950] =	vst v0;
	v0 =	vshrl.u32 v1, $0x10  }
0x39: {  	[tilespmem:$0x29D0] =	vst v0;
	v0 =	vand.u32 $0xFFFF, v2  }
0x3a: {  	[tilespmem:$0x2960] =	vst v0;
	v0 =	vshrl.u32 v2, $0x10  }
0x3b: {  	[tilespmem:$0x29E0] =	vst v0;
	v0 =	vand.u32 $0xFFFF, v3  }
0x3c: {  	[tilespmem:$0x2970] =	vst v0;
	v0 =	vshrl.u32 v3, $0x10  }
0x3d: {  	[tilespmem:$0x29F0] =	vst v0  }
0x3e: {  	[tilespmem:s14], [sflag:$0x1] =	stream.indirect.gather [hbm4b:s4+s12], $0x80, s13, s12, $0xb8;
	[tilespmem:$0x1EA00] =	vst v63  }
0x3f: {  	_ = 	snop  }
0x40: {  	[tilespmem:s16], [sflag:$0x2] =	stream.indirect.gather [hbm4b:s4+s12], $0x80, s15, s12, $0xb8;
	[tilespmem:$0x1EA00] =	vst v63  }
0x41: {  	_ =	swait.ge [sflag:s17], $0x4000  }
0x42: {  	[sflag:s17] =	ssyncset.done $0x0  }
0x43: {  	[sflag:s17] =	ssyncadd.s32 $0xFFFFC000  }
0x44: {  	[spmem:s2] =	stream.indirect.scatter.add.f32 [tilespmem:s14], [sflag:$0x3], $0x80, s18, s12, $0xb8;
	[tilespmem:$0x1EA00] =	vst v63  }
0x45: {  	_ =	swait.ge [sflag:s11], $0x4000  }
0x46: {  	[sflag:s11] =	ssyncset.done $0x0  }
0x47: {  	s22 =	simm.s32 $0x1F0;
	[sflag:s11] =	ssyncadd.s32 $0xFFFFC000  }
0x48: {  	v0 =	vld [tilespmem:s22+$0xFFFFFF10];
	_ =	sdelay $0x4  }
0x49: {  	v1 =	vand.u32 $0xFFFF, v0  }
0x4a: {  	v0 =	vshrl.u32 v0, $0x10;
	[tilespmem:$0x2800] =	vst v1  }
0x4b: {  	[tilespmem:$0x2880] =	vst v0  }
0x4c: {  	v0 =	vld [tilespmem:s22+$0xFFFFFF20];
	_ =	sdelay $0x4  }
0x4d: {  	v1 =	vand.u32 $0xFFFF, v0  }
0x4e: {  	v0 =	vshrl.u32 v0, $0x10;
	[tilespmem:$0x2810] =	vst v1  }
0x4f: {  	[tilespmem:$0x2890] =	vst v0  }
0x50: {  	v0 =	vld [tilespmem:s22+$0xFFFFFF30];
	_ =	sdelay $0x4  }
0x51: {  	v1 =	vand.u32 $0xFFFF, v0  }
0x52: {  	v0 =	vshrl.u32 v0, $0x10;
	[tilespmem:$0x2820] =	vst v1  }
0x53: {  	[tilespmem:$0x28A0] =	vst v0  }
0x54: {  	v0 =	vld [tilespmem:s22+$0xFFFFFF40];
	_ =	sdelay $0x4  }
0x55: {  	v1 =	vand.u32 $0xFFFF, v0  }
0x56: {  	v0 =	vshrl.u32 v0, $0x10;
	[tilespmem:$0x2830] =	vst v1  }
0x57: {  	[tilespmem:$0x28B0] =	vst v0  }
0x58: {  	v0 =	vld [tilespmem:s22+$0xFFFFFF50];
	_ =	sdelay $0x4  }
0x59: {  	v1 =	vand.u32 $0xFFFF, v0  }
0x5a: {  	v0 =	vshrl.u32 v0, $0x10;
	[tilespmem:$0x2840] =	vst v1  }
0x5b: {  	[tilespmem:$0x28C0] =	vst v0  }
0x5c: {  	v0 =	vld [tilespmem:s22+$0xFFFFFF60];
	_ =	sdelay $0x4  }
0x5d: {  	v1 =	vand.u32 $0xFFFF, v0  }
0x5e: {  	v0 =	vshrl.u32 v0, $0x10;
	[tilespmem:$0x2850] =	vst v1  }
0x5f: {  	[tilespmem:$0x28D0] =	vst v0  }
0x60: {  	v0 =	vld [tilespmem:s22+$0xFFFFFF70];
	_ =	sdelay $0x4  }
0x61: {  	v1 =	vand.u32 $0xFFFF, v0  }
0x62: {  	v0 =	vshrl.u32 v0, $0x10;
	[tilespmem:$0x2860] =	vst v1  }
0x63: {  	[tilespmem:$0x28E0] =	vst v0  }
0x64: {  	v0 =	vld [tilespmem:s22+$0xFFFFFF80];
	_ =	sdelay $0x4  }
0x65: {  	v1 =	vand.u32 $0xFFFF, v0  }
0x66: {  	v0 =	vshrl.u32 v0, $0x10;
	[tilespmem:$0x2870] =	vst v1  }
0x67: {  	[tilespmem:$0x28F0] =	vst v0  }
0x68: {  	[tilespmem:s14], [sflag:$0x1] =	stream.indirect.gather [hbm4b:s4+s12], $0x80, s13, s12, $0xb8;
	[tilespmem:$0x1EA00] =	vst v63  }
0x69: {  	_ =	swait.ge [sflag:s19], $0x4000  }
0x6a: {  	[sflag:s19] =	ssyncset.done $0x0  }
0x6b: {  	[sflag:s19] =	ssyncadd.s32 $0xFFFFC000  }
0x6c: {  	[spmem:s2] =	stream.indirect.scatter.add.f32 [tilespmem:s16], [sflag:$0x3], $0x80, s20, s12, $0xb8;
	[tilespmem:$0x1EA00] =	vst v63  }
0x6d: {  	_ =	swait.ge [sflag:s11], $0x4000  }
0x6e: {  	[sflag:s11] =	ssyncset.done $0x0  }
0x6f: {  	[sflag:s11] =	ssyncadd.s32 $0xFFFFC000  }
0x70: {  	v0 =	vld [tilespmem:s22+$0xFFFFFF90];
	_ =	sdelay $0x4  }
0x71: {  	v1 =	vand.u32 $0xFFFF, v0  }
0x72: {  	v0 =	vshrl.u32 v0, $0x10;
	[tilespmem:$0x2900] =	vst v1  }
0x73: {  	[tilespmem:$0x2980] =	vst v0  }
0x74: {  	v0 =	vld [tilespmem:s22+$0xFFFFFFA0];
	_ =	sdelay $0x4  }
0x75: {  	v1 =	vand.u32 $0xFFFF, v0  }
0x76: {  	v0 =	vshrl.u32 v0, $0x10;
	[tilespmem:$0x2910] =	vst v1  }
0x77: {  	[tilespmem:$0x2990] =	vst v0  }
0x78: {  	v0 =	vld [tilespmem:s22+$0xFFFFFFB0];
	_ =	sdelay $0x4  }
0x79: {  	v1 =	vand.u32 $0xFFFF, v0  }
0x7a: {  	v0 =	vshrl.u32 v0, $0x10;
	[tilespmem:$0x2920] =	vst v1  }
0x7b: {  	[tilespmem:$0x29A0] =	vst v0  }
0x7c: {  	v0 =	vld [tilespmem:s22+$0xFFFFFFC0];
	_ =	sdelay $0x4  }
0x7d: {  	v1 =	vand.u32 $0xFFFF, v0  }
0x7e: {  	v0 =	vshrl.u32 v0, $0x10;
	[tilespmem:$0x2930] =	vst v1  }
0x7f: {  	[tilespmem:$0x29B0] =	vst v0  }
0x80: {  	v0 =	vld [tilespmem:s22+$0xFFFFFFD0];
	_ =	sdelay $0x4  }
0x81: {  	v1 =	vand.u32 $0xFFFF, v0  }
0x82: {  	v0 =	vshrl.u32 v0, $0x10;
	[tilespmem:$0x2940] =	vst v1  }
0x83: {  	[tilespmem:$0x29C0] =	vst v0  }
0x84: {  	v0 =	vld [tilespmem:s22+$0xFFFFFFE0];
	_ =	sdelay $0x4  }
0x85: {  	v1 =	vand.u32 $0xFFFF, v0  }
0x86: {  	v0 =	vshrl.u32 v0, $0x10;
	[tilespmem:$0x2950] =	vst v1  }
0x87: {  	[tilespmem:$0x29D0] =	vst v0  }
0x88: {  	v0 =	vld [tilespmem:s22+$0xFFFFFFF0];
	_ =	sdelay $0x4  }
0x89: {  	v1 =	vand.u32 $0xFFFF, v0  }
0x8a: {  	s23 =	simm.s32 $0xBC0;
	v0 =	vshrl.u32 v0, $0x10;
	[tilespmem:$0x2960] =	vst v1  }
.LBB2_2:
0x8b: {  	p0 =	sne.s32 s23, $0x9FC0;
	[tilespmem:$0x29E0] =	vst v0;
	s24 =	smov.u32 s23;
	s23 =	sadd.s32 $0x400, s23  }
0x8c: {  	v0 =	vld [tilespmem:s22+$0x0];
	_ =	sdelay $0x4  }
0x8d: {  	v1 =	vand.u32 $0xFFFF, v0;
	v0 =	vshrl.u32 v0, $0x10  }
0x8e: {  	[tilespmem:$0x2970] =	vst v1  }
0x8f: {  	[tilespmem:$0x29F0] =	vst v0  }
0x90: {  	[tilespmem:s16], [sflag:$0x2] =	stream.indirect.gather [hbm4b:s4+s12], $0x80, s15, s12, $0xb8;
	[tilespmem:$0x1EA00] =	vst v63  }
0x91: {  	_ =	swait.ge [sflag:s17], $0x4000  }
0x92: {  	[sflag:s17] =	ssyncset.done $0x0  }
0x93: {  	[sflag:s17] =	ssyncadd.s32 $0xFFFFC000  }
0x94: {  	[spmem:s2] =	stream.indirect.scatter.add.f32 [tilespmem:s14], [sflag:$0x3], $0x80, s18, s12, $0xb8;
	[tilespmem:$0x1EA00] =	vst v63  }
0x95: {  	_ =	swait.ge [sflag:s11], $0x4000  }
0x96: {  	[sflag:s11] =	ssyncset.done $0x0  }
0x97: {  	s22 =	sshra.s32 s24, $0x2;
	[sflag:s11] =	ssyncadd.s32 $0xFFFFC000  }
0x98: {  	v0 =	vld [tilespmem:s22+$0xFFFFFF10];
	_ =	sdelay $0x4  }
0x99: {  	v1 =	vand.u32 $0xFFFF, v0;
	v0 =	vshrl.u32 v0, $0x10  }
0x9a: {  	[tilespmem:$0x2800] =	vst v1  }
0x9b: {  	[tilespmem:$0x2880] =	vst v0  }
0x9c: {  	v0 =	vld [tilespmem:s22+$0xFFFFFF20];
	_ =	sdelay $0x4  }
0x9d: {  	v1 =	vand.u32 $0xFFFF, v0;
	v0 =	vshrl.u32 v0, $0x10  }
0x9e: {  	[tilespmem:$0x2810] =	vst v1  }
0x9f: {  	[tilespmem:$0x2890] =	vst v0  }
0xa0: {  	v0 =	vld [tilespmem:s22+$0xFFFFFF30];
	_ =	sdelay $0x4  }
0xa1: {  	v1 =	vand.u32 $0xFFFF, v0;
	v0 =	vshrl.u32 v0, $0x10  }
0xa2: {  	[tilespmem:$0x2820] =	vst v1  }
0xa3: {  	[tilespmem:$0x28A0] =	vst v0  }
0xa4: {  	v0 =	vld [tilespmem:s22+$0xFFFFFF40];
	_ =	sdelay $0x4  }
0xa5: {  	v1 =	vand.u32 $0xFFFF, v0;
	v0 =	vshrl.u32 v0, $0x10  }
0xa6: {  	[tilespmem:$0x2830] =	vst v1  }
0xa7: {  	[tilespmem:$0x28B0] =	vst v0  }
0xa8: {  	v0 =	vld [tilespmem:s22+$0xFFFFFF50];
	_ =	sdelay $0x4  }
0xa9: {  	v1 =	vand.u32 $0xFFFF, v0;
	v0 =	vshrl.u32 v0, $0x10  }
0xaa: {  	[tilespmem:$0x2840] =	vst v1  }
0xab: {  	[tilespmem:$0x28C0] =	vst v0  }
0xac: {  	v0 =	vld [tilespmem:s22+$0xFFFFFF60];
	_ =	sdelay $0x4  }
0xad: {  	v1 =	vand.u32 $0xFFFF, v0;
	v0 =	vshrl.u32 v0, $0x10  }
0xae: {  	[tilespmem:$0x2850] =	vst v1  }
0xaf: {  	[tilespmem:$0x28D0] =	vst v0  }
0xb0: {  	v0 =	vld [tilespmem:s22+$0xFFFFFF70];
	_ =	sdelay $0x4  }
0xb1: {  	v1 =	vand.u32 $0xFFFF, v0;
	v0 =	vshrl.u32 v0, $0x10  }
0xb2: {  	[tilespmem:$0x2860] =	vst v1  }
0xb3: {  	[tilespmem:$0x28E0] =	vst v0  }
0xb4: {  	v0 =	vld [tilespmem:s22+$0xFFFFFF80];
	_ =	sdelay $0x4  }
0xb5: {  	v1 =	vand.u32 $0xFFFF, v0;
	v0 =	vshrl.u32 v0, $0x10  }
0xb6: {  	[tilespmem:$0x2870] =	vst v1  }
0xb7: {  	[tilespmem:$0x28F0] =	vst v0  }
0xb8: {  	[tilespmem:s14], [sflag:$0x1] =	stream.indirect.gather [hbm4b:s4+s12], $0x80, s13, s12, $0xb8;
	[tilespmem:$0x1EA00] =	vst v63  }
0xb9: {  	_ =	swait.ge [sflag:s19], $0x4000  }
0xba: {  	[sflag:s19] =	ssyncset.done $0x0  }
0xbb: {  	[sflag:s19] =	ssyncadd.s32 $0xFFFFC000  }
0xbc: {  	[spmem:s2] =	stream.indirect.scatter.add.f32 [tilespmem:s16], [sflag:$0x3], $0x80, s20, s12, $0xb8;
	[tilespmem:$0x1EA00] =	vst v63  }
0xbd: {  	_ =	swait.ge [sflag:s11], $0x4000  }
0xbe: {  	[sflag:s11] =	ssyncset.done $0x0  }
0xbf: {  	[sflag:s11] =	ssyncadd.s32 $0xFFFFC000  }
0xc0: {  	v0 =	vld [tilespmem:s22+$0xFFFFFF90];
	_ =	sdelay $0x4  }
0xc1: {  	v1 =	vand.u32 $0xFFFF, v0;
	v0 =	vshrl.u32 v0, $0x10  }
0xc2: {  	[tilespmem:$0x2900] =	vst v1  }
0xc3: {  	[tilespmem:$0x2980] =	vst v0  }
0xc4: {  	v0 =	vld [tilespmem:s22+$0xFFFFFFA0];
	_ =	sdelay $0x4  }
0xc5: {  	v1 =	vand.u32 $0xFFFF, v0;
	v0 =	vshrl.u32 v0, $0x10  }
0xc6: {  	[tilespmem:$0x2910] =	vst v1  }
0xc7: {  	[tilespmem:$0x2990] =	vst v0  }
0xc8: {  	v0 =	vld [tilespmem:s22+$0xFFFFFFB0];
	_ =	sdelay $0x4  }
0xc9: {  	v1 =	vand.u32 $0xFFFF, v0;
	v0 =	vshrl.u32 v0, $0x10  }
0xca: {  	[tilespmem:$0x2920] =	vst v1  }
0xcb: {  	[tilespmem:$0x29A0] =	vst v0  }
0xcc: {  	v0 =	vld [tilespmem:s22+$0xFFFFFFC0];
	_ =	sdelay $0x4  }
0xcd: {  	v1 =	vand.u32 $0xFFFF, v0;
	v0 =	vshrl.u32 v0, $0x10  }
0xce: {  	[tilespmem:$0x2930] =	vst v1  }
0xcf: {  	[tilespmem:$0x29B0] =	vst v0  }
0xd0: {  	v0 =	vld [tilespmem:s22+$0xFFFFFFD0];
	_ =	sdelay $0x4  }
0xd1: {  	v1 =	vand.u32 $0xFFFF, v0;
	v0 =	vshrl.u32 v0, $0x10  }
0xd2: {  	[tilespmem:$0x2940] =	vst v1  }
0xd3: {  	[tilespmem:$0x29C0] =	vst v0  }
0xd4: {  	v0 =	vld [tilespmem:s22+$0xFFFFFFE0];
	_ =	sdelay $0x4  }
0xd5: {  	v1 =	vand.u32 $0xFFFF, v0;
	v0 =	vshrl.u32 v0, $0x10  }
0xd6: {  	[tilespmem:$0x2950] =	vst v1  }
0xd7: {  	[tilespmem:$0x29D0] =	vst v0  }
0xd8: {  	v0 =	vld [tilespmem:s22+$0xFFFFFFF0];
	_ =	sdelay $0x1  }
.Ltmp0:
0xd9: {  	(pc) =	sbr.rel @p0 .LBB2_2-.Ltmp0, $3  }
0xda: {  	_ =	sdelay $0x1  }
0xdb: {  	v1 =	vand.u32 $0xFFFF, v0;
	v0 =	vshrl.u32 v0, $0x10  }
0xdc: {  	[tilespmem:$0x2960] =	vst v1  }
0xdd: {  	[tilespmem:$0x29E0] =	vst v0  }
0xde: {  	v0 =	vld [tilespmem:s22+$0x0];
	_ =	sdelay $0x4  }
0xdf: {  	v1 =	vand.u32 $0xFFFF, v0  }
0xe0: {  	v0 =	vshrl.u32 v0, $0x10;
	[tilespmem:$0x2970] =	vst v1  }
0xe1: {  	[tilespmem:$0x29F0] =	vst v0  }
0xe2: {  	[tilespmem:s16], [sflag:$0x2] =	stream.indirect.gather [hbm4b:s4+s12], $0x80, s15, s12, $0xb8;
	[tilespmem:$0x1EA00] =	vst v63  }
0xe3: {  	_ =	swait.ge [sflag:s17], $0x4000  }
0xe4: {  	[sflag:s17] =	ssyncset.done $0x0  }
0xe5: {  	[sflag:s17] =	ssyncadd.s32 $0xFFFFC000  }
0xe6: {  	[spmem:s2] =	stream.indirect.scatter.add.f32 [tilespmem:s14], [sflag:$0x3], $0x80, s18, s12, $0xb8;
	[tilespmem:$0x1EA00] =	vst v63  }
0xe7: {  	_ =	swait.ge [sflag:s11], $0x4000  }
0xe8: {  	[sflag:s11] =	ssyncset.done $0x0  }
0xe9: {  	[sflag:s11] =	ssyncadd.s32 $0xFFFFC000  }
0xea: {  	_ =	swait.ge [sflag:s19], $0x4000  }
0xeb: {  	[sflag:s19] =	ssyncset.done $0x0  }
0xec: {  	[sflag:s19] =	ssyncadd.s32 $0xFFFFC000  }
0xed: {  	[spmem:s2] =	stream.indirect.scatter.add.f32 [tilespmem:s16], [sflag:$0x3], $0x80, s20, s12, $0xb8;
	[tilespmem:$0x1EA00] =	vst v63  }
0xee: {  	_ =	swait.ge [sflag:s11], $0x4000  }
0xef: {  	s21 =	sadd.s32 $0x1, s21;
	[sflag:s11] =	ssyncset.done $0x0  }
0xf0: {  	p0 =	sne.s32 s21, s9;
	[sflag:s11] =	ssyncadd.s32 $0xFFFFC000  }
.Ltmp1:
0xf1: {  	[bflag:$0x0] =	sbarrier.arrive $0xFFFF;
	(pc) =	sbr.rel @p0 .LBB2_1-.Ltmp1, $4  }
0xf2: {  	[hbm:s8], [sflag:s6] =	dma.local [spmem:s10], $0x2800  }
0xf3: {  	_ =	swait.ge [sflag:s11], $0x2800  }
0xf4: {  	[sflag:s11] =	ssyncset.done $0x0  }
0xf5: {  	[sflag:s11] =	ssyncadd.s32 $0xFFFFD800  }
0xf6: {  	_ =	sfence.sel $0x180000  }
0xf7: {  	[bflag:$0x0] =	sbarrier.arrive $0xFFFF  }
0xf8: {  	p0 =	sne.s32 s1, $0x0;
	_ =	strace $0x90000047  }
0xf9: {  	s0 =	sadd.s32 @!p0 $0x100000, s0;
	[bflag:$0x2] =	sbarrier.arrive $0xFFFF  }
0xfa: {  	[sflag:s0] =	ssyncadd.tile.s32 @!p0 $0x1;
	_ =	shalt  }
.Lfunc_end2:
_tile_overlayer_lowered:
.L_overlay_start_2:
0xfb: {  	(tag) =	ssettag $0x2  }
0xfc: {  	s0 =	rddreg [dreg:$0x0];
	s2 =	stileid.u32  }
0xfd: {  	s1 =	rddreg [dreg:$0x1];
	p0 =	sne.s32 s2, $0x0  }
0xfe: {  	s3 =	rddreg [dreg:$0x2];
	[bflag:$0x3] =	sbarrier.arrive $0xFFFF;
	s2 =	simm.s32 @!p0 $0x1C03  }
0xff: {  	[timem:s3], [sflag:s2] =	dma.local @!p0 [hbm:s0], s1  }
0x100: {  	s0 =	simm.s32 @!p0 $0x3  }
0x101: {  	_ =	swait.ge @!p0 [sflag:s0], s1  }
0x102: {  	s1 =	ssub.s32 @!p0 $0x0, s1;
	[sflag:s0] =	ssyncset.done @!p0 $0x0  }
0x103: {  	[sflag:s0] =	ssyncadd.s32 @!p0 s1  }
0x104: {  	[bflag:$0x3] =	sbarrier.arrive $0xFFFF  }
0x105: {  	_ =	shalt  }

// kernel: kernel.18.cloned.1.call-start
scs
__scs_entry_jumppad:
0x0: {  	(pc) =	sbr.rel $0x88, $3  }
0x1: {  	(tag) =	ssettag $0x0;
	lr =	simm.s32 $0x1  }
0x2: {  	[smem:$0x3F95] =	sst lr;
	_ =	strace $0xD0000000  }
0x3: {  	_ = 	snop  }
0x4: {  	_ = 	snop  }
0x5: {  	_ = 	snop  }
0x6: {  	_ = 	snop  }
0x7: {  	_ = 	snop  }
__scs_overlays_trampoline_lowered:
0x8: {  	[smem:$0x3FA4] =	sst s0  }
0x9: {  	[smem:$0x3FA5] =	sst s1  }
0xa: {  	[smem:$0x3FA6] =	sst s2  }
0xb: {  	[smem:$0x3FA7] =	sst s3  }
0xc: {  	[smem:$0x3FA8] =	sst s4  }
0xd: {  	[smem:$0x3FA9] =	sst s5  }
0xe: {  	[smem:$0x3FAA] =	sst s6  }
0xf: {  	[smem:$0x3FAB] =	sst s7  }
0x10: {  	[smem:$0x3FAC] =	sst s8  }
0x11: {  	[smem:$0x3FAD] =	sst s9;
	s0 =	simm.s32 @!p0 $0x0  }
0x12: {  	s1 =	sld [smem:$0x3F93];
	s0 =	simm.s32 @p0 $0x1  }
0x13: {  	[smem:$0x3FAE] =	sst s0;
	s0 =	simm.s32 @!p1 $0x0  }
0x14: {  	s2 =	sld [smem:$0x3F92];
	s0 =	simm.s32 @p1 $0x1  }
0x15: {  	[smem:$0x3FAF] =	sst s0;
	s0 =	simm.s32 @!p2 $0x0  }
0x16: {  	s3 =	sld [smem:$0x3FDB];
	s0 =	simm.s32 @p2 $0x1  }
0x17: {  	s4 =	simm.s32 $0x1BF5;
	[smem:$0x3FB1] =	sst s0  }
0x18: {  	s0 =	sld [smem:$0x3F94];
	_ =	swait.ge [sflag:s4], $0x0  }
0x19: {  	s7 =	sld [smem:$0x3F95]  }
0x1a: {  	s8 =	sadd.s32 $0xFFFFE003, lr  }
0x1b: {  	s9 =	sadd.s32 $0xFFFFFEF7, lr;
	s5 =	simm.s32 $0xFFFFFFFF;
	p2 =	slt.u32 s8, $0xFFFFF086  }
0x1c: {  	p1 =	slt.u32 s9, $0xF7A;
	s5 =	simm.s32 @!p2 $0x0  }
0x1d: {  	s5 =	simm.s32 @p1 $0x1;
	p0 =	seq.s32 s7, s2  }
0x1e: {  	s7 =	smul.u32 @!p0 $0xF7A, s2;
	p2 =	seq.s32 @!p0 s5, $0x0  }
0x1f: {  	s9 =	smul.u32 $0xF7A, s1;
	s8 =	simm.s32 @!p0 $0x1BF5;
	p2 =	por !p2, p0  }
0x20: {  	[sflag:s8] =	ssyncset.s32 @!p0 $0xFFFFF086;
	s6 =	sadd.s32 @!p0 s3, s7;
	s7 =	simm.s32 @!p0 $0x108  }
0x21: {  	s3 =	sadd.s32 s3, s9;
	s6 =	sadd.s32 @!p0 $0x88, s6;
	s7 =	simm.s32 @p2 $0x1082  }
0x22: {  	[simem:s7], [sflag:s8] =	dma.local @!p0 [hbm:s6], $0xF7A  }
0x23: {  	s9 =	sor.u32 $0xD0000000, s2;
	s6 =	simm.s32 $0x108;
	_ =	swait.ge @!p0 [sflag:s8], $0x0  }
0x24: {  	s3 =	sadd.s32 $0x88, s3;
	s6 =	simm.s32 @!p1 $0x1082;
	[sflag:s4] =	ssyncset.s32 $0xFFFFF086  }
0x25: {  	[simem:s6], [sflag:s4] =	dma.local [hbm:s3], $0xF7A  }
0x26: {  	[smem:$0x3F95] =	sst s1;
	(tag) =	ssettag s2;
	_ =	strace s9  }
0x27: {  	s1 =	sld [smem:$0x3FA5]  }
0x28: {  	s2 =	sld [smem:$0x3FA6]  }
0x29: {  	s4 =	sld [smem:$0x3FA8]  }
0x2a: {  	p0 =	seq.s32 s5, $0x0;
	s5 =	sld [smem:$0x3FA9]  }
0x2b: {  	s6 =	sld [smem:$0x3FAA]  }
0x2c: {  	s7 =	sld [smem:$0x3FAB]  }
0x2d: {  	s3 =	simm.s32 $0x108;
	s8 =	sld [smem:$0x3FAC]  }
0x2e: {  	s3 =	simm.s32 @!p0 $0x1082;
	s9 =	sld [smem:$0x3FAD]  }
0x2f: {  	lr =	sadd.s32 s0, s3;
	s0 =	sld [smem:$0x3FA4]  }
0x30: {  	s3 =	sld [smem:$0x3FA7]  }
0x31: {  	[smem:$0x3FB0] =	sst s10  }
0x32: {  	s10 =	sld [smem:$0x3FAE];
	_ =	sdelay $0x3  }
0x33: {  	p0 =	seq.s32 s10, $0x1;
	s10 =	sld [smem:$0x3FB0];
	_ =	sdelay $0x3  }
0x34: {  	[smem:$0x3FB0] =	sst s10  }
0x35: {  	s10 =	sld [smem:$0x3FAF];
	_ =	sdelay $0x3  }
0x36: {  	p1 =	seq.s32 s10, $0x1;
	s10 =	sld [smem:$0x3FB0];
	_ =	sdelay $0x3  }
0x37: {  	[smem:$0x3FB0] =	sst s10  }
0x38: {  	s10 =	sld [smem:$0x3FB1]  }
0x39: {  	_ = 	snop;
	(pc) =	sbr.ind lr, $3  }
0x3a: {  	_ = 	snop  }
0x3b: {  	_ = 	snop  }
0x3c: {  	p2 =	seq.s32 s10, $0x1;
	s10 =	sld [smem:$0x3FB0]  }
0x3d: {  	_ =	shalt  }
0x3e: {  	_ =	shalt  }
0x3f: {  	_ =	shalt  }
0x40: {  	_ =	shalt  }
0x41: {  	_ =	shalt  }
0x42: {  	_ =	shalt  }
0x43: {  	_ =	shalt  }
0x44: {  	_ =	shalt  }
0x45: {  	_ =	shalt  }
0x46: {  	_ =	shalt  }
0x47: {  	_ =	shalt  }
0x48: {  	_ =	shalt  }
0x49: {  	_ =	shalt  }
0x4a: {  	_ =	shalt  }
0x4b: {  	_ =	shalt  }
0x4c: {  	_ =	shalt  }
0x4d: {  	_ =	shalt  }
0x4e: {  	_ =	shalt  }
0x4f: {  	_ =	shalt  }
0x50: {  	_ =	shalt  }
0x51: {  	_ =	shalt  }
0x52: {  	_ =	shalt  }
0x53: {  	_ =	shalt  }
0x54: {  	_ =	shalt  }
0x55: {  	_ =	shalt  }
0x56: {  	_ =	shalt  }
0x57: {  	_ =	shalt  }
0x58: {  	_ =	shalt  }
0x59: {  	_ =	shalt  }
0x5a: {  	_ =	shalt  }
0x5b: {  	_ =	shalt  }
0x5c: {  	_ =	shalt  }
0x5d: {  	_ =	shalt  }
0x5e: {  	_ =	shalt  }
0x5f: {  	_ =	shalt  }
0x60: {  	_ =	shalt  }
0x61: {  	_ =	shalt  }
0x62: {  	_ =	shalt  }
0x63: {  	_ =	shalt  }
0x64: {  	_ =	shalt  }
0x65: {  	_ =	shalt  }
0x66: {  	_ =	shalt  }
0x67: {  	_ =	shalt  }
0x68: {  	_ =	shalt  }
0x69: {  	_ =	shalt  }
0x6a: {  	_ =	shalt  }
0x6b: {  	_ =	shalt  }
0x6c: {  	_ =	shalt  }
0x6d: {  	_ =	shalt  }
0x6e: {  	_ =	shalt  }
0x6f: {  	_ =	shalt  }
0x70: {  	_ =	shalt  }
0x71: {  	_ =	shalt  }
0x72: {  	_ =	shalt  }
0x73: {  	_ =	shalt  }
0x74: {  	_ =	shalt  }
0x75: {  	_ =	shalt  }
0x76: {  	_ =	shalt  }
0x77: {  	_ =	shalt  }
0x78: {  	_ =	shalt  }
0x79: {  	_ =	shalt  }
0x7a: {  	_ =	shalt  }
0x7b: {  	_ =	shalt  }
0x7c: {  	_ =	shalt  }
0x7d: {  	_ =	shalt  }
0x7e: {  	_ =	shalt  }
0x7f: {  	_ =	shalt  }
0x80: {  	_ =	shalt  }
0x81: {  	_ =	shalt  }
0x82: {  	_ =	shalt  }
0x83: {  	_ =	shalt  }
0x84: {  	_ =	shalt  }
0x85: {  	_ =	shalt  }
0x86: {  	_ =	shalt  }
0x87: {  	_ =	shalt  }
.Lfunc_end0:
.L_simem_size_0:
called_computation.2_lowered:
.L_overlay_start_0:
0x88: {  	s2 =	sld [smem:$0x3FD9]  }
0x89: {  	s3 =	sld [smem:$0x3FFE];
	_ =	sdelay $0x1  }
0x8a: {  	s1 =	srdreg.scid  }
0x8b: {  	s0 =	sand.u32 $0x1, s1  }
0x8c: {  	s16 =	sshll.u32 s0, $0xA;
	s2 =	sadd.s32 s3, s2  }
0x8d: {  	s2 =	sadd.s32 s2, s16  }
0x8e: {  	[smem:$0x3FBC] =	sst s2  }
0x8f: {  	_ = 	snop  }
0x90: {  	(tm) =	ssettm $0x1  }
0x91: {  	s17 =	sld [smem:$0x3FFB];
	_ =	sdelay $0x3  }
0x92: {  	_ =	strace s17  }
0x93: {  	s2 =	sld [smem:$0x3FFC];
	_ =	sdelay $0x3  }
0x94: {  	_ =	strace s2  }
0x95: {  	s2 =	sld [smem:$0x3FFD];
	_ =	sdelay $0x3  }
0x96: {  	_ =	strace s2  }
0x97: {  	_ =	strace $0x8FFFFFFF  }
0x98: {  	s18 =	sld [smem:$0x3FDB];
	_ =	sdelay $0x1  }
0x99: {  	s19 =	simm.s32 $_scs_section_size  }
0x9a: {  	s4 =	simm.s32 $_size__tile_overlayer_lowered;
	s5 =	simm.s32 $_tile_overlayer_lowered  }
0x9b: {  	s22 =	simm.s32 $0x1BFF;
	s21 =	sshll.u32 s5, $0x1;
	s2 =	sadd.s32 s19, s18  }
0x9c: {  	s6 =	simm.s32 $0x0;
	s20 =	sshll.u32 s4, $0x1;
	s4 =	sadd.s32 s21, s2  }
0x9d: {  	[timem:s6], [sflag:s22] =	dma.local [hbm:s4], s20  }
0x9e: {  	_ =	swait.ge [sflag:s22], s20  }
0x9f: {  	s3 =	ssub.s32 $0x0, s20;
	[sflag:s22] =	ssyncset.done $0x0  }
0xa0: {  	[sflag:s22] =	ssyncadd.s32 s3;
	_ =	sdelay $0x1  }
0xa1: {  	s23 =	simm.s32 $0x1B8B  }
0xa2: {  	_ =	swait.ge [sflag:s23], $0x1  }
0xa3: {  	[sflag:s23] =	ssyncset.done $0x0  }
0xa4: {  	s25 =	simm.s32 $0x1B8E;
	s24 =	sld [smem:$0x3FFE];
	[sflag:s23] =	ssyncadd.s32 $0xFFFFFFFF  }
0xa5: {  	s26 =	simm.s32 $execute0_lowered;
	[smem:$0x3FD2] =	sst s25  }
0xa6: {  	s4 =	sshll.u32 s26, $0x1;
	_ =	strace $0x8000004C;
	[dreg:$0x1] =	wrdreg $0xFFFFFFFF  }
0xa7: {  	s28 =	simm.s32 $_size_execute0_lowered;
	s2 =	sadd.s32 s2, s4;
	[dreg:$0x0] =	wrdreg $0x0  }
0xa8: {  	s4 =	sshll.u32 s28, $0x1;
	[dreg:$0x2] =	wrdreg s2  }
0xa9: {  	[dreg:$0x3] =	wrdreg s4  }
0xaa: {  	[dreg:$0x4] =	wrdreg $0xC0  }
0xab: {  	_ =	task [dreg:s6], $0x5FFFF  }
0xac: {  	[dreg:$0x1] =	wrdreg $0xFFFFFFFF  }
0xad: {  	[dreg:$0x0] =	wrdreg $0x60  }
0xae: {  	[dreg:$0x2] =	wrdreg s24  }
0xaf: {  	[dreg:$0x3] =	wrdreg $0xAA000  }
0xb0: {  	[dreg:$0x4] =	wrdreg $0x9  }
0xb1: {  	_ =	task.clear_ibuf [dreg:s6], $0x5FFFF;
	_ =	strace $0x9000004C  }
0xb2: {  	s29 =	simm.s32 $0x9;
	_ =	strace $0x8000004E  }
0xb3: {  	_ =	swait.ge [sflag:s29], $0x1  }
0xb4: {  	[sflag:s29] =	ssyncadd.s32 $0xFFFFFFFF  }
0xb5: {  	_ =	strace $0x9000004E  }
0xb6: {  	_ =	sfence  }
0xb7: {  	s30 =	sld [smem:$0x0];
	_ =	sdelay $0x2  }
0xb8: {  	s31 =	sshll.u32 s1, $0xD;
	s1 =	sshrl.u32 s1, $0x2  }
0xb9: {  	s3 =	sand.u32 $0x4000, s31;
	s1 =	sadd.s32 s1, s30  }
0xba: {  	s0 =	sor.u32 s3, s0;
	s1 =	sshll.u32 s1, $0x11  }
0xbb: {  	s0 =	sor.u32 s1, s0  }
0xbc: {  	s0 =	sadd.s32 $0x8F2B, s0  }
0xbd: {  	[sflag:s0] =	ssyncadd.remote.s32 $0x1  }
0xbe: {  	_ =	sfence.sel $0xFFFF  }
0xbf: {  	[dreg:$0x0] =	wrdreg $0xFFFFFFFF;
	(pc) =	sbr.abs _section_cstart, $3  }
0xc0: {  	[dreg:$0x1] =	wrdreg $0xFFFFFFFF  }
0xc1: {  	_ =	task.clear_ibuf [dreg:s6], $0x2FFFF;
	_ =	strace $0x9FFFFFFF  }
0xc2: {  	(tm) =	ssettm $0x7FFFFFFF  }
0xc3: {  	_ =	shalt  }
tec
execute0_lowered:
.L_overlay_start_1:
0x0: {  	(tag) =	ssettag $0x1  }
0x1: {  	s6 =	rddreg [dreg:$0x0]  }
0x2: {  	s2 =	rddreg [dreg:$0x1]  }
0x3: {  	s1 =	srdreg.scid;
	s0 =	rddreg [dreg:$0x2]  }
0x4: {  	s3 =	simm.s32 $0x0;
	s13 =	simm.s32 $0x2800;
	s14 =	simm.s32 $0x2A00  }
0x5: {  	s15 =	simm.s32 $0x2900;
	s16 =	simm.s32 $0x6A00;
	s17 =	simm.s32 $0x1  }
0x6: {  	s18 =	simm.s32 $0x2880;
	s19 =	simm.s32 $0x2;
	s7 =	sand.u32 $0x1, s1  }
0x7: {  	s20 =	simm.s32 $0x2980;
	s1 =	stileid.u32;
	s5 =	smul.u32 $0x140000, s7  }
0x8: {  	s21 =	simm.s32 $0x0;
	[smem:$0x7FF] =	sst s3;
	s8 =	smul.u32 $0x14000, s1  }
0x9: {  	s4 =	sshll.u32 s7, $0x4;
	_ =	strace $0x8000004D;
	s10 =	smul.u32 $0x50000, s1  }
0xa: {  	s31 =	ssub.s32 $0x2, s7;
	s11 =	sshll.u32 s1, $0x6;
	s4 =	sor.u32 s1, s4  }
0xb: {  	s7 =	sshrl.u32 s31, $0x1;
	s9 =	smul.u32 $0x500, s4;
	s4 =	sadd.s32 $0x1CE00, s6  }
0xc: {  	s5 =	sadd.s32 s8, s5;
	s10 =	sshrl.u32 s10, $0x2;
	s12 =	ssub.s32 s31, s7  }
0xd: {  	s30 =	sshrl.u32 s5, $0x3;
	s5 =	sadd.s32 $0x48000, s6;
	s10 =	sadd.s32 s10, s2  }
0xe: {  	s29 =	sadd.s32 s9, s6;
	s9 =	sadd.s32 s30, s6;
	s6 =	sor.u32 $0x1C03, s11  }
0xf: {  	s10 =	sshrl.u32 s10, $0x3;
	s11 =	simm.s32 $0x3;
	s7 =	sadd.s32 $0x12E00, s29  }
0x10: {  	s8 =	sadd.s32 $0x4A800, s9;
	s9 =	smax.u32 s12, $0x1;
	s12 =	simm.s32 $0x80  }
.LBB2_1:
0x11: {  	[spmem:s10], [sflag:s6] =	dma.local [hbm:s5], $0x2800  }
0x12: {  	_ =	swait.ge [sflag:s11], $0x2800  }
0x13: {  	[sflag:s11] =	ssyncset.done $0x0  }
0x14: {  	[sflag:s11] =	ssyncadd.s32 $0xFFFFD800  }
0x15: {  	[tilespmem:s3], [sflag:$0x3] =	stream.linear.gather [hbm4b:s7+s3], $0x2800, $0x38;
	[tilespmem:$0x1EA00] =	vst v63  }
0x16: {  	_ =	swait.ge [sflag:s11], $0x2800  }
0x17: {  	[sflag:s11] =	ssyncset.done $0x0  }
0x18: {  	[sflag:s11] =	ssyncadd.s32 $0xFFFFD800  }
0x19: {  	[bflag:$0x0] =	sbarrier.arrive $0xFFFF  }
0x1a: {  	v0 =	vld [tilespmem:$0x0];
	_ =	sdelay $0x1  }
0x1b: {  	v1 =	vld [tilespmem:$0x10];
	_ =	sdelay $0x1  }
0x1c: {  	v2 =	vld [tilespmem:$0x20]  }
0x1d: {  	v3 =	vand.u32 $0xFFFF, v0  }
0x1e: {  	v0 =	vshrl.u32 v0, $0x10;
	[tilespmem:$0x2800] =	vst v3;
	v3 =	vld [tilespmem:$0x30]  }
0x1f: {  	[tilespmem:$0x2880] =	vst v0;
	v0 =	vand.u32 $0xFFFF, v1  }
0x20: {  	[tilespmem:$0x2810] =	vst v0;
	v0 =	vshrl.u32 v1, $0x10;
	v1 =	vld [tilespmem:$0x40]  }
0x21: {  	[tilespmem:$0x2890] =	vst v0;
	v0 =	vand.u32 $0xFFFF, v2  }
0x22: {  	[tilespmem:$0x2820] =	vst v0;
	v0 =	vshrl.u32 v2, $0x10;
	v2 =	vld [tilespmem:$0x50]  }
0x23: {  	[tilespmem:$0x28A0] =	vst v0;
	v0 =	vand.u32 $0xFFFF, v3  }
0x24: {  	[tilespmem:$0x2830] =	vst v0;
	v0 =	vshrl.u32 v3, $0x10;
	v3 =	vld [tilespmem:$0x60]  }
0x25: {  	[tilespmem:$0x28B0] =	vst v0;
	v0 =	vand.u32 $0xFFFF, v1  }
0x26: {  	[tilespmem:$0x2840] =	vst v0;
	v0 =	vshrl.u32 v1, $0x10;
	v1 =	vld [tilespmem:$0x70]  }
0x27: {  	[tilespmem:$0x28C0] =	vst v0;
	v0 =	vand.u32 $0xFFFF, v2  }
0x28: {  	[tilespmem:$0x2850] =	vst v0;
	v0 =	vshrl.u32 v2, $0x10;
	v2 =	vld [tilespmem:$0x80]  }
0x29: {  	[tilespmem:$0x28D0] =	vst v0;
	v0 =	vand.u32 $0xFFFF, v3  }
0x2a: {  	[tilespmem:$0x2860] =	vst v0;
	v0 =	vshrl.u32 v3, $0x10;
	v3 =	vld [tilespmem:$0x90]  }
0x2b: {  	[tilespmem:$0x28E0] =	vst v0;
	v0 =	vand.u32 $0xFFFF, v1  }
0x2c: {  	[tilespmem:$0x2870] =	vst v0;
	v0 =	vshrl.u32 v1, $0x10;
	v1 =	vld [tilespmem:$0xA0]  }
0x2d: {  	[tilespmem:$0x28F0] =	vst v0;
	v0 =	vand.u32 $0xFFFF, v2  }
0x2e: {  	[tilespmem:$0x2900] =	vst v0;
	v0 =	vshrl.u32 v2, $0x10;
	v2 =	vld [tilespmem:$0xB0]  }
0x2f: {  	[tilespmem:$0x2980] =	vst v0;
	v0 =	vand.u32 $0xFFFF, v3  }
0x30: {  	[tilespmem:$0x2910] =	vst v0;
	v0 =	vshrl.u32 v3, $0x10;
	v3 =	vld [tilespmem:$0xC0]  }
0x31: {  	[tilespmem:$0x2990] =	vst v0;
	v0 =	vand.u32 $0xFFFF, v1  }
0x32: {  	[tilespmem:$0x2920] =	vst v0;
	v0 =	vshrl.u32 v1, $0x10;
	v1 =	vld [tilespmem:$0xD0]  }
0x33: {  	[tilespmem:$0x29A0] =	vst v0;
	v0 =	vand.u32 $0xFFFF, v2  }
0x34: {  	[tilespmem:$0x2930] =	vst v0;
	v0 =	vshrl.u32 v2, $0x10;
	v2 =	vld [tilespmem:$0xE0]  }
0x35: {  	[tilespmem:$0x29B0] =	vst v0;
	v0 =	vand.u32 $0xFFFF, v3  }
0x36: {  	[tilespmem:$0x2940] =	vst v0;
	v0 =	vshrl.u32 v3, $0x10;
	v3 =	vld [tilespmem:$0xF0]  }
0x37: {  	[tilespmem:$0x29C0] =	vst v0;
	v0 =	vand.u32 $0xFFFF, v1  }
0x38: {  	[tilespmem:$0x2950] =	vst v0;
	v0 =	vshrl.u32 v1, $0x10  }
0x39: {  	[tilespmem:$0x29D0] =	vst v0;
	v0 =	vand.u32 $0xFFFF, v2  }
0x3a: {  	[tilespmem:$0x2960] =	vst v0;
	v0 =	vshrl.u32 v2, $0x10  }
0x3b: {  	[tilespmem:$0x29E0] =	vst v0;
	v0 =	vand.u32 $0xFFFF, v3  }
0x3c: {  	[tilespmem:$0x2970] =	vst v0;
	v0 =	vshrl.u32 v3, $0x10  }
0x3d: {  	[tilespmem:$0x29F0] =	vst v0  }
0x3e: {  	[tilespmem:s14], [sflag:$0x1] =	stream.indirect.gather [hbm4b:s4+s12], $0x80, s13, s12, $0xb8;
	[tilespmem:$0x1EA00] =	vst v63  }
0x3f: {  	_ = 	snop  }
0x40: {  	[tilespmem:s16], [sflag:$0x2] =	stream.indirect.gather [hbm4b:s4+s12], $0x80, s15, s12, $0xb8;
	[tilespmem:$0x1EA00] =	vst v63  }
0x41: {  	_ =	swait.ge [sflag:s17], $0x4000  }
0x42: {  	[sflag:s17] =	ssyncset.done $0x0  }
0x43: {  	[sflag:s17] =	ssyncadd.s32 $0xFFFFC000  }
0x44: {  	[spmem:s2] =	stream.indirect.scatter.add.f32 [tilespmem:s14], [sflag:$0x3], $0x80, s18, s12, $0xb8;
	[tilespmem:$0x1EA00] =	vst v63  }
0x45: {  	_ =	swait.ge [sflag:s11], $0x4000  }
0x46: {  	[sflag:s11] =	ssyncset.done $0x0  }
0x47: {  	s22 =	simm.s32 $0x1F0;
	[sflag:s11] =	ssyncadd.s32 $0xFFFFC000  }
0x48: {  	v0 =	vld [tilespmem:s22+$0xFFFFFF10];
	_ =	sdelay $0x4  }
0x49: {  	v1 =	vand.u32 $0xFFFF, v0  }
0x4a: {  	v0 =	vshrl.u32 v0, $0x10;
	[tilespmem:$0x2800] =	vst v1  }
0x4b: {  	[tilespmem:$0x2880] =	vst v0  }
0x4c: {  	v0 =	vld [tilespmem:s22+$0xFFFFFF20];
	_ =	sdelay $0x4  }
0x4d: {  	v1 =	vand.u32 $0xFFFF, v0  }
0x4e: {  	v0 =	vshrl.u32 v0, $0x10;
	[tilespmem:$0x2810] =	vst v1  }
0x4f: {  	[tilespmem:$0x2890] =	vst v0  }
0x50: {  	v0 =	vld [tilespmem:s22+$0xFFFFFF30];
	_ =	sdelay $0x4  }
0x51: {  	v1 =	vand.u32 $0xFFFF, v0  }
0x52: {  	v0 =	vshrl.u32 v0, $0x10;
	[tilespmem:$0x2820] =	vst v1  }
0x53: {  	[tilespmem:$0x28A0] =	vst v0  }
0x54: {  	v0 =	vld [tilespmem:s22+$0xFFFFFF40];
	_ =	sdelay $0x4  }
0x55: {  	v1 =	vand.u32 $0xFFFF, v0  }
0x56: {  	v0 =	vshrl.u32 v0, $0x10;
	[tilespmem:$0x2830] =	vst v1  }
0x57: {  	[tilespmem:$0x28B0] =	vst v0  }
0x58: {  	v0 =	vld [tilespmem:s22+$0xFFFFFF50];
	_ =	sdelay $0x4  }
0x59: {  	v1 =	vand.u32 $0xFFFF, v0  }
0x5a: {  	v0 =	vshrl.u32 v0, $0x10;
	[tilespmem:$0x2840] =	vst v1  }
0x5b: {  	[tilespmem:$0x28C0] =	vst v0  }
0x5c: {  	v0 =	vld [tilespmem:s22+$0xFFFFFF60];
	_ =	sdelay $0x4  }
0x5d: {  	v1 =	vand.u32 $0xFFFF, v0  }
0x5e: {  	v0 =	vshrl.u32 v0, $0x10;
	[tilespmem:$0x2850] =	vst v1  }
0x5f: {  	[tilespmem:$0x28D0] =	vst v0  }
0x60: {  	v0 =	vld [tilespmem:s22+$0xFFFFFF70];
	_ =	sdelay $0x4  }
0x61: {  	v1 =	vand.u32 $0xFFFF, v0  }
0x62: {  	v0 =	vshrl.u32 v0, $0x10;
	[tilespmem:$0x2860] =	vst v1  }
0x63: {  	[tilespmem:$0x28E0] =	vst v0  }
0x64: {  	v0 =	vld [tilespmem:s22+$0xFFFFFF80];
	_ =	sdelay $0x4  }
0x65: {  	v1 =	vand.u32 $0xFFFF, v0  }
0x66: {  	v0 =	vshrl.u32 v0, $0x10;
	[tilespmem:$0x2870] =	vst v1  }
0x67: {  	[tilespmem:$0x28F0] =	vst v0  }
0x68: {  	[tilespmem:s14], [sflag:$0x1] =	stream.indirect.gather [hbm4b:s4+s12], $0x80, s13, s12, $0xb8;
	[tilespmem:$0x1EA00] =	vst v63  }
0x69: {  	_ =	swait.ge [sflag:s19], $0x4000  }
0x6a: {  	[sflag:s19] =	ssyncset.done $0x0  }
0x6b: {  	[sflag:s19] =	ssyncadd.s32 $0xFFFFC000  }
0x6c: {  	[spmem:s2] =	stream.indirect.scatter.add.f32 [tilespmem:s16], [sflag:$0x3], $0x80, s20, s12, $0xb8;
	[tilespmem:$0x1EA00] =	vst v63  }
0x6d: {  	_ =	swait.ge [sflag:s11], $0x4000  }
0x6e: {  	[sflag:s11] =	ssyncset.done $0x0  }
0x6f: {  	[sflag:s11] =	ssyncadd.s32 $0xFFFFC000  }
0x70: {  	v0 =	vld [tilespmem:s22+$0xFFFFFF90];
	_ =	sdelay $0x4  }
0x71: {  	v1 =	vand.u32 $0xFFFF, v0  }
0x72: {  	v0 =	vshrl.u32 v0, $0x10;
	[tilespmem:$0x2900] =	vst v1  }
0x73: {  	[tilespmem:$0x2980] =	vst v0  }
0x74: {  	v0 =	vld [tilespmem:s22+$0xFFFFFFA0];
	_ =	sdelay $0x4  }
0x75: {  	v1 =	vand.u32 $0xFFFF, v0  }
0x76: {  	v0 =	vshrl.u32 v0, $0x10;
	[tilespmem:$0x2910] =	vst v1  }
0x77: {  	[tilespmem:$0x2990] =	vst v0  }
0x78: {  	v0 =	vld [tilespmem:s22+$0xFFFFFFB0];
	_ =	sdelay $0x4  }
0x79: {  	v1 =	vand.u32 $0xFFFF, v0  }
0x7a: {  	v0 =	vshrl.u32 v0, $0x10;
	[tilespmem:$0x2920] =	vst v1  }
0x7b: {  	[tilespmem:$0x29A0] =	vst v0  }
0x7c: {  	v0 =	vld [tilespmem:s22+$0xFFFFFFC0];
	_ =	sdelay $0x4  }
0x7d: {  	v1 =	vand.u32 $0xFFFF, v0  }
0x7e: {  	v0 =	vshrl.u32 v0, $0x10;
	[tilespmem:$0x2930] =	vst v1  }
0x7f: {  	[tilespmem:$0x29B0] =	vst v0  }
0x80: {  	v0 =	vld [tilespmem:s22+$0xFFFFFFD0];
	_ =	sdelay $0x4  }
0x81: {  	v1 =	vand.u32 $0xFFFF, v0  }
0x82: {  	v0 =	vshrl.u32 v0, $0x10;
	[tilespmem:$0x2940] =	vst v1  }
0x83: {  	[tilespmem:$0x29C0] =	vst v0  }
0x84: {  	v0 =	vld [tilespmem:s22+$0xFFFFFFE0];
	_ =	sdelay $0x4  }
0x85: {  	v1 =	vand.u32 $0xFFFF, v0  }
0x86: {  	v0 =	vshrl.u32 v0, $0x10;
	[tilespmem:$0x2950] =	vst v1  }
0x87: {  	[tilespmem:$0x29D0] =	vst v0  }
0x88: {  	v0 =	vld [tilespmem:s22+$0xFFFFFFF0];
	_ =	sdelay $0x4  }
0x89: {  	v1 =	vand.u32 $0xFFFF, v0  }
0x8a: {  	s23 =	simm.s32 $0xBC0;
	v0 =	vshrl.u32 v0, $0x10;
	[tilespmem:$0x2960] =	vst v1  }
.LBB2_2:
0x8b: {  	p0 =	sne.s32 s23, $0x9FC0;
	[tilespmem:$0x29E0] =	vst v0;
	s24 =	smov.u32 s23;
	s23 =	sadd.s32 $0x400, s23  }
0x8c: {  	v0 =	vld [tilespmem:s22+$0x0];
	_ =	sdelay $0x4  }
0x8d: {  	v1 =	vand.u32 $0xFFFF, v0;
	v0 =	vshrl.u32 v0, $0x10  }
0x8e: {  	[tilespmem:$0x2970] =	vst v1  }
0x8f: {  	[tilespmem:$0x29F0] =	vst v0  }
0x90: {  	[tilespmem:s16], [sflag:$0x2] =	stream.indirect.gather [hbm4b:s4+s12], $0x80, s15, s12, $0xb8;
	[tilespmem:$0x1EA00] =	vst v63  }
0x91: {  	_ =	swait.ge [sflag:s17], $0x4000  }
0x92: {  	[sflag:s17] =	ssyncset.done $0x0  }
0x93: {  	[sflag:s17] =	ssyncadd.s32 $0xFFFFC000  }
0x94: {  	[spmem:s2] =	stream.indirect.scatter.add.f32 [tilespmem:s14], [sflag:$0x3], $0x80, s18, s12, $0xb8;
	[tilespmem:$0x1EA00] =	vst v63  }
0x95: {  	_ =	swait.ge [sflag:s11], $0x4000  }
0x96: {  	[sflag:s11] =	ssyncset.done $0x0  }
0x97: {  	s22 =	sshra.s32 s24, $0x2;
	[sflag:s11] =	ssyncadd.s32 $0xFFFFC000  }
0x98: {  	v0 =	vld [tilespmem:s22+$0xFFFFFF10];
	_ =	sdelay $0x4  }
0x99: {  	v1 =	vand.u32 $0xFFFF, v0;
	v0 =	vshrl.u32 v0, $0x10  }
0x9a: {  	[tilespmem:$0x2800] =	vst v1  }
0x9b: {  	[tilespmem:$0x2880] =	vst v0  }
0x9c: {  	v0 =	vld [tilespmem:s22+$0xFFFFFF20];
	_ =	sdelay $0x4  }
0x9d: {  	v1 =	vand.u32 $0xFFFF, v0;
	v0 =	vshrl.u32 v0, $0x10  }
0x9e: {  	[tilespmem:$0x2810] =	vst v1  }
0x9f: {  	[tilespmem:$0x2890] =	vst v0  }
0xa0: {  	v0 =	vld [tilespmem:s22+$0xFFFFFF30];
	_ =	sdelay $0x4  }
0xa1: {  	v1 =	vand.u32 $0xFFFF, v0;
	v0 =	vshrl.u32 v0, $0x10  }
0xa2: {  	[tilespmem:$0x2820] =	vst v1  }
0xa3: {  	[tilespmem:$0x28A0] =	vst v0  }
0xa4: {  	v0 =	vld [tilespmem:s22+$0xFFFFFF40];
	_ =	sdelay $0x4  }
0xa5: {  	v1 =	vand.u32 $0xFFFF, v0;
	v0 =	vshrl.u32 v0, $0x10  }
0xa6: {  	[tilespmem:$0x2830] =	vst v1  }
0xa7: {  	[tilespmem:$0x28B0] =	vst v0  }
0xa8: {  	v0 =	vld [tilespmem:s22+$0xFFFFFF50];
	_ =	sdelay $0x4  }
0xa9: {  	v1 =	vand.u32 $0xFFFF, v0;
	v0 =	vshrl.u32 v0, $0x10  }
0xaa: {  	[tilespmem:$0x2840] =	vst v1  }
0xab: {  	[tilespmem:$0x28C0] =	vst v0  }
0xac: {  	v0 =	vld [tilespmem:s22+$0xFFFFFF60];
	_ =	sdelay $0x4  }
0xad: {  	v1 =	vand.u32 $0xFFFF, v0;
	v0 =	vshrl.u32 v0, $0x10  }
0xae: {  	[tilespmem:$0x2850] =	vst v1  }
0xaf: {  	[tilespmem:$0x28D0] =	vst v0  }
0xb0: {  	v0 =	vld [tilespmem:s22+$0xFFFFFF70];
	_ =	sdelay $0x4  }
0xb1: {  	v1 =	vand.u32 $0xFFFF, v0;
	v0 =	vshrl.u32 v0, $0x10  }
0xb2: {  	[tilespmem:$0x2860] =	vst v1  }
0xb3: {  	[tilespmem:$0x28E0] =	vst v0  }
0xb4: {  	v0 =	vld [tilespmem:s22+$0xFFFFFF80];
	_ =	sdelay $0x4  }
0xb5: {  	v1 =	vand.u32 $0xFFFF, v0;
	v0 =	vshrl.u32 v0, $0x10  }
0xb6: {  	[tilespmem:$0x2870] =	vst v1  }
0xb7: {  	[tilespmem:$0x28F0] =	vst v0  }
0xb8: {  	[tilespmem:s14], [sflag:$0x1] =	stream.indirect.gather [hbm4b:s4+s12], $0x80, s13, s12, $0xb8;
	[tilespmem:$0x1EA00] =	vst v63  }
0xb9: {  	_ =	swait.ge [sflag:s19], $0x4000  }
0xba: {  	[sflag:s19] =	ssyncset.done $0x0  }
0xbb: {  	[sflag:s19] =	ssyncadd.s32 $0xFFFFC000  }
0xbc: {  	[spmem:s2] =	stream.indirect.scatter.add.f32 [tilespmem:s16], [sflag:$0x3], $0x80, s20, s12, $0xb8;
	[tilespmem:$0x1EA00] =	vst v63  }
0xbd: {  	_ =	swait.ge [sflag:s11], $0x4000  }
0xbe: {  	[sflag:s11] =	ssyncset.done $0x0  }
0xbf: {  	[sflag:s11] =	ssyncadd.s32 $0xFFFFC000  }
0xc0: {  	v0 =	vld [tilespmem:s22+$0xFFFFFF90];
	_ =	sdelay $0x4  }
0xc1: {  	v1 =	vand.u32 $0xFFFF, v0;
	v0 =	vshrl.u32 v0, $0x10  }
0xc2: {  	[tilespmem:$0x2900] =	vst v1  }
0xc3: {  	[tilespmem:$0x2980] =	vst v0  }
0xc4: {  	v0 =	vld [tilespmem:s22+$0xFFFFFFA0];
	_ =	sdelay $0x4  }
0xc5: {  	v1 =	vand.u32 $0xFFFF, v0;
	v0 =	vshrl.u32 v0, $0x10  }
0xc6: {  	[tilespmem:$0x2910] =	vst v1  }
0xc7: {  	[tilespmem:$0x2990] =	vst v0  }
0xc8: {  	v0 =	vld [tilespmem:s22+$0xFFFFFFB0];
	_ =	sdelay $0x4  }
0xc9: {  	v1 =	vand.u32 $0xFFFF, v0;
	v0 =	vshrl.u32 v0, $0x10  }
0xca: {  	[tilespmem:$0x2920] =	vst v1  }
0xcb: {  	[tilespmem:$0x29A0] =	vst v0  }
0xcc: {  	v0 =	vld [tilespmem:s22+$0xFFFFFFC0];
	_ =	sdelay $0x4  }
0xcd: {  	v1 =	vand.u32 $0xFFFF, v0;
	v0 =	vshrl.u32 v0, $0x10  }
0xce: {  	[tilespmem:$0x2930] =	vst v1  }
0xcf: {  	[tilespmem:$0x29B0] =	vst v0  }
0xd0: {  	v0 =	vld [tilespmem:s22+$0xFFFFFFD0];
	_ =	sdelay $0x4  }
0xd1: {  	v1 =	vand.u32 $0xFFFF, v0;
	v0 =	vshrl.u32 v0, $0x10  }
0xd2: {  	[tilespmem:$0x2940] =	vst v1  }
0xd3: {  	[tilespmem:$0x29C0] =	vst v0  }
0xd4: {  	v0 =	vld [tilespmem:s22+$0xFFFFFFE0];
	_ =	sdelay $0x4  }
0xd5: {  	v1 =	vand.u32 $0xFFFF, v0;
	v0 =	vshrl.u32 v0, $0x10  }
0xd6: {  	[tilespmem:$0x2950] =	vst v1  }
0xd7: {  	[tilespmem:$0x29D0] =	vst v0  }
0xd8: {  	v0 =	vld [tilespmem:s22+$0xFFFFFFF0];
	_ =	sdelay $0x1  }
.Ltmp0:
0xd9: {  	(pc) =	sbr.rel @p0 .LBB2_2-.Ltmp0, $3  }
0xda: {  	_ =	sdelay $0x1  }
0xdb: {  	v1 =	vand.u32 $0xFFFF, v0;
	v0 =	vshrl.u32 v0, $0x10  }
0xdc: {  	[tilespmem:$0x2960] =	vst v1  }
0xdd: {  	[tilespmem:$0x29E0] =	vst v0  }
0xde: {  	v0 =	vld [tilespmem:s22+$0x0];
	_ =	sdelay $0x4  }
0xdf: {  	v1 =	vand.u32 $0xFFFF, v0  }
0xe0: {  	v0 =	vshrl.u32 v0, $0x10;
	[tilespmem:$0x2970] =	vst v1  }
0xe1: {  	[tilespmem:$0x29F0] =	vst v0  }
0xe2: {  	[tilespmem:s16], [sflag:$0x2] =	stream.indirect.gather [hbm4b:s4+s12], $0x80, s15, s12, $0xb8;
	[tilespmem:$0x1EA00] =	vst v63  }
0xe3: {  	_ =	swait.ge [sflag:s17], $0x4000  }
0xe4: {  	[sflag:s17] =	ssyncset.done $0x0  }
0xe5: {  	[sflag:s17] =	ssyncadd.s32 $0xFFFFC000  }
0xe6: {  	[spmem:s2] =	stream.indirect.scatter.add.f32 [tilespmem:s14], [sflag:$0x3], $0x80, s18, s12, $0xb8;
	[tilespmem:$0x1EA00] =	vst v63  }
0xe7: {  	_ =	swait.ge [sflag:s11], $0x4000  }
0xe8: {  	[sflag:s11] =	ssyncset.done $0x0  }
0xe9: {  	[sflag:s11] =	ssyncadd.s32 $0xFFFFC000  }
0xea: {  	_ =	swait.ge [sflag:s19], $0x4000  }
0xeb: {  	[sflag:s19] =	ssyncset.done $0x0  }
0xec: {  	[sflag:s19] =	ssyncadd.s32 $0xFFFFC000  }
0xed: {  	[spmem:s2] =	stream.indirect.scatter.add.f32 [tilespmem:s16], [sflag:$0x3], $0x80, s20, s12, $0xb8;
	[tilespmem:$0x1EA00] =	vst v63  }
0xee: {  	_ =	swait.ge [sflag:s11], $0x4000  }
0xef: {  	s21 =	sadd.s32 $0x1, s21;
	[sflag:s11] =	ssyncset.done $0x0  }
0xf0: {  	p0 =	sne.s32 s21, s9;
	[sflag:s11] =	ssyncadd.s32 $0xFFFFC000  }
.Ltmp1:
0xf1: {  	[bflag:$0x0] =	sbarrier.arrive $0xFFFF;
	(pc) =	sbr.rel @p0 .LBB2_1-.Ltmp1, $4  }
0xf2: {  	[hbm:s8], [sflag:s6] =	dma.local [spmem:s10], $0x2800  }
0xf3: {  	_ =	swait.ge [sflag:s11], $0x2800  }
0xf4: {  	[sflag:s11] =	ssyncset.done $0x0  }
0xf5: {  	[sflag:s11] =	ssyncadd.s32 $0xFFFFD800  }
0xf6: {  	_ =	sfence.sel $0x180000  }
0xf7: {  	[bflag:$0x0] =	sbarrier.arrive $0xFFFF  }
0xf8: {  	p0 =	sne.s32 s1, $0x0;
	_ =	strace $0x9000004D  }
0xf9: {  	s0 =	sadd.s32 @!p0 $0x100000, s0;
	[bflag:$0x2] =	sbarrier.arrive $0xFFFF  }
0xfa: {  	[sflag:s0] =	ssyncadd.tile.s32 @!p0 $0x1;
	_ =	shalt  }
.Lfunc_end2:
_tile_overlayer_lowered:
.L_overlay_start_2:
0xfb: {  	(tag) =	ssettag $0x2  }
0xfc: {  	s0 =	rddreg [dreg:$0x0];
	s2 =	stileid.u32  }
0xfd: {  	s1 =	rddreg [dreg:$0x1];
	p0 =	sne.s32 s2, $0x0  }
0xfe: {  	s3 =	rddreg [dreg:$0x2];
	[bflag:$0x3] =	sbarrier.arrive $0xFFFF;
	s2 =	simm.s32 @!p0 $0x1C03  }
0xff: {  	[timem:s3], [sflag:s2] =	dma.local @!p0 [hbm:s0], s1  }
0x100: {  	s0 =	simm.s32 @!p0 $0x3  }
0x101: {  	_ =	swait.ge @!p0 [sflag:s0], s1  }
0x102: {  	s1 =	ssub.s32 @!p0 $0x0, s1;
	[sflag:s0] =	ssyncset.done @!p0 $0x0  }
0x103: {  	[sflag:s0] =	ssyncadd.s32 @!p0 s1  }
0x104: {  	[bflag:$0x3] =	sbarrier.arrive $0xFFFF  }
0x105: {  	_ =	shalt  }

// kernel: kernel.21.cloned.1.call-start
scs
__scs_entry_jumppad:
0x0: {  	(pc) =	sbr.rel $0x88, $3  }
0x1: {  	(tag) =	ssettag $0x0;
	lr =	simm.s32 $0x1  }
0x2: {  	[smem:$0x3F95] =	sst lr;
	_ =	strace $0xD0000000  }
0x3: {  	_ = 	snop  }
0x4: {  	_ = 	snop  }
0x5: {  	_ = 	snop  }
0x6: {  	_ = 	snop  }
0x7: {  	_ = 	snop  }
__scs_overlays_trampoline_lowered:
0x8: {  	[smem:$0x3FA4] =	sst s0  }
0x9: {  	[smem:$0x3FA5] =	sst s1  }
0xa: {  	[smem:$0x3FA6] =	sst s2  }
0xb: {  	[smem:$0x3FA7] =	sst s3  }
0xc: {  	[smem:$0x3FA8] =	sst s4  }
0xd: {  	[smem:$0x3FA9] =	sst s5  }
0xe: {  	[smem:$0x3FAA] =	sst s6  }
0xf: {  	[smem:$0x3FAB] =	sst s7  }
0x10: {  	[smem:$0x3FAC] =	sst s8  }
0x11: {  	[smem:$0x3FAD] =	sst s9;
	s0 =	simm.s32 @!p0 $0x0  }
0x12: {  	s1 =	sld [smem:$0x3F93];
	s0 =	simm.s32 @p0 $0x1  }
0x13: {  	[smem:$0x3FAE] =	sst s0;
	s0 =	simm.s32 @!p1 $0x0  }
0x14: {  	s2 =	sld [smem:$0x3F92];
	s0 =	simm.s32 @p1 $0x1  }
0x15: {  	[smem:$0x3FAF] =	sst s0;
	s0 =	simm.s32 @!p2 $0x0  }
0x16: {  	s3 =	sld [smem:$0x3FDB];
	s0 =	simm.s32 @p2 $0x1  }
0x17: {  	s4 =	simm.s32 $0x1BF5;
	[smem:$0x3FB1] =	sst s0  }
0x18: {  	s0 =	sld [smem:$0x3F94];
	_ =	swait.ge [sflag:s4], $0x0  }
0x19: {  	s7 =	sld [smem:$0x3F95]  }
0x1a: {  	s8 =	sadd.s32 $0xFFFFE003, lr  }
0x1b: {  	s9 =	sadd.s32 $0xFFFFFEF7, lr;
	s5 =	simm.s32 $0xFFFFFFFF;
	p2 =	slt.u32 s8, $0xFFFFF086  }
0x1c: {  	p1 =	slt.u32 s9, $0xF7A;
	s5 =	simm.s32 @!p2 $0x0  }
0x1d: {  	s5 =	simm.s32 @p1 $0x1;
	p0 =	seq.s32 s7, s2  }
0x1e: {  	s7 =	smul.u32 @!p0 $0xF7A, s2;
	p2 =	seq.s32 @!p0 s5, $0x0  }
0x1f: {  	s9 =	smul.u32 $0xF7A, s1;
	s8 =	simm.s32 @!p0 $0x1BF5;
	p2 =	por !p2, p0  }
0x20: {  	[sflag:s8] =	ssyncset.s32 @!p0 $0xFFFFF086;
	s6 =	sadd.s32 @!p0 s3, s7;
	s7 =	simm.s32 @!p0 $0x108  }
0x21: {  	s3 =	sadd.s32 s3, s9;
	s6 =	sadd.s32 @!p0 $0x88, s6;
	s7 =	simm.s32 @p2 $0x1082  }
0x22: {  	[simem:s7], [sflag:s8] =	dma.local @!p0 [hbm:s6], $0xF7A  }
0x23: {  	s9 =	sor.u32 $0xD0000000, s2;
	s6 =	simm.s32 $0x108;
	_ =	swait.ge @!p0 [sflag:s8], $0x0  }
0x24: {  	s3 =	sadd.s32 $0x88, s3;
	s6 =	simm.s32 @!p1 $0x1082;
	[sflag:s4] =	ssyncset.s32 $0xFFFFF086  }
0x25: {  	[simem:s6], [sflag:s4] =	dma.local [hbm:s3], $0xF7A  }
0x26: {  	[smem:$0x3F95] =	sst s1;
	(tag) =	ssettag s2;
	_ =	strace s9  }
0x27: {  	s1 =	sld [smem:$0x3FA5]  }
0x28: {  	s2 =	sld [smem:$0x3FA6]  }
0x29: {  	s4 =	sld [smem:$0x3FA8]  }
0x2a: {  	p0 =	seq.s32 s5, $0x0;
	s5 =	sld [smem:$0x3FA9]  }
0x2b: {  	s6 =	sld [smem:$0x3FAA]  }
0x2c: {  	s7 =	sld [smem:$0x3FAB]  }
0x2d: {  	s3 =	simm.s32 $0x108;
	s8 =	sld [smem:$0x3FAC]  }
0x2e: {  	s3 =	simm.s32 @!p0 $0x1082;
	s9 =	sld [smem:$0x3FAD]  }
0x2f: {  	lr =	sadd.s32 s0, s3;
	s0 =	sld [smem:$0x3FA4]  }
0x30: {  	s3 =	sld [smem:$0x3FA7]  }
0x31: {  	[smem:$0x3FB0] =	sst s10  }
0x32: {  	s10 =	sld [smem:$0x3FAE];
	_ =	sdelay $0x3  }
0x33: {  	p0 =	seq.s32 s10, $0x1;
	s10 =	sld [smem:$0x3FB0];
	_ =	sdelay $0x3  }
0x34: {  	[smem:$0x3FB0] =	sst s10  }
0x35: {  	s10 =	sld [smem:$0x3FAF];
	_ =	sdelay $0x3  }
0x36: {  	p1 =	seq.s32 s10, $0x1;
	s10 =	sld [smem:$0x3FB0];
	_ =	sdelay $0x3  }
0x37: {  	[smem:$0x3FB0] =	sst s10  }
0x38: {  	s10 =	sld [smem:$0x3FB1]  }
0x39: {  	_ = 	snop;
	(pc) =	sbr.ind lr, $3  }
0x3a: {  	_ = 	snop  }
0x3b: {  	_ = 	snop  }
0x3c: {  	p2 =	seq.s32 s10, $0x1;
	s10 =	sld [smem:$0x3FB0]  }
0x3d: {  	_ =	shalt  }
0x3e: {  	_ =	shalt  }
0x3f: {  	_ =	shalt  }
0x40: {  	_ =	shalt  }
0x41: {  	_ =	shalt  }
0x42: {  	_ =	shalt  }
0x43: {  	_ =	shalt  }
0x44: {  	_ =	shalt  }
0x45: {  	_ =	shalt  }
0x46: {  	_ =	shalt  }
0x47: {  	_ =	shalt  }
0x48: {  	_ =	shalt  }
0x49: {  	_ =	shalt  }
0x4a: {  	_ =	shalt  }
0x4b: {  	_ =	shalt  }
0x4c: {  	_ =	shalt  }
0x4d: {  	_ =	shalt  }
0x4e: {  	_ =	shalt  }
0x4f: {  	_ =	shalt  }
0x50: {  	_ =	shalt  }
0x51: {  	_ =	shalt  }
0x52: {  	_ =	shalt  }
0x53: {  	_ =	shalt  }
0x54: {  	_ =	shalt  }
0x55: {  	_ =	shalt  }
0x56: {  	_ =	shalt  }
0x57: {  	_ =	shalt  }
0x58: {  	_ =	shalt  }
0x59: {  	_ =	shalt  }
0x5a: {  	_ =	shalt  }
0x5b: {  	_ =	shalt  }
0x5c: {  	_ =	shalt  }
0x5d: {  	_ =	shalt  }
0x5e: {  	_ =	shalt  }
0x5f: {  	_ =	shalt  }
0x60: {  	_ =	shalt  }
0x61: {  	_ =	shalt  }
0x62: {  	_ =	shalt  }
0x63: {  	_ =	shalt  }
0x64: {  	_ =	shalt  }
0x65: {  	_ =	shalt  }
0x66: {  	_ =	shalt  }
0x67: {  	_ =	shalt  }
0x68: {  	_ =	shalt  }
0x69: {  	_ =	shalt  }
0x6a: {  	_ =	shalt  }
0x6b: {  	_ =	shalt  }
0x6c: {  	_ =	shalt  }
0x6d: {  	_ =	shalt  }
0x6e: {  	_ =	shalt  }
0x6f: {  	_ =	shalt  }
0x70: {  	_ =	shalt  }
0x71: {  	_ =	shalt  }
0x72: {  	_ =	shalt  }
0x73: {  	_ =	shalt  }
0x74: {  	_ =	shalt  }
0x75: {  	_ =	shalt  }
0x76: {  	_ =	shalt  }
0x77: {  	_ =	shalt  }
0x78: {  	_ =	shalt  }
0x79: {  	_ =	shalt  }
0x7a: {  	_ =	shalt  }
0x7b: {  	_ =	shalt  }
0x7c: {  	_ =	shalt  }
0x7d: {  	_ =	shalt  }
0x7e: {  	_ =	shalt  }
0x7f: {  	_ =	shalt  }
0x80: {  	_ =	shalt  }
0x81: {  	_ =	shalt  }
0x82: {  	_ =	shalt  }
0x83: {  	_ =	shalt  }
0x84: {  	_ =	shalt  }
0x85: {  	_ =	shalt  }
0x86: {  	_ =	shalt  }
0x87: {  	_ =	shalt  }
.Lfunc_end0:
.L_simem_size_0:
called_computation.3_lowered:
.L_overlay_start_0:
0x88: {  	s2 =	sld [smem:$0x3FD9]  }
0x89: {  	s3 =	sld [smem:$0x3FFE];
	_ =	sdelay $0x1  }
0x8a: {  	s1 =	srdreg.scid  }
0x8b: {  	s0 =	sand.u32 $0x1, s1  }
0x8c: {  	s16 =	sshll.u32 s0, $0xA;
	s2 =	sadd.s32 s3, s2  }
0x8d: {  	s2 =	sadd.s32 s2, s16  }
0x8e: {  	[smem:$0x3FBC] =	sst s2  }
0x8f: {  	_ = 	snop  }
0x90: {  	(tm) =	ssettm $0x1  }
0x91: {  	s17 =	sld [smem:$0x3FFB];
	_ =	sdelay $0x3  }
0x92: {  	_ =	strace s17  }
0x93: {  	s2 =	sld [smem:$0x3FFC];
	_ =	sdelay $0x3  }
0x94: {  	_ =	strace s2  }
0x95: {  	s2 =	sld [smem:$0x3FFD];
	_ =	sdelay $0x3  }
0x96: {  	_ =	strace s2  }
0x97: {  	_ =	strace $0x8FFFFFFF  }
0x98: {  	s18 =	sld [smem:$0x3FDB];
	_ =	sdelay $0x1  }
0x99: {  	s19 =	simm.s32 $_scs_section_size  }
0x9a: {  	s4 =	simm.s32 $_size__tile_overlayer_lowered;
	s5 =	simm.s32 $_tile_overlayer_lowered  }
0x9b: {  	s22 =	simm.s32 $0x1BFF;
	s21 =	sshll.u32 s5, $0x1;
	s2 =	sadd.s32 s19, s18  }
0x9c: {  	s6 =	simm.s32 $0x0;
	s20 =	sshll.u32 s4, $0x1;
	s4 =	sadd.s32 s21, s2  }
0x9d: {  	[timem:s6], [sflag:s22] =	dma.local [hbm:s4], s20  }
0x9e: {  	_ =	swait.ge [sflag:s22], s20  }
0x9f: {  	s3 =	ssub.s32 $0x0, s20;
	[sflag:s22] =	ssyncset.done $0x0  }
0xa0: {  	[sflag:s22] =	ssyncadd.s32 s3;
	_ =	sdelay $0x1  }
0xa1: {  	s23 =	simm.s32 $0x1B8B  }
0xa2: {  	_ =	swait.ge [sflag:s23], $0x1  }
0xa3: {  	[sflag:s23] =	ssyncset.done $0x0  }
0xa4: {  	s25 =	simm.s32 $0x1B8E;
	s24 =	sld [smem:$0x3FFE];
	[sflag:s23] =	ssyncadd.s32 $0xFFFFFFFF  }
0xa5: {  	s26 =	simm.s32 $execute0_lowered;
	[smem:$0x3FD2] =	sst s25  }
0xa6: {  	s4 =	sshll.u32 s26, $0x1;
	_ =	strace $0x8000004F;
	[dreg:$0x1] =	wrdreg $0xFFFFFFFF  }
0xa7: {  	s28 =	simm.s32 $_size_execute0_lowered;
	s2 =	sadd.s32 s2, s4;
	[dreg:$0x0] =	wrdreg $0x0  }
0xa8: {  	s4 =	sshll.u32 s28, $0x1;
	[dreg:$0x2] =	wrdreg s2  }
0xa9: {  	[dreg:$0x3] =	wrdreg s4  }
0xaa: {  	[dreg:$0x4] =	wrdreg $0xC0  }
0xab: {  	_ =	task [dreg:s6], $0x5FFFF  }
0xac: {  	[dreg:$0x1] =	wrdreg $0xFFFFFFFF  }
0xad: {  	[dreg:$0x0] =	wrdreg $0x60  }
0xae: {  	[dreg:$0x2] =	wrdreg s24  }
0xaf: {  	[dreg:$0x3] =	wrdreg $0xAA000  }
0xb0: {  	[dreg:$0x4] =	wrdreg $0x9  }
0xb1: {  	_ =	task.clear_ibuf [dreg:s6], $0x5FFFF;
	_ =	strace $0x9000004F  }
0xb2: {  	s29 =	simm.s32 $0x9;
	_ =	strace $0x80000051  }
0xb3: {  	_ =	swait.ge [sflag:s29], $0x1  }
0xb4: {  	[sflag:s29] =	ssyncadd.s32 $0xFFFFFFFF  }
0xb5: {  	_ =	strace $0x90000051  }
0xb6: {  	_ =	sfence  }
0xb7: {  	s30 =	sld [smem:$0x0];
	_ =	sdelay $0x2  }
0xb8: {  	s31 =	sshll.u32 s1, $0xD;
	s1 =	sshrl.u32 s1, $0x2  }
0xb9: {  	s3 =	sand.u32 $0x4000, s31;
	s1 =	sadd.s32 s1, s30  }
0xba: {  	s0 =	sor.u32 s3, s0;
	s1 =	sshll.u32 s1, $0x11  }
0xbb: {  	s0 =	sor.u32 s1, s0  }
0xbc: {  	s0 =	sadd.s32 $0x8F2B, s0  }
0xbd: {  	[sflag:s0] =	ssyncadd.remote.s32 $0x1  }
0xbe: {  	_ =	sfence.sel $0xFFFF  }
0xbf: {  	[dreg:$0x0] =	wrdreg $0xFFFFFFFF;
	(pc) =	sbr.abs _section_cstart, $3  }
0xc0: {  	[dreg:$0x1] =	wrdreg $0xFFFFFFFF  }
0xc1: {  	_ =	task.clear_ibuf [dreg:s6], $0x2FFFF;
	_ =	strace $0x9FFFFFFF  }
0xc2: {  	(tm) =	ssettm $0x7FFFFFFF  }
0xc3: {  	_ =	shalt  }
tec
execute0_lowered:
.L_overlay_start_1:
0x0: {  	(tag) =	ssettag $0x1  }
0x1: {  	s6 =	rddreg [dreg:$0x0]  }
0x2: {  	s2 =	rddreg [dreg:$0x1]  }
0x3: {  	s1 =	srdreg.scid;
	s0 =	rddreg [dreg:$0x2]  }
0x4: {  	s3 =	simm.s32 $0x0;
	s13 =	simm.s32 $0x2800;
	s14 =	simm.s32 $0x2A00  }
0x5: {  	s15 =	simm.s32 $0x2900;
	s16 =	simm.s32 $0x6A00;
	s17 =	simm.s32 $0x1  }
0x6: {  	s18 =	simm.s32 $0x2880;
	s19 =	simm.s32 $0x2;
	s7 =	sand.u32 $0x1, s1  }
0x7: {  	s20 =	simm.s32 $0x2980;
	s1 =	stileid.u32;
	s5 =	smul.u32 $0x140000, s7  }
0x8: {  	s21 =	simm.s32 $0x0;
	[smem:$0x7FF] =	sst s3;
	s8 =	smul.u32 $0x14000, s1  }
0x9: {  	s4 =	sshll.u32 s7, $0x4;
	_ =	strace $0x80000050;
	s10 =	smul.u32 $0x50000, s1  }
0xa: {  	s31 =	ssub.s32 $0x2, s7;
	s11 =	sshll.u32 s1, $0x6;
	s4 =	sor.u32 s1, s4  }
0xb: {  	s7 =	sshrl.u32 s31, $0x1;
	s9 =	smul.u32 $0x500, s4;
	s4 =	sadd.s32 $0x1CE00, s6  }
0xc: {  	s5 =	sadd.s32 s8, s5;
	s10 =	sshrl.u32 s10, $0x2;
	s12 =	ssub.s32 s31, s7  }
0xd: {  	s30 =	sshrl.u32 s5, $0x3;
	s5 =	sadd.s32 $0x48000, s6;
	s10 =	sadd.s32 s10, s2  }
0xe: {  	s29 =	sadd.s32 s9, s6;
	s9 =	sadd.s32 s30, s6;
	s6 =	sor.u32 $0x1C03, s11  }
0xf: {  	s10 =	sshrl.u32 s10, $0x3;
	s11 =	simm.s32 $0x3;
	s7 =	sadd.s32 $0x12E00, s29  }
0x10: {  	s8 =	sadd.s32 $0x4A800, s9;
	s9 =	smax.u32 s12, $0x1;
	s12 =	simm.s32 $0x80  }
.LBB2_1:
0x11: {  	[spmem:s10], [sflag:s6] =	dma.local [hbm:s5], $0x2800  }
0x12: {  	_ =	swait.ge [sflag:s11], $0x2800  }
0x13: {  	[sflag:s11] =	ssyncset.done $0x0  }
0x14: {  	[sflag:s11] =	ssyncadd.s32 $0xFFFFD800  }
0x15: {  	[tilespmem:s3], [sflag:$0x3] =	stream.linear.gather [hbm4b:s7+s3], $0x2800, $0x38;
	[tilespmem:$0x1EA00] =	vst v63  }
0x16: {  	_ =	swait.ge [sflag:s11], $0x2800  }
0x17: {  	[sflag:s11] =	ssyncset.done $0x0  }
0x18: {  	[sflag:s11] =	ssyncadd.s32 $0xFFFFD800  }
0x19: {  	[bflag:$0x0] =	sbarrier.arrive $0xFFFF  }
0x1a: {  	v0 =	vld [tilespmem:$0x0];
	_ =	sdelay $0x1  }
0x1b: {  	v1 =	vld [tilespmem:$0x10];
	_ =	sdelay $0x1  }
0x1c: {  	v2 =	vld [tilespmem:$0x20]  }
0x1d: {  	v3 =	vand.u32 $0xFFFF, v0  }
0x1e: {  	v0 =	vshrl.u32 v0, $0x10;
	[tilespmem:$0x2800] =	vst v3;
	v3 =	vld [tilespmem:$0x30]  }
0x1f: {  	[tilespmem:$0x2880] =	vst v0;
	v0 =	vand.u32 $0xFFFF, v1  }
0x20: {  	[tilespmem:$0x2810] =	vst v0;
	v0 =	vshrl.u32 v1, $0x10;
	v1 =	vld [tilespmem:$0x40]  }
0x21: {  	[tilespmem:$0x2890] =	vst v0;
	v0 =	vand.u32 $0xFFFF, v2  }
0x22: {  	[tilespmem:$0x2820] =	vst v0;
	v0 =	vshrl.u32 v2, $0x10;
	v2 =	vld [tilespmem:$0x50]  }
0x23: {  	[tilespmem:$0x28A0] =	vst v0;
	v0 =	vand.u32 $0xFFFF, v3  }
0x24: {  	[tilespmem:$0x2830] =	vst v0;
	v0 =	vshrl.u32 v3, $0x10;
	v3 =	vld [tilespmem:$0x60]  }
0x25: {  	[tilespmem:$0x28B0] =	vst v0;
	v0 =	vand.u32 $0xFFFF, v1  }
0x26: {  	[tilespmem:$0x2840] =	vst v0;
	v0 =	vshrl.u32 v1, $0x10;
	v1 =	vld [tilespmem:$0x70]  }
0x27: {  	[tilespmem:$0x28C0] =	vst v0;
	v0 =	vand.u32 $0xFFFF, v2  }
0x28: {  	[tilespmem:$0x2850] =	vst v0;
	v0 =	vshrl.u32 v2, $0x10;
	v2 =	vld [tilespmem:$0x80]  }
0x29: {  	[tilespmem:$0x28D0] =	vst v0;
	v0 =	vand.u32 $0xFFFF, v3  }
0x2a: {  	[tilespmem:$0x2860] =	vst v0;
	v0 =	vshrl.u32 v3, $0x10;
	v3 =	vld [tilespmem:$0x90]  }
0x2b: {  	[tilespmem:$0x28E0] =	vst v0;
	v0 =	vand.u32 $0xFFFF, v1  }
0x2c: {  	[tilespmem:$0x2870] =	vst v0;
	v0 =	vshrl.u32 v1, $0x10;
	v1 =	vld [tilespmem:$0xA0]  }
0x2d: {  	[tilespmem:$0x28F0] =	vst v0;
	v0 =	vand.u32 $0xFFFF, v2  }
0x2e: {  	[tilespmem:$0x2900] =	vst v0;
	v0 =	vshrl.u32 v2, $0x10;
	v2 =	vld [tilespmem:$0xB0]  }
0x2f: {  	[tilespmem:$0x2980] =	vst v0;
	v0 =	vand.u32 $0xFFFF, v3  }
0x30: {  	[tilespmem:$0x2910] =	vst v0;
	v0 =	vshrl.u32 v3, $0x10;
	v3 =	vld [tilespmem:$0xC0]  }
0x31: {  	[tilespmem:$0x2990] =	vst v0;
	v0 =	vand.u32 $0xFFFF, v1  }
0x32: {  	[tilespmem:$0x2920] =	vst v0;
	v0 =	vshrl.u32 v1, $0x10;
	v1 =	vld [tilespmem:$0xD0]  }
0x33: {  	[tilespmem:$0x29A0] =	vst v0;
	v0 =	vand.u32 $0xFFFF, v2  }
0x34: {  	[tilespmem:$0x2930] =	vst v0;
	v0 =	vshrl.u32 v2, $0x10;
	v2 =	vld [tilespmem:$0xE0]  }
0x35: {  	[tilespmem:$0x29B0] =	vst v0;
	v0 =	vand.u32 $0xFFFF, v3  }
0x36: {  	[tilespmem:$0x2940] =	vst v0;
	v0 =	vshrl.u32 v3, $0x10;
	v3 =	vld [tilespmem:$0xF0]  }
0x37: {  	[tilespmem:$0x29C0] =	vst v0;
	v0 =	vand.u32 $0xFFFF, v1  }
0x38: {  	[tilespmem:$0x2950] =	vst v0;
	v0 =	vshrl.u32 v1, $0x10  }
0x39: {  	[tilespmem:$0x29D0] =	vst v0;
	v0 =	vand.u32 $0xFFFF, v2  }
0x3a: {  	[tilespmem:$0x2960] =	vst v0;
	v0 =	vshrl.u32 v2, $0x10  }
0x3b: {  	[tilespmem:$0x29E0] =	vst v0;
	v0 =	vand.u32 $0xFFFF, v3  }
0x3c: {  	[tilespmem:$0x2970] =	vst v0;
	v0 =	vshrl.u32 v3, $0x10  }
0x3d: {  	[tilespmem:$0x29F0] =	vst v0  }
0x3e: {  	[tilespmem:s14], [sflag:$0x1] =	stream.indirect.gather [hbm4b:s4+s12], $0x80, s13, s12, $0xb8;
	[tilespmem:$0x1EA00] =	vst v63  }
0x3f: {  	_ = 	snop  }
0x40: {  	[tilespmem:s16], [sflag:$0x2] =	stream.indirect.gather [hbm4b:s4+s12], $0x80, s15, s12, $0xb8;
	[tilespmem:$0x1EA00] =	vst v63  }
0x41: {  	_ =	swait.ge [sflag:s17], $0x4000  }
0x42: {  	[sflag:s17] =	ssyncset.done $0x0  }
0x43: {  	[sflag:s17] =	ssyncadd.s32 $0xFFFFC000  }
0x44: {  	[spmem:s2] =	stream.indirect.scatter.add.f32 [tilespmem:s14], [sflag:$0x3], $0x80, s18, s12, $0xb8;
	[tilespmem:$0x1EA00] =	vst v63  }
0x45: {  	_ =	swait.ge [sflag:s11], $0x4000  }
0x46: {  	[sflag:s11] =	ssyncset.done $0x0  }
0x47: {  	s22 =	simm.s32 $0x1F0;
	[sflag:s11] =	ssyncadd.s32 $0xFFFFC000  }
0x48: {  	v0 =	vld [tilespmem:s22+$0xFFFFFF10];
	_ =	sdelay $0x4  }
0x49: {  	v1 =	vand.u32 $0xFFFF, v0  }
0x4a: {  	v0 =	vshrl.u32 v0, $0x10;
	[tilespmem:$0x2800] =	vst v1  }
0x4b: {  	[tilespmem:$0x2880] =	vst v0  }
0x4c: {  	v0 =	vld [tilespmem:s22+$0xFFFFFF20];
	_ =	sdelay $0x4  }
0x4d: {  	v1 =	vand.u32 $0xFFFF, v0  }
0x4e: {  	v0 =	vshrl.u32 v0, $0x10;
	[tilespmem:$0x2810] =	vst v1  }
0x4f: {  	[tilespmem:$0x2890] =	vst v0  }
0x50: {  	v0 =	vld [tilespmem:s22+$0xFFFFFF30];
	_ =	sdelay $0x4  }
0x51: {  	v1 =	vand.u32 $0xFFFF, v0  }
0x52: {  	v0 =	vshrl.u32 v0, $0x10;
	[tilespmem:$0x2820] =	vst v1  }
0x53: {  	[tilespmem:$0x28A0] =	vst v0  }
0x54: {  	v0 =	vld [tilespmem:s22+$0xFFFFFF40];
	_ =	sdelay $0x4  }
0x55: {  	v1 =	vand.u32 $0xFFFF, v0  }
0x56: {  	v0 =	vshrl.u32 v0, $0x10;
	[tilespmem:$0x2830] =	vst v1  }
0x57: {  	[tilespmem:$0x28B0] =	vst v0  }
0x58: {  	v0 =	vld [tilespmem:s22+$0xFFFFFF50];
	_ =	sdelay $0x4  }
0x59: {  	v1 =	vand.u32 $0xFFFF, v0  }
0x5a: {  	v0 =	vshrl.u32 v0, $0x10;
	[tilespmem:$0x2840] =	vst v1  }
0x5b: {  	[tilespmem:$0x28C0] =	vst v0  }
0x5c: {  	v0 =	vld [tilespmem:s22+$0xFFFFFF60];
	_ =	sdelay $0x4  }
0x5d: {  	v1 =	vand.u32 $0xFFFF, v0  }
0x5e: {  	v0 =	vshrl.u32 v0, $0x10;
	[tilespmem:$0x2850] =	vst v1  }
0x5f: {  	[tilespmem:$0x28D0] =	vst v0  }
0x60: {  	v0 =	vld [tilespmem:s22+$0xFFFFFF70];
	_ =	sdelay $0x4  }
0x61: {  	v1 =	vand.u32 $0xFFFF, v0  }
0x62: {  	v0 =	vshrl.u32 v0, $0x10;
	[tilespmem:$0x2860] =	vst v1  }
0x63: {  	[tilespmem:$0x28E0] =	vst v0  }
0x64: {  	v0 =	vld [tilespmem:s22+$0xFFFFFF80];
	_ =	sdelay $0x4  }
0x65: {  	v1 =	vand.u32 $0xFFFF, v0  }
0x66: {  	v0 =	vshrl.u32 v0, $0x10;
	[tilespmem:$0x2870] =	vst v1  }
0x67: {  	[tilespmem:$0x28F0] =	vst v0  }
0x68: {  	[tilespmem:s14], [sflag:$0x1] =	stream.indirect.gather [hbm4b:s4+s12], $0x80, s13, s12, $0xb8;
	[tilespmem:$0x1EA00] =	vst v63  }
0x69: {  	_ =	swait.ge [sflag:s19], $0x4000  }
0x6a: {  	[sflag:s19] =	ssyncset.done $0x0  }
0x6b: {  	[sflag:s19] =	ssyncadd.s32 $0xFFFFC000  }
0x6c: {  	[spmem:s2] =	stream.indirect.scatter.add.f32 [tilespmem:s16], [sflag:$0x3], $0x80, s20, s12, $0xb8;
	[tilespmem:$0x1EA00] =	vst v63  }
0x6d: {  	_ =	swait.ge [sflag:s11], $0x4000  }
0x6e: {  	[sflag:s11] =	ssyncset.done $0x0  }
0x6f: {  	[sflag:s11] =	ssyncadd.s32 $0xFFFFC000  }
0x70: {  	v0 =	vld [tilespmem:s22+$0xFFFFFF90];
	_ =	sdelay $0x4  }
0x71: {  	v1 =	vand.u32 $0xFFFF, v0  }
0x72: {  	v0 =	vshrl.u32 v0, $0x10;
	[tilespmem:$0x2900] =	vst v1  }
0x73: {  	[tilespmem:$0x2980] =	vst v0  }
0x74: {  	v0 =	vld [tilespmem:s22+$0xFFFFFFA0];
	_ =	sdelay $0x4  }
0x75: {  	v1 =	vand.u32 $0xFFFF, v0  }
0x76: {  	v0 =	vshrl.u32 v0, $0x10;
	[tilespmem:$0x2910] =	vst v1  }
0x77: {  	[tilespmem:$0x2990] =	vst v0  }
0x78: {  	v0 =	vld [tilespmem:s22+$0xFFFFFFB0];
	_ =	sdelay $0x4  }
0x79: {  	v1 =	vand.u32 $0xFFFF, v0  }
0x7a: {  	v0 =	vshrl.u32 v0, $0x10;
	[tilespmem:$0x2920] =	vst v1  }
0x7b: {  	[tilespmem:$0x29A0] =	vst v0  }
0x7c: {  	v0 =	vld [tilespmem:s22+$0xFFFFFFC0];
	_ =	sdelay $0x4  }
0x7d: {  	v1 =	vand.u32 $0xFFFF, v0  }
0x7e: {  	v0 =	vshrl.u32 v0, $0x10;
	[tilespmem:$0x2930] =	vst v1  }
0x7f: {  	[tilespmem:$0x29B0] =	vst v0  }
0x80: {  	v0 =	vld [tilespmem:s22+$0xFFFFFFD0];
	_ =	sdelay $0x4  }
0x81: {  	v1 =	vand.u32 $0xFFFF, v0  }
0x82: {  	v0 =	vshrl.u32 v0, $0x10;
	[tilespmem:$0x2940] =	vst v1  }
0x83: {  	[tilespmem:$0x29C0] =	vst v0  }
0x84: {  	v0 =	vld [tilespmem:s22+$0xFFFFFFE0];
	_ =	sdelay $0x4  }
0x85: {  	v1 =	vand.u32 $0xFFFF, v0  }
0x86: {  	v0 =	vshrl.u32 v0, $0x10;
	[tilespmem:$0x2950] =	vst v1  }
0x87: {  	[tilespmem:$0x29D0] =	vst v0  }
0x88: {  	v0 =	vld [tilespmem:s22+$0xFFFFFFF0];
	_ =	sdelay $0x4  }
0x89: {  	v1 =	vand.u32 $0xFFFF, v0  }
0x8a: {  	s23 =	simm.s32 $0xBC0;
	v0 =	vshrl.u32 v0, $0x10;
	[tilespmem:$0x2960] =	vst v1  }
.LBB2_2:
0x8b: {  	p0 =	sne.s32 s23, $0x9FC0;
	[tilespmem:$0x29E0] =	vst v0;
	s24 =	smov.u32 s23;
	s23 =	sadd.s32 $0x400, s23  }
0x8c: {  	v0 =	vld [tilespmem:s22+$0x0];
	_ =	sdelay $0x4  }
0x8d: {  	v1 =	vand.u32 $0xFFFF, v0;
	v0 =	vshrl.u32 v0, $0x10  }
0x8e: {  	[tilespmem:$0x2970] =	vst v1  }
0x8f: {  	[tilespmem:$0x29F0] =	vst v0  }
0x90: {  	[tilespmem:s16], [sflag:$0x2] =	stream.indirect.gather [hbm4b:s4+s12], $0x80, s15, s12, $0xb8;
	[tilespmem:$0x1EA00] =	vst v63  }
0x91: {  	_ =	swait.ge [sflag:s17], $0x4000  }
0x92: {  	[sflag:s17] =	ssyncset.done $0x0  }
0x93: {  	[sflag:s17] =	ssyncadd.s32 $0xFFFFC000  }
0x94: {  	[spmem:s2] =	stream.indirect.scatter.add.f32 [tilespmem:s14], [sflag:$0x3], $0x80, s18, s12, $0xb8;
	[tilespmem:$0x1EA00] =	vst v63  }
0x95: {  	_ =	swait.ge [sflag:s11], $0x4000  }
0x96: {  	[sflag:s11] =	ssyncset.done $0x0  }
0x97: {  	s22 =	sshra.s32 s24, $0x2;
	[sflag:s11] =	ssyncadd.s32 $0xFFFFC000  }
0x98: {  	v0 =	vld [tilespmem:s22+$0xFFFFFF10];
	_ =	sdelay $0x4  }
0x99: {  	v1 =	vand.u32 $0xFFFF, v0;
	v0 =	vshrl.u32 v0, $0x10  }
0x9a: {  	[tilespmem:$0x2800] =	vst v1  }
0x9b: {  	[tilespmem:$0x2880] =	vst v0  }
0x9c: {  	v0 =	vld [tilespmem:s22+$0xFFFFFF20];
	_ =	sdelay $0x4  }
0x9d: {  	v1 =	vand.u32 $0xFFFF, v0;
	v0 =	vshrl.u32 v0, $0x10  }
0x9e: {  	[tilespmem:$0x2810] =	vst v1  }
0x9f: {  	[tilespmem:$0x2890] =	vst v0  }
0xa0: {  	v0 =	vld [tilespmem:s22+$0xFFFFFF30];
	_ =	sdelay $0x4  }
0xa1: {  	v1 =	vand.u32 $0xFFFF, v0;
	v0 =	vshrl.u32 v0, $0x10  }
0xa2: {  	[tilespmem:$0x2820] =	vst v1  }
0xa3: {  	[tilespmem:$0x28A0] =	vst v0  }
0xa4: {  	v0 =	vld [tilespmem:s22+$0xFFFFFF40];
	_ =	sdelay $0x4  }
0xa5: {  	v1 =	vand.u32 $0xFFFF, v0;
	v0 =	vshrl.u32 v0, $0x10  }
0xa6: {  	[tilespmem:$0x2830] =	vst v1  }
0xa7: {  	[tilespmem:$0x28B0] =	vst v0  }
0xa8: {  	v0 =	vld [tilespmem:s22+$0xFFFFFF50];
	_ =	sdelay $0x4  }
0xa9: {  	v1 =	vand.u32 $0xFFFF, v0;
	v0 =	vshrl.u32 v0, $0x10  }
0xaa: {  	[tilespmem:$0x2840] =	vst v1  }
0xab: {  	[tilespmem:$0x28C0] =	vst v0  }
0xac: {  	v0 =	vld [tilespmem:s22+$0xFFFFFF60];
	_ =	sdelay $0x4  }
0xad: {  	v1 =	vand.u32 $0xFFFF, v0;
	v0 =	vshrl.u32 v0, $0x10  }
0xae: {  	[tilespmem:$0x2850] =	vst v1  }
0xaf: {  	[tilespmem:$0x28D0] =	vst v0  }
0xb0: {  	v0 =	vld [tilespmem:s22+$0xFFFFFF70];
	_ =	sdelay $0x4  }
0xb1: {  	v1 =	vand.u32 $0xFFFF, v0;
	v0 =	vshrl.u32 v0, $0x10  }
0xb2: {  	[tilespmem:$0x2860] =	vst v1  }
0xb3: {  	[tilespmem:$0x28E0] =	vst v0  }
0xb4: {  	v0 =	vld [tilespmem:s22+$0xFFFFFF80];
	_ =	sdelay $0x4  }
0xb5: {  	v1 =	vand.u32 $0xFFFF, v0;
	v0 =	vshrl.u32 v0, $0x10  }
0xb6: {  	[tilespmem:$0x2870] =	vst v1  }
0xb7: {  	[tilespmem:$0x28F0] =	vst v0  }
0xb8: {  	[tilespmem:s14], [sflag:$0x1] =	stream.indirect.gather [hbm4b:s4+s12], $0x80, s13, s12, $0xb8;
	[tilespmem:$0x1EA00] =	vst v63  }
0xb9: {  	_ =	swait.ge [sflag:s19], $0x4000  }
0xba: {  	[sflag:s19] =	ssyncset.done $0x0  }
0xbb: {  	[sflag:s19] =	ssyncadd.s32 $0xFFFFC000  }
0xbc: {  	[spmem:s2] =	stream.indirect.scatter.add.f32 [tilespmem:s16], [sflag:$0x3], $0x80, s20, s12, $0xb8;
	[tilespmem:$0x1EA00] =	vst v63  }
0xbd: {  	_ =	swait.ge [sflag:s11], $0x4000  }
0xbe: {  	[sflag:s11] =	ssyncset.done $0x0  }
0xbf: {  	[sflag:s11] =	ssyncadd.s32 $0xFFFFC000  }
0xc0: {  	v0 =	vld [tilespmem:s22+$0xFFFFFF90];
	_ =	sdelay $0x4  }
0xc1: {  	v1 =	vand.u32 $0xFFFF, v0;
	v0 =	vshrl.u32 v0, $0x10  }
0xc2: {  	[tilespmem:$0x2900] =	vst v1  }
0xc3: {  	[tilespmem:$0x2980] =	vst v0  }
0xc4: {  	v0 =	vld [tilespmem:s22+$0xFFFFFFA0];
	_ =	sdelay $0x4  }
0xc5: {  	v1 =	vand.u32 $0xFFFF, v0;
	v0 =	vshrl.u32 v0, $0x10  }
0xc6: {  	[tilespmem:$0x2910] =	vst v1  }
0xc7: {  	[tilespmem:$0x2990] =	vst v0  }
0xc8: {  	v0 =	vld [tilespmem:s22+$0xFFFFFFB0];
	_ =	sdelay $0x4  }
0xc9: {  	v1 =	vand.u32 $0xFFFF, v0;
	v0 =	vshrl.u32 v0, $0x10  }
0xca: {  	[tilespmem:$0x2920] =	vst v1  }
0xcb: {  	[tilespmem:$0x29A0] =	vst v0  }
0xcc: {  	v0 =	vld [tilespmem:s22+$0xFFFFFFC0];
	_ =	sdelay $0x4  }
0xcd: {  	v1 =	vand.u32 $0xFFFF, v0;
	v0 =	vshrl.u32 v0, $0x10  }
0xce: {  	[tilespmem:$0x2930] =	vst v1  }
0xcf: {  	[tilespmem:$0x29B0] =	vst v0  }
0xd0: {  	v0 =	vld [tilespmem:s22+$0xFFFFFFD0];
	_ =	sdelay $0x4  }
0xd1: {  	v1 =	vand.u32 $0xFFFF, v0;
	v0 =	vshrl.u32 v0, $0x10  }
0xd2: {  	[tilespmem:$0x2940] =	vst v1  }
0xd3: {  	[tilespmem:$0x29C0] =	vst v0  }
0xd4: {  	v0 =	vld [tilespmem:s22+$0xFFFFFFE0];
	_ =	sdelay $0x4  }
0xd5: {  	v1 =	vand.u32 $0xFFFF, v0;
	v0 =	vshrl.u32 v0, $0x10  }
0xd6: {  	[tilespmem:$0x2950] =	vst v1  }
0xd7: {  	[tilespmem:$0x29D0] =	vst v0  }
0xd8: {  	v0 =	vld [tilespmem:s22+$0xFFFFFFF0];
	_ =	sdelay $0x1  }
.Ltmp0:
0xd9: {  	(pc) =	sbr.rel @p0 .LBB2_2-.Ltmp0, $3  }
0xda: {  	_ =	sdelay $0x1  }
0xdb: {  	v1 =	vand.u32 $0xFFFF, v0;
	v0 =	vshrl.u32 v0, $0x10  }
0xdc: {  	[tilespmem:$0x2960] =	vst v1  }
0xdd: {  	[tilespmem:$0x29E0] =	vst v0  }
0xde: {  	v0 =	vld [tilespmem:s22+$0x0];
	_ =	sdelay $0x4  }
0xdf: {  	v1 =	vand.u32 $0xFFFF, v0  }
0xe0: {  	v0 =	vshrl.u32 v0, $0x10;
	[tilespmem:$0x2970] =	vst v1  }
0xe1: {  	[tilespmem:$0x29F0] =	vst v0  }
0xe2: {  	[tilespmem:s16], [sflag:$0x2] =	stream.indirect.gather [hbm4b:s4+s12], $0x80, s15, s12, $0xb8;
	[tilespmem:$0x1EA00] =	vst v63  }
0xe3: {  	_ =	swait.ge [sflag:s17], $0x4000  }
0xe4: {  	[sflag:s17] =	ssyncset.done $0x0  }
0xe5: {  	[sflag:s17] =	ssyncadd.s32 $0xFFFFC000  }
0xe6: {  	[spmem:s2] =	stream.indirect.scatter.add.f32 [tilespmem:s14], [sflag:$0x3], $0x80, s18, s12, $0xb8;
	[tilespmem:$0x1EA00] =	vst v63  }
0xe7: {  	_ =	swait.ge [sflag:s11], $0x4000  }
0xe8: {  	[sflag:s11] =	ssyncset.done $0x0  }
0xe9: {  	[sflag:s11] =	ssyncadd.s32 $0xFFFFC000  }
0xea: {  	_ =	swait.ge [sflag:s19], $0x4000  }
0xeb: {  	[sflag:s19] =	ssyncset.done $0x0  }
0xec: {  	[sflag:s19] =	ssyncadd.s32 $0xFFFFC000  }
0xed: {  	[spmem:s2] =	stream.indirect.scatter.add.f32 [tilespmem:s16], [sflag:$0x3], $0x80, s20, s12, $0xb8;
	[tilespmem:$0x1EA00] =	vst v63  }
0xee: {  	_ =	swait.ge [sflag:s11], $0x4000  }
0xef: {  	s21 =	sadd.s32 $0x1, s21;
	[sflag:s11] =	ssyncset.done $0x0  }
0xf0: {  	p0 =	sne.s32 s21, s9;
	[sflag:s11] =	ssyncadd.s32 $0xFFFFC000  }
.Ltmp1:
0xf1: {  	[bflag:$0x0] =	sbarrier.arrive $0xFFFF;
	(pc) =	sbr.rel @p0 .LBB2_1-.Ltmp1, $4  }
0xf2: {  	[hbm:s8], [sflag:s6] =	dma.local [spmem:s10], $0x2800  }
0xf3: {  	_ =	swait.ge [sflag:s11], $0x2800  }
0xf4: {  	[sflag:s11] =	ssyncset.done $0x0  }
0xf5: {  	[sflag:s11] =	ssyncadd.s32 $0xFFFFD800  }
0xf6: {  	_ =	sfence.sel $0x180000  }
0xf7: {  	[bflag:$0x0] =	sbarrier.arrive $0xFFFF  }
0xf8: {  	p0 =	sne.s32 s1, $0x0;
	_ =	strace $0x90000050  }
0xf9: {  	s0 =	sadd.s32 @!p0 $0x100000, s0;
	[bflag:$0x2] =	sbarrier.arrive $0xFFFF  }
0xfa: {  	[sflag:s0] =	ssyncadd.tile.s32 @!p0 $0x1;
	_ =	shalt  }
.Lfunc_end2:
_tile_overlayer_lowered:
.L_overlay_start_2:
0xfb: {  	(tag) =	ssettag $0x2  }
0xfc: {  	s0 =	rddreg [dreg:$0x0];
	s2 =	stileid.u32  }
0xfd: {  	s1 =	rddreg [dreg:$0x1];
	p0 =	sne.s32 s2, $0x0  }
0xfe: {  	s3 =	rddreg [dreg:$0x2];
	[bflag:$0x3] =	sbarrier.arrive $0xFFFF;
	s2 =	simm.s32 @!p0 $0x1C03  }
0xff: {  	[timem:s3], [sflag:s2] =	dma.local @!p0 [hbm:s0], s1  }
0x100: {  	s0 =	simm.s32 @!p0 $0x3  }
0x101: {  	_ =	swait.ge @!p0 [sflag:s0], s1  }
0x102: {  	s1 =	ssub.s32 @!p0 $0x0, s1;
	[sflag:s0] =	ssyncset.done @!p0 $0x0  }
0x103: {  	[sflag:s0] =	ssyncadd.s32 @!p0 s1  }
0x104: {  	[bflag:$0x3] =	sbarrier.arrive $0xFFFF  }
0x105: {  	_ =	shalt  }

</sc_bundles>
